<compile_context>
chip_gen: v7x
topology: tpu7x:2x2x1
jax: 0.10.2.dev20260603
libtpu: 0.0.44.dev20260713+nightly
codegen_flags: <defaults>
</compile_context>

<pallas_src>
import dataclasses
import functools

import jax
import jax.numpy as jnp
from jax import lax
from jax.experimental import pallas as pl
from jax.experimental.pallas import tpu as pltpu
from jax.experimental.pallas import tpu_sc as plsc

_V = 100000
_D = 128
_E = 8
_FFN = 512
_OUT = 2
_B = 4096
_L = 200

_NC, _NS = 2, 16
_NW = _NC * _NS
_TPW = _B // _NW
_CH = _L // 2
_DW = _D // 2
_PCH = 125
_NSETS = 4


def _sc_params():
    cp = pltpu.CompilerParams()
    if "needs_layout_passes" in pltpu.CompilerParams.__dataclass_fields__:
        cp = dataclasses.replace(cp, needs_layout_passes=False)
    if "use_tc_tiling_on_sc" in pltpu.CompilerParams.__dataclass_fields__:
        cp = dataclasses.replace(cp, use_tc_tiling_on_sc=False)
    return cp


def _pack_sc(emb):
    mesh = plsc.VectorSubcoreMesh(core_axis_name="c", subcore_axis_name="s")

    rpw = _V // _NW
    nch = rpw // _PCH
    cin = _PCH * _D
    cot = _PCH * _DW

    ns = 2

    @functools.partial(
        pl.kernel,
        out_type=jax.ShapeDtypeStruct((_V * _DW,), jnp.int32),
        mesh=mesh,
        compiler_params=_sc_params(),
        scratch_types=(
            [pltpu.VMEM((cin,), jnp.float32)] * ns
            + [pltpu.VMEM((cot,), jnp.int32)] * ns
            + [pltpu.SemaphoreType.DMA] * (2 * ns)
        ),
    )
    def k(emb_hbm, out_hbm, *rest):
        ins = rest[:ns]
        ots = rest[ns:2 * ns]
        sis = rest[2 * ns:3 * ns]
        sos = rest[3 * ns:]
        wid = lax.axis_index("s") * _NC + lax.axis_index("c")
        ibase = wid * rpw * _D
        obase = wid * rpw * _DW
        for p in range(ns - 1):
            pltpu.async_copy(emb_hbm.at[pl.ds(ibase + p * cin, cin)], ins[p], sis[p])

        @pl.loop(0, nch + ns - 1, step=ns)
        def _(c0):
            for dt in range(ns):
                c = c0 + dt
                inb, otb, si, so = ins[dt], ots[dt], sis[dt], sos[dt]
                fp = (dt + ns - 1) % ns

                @pl.when(c < nch)
                def _do():
                    @pl.when(c + ns - 1 < nch)
                    def _fire():
                        pltpu.async_copy(
                            emb_hbm.at[pl.ds(ibase + (c + ns - 1) * cin, cin)],
                            ins[fp], sis[fp])

                    pltpu.make_async_copy(
                        emb_hbm.at[pl.ds(0, cin)], inb, si).wait()

                    @pl.when(c >= ns)
                    def _drain():
                        pltpu.make_async_copy(
                            otb, out_hbm.at[pl.ds(0, cot)], so).wait()

                    def row(l, _):
                        for d in range(4):
                            ra = plsc.bitcast(
                                inb[pl.ds(l * _D + 16 * d, 16)], jnp.int32)
                            rb = plsc.bitcast(
                                inb[pl.ds(l * _D + _DW + 16 * d, 16)], jnp.int32)
                            w = (lax.shift_right_logical(ra, 16)
                                 | (rb & jnp.int32(-65536)))
                            otb[pl.ds(l * _DW + 16 * d, 16)] = w
                        return 0

                    lax.fori_loop(0, _PCH, row, 0, unroll=4)
                    pltpu.async_copy(otb, out_hbm.at[pl.ds(obase + c * cot, cot)], so)

        for p in range(ns):
            pltpu.make_async_copy(ots[p], out_hbm.at[pl.ds(0, cot)], sos[p]).wait()

    return k(emb.reshape(_V * _D))


def _pool_sc(x2, emb_pk, nb):
    tpw = nb // _NW
    mesh = plsc.VectorSubcoreMesh(core_axis_name="c", subcore_axis_name="s")

    @functools.partial(
        pl.kernel,
        out_type=jax.ShapeDtypeStruct((nb, _DW), jnp.int32),
        mesh=mesh,
        compiler_params=_sc_params(),
        scratch_types=(
            [pltpu.VMEM((2 * tpw, _CH), jnp.int32)]
            + [pltpu.VMEM((_CH, _DW), jnp.int32)] * (2 * _NSETS)
            + [pltpu.VMEM((tpw, _DW), jnp.int32)]
            + [pltpu.SemaphoreType.DMA] * _NSETS
        ),
    )
    def k(x2_hbm, emb_hbm, out_hbm, idx_v, *rest):
        bufs = rest[:2 * _NSETS]
        out_v = rest[2 * _NSETS]
        sems = rest[2 * _NSETS + 1:]
        sets = tuple((bufs[2 * p], bufs[2 * p + 1], sems[p])
                     for p in range(_NSETS))
        wid = lax.axis_index("s") * _NC + lax.axis_index("c")
        pltpu.sync_copy(x2_hbm.at[pl.ds(wid * (2 * tpw), 2 * tpw)], idx_v)

        def fire(tok, ra, rb, sem):
            pltpu.async_copy(emb_hbm.at[idx_v.at[2 * tok]], ra, sem)
            pltpu.async_copy(emb_hbm.at[idx_v.at[2 * tok + 1]], rb, sem)

        for p in range(_NSETS - 1):
            fire(p, *sets[p])

        zero = jnp.zeros((32,), jnp.bfloat16)

        @pl.loop(0, tpw, step=_NSETS)
        def _(t0):
            for dt in range(_NSETS):
                t = t0 + dt
                ra, rb, sem = sets[dt]
                fra, frb, fsem = sets[(dt + _NSETS - 1) % _NSETS]

                @pl.when(t + _NSETS - 1 < tpw)
                def _fire():
                    fire(t + _NSETS - 1, fra, frb, fsem)

                pltpu.make_async_copy(emb_hbm.at[idx_v.at[0]], ra, sem).wait()
                pltpu.make_async_copy(emb_hbm.at[idx_v.at[0]], rb, sem).wait()

                def body(l, accs):
                    new = []
                    for d in range(4):
                        s = pl.ds(16 * d, 16)
                        a = plsc.bitcast(ra[l, s], jnp.bfloat16)
                        b = plsc.bitcast(rb[l, s], jnp.bfloat16)
                        new.append(accs[d] + a + b)
                    return tuple(new)

                accs = lax.fori_loop(0, _CH, body, (zero,) * 4, unroll=4)
                for d in range(4):
                    out_v[t, pl.ds(16 * d, 16)] = plsc.bitcast(accs[d], jnp.int32)

        pltpu.sync_copy(out_v, out_hbm.at[pl.ds(wid * tpw, tpw)])

    return k(x2, emb_pk)


def _moe_tc(pooled, wg, w1c, b1c, w2c, b2, fcw, fcb2):
    BT = 512

    def kfn(p_ref, wg_ref, w1_ref, b1_ref, w2_ref, b2_ref, fcw_ref, fcb_ref, o_ref):
        xb = p_ref[...]
        inv_l = jnp.float32(1.0 / _L)
        logits = jnp.dot(xb, wg_ref[...], preferred_element_type=jnp.float32) * inv_l
        m = jnp.max(logits, axis=-1, keepdims=True)
        gate = 1.0 / jnp.sum(jnp.exp(logits - m), axis=-1, keepdims=True)
        iot = lax.broadcasted_iota(jnp.int32, logits.shape, 1)
        sel = jnp.min(jnp.where(logits >= m, iot, _E), axis=-1, keepdims=True)

        h = jnp.dot(xb, w1_ref[...], preferred_element_type=jnp.float32) * inv_l
        h = jnp.maximum(h + b1_ref[...], 0.0)
        lane_e = lax.shift_right_logical(
            lax.broadcasted_iota(jnp.int32, h.shape, 1), 9)
        hm = h.astype(jnp.bfloat16) * (lane_e == sel).astype(jnp.bfloat16)
        moe = jnp.dot(hm, w2_ref[...], preferred_element_type=jnp.float32)
        mask8 = (iot == sel).astype(jnp.float32)
        moe = moe + jnp.dot(mask8, b2_ref[...], preferred_element_type=jnp.float32)
        moe = moe * gate
        out = jnp.dot(moe, fcw_ref[...], preferred_element_type=jnp.float32)
        out = out + fcb_ref[...]
        mm = jnp.max(out, axis=-1, keepdims=True)
        out = out - mm
        o_ref[...] = out - jnp.log(jnp.sum(jnp.exp(out), axis=-1, keepdims=True))

    return pl.pallas_call(
        kfn,
        grid=(pooled.shape[0] // BT,),
        in_specs=[
            pl.BlockSpec((BT, _D), lambda i: (i, 0)),
            pl.BlockSpec((_D, _E), lambda i: (0, 0)),
            pl.BlockSpec((_D, _E * _FFN), lambda i: (0, 0)),
            pl.BlockSpec((1, _E * _FFN), lambda i: (0, 0)),
            pl.BlockSpec((_E * _FFN, _D), lambda i: (0, 0)),
            pl.BlockSpec((_E, _D), lambda i: (0, 0)),
            pl.BlockSpec((_D, _OUT), lambda i: (0, 0)),
            pl.BlockSpec((1, _OUT), lambda i: (0, 0)),
        ],
        out_specs=pl.BlockSpec((BT, _OUT), lambda i: (i, 0)),
        out_shape=jax.ShapeDtypeStruct((pooled.shape[0], _OUT), jnp.float32),
    )(pooled, wg, w1c, b1c, w2c, b2, fcw, fcb2)


def _unpack(pooled_pk):
    lowf = lax.bitcast_convert_type(lax.shift_left(pooled_pk, 16), jnp.float32)
    highf = lax.bitcast_convert_type(pooled_pk & jnp.int32(-65536), jnp.float32)
    return jnp.concatenate([lowf, highf], axis=1).astype(jnp.bfloat16)


def kernel(x, emb, wg, w1, b1, w2, b2, fcw, fcb):
    x2 = x.astype(jnp.int32).reshape(2 * _B, _CH)
    emb_pk = _pack_sc(emb).reshape(_V, _DW)
    wg_b = wg.astype(jnp.bfloat16)
    w1c = w1.transpose(1, 0, 2).reshape(_D, _E * _FFN).astype(jnp.bfloat16)
    b1c = b1.reshape(1, _E * _FFN)
    w2c = w2.reshape(_E * _FFN, _D).astype(jnp.bfloat16)
    fcb2 = fcb.reshape(1, _OUT)
    nsp = 2
    part = _B // nsp
    outs = []
    for h in range(nsp):
        x2h = lax.slice_in_dim(x2, h * 2 * part, (h + 1) * 2 * part, axis=0)
        pk = _pool_sc(x2h, emb_pk, part)
        outs.append(_moe_tc(_unpack(pk), wg_b, w1c, b1c, w2c, b2, fcw, fcb2))
    return jnp.concatenate(outs, axis=0)

# --- scband reference (transcript-rebuilt; emitter-appended) ---
"""Pipeline reference for scband-sentiment-classification-mo-e-53566832116404 (READ-ONLY COPY).

The authoritative reference and input builder live on the scoring server;
editing this copy changes nothing except your own understanding.
"""

import jax, jax.numpy as jnp
import numpy as np

V = 100000   # vocab_size
D = 128      # embedding_dim == hidden_size
E = 8        # experts_num (deepspeed MoE, top-1 gating)
FFN = 512    # expert FFN inner dim (4*hidden)
OUT = 2      # output_dim (sentiment classes)
B = 4096     # batch
L = 200      # sequence length (hist_len)


def setup_inputs(seed: int = 0) -> dict:
    key = jax.random.key(seed)
    ks = jax.random.split(key, 8)
    x = jax.random.randint(ks[0], (B, L), 0, V)
    emb = jax.random.normal(ks[1], (V, D), dtype=jnp.float32) * 0.02
    emb = emb.at[0].set(0.0)  # padding_idx=0
    wg = jax.random.normal(ks[2], (D, E), dtype=jnp.float32) * 0.02
    w1 = jax.random.normal(ks[3], (E, D, FFN), dtype=jnp.float32) * 0.02
    b1 = jnp.zeros((E, FFN), dtype=jnp.float32)
    w2 = jax.random.normal(ks[4], (E, FFN, D), dtype=jnp.float32) * 0.02
    b2 = jnp.zeros((E, D), dtype=jnp.float32)
    fcw = jax.random.normal(ks[5], (D, OUT), dtype=jnp.float32) * 0.02
    fcb = jnp.zeros((OUT,), dtype=jnp.float32)
    return {"x": x, "emb": emb, "wg": wg, "w1": w1, "b1": b1,
            "w2": w2, "b2": b2, "fcw": fcw, "fcb": fcb}


def reference(x, emb, wg, w1, b1, w2, b2, fcw, fcb):
    # embedding lookup + mean over sequence dim (dim=1)
    embedded = jnp.take(emb, x, axis=0).mean(axis=1)          # [B, D]
    # deepspeed MoE layer: top-1 gate over E experts
    logits = embedded @ wg                                     # [B, E]
    gates = jax.nn.softmax(logits, axis=-1)
    expert_idx = jnp.argmax(logits, axis=-1)                   # [B]
    mask = jax.nn.one_hot(expert_idx, E, dtype=embedded.dtype) # [B, E]
    gate_val = jnp.sum(gates * mask, axis=-1)                  # [B]
    # expert FFN: relu(x @ W1 + b1) @ W2 + b2, computed per expert
    h = jnp.einsum('bd,edf->ebf', embedded, w1) + b1[:, None, :]
    h = jax.nn.relu(h)
    eo = jnp.einsum('ebf,efd->ebd', h, w2) + b2[:, None, :]    # [E, B, D]
    moe_out = jnp.einsum('be,ebd->bd', mask, eo) * gate_val[:, None]  # [B, D]
    # final classifier + log_softmax
    out = moe_out @ fcw + fcb                                  # [B, OUT]
    return jax.nn.log_softmax(out, axis=1)

if __name__ == "__main__":
    import jax
    _d = setup_inputs()
    print(jax.jit(kernel)(*tuple(_d.values())))

</pallas_src>

<mosaic_0001>
#map = affine_map<(d0, d1) -> (0, 0)>
module attributes {stable_mosaic.version = 14 : i64} {
  func.func @k(%arg0: i32, %arg1: i32, %arg2: memref<4096x100xi32, #tpu.memory_space<hbm>>, %arg3: memref<100000x64xi32, #tpu.memory_space<hbm>>, %arg4: memref<2048x64xi32, #tpu.memory_space<hbm>>, %arg5: memref<128x100xi32, #tpu.memory_space<vmem>>, %arg6: memref<100x64xi32, #tpu.memory_space<vmem>>, %arg7: memref<100x64xi32, #tpu.memory_space<vmem>>, %arg8: memref<100x64xi32, #tpu.memory_space<vmem>>, %arg9: memref<100x64xi32, #tpu.memory_space<vmem>>, %arg10: memref<100x64xi32, #tpu.memory_space<vmem>>, %arg11: memref<100x64xi32, #tpu.memory_space<vmem>>, %arg12: memref<100x64xi32, #tpu.memory_space<vmem>>, %arg13: memref<100x64xi32, #tpu.memory_space<vmem>>, %arg14: memref<64x64xi32, #tpu.memory_space<vmem>>, %arg15: memref<!tpu.dma_semaphore, #tpu.memory_space<semaphore_mem>>, %arg16: memref<!tpu.dma_semaphore, #tpu.memory_space<semaphore_mem>>, %arg17: memref<!tpu.dma_semaphore, #tpu.memory_space<semaphore_mem>>, %arg18: memref<!tpu.dma_semaphore, #tpu.memory_space<semaphore_mem>>) attributes {dimension_semantics = [#tpu.dimension_semantics<core_parallel>, #tpu.dimension_semantics<subcore_parallel>], iteration_bounds = array<i64: 2, 16>, scalar_prefetch = 0 : i64, scratch_operands = 14 : i64, tpu.core_type = #tpu.core_type<sc_vector_subcore>, window_params = [{transform_indices = #map}, {transform_indices = #map}, {transform_indices = #map}]} {
    %mul3A = arith.constant 2 : i32
    %mul3A_0 = arith.muli %arg1, %mul3A : i32
    %add3A = arith.addi %mul3A_0, %arg0 : i32
    %mul3A_1 = arith.constant 128 : i32
    %mul3A_2 = arith.muli %add3A, %mul3A_1 : i32
    "tpu.region"() ({
      %run_scoped3A = tpu.sem_alloc : memref<!tpu.dma_semaphore, #tpu.memory_space<semaphore_mem>>
      %dma_start3A_51 = arith.constant 0 : i32
      %dma_start3A_52 = tpu.memref_slice %arg2[%mul3A_2, %dma_start3A_51] : memref<4096x100xi32, #tpu.memory_space<hbm>> -> memref<128x100xi32, #tpu.memory_space<hbm>>
      %dma_start3A_53 = arith.constant 0 : i32
      %dma_start3A_54 = tpu.memref_slice %arg2[%mul3A_2, %dma_start3A_53] : memref<4096x100xi32, #tpu.memory_space<hbm>> -> memref<128x100xi32, #tpu.memory_space<hbm>>
      tpu.enqueue_dma source(%dma_start3A_54 : memref<128x100xi32, #tpu.memory_space<hbm>>) target(%arg5 : memref<128x100xi32, #tpu.memory_space<vmem>>) target_semaphore(%run_scoped3A : memref<!tpu.dma_semaphore, #tpu.memory_space<semaphore_mem>>)
      %dma_wait3A = arith.constant 0 : i32
      %dma_wait3A_55 = tpu.memref_slice %arg2[%mul3A_2, %dma_wait3A] : memref<4096x100xi32, #tpu.memory_space<hbm>> -> memref<128x100xi32, #tpu.memory_space<hbm>>
      %dma_wait3A_56 = arith.constant 0 : i32
      %dma_wait3A_57 = tpu.memref_slice %arg2[%mul3A_2, %dma_wait3A_56] : memref<4096x100xi32, #tpu.memory_space<hbm>> -> memref<128x100xi32, #tpu.memory_space<hbm>>
      tpu.wait_dma2 semaphore(%run_scoped3A : memref<!tpu.dma_semaphore, #tpu.memory_space<semaphore_mem>>) src(%dma_wait3A_57 : memref<128x100xi32, #tpu.memory_space<hbm>>) dst(%arg5 : memref<128x100xi32, #tpu.memory_space<vmem>>)
      tpu.yield
    }) : () -> ()
    %dma_start3A = arith.constant 0 : i32
    %dma_start3A_3 = arith.constant 0 : i32
    %dma_start3A_4 = tpu.memref_slice %arg5[%dma_start3A, %dma_start3A_3] : memref<128x100xi32, #tpu.memory_space<vmem>> -> memref<1x100xi32, #tpu.memory_space<vmem>>
    %dma_start3A_5 = tpu.memref_squeeze %dma_start3A_4 : memref<1x100xi32, #tpu.memory_space<vmem>> -> memref<100xi32, #tpu.memory_space<vmem>>
    %dma_start3A_6 = arith.constant 0 : i32
    %dma_start3A_7 = arith.constant 0 : i32
    %dma_start3A_8 = tpu.memref_slice %arg3[%dma_start3A_6, %dma_start3A_7] : memref<100000x64xi32, #tpu.memory_space<hbm>> -> memref<100000x64xi32, #tpu.memory_space<hbm>>
    tpu.enqueue_indirect_dma source(%dma_start3A_8 : memref<100000x64xi32, #tpu.memory_space<hbm>>) target(%arg6 : memref<100x64xi32, #tpu.memory_space<vmem>>) offsets(%dma_start3A_5 : memref<100xi32, #tpu.memory_space<vmem>>) semaphore(%arg15 : memref<!tpu.dma_semaphore, #tpu.memory_space<semaphore_mem>>)
    %dma_start3A_9 = arith.constant 1 : i32
    %dma_start3A_10 = arith.constant 0 : i32
    %dma_start3A_11 = tpu.memref_slice %arg5[%dma_start3A_9, %dma_start3A_10] : memref<128x100xi32, #tpu.memory_space<vmem>> -> memref<1x100xi32, #tpu.memory_space<vmem>>
    %dma_start3A_12 = tpu.memref_squeeze %dma_start3A_11 : memref<1x100xi32, #tpu.memory_space<vmem>> -> memref<100xi32, #tpu.memory_space<vmem>>
    %dma_start3A_13 = arith.constant 0 : i32
    %dma_start3A_14 = arith.constant 0 : i32
    %dma_start3A_15 = tpu.memref_slice %arg3[%dma_start3A_13, %dma_start3A_14] : memref<100000x64xi32, #tpu.memory_space<hbm>> -> memref<100000x64xi32, #tpu.memory_space<hbm>>
    tpu.enqueue_indirect_dma source(%dma_start3A_15 : memref<100000x64xi32, #tpu.memory_space<hbm>>) target(%arg7 : memref<100x64xi32, #tpu.memory_space<vmem>>) offsets(%dma_start3A_12 : memref<100xi32, #tpu.memory_space<vmem>>) semaphore(%arg15 : memref<!tpu.dma_semaphore, #tpu.memory_space<semaphore_mem>>)
    %dma_start3A_16 = arith.constant 2 : i32
    %dma_start3A_17 = arith.constant 0 : i32
    %dma_start3A_18 = tpu.memref_slice %arg5[%dma_start3A_16, %dma_start3A_17] : memref<128x100xi32, #tpu.memory_space<vmem>> -> memref<1x100xi32, #tpu.memory_space<vmem>>
    %dma_start3A_19 = tpu.memref_squeeze %dma_start3A_18 : memref<1x100xi32, #tpu.memory_space<vmem>> -> memref<100xi32, #tpu.memory_space<vmem>>
    %dma_start3A_20 = arith.constant 0 : i32
    %dma_start3A_21 = arith.constant 0 : i32
    %dma_start3A_22 = tpu.memref_slice %arg3[%dma_start3A_20, %dma_start3A_21] : memref<100000x64xi32, #tpu.memory_space<hbm>> -> memref<100000x64xi32, #tpu.memory_space<hbm>>
    tpu.enqueue_indirect_dma source(%dma_start3A_22 : memref<100000x64xi32, #tpu.memory_space<hbm>>) target(%arg8 : memref<100x64xi32, #tpu.memory_space<vmem>>) offsets(%dma_start3A_19 : memref<100xi32, #tpu.memory_space<vmem>>) semaphore(%arg16 : memref<!tpu.dma_semaphore, #tpu.memory_space<semaphore_mem>>)
    %dma_start3A_23 = arith.constant 3 : i32
    %dma_start3A_24 = arith.constant 0 : i32
    %dma_start3A_25 = tpu.memref_slice %arg5[%dma_start3A_23, %dma_start3A_24] : memref<128x100xi32, #tpu.memory_space<vmem>> -> memref<1x100xi32, #tpu.memory_space<vmem>>
    %dma_start3A_26 = tpu.memref_squeeze %dma_start3A_25 : memref<1x100xi32, #tpu.memory_space<vmem>> -> memref<100xi32, #tpu.memory_space<vmem>>
    %dma_start3A_27 = arith.constant 0 : i32
    %dma_start3A_28 = arith.constant 0 : i32
    %dma_start3A_29 = tpu.memref_slice %arg3[%dma_start3A_27, %dma_start3A_28] : memref<100000x64xi32, #tpu.memory_space<hbm>> -> memref<100000x64xi32, #tpu.memory_space<hbm>>
    tpu.enqueue_indirect_dma source(%dma_start3A_29 : memref<100000x64xi32, #tpu.memory_space<hbm>>) target(%arg9 : memref<100x64xi32, #tpu.memory_space<vmem>>) offsets(%dma_start3A_26 : memref<100xi32, #tpu.memory_space<vmem>>) semaphore(%arg16 : memref<!tpu.dma_semaphore, #tpu.memory_space<semaphore_mem>>)
    %dma_start3A_30 = arith.constant 4 : i32
    %dma_start3A_31 = arith.constant 0 : i32
    %dma_start3A_32 = tpu.memref_slice %arg5[%dma_start3A_30, %dma_start3A_31] : memref<128x100xi32, #tpu.memory_space<vmem>> -> memref<1x100xi32, #tpu.memory_space<vmem>>
    %dma_start3A_33 = tpu.memref_squeeze %dma_start3A_32 : memref<1x100xi32, #tpu.memory_space<vmem>> -> memref<100xi32, #tpu.memory_space<vmem>>
    %dma_start3A_34 = arith.constant 0 : i32
    %dma_start3A_35 = arith.constant 0 : i32
    %dma_start3A_36 = tpu.memref_slice %arg3[%dma_start3A_34, %dma_start3A_35] : memref<100000x64xi32, #tpu.memory_space<hbm>> -> memref<100000x64xi32, #tpu.memory_space<hbm>>
    tpu.enqueue_indirect_dma source(%dma_start3A_36 : memref<100000x64xi32, #tpu.memory_space<hbm>>) target(%arg10 : memref<100x64xi32, #tpu.memory_space<vmem>>) offsets(%dma_start3A_33 : memref<100xi32, #tpu.memory_space<vmem>>) semaphore(%arg17 : memref<!tpu.dma_semaphore, #tpu.memory_space<semaphore_mem>>)
    %dma_start3A_37 = arith.constant 5 : i32
    %dma_start3A_38 = arith.constant 0 : i32
    %dma_start3A_39 = tpu.memref_slice %arg5[%dma_start3A_37, %dma_start3A_38] : memref<128x100xi32, #tpu.memory_space<vmem>> -> memref<1x100xi32, #tpu.memory_space<vmem>>
    %dma_start3A_40 = tpu.memref_squeeze %dma_start3A_39 : memref<1x100xi32, #tpu.memory_space<vmem>> -> memref<100xi32, #tpu.memory_space<vmem>>
    %dma_start3A_41 = arith.constant 0 : i32
    %dma_start3A_42 = arith.constant 0 : i32
    %dma_start3A_43 = tpu.memref_slice %arg3[%dma_start3A_41, %dma_start3A_42] : memref<100000x64xi32, #tpu.memory_space<hbm>> -> memref<100000x64xi32, #tpu.memory_space<hbm>>
    tpu.enqueue_indirect_dma source(%dma_start3A_43 : memref<100000x64xi32, #tpu.memory_space<hbm>>) target(%arg11 : memref<100x64xi32, #tpu.memory_space<vmem>>) offsets(%dma_start3A_40 : memref<100xi32, #tpu.memory_space<vmem>>) semaphore(%arg17 : memref<!tpu.dma_semaphore, #tpu.memory_space<semaphore_mem>>)
    %broadcast_in_dim3A = arith.constant 0.000000e+00 : bf16
    %broadcast_in_dim3A_44 = vector.broadcast %broadcast_in_dim3A : bf16 to vector<32xbf16>
    %scan3A = arith.constant 0 : i32
    %scan3A_45 = arith.constant 16 : i32
    %scan3A_46 = arith.addi %scan3A, %scan3A_45 : i32
    %scan3A_47 = arith.constant 1 : i32
    scf.for %scan3A_51 = %scan3A to %scan3A_46 step %scan3A_47  : i32 {
      %mul3A_52 = arith.constant 4 : i32
      %mul3A_53 = arith.muli %scan3A_51, %mul3A_52 : i32
      %add3A_54 = arith.constant 0 : i32
      %add3A_55 = arith.addi %add3A_54, %mul3A_53 : i32
      %add3A_56 = arith.constant 0 : i32
      %add3A_57 = arith.addi %add3A_55, %add3A_56 : i32
      %add3A_58 = arith.constant 4 : i32
      %add3A_59 = arith.addi %add3A_57, %add3A_58 : i32
      %sub3A = arith.constant 1 : i32
      %sub3A_60 = arith.subi %add3A_59, %sub3A : i32
      %lt3A = arith.constant 64 : i32
      %lt3A_61 = arith.cmpi slt, %sub3A_60, %lt3A : i32
      %convert_element_type3A = arith.extui %lt3A_61 : i1 to i32
      %cond3A = arith.constant 0 : i32
      %cond3A_62 = arith.cmpi ne, %convert_element_type3A, %cond3A : i32
      scf.if %cond3A_62 {
        %add3A_237 = arith.constant 4 : i32
        %add3A_238 = arith.addi %add3A_57, %add3A_237 : i32
        %sub3A_239 = arith.constant 1 : i32
        %sub3A_240 = arith.subi %add3A_238, %sub3A_239 : i32
        %mul3A_241 = arith.constant 2 : i32
        %mul3A_242 = arith.muli %mul3A_241, %sub3A_240 : i32
        %dma_start3A_243 = arith.constant 0 : i32
        %dma_start3A_244 = tpu.memref_slice %arg5[%mul3A_242, %dma_start3A_243] : memref<128x100xi32, #tpu.memory_space<vmem>> -> memref<1x100xi32, #tpu.memory_space<vmem>>
        %dma_start3A_245 = tpu.memref_squeeze %dma_start3A_244 : memref<1x100xi32, #tpu.memory_space<vmem>> -> memref<100xi32, #tpu.memory_space<vmem>>
        %dma_start3A_246 = arith.constant 0 : i32
        %dma_start3A_247 = arith.constant 0 : i32
        %dma_start3A_248 = tpu.memref_slice %arg3[%dma_start3A_246, %dma_start3A_247] : memref<100000x64xi32, #tpu.memory_space<hbm>> -> memref<100000x64xi32, #tpu.memory_space<hbm>>
        tpu.enqueue_indirect_dma source(%dma_start3A_248 : memref<100000x64xi32, #tpu.memory_space<hbm>>) target(%arg12 : memref<100x64xi32, #tpu.memory_space<vmem>>) offsets(%dma_start3A_245 : memref<100xi32, #tpu.memory_space<vmem>>) semaphore(%arg18 : memref<!tpu.dma_semaphore, #tpu.memory_space<semaphore_mem>>)
        %mul3A_249 = arith.constant 2 : i32
        %mul3A_250 = arith.muli %mul3A_249, %sub3A_240 : i32
        %add3A_251 = arith.constant 1 : i32
        %add3A_252 = arith.addi %mul3A_250, %add3A_251 : i32
        %dma_start3A_253 = arith.constant 0 : i32
        %dma_start3A_254 = tpu.memref_slice %arg5[%add3A_252, %dma_start3A_253] : memref<128x100xi32, #tpu.memory_space<vmem>> -> memref<1x100xi32, #tpu.memory_space<vmem>>
        %dma_start3A_255 = tpu.memref_squeeze %dma_start3A_254 : memref<1x100xi32, #tpu.memory_space<vmem>> -> memref<100xi32, #tpu.memory_space<vmem>>
        %dma_start3A_256 = arith.constant 0 : i32
        %dma_start3A_257 = arith.constant 0 : i32
        %dma_start3A_258 = tpu.memref_slice %arg3[%dma_start3A_256, %dma_start3A_257] : memref<100000x64xi32, #tpu.memory_space<hbm>> -> memref<100000x64xi32, #tpu.memory_space<hbm>>
        tpu.enqueue_indirect_dma source(%dma_start3A_258 : memref<100000x64xi32, #tpu.memory_space<hbm>>) target(%arg13 : memref<100x64xi32, #tpu.memory_space<vmem>>) offsets(%dma_start3A_255 : memref<100xi32, #tpu.memory_space<vmem>>) semaphore(%arg18 : memref<!tpu.dma_semaphore, #tpu.memory_space<semaphore_mem>>)
      } else {
      }
      %dma_wait3A = arith.constant 0 : i32
      %dma_wait3A_63 = arith.constant 0 : i32
      %dma_wait3A_64 = tpu.memref_slice %arg5[%dma_wait3A, %dma_wait3A_63] : memref<128x100xi32, #tpu.memory_space<vmem>> -> memref<1x100xi32, #tpu.memory_space<vmem>>
      %dma_wait3A_65 = tpu.memref_squeeze %dma_wait3A_64 : memref<1x100xi32, #tpu.memory_space<vmem>> -> memref<100xi32, #tpu.memory_space<vmem>>
      %dma_wait3A_66 = arith.constant 0 : i32
      %dma_wait3A_67 = arith.constant 0 : i32
      %dma_wait3A_68 = tpu.memref_slice %arg3[%dma_wait3A_66, %dma_wait3A_67] : memref<100000x64xi32, #tpu.memory_space<hbm>> -> memref<100000x64xi32, #tpu.memory_space<hbm>>
      tpu.wait_indirect_dma semaphore(%arg15 : memref<!tpu.dma_semaphore, #tpu.memory_space<semaphore_mem>>) src(%dma_wait3A_68 : memref<100000x64xi32, #tpu.memory_space<hbm>>) dst(%arg6 : memref<100x64xi32, #tpu.memory_space<vmem>>)
      %dma_wait3A_69 = arith.constant 0 : i32
      %dma_wait3A_70 = arith.constant 0 : i32
      %dma_wait3A_71 = tpu.memref_slice %arg5[%dma_wait3A_69, %dma_wait3A_70] : memref<128x100xi32, #tpu.memory_space<vmem>> -> memref<1x100xi32, #tpu.memory_space<vmem>>
      %dma_wait3A_72 = tpu.memref_squeeze %dma_wait3A_71 : memref<1x100xi32, #tpu.memory_space<vmem>> -> memref<100xi32, #tpu.memory_space<vmem>>
      %dma_wait3A_73 = arith.constant 0 : i32
      %dma_wait3A_74 = arith.constant 0 : i32
      %dma_wait3A_75 = tpu.memref_slice %arg3[%dma_wait3A_73, %dma_wait3A_74] : memref<100000x64xi32, #tpu.memory_space<hbm>> -> memref<100000x64xi32, #tpu.memory_space<hbm>>
      tpu.wait_indirect_dma semaphore(%arg15 : memref<!tpu.dma_semaphore, #tpu.memory_space<semaphore_mem>>) src(%dma_wait3A_75 : memref<100000x64xi32, #tpu.memory_space<hbm>>) dst(%arg7 : memref<100x64xi32, #tpu.memory_space<vmem>>)
      %scan3A_76 = arith.constant 0 : i32
      %scan3A_77 = arith.constant 100 : i32
      %scan3A_78 = arith.addi %scan3A_76, %scan3A_77 : i32
      %scan3A_79 = arith.constant 4 : i32
      %scan3A_80:4 = scf.for %scan3A_237 = %scan3A_76 to %scan3A_78 step %scan3A_79 iter_args(%scan3A_238 = %broadcast_in_dim3A_44, %scan3A_239 = %broadcast_in_dim3A_44, %scan3A_240 = %broadcast_in_dim3A_44, %scan3A_241 = %broadcast_in_dim3A_44) -> (vector<32xbf16>, vector<32xbf16>, vector<32xbf16>, vector<32xbf16>)  : i32 {
        %get3A = arith.index_cast %scan3A_237 : i32 to index
        %get3A_242 = arith.constant 0 : index
        %get3A_243 = tpu.vector_load %arg6[%get3A, %get3A_242] {strides = array<i32>} : memref<100x64xi32, #tpu.memory_space<vmem>>, vector<16xi32>,
        %bitcast3A_244 = vector.bitcast %get3A_243 : vector<16xi32> to vector<32xbf16>
        %get3A_245 = arith.index_cast %scan3A_237 : i32 to index
        %get3A_246 = arith.constant 0 : index
        %get3A_247 = tpu.vector_load %arg7[%get3A_245, %get3A_246] {strides = array<i32>} : memref<100x64xi32, #tpu.memory_space<vmem>>, vector<16xi32>,
        %bitcast3A_248 = vector.bitcast %get3A_247 : vector<16xi32> to vector<32xbf16>
        %add3A_249 = arith.addf %scan3A_238, %bitcast3A_244 : vector<32xbf16>
        %add3A_250 = arith.addf %add3A_249, %bitcast3A_248 : vector<32xbf16>
        %get3A_251 = arith.index_cast %scan3A_237 : i32 to index
        %get3A_252 = arith.constant 16 : index
        %get3A_253 = tpu.vector_load %arg6[%get3A_251, %get3A_252] {strides = array<i32>} : memref<100x64xi32, #tpu.memory_space<vmem>>, vector<16xi32>,
        %bitcast3A_254 = vector.bitcast %get3A_253 : vector<16xi32> to vector<32xbf16>
        %get3A_255 = arith.index_cast %scan3A_237 : i32 to index
        %get3A_256 = arith.constant 16 : index
        %get3A_257 = tpu.vector_load %arg7[%get3A_255, %get3A_256] {strides = array<i32>} : memref<100x64xi32, #tpu.memory_space<vmem>>, vector<16xi32>,
        %bitcast3A_258 = vector.bitcast %get3A_257 : vector<16xi32> to vector<32xbf16>
        %add3A_259 = arith.addf %scan3A_239, %bitcast3A_254 : vector<32xbf16>
        %add3A_260 = arith.addf %add3A_259, %bitcast3A_258 : vector<32xbf16>
        %get3A_261 = arith.index_cast %scan3A_237 : i32 to index
        %get3A_262 = arith.constant 32 : index
        %get3A_263 = tpu.vector_load %arg6[%get3A_261, %get3A_262] {strides = array<i32>} : memref<100x64xi32, #tpu.memory_space<vmem>>, vector<16xi32>,
        %bitcast3A_264 = vector.bitcast %get3A_263 : vector<16xi32> to vector<32xbf16>
        %get3A_265 = arith.index_cast %scan3A_237 : i32 to index
        %get3A_266 = arith.constant 32 : index
        %get3A_267 = tpu.vector_load %arg7[%get3A_265, %get3A_266] {strides = array<i32>} : memref<100x64xi32, #tpu.memory_space<vmem>>, vector<16xi32>,
        %bitcast3A_268 = vector.bitcast %get3A_267 : vector<16xi32> to vector<32xbf16>
        %add3A_269 = arith.addf %scan3A_240, %bitcast3A_264 : vector<32xbf16>
        %add3A_270 = arith.addf %add3A_269, %bitcast3A_268 : vector<32xbf16>
        %get3A_271 = arith.index_cast %scan3A_237 : i32 to index
        %get3A_272 = arith.constant 48 : index
        %get3A_273 = tpu.vector_load %arg6[%get3A_271, %get3A_272] {strides = array<i32>} : memref<100x64xi32, #tpu.memory_space<vmem>>, vector<16xi32>,
        %bitcast3A_274 = vector.bitcast %get3A_273 : vector<16xi32> to vector<32xbf16>
        %get3A_275 = arith.index_cast %scan3A_237 : i32 to index
        %get3A_276 = arith.constant 48 : index
        %get3A_277 = tpu.vector_load %arg7[%get3A_275, %get3A_276] {strides = array<i32>} : memref<100x64xi32, #tpu.memory_space<vmem>>, vector<16xi32>,
        %bitcast3A_278 = vector.bitcast %get3A_277 : vector<16xi32> to vector<32xbf16>
        %add3A_279 = arith.addf %scan3A_241, %bitcast3A_274 : vector<32xbf16>
        %add3A_280 = arith.addf %add3A_279, %bitcast3A_278 : vector<32xbf16>
        %scan3A_281 = arith.constant 1 : i32
        %scan3A_282 = arith.addi %scan3A_237, %scan3A_281 : i32
        %get3A_283 = arith.index_cast %scan3A_282 : i32 to index
        %get3A_284 = arith.constant 0 : index
        %get3A_285 = tpu.vector_load %arg6[%get3A_283, %get3A_284] {strides = array<i32>} : memref<100x64xi32, #tpu.memory_space<vmem>>, vector<16xi32>,
        %bitcast3A_286 = vector.bitcast %get3A_285 : vector<16xi32> to vector<32xbf16>
        %get3A_287 = arith.index_cast %scan3A_282 : i32 to index
        %get3A_288 = arith.constant 0 : index
        %get3A_289 = tpu.vector_load %arg7[%get3A_287, %get3A_288] {strides = array<i32>} : memref<100x64xi32, #tpu.memory_space<vmem>>, vector<16xi32>,
        %bitcast3A_290 = vector.bitcast %get3A_289 : vector<16xi32> to vector<32xbf16>
        %add3A_291 = arith.addf %add3A_250, %bitcast3A_286 : vector<32xbf16>
        %add3A_292 = arith.addf %add3A_291, %bitcast3A_290 : vector<32xbf16>
        %get3A_293 = arith.index_cast %scan3A_282 : i32 to index
        %get3A_294 = arith.constant 16 : index
        %get3A_295 = tpu.vector_load %arg6[%get3A_293, %get3A_294] {strides = array<i32>} : memref<100x64xi32, #tpu.memory_space<vmem>>, vector<16xi32>,
        %bitcast3A_296 = vector.bitcast %get3A_295 : vector<16xi32> to vector<32xbf16>
        %get3A_297 = arith.index_cast %scan3A_282 : i32 to index
        %get3A_298 = arith.constant 16 : index
        %get3A_299 = tpu.vector_load %arg7[%get3A_297, %get3A_298] {strides = array<i32>} : memref<100x64xi32, #tpu.memory_space<vmem>>, vector<16xi32>,
        %bitcast3A_300 = vector.bitcast %get3A_299 : vector<16xi32> to vector<32xbf16>
        %add3A_301 = arith.addf %add3A_260, %bitcast3A_296 : vector<32xbf16>
        %add3A_302 = arith.addf %add3A_301, %bitcast3A_300 : vector<32xbf16>
        %get3A_303 = arith.index_cast %scan3A_282 : i32 to index
        %get3A_304 = arith.constant 32 : index
        %get3A_305 = tpu.vector_load %arg6[%get3A_303, %get3A_304] {strides = array<i32>} : memref<100x64xi32, #tpu.memory_space<vmem>>, vector<16xi32>,
        %bitcast3A_306 = vector.bitcast %get3A_305 : vector<16xi32> to vector<32xbf16>
        %get3A_307 = arith.index_cast %scan3A_282 : i32 to index
        %get3A_308 = arith.constant 32 : index
        %get3A_309 = tpu.vector_load %arg7[%get3A_307, %get3A_308] {strides = array<i32>} : memref<100x64xi32, #tpu.memory_space<vmem>>, vector<16xi32>,
        %bitcast3A_310 = vector.bitcast %get3A_309 : vector<16xi32> to vector<32xbf16>
        %add3A_311 = arith.addf %add3A_270, %bitcast3A_306 : vector<32xbf16>
        %add3A_312 = arith.addf %add3A_311, %bitcast3A_310 : vector<32xbf16>
        %get3A_313 = arith.index_cast %scan3A_282 : i32 to index
        %get3A_314 = arith.constant 48 : index
        %get3A_315 = tpu.vector_load %arg6[%get3A_313, %get3A_314] {strides = array<i32>} : memref<100x64xi32, #tpu.memory_space<vmem>>, vector<16xi32>,
        %bitcast3A_316 = vector.bitcast %get3A_315 : vector<16xi32> to vector<32xbf16>
        %get3A_317 = arith.index_cast %scan3A_282 : i32 to index
        %get3A_318 = arith.constant 48 : index
        %get3A_319 = tpu.vector_load %arg7[%get3A_317, %get3A_318] {strides = array<i32>} : memref<100x64xi32, #tpu.memory_space<vmem>>, vector<16xi32>,
        %bitcast3A_320 = vector.bitcast %get3A_319 : vector<16xi32> to vector<32xbf16>
        %add3A_321 = arith.addf %add3A_280, %bitcast3A_316 : vector<32xbf16>
        %add3A_322 = arith.addf %add3A_321, %bitcast3A_320 : vector<32xbf16>
        %scan3A_323 = arith.constant 2 : i32
        %scan3A_324 = arith.addi %scan3A_237, %scan3A_323 : i32
        %get3A_325 = arith.index_cast %scan3A_324 : i32 to index
        %get3A_326 = arith.constant 0 : index
        %get3A_327 = tpu.vector_load %arg6[%get3A_325, %get3A_326] {strides = array<i32>} : memref<100x64xi32, #tpu.memory_space<vmem>>, vector<16xi32>,
        %bitcast3A_328 = vector.bitcast %get3A_327 : vector<16xi32> to vector<32xbf16>
        %get3A_329 = arith.index_cast %scan3A_324 : i32 to index
        %get3A_330 = arith.constant 0 : index
        %get3A_331 = tpu.vector_load %arg7[%get3A_329, %get3A_330] {strides = array<i32>} : memref<100x64xi32, #tpu.memory_space<vmem>>, vector<16xi32>,
        %bitcast3A_332 = vector.bitcast %get3A_331 : vector<16xi32> to vector<32xbf16>
        %add3A_333 = arith.addf %add3A_292, %bitcast3A_328 : vector<32xbf16>
        %add3A_334 = arith.addf %add3A_333, %bitcast3A_332 : vector<32xbf16>
        %get3A_335 = arith.index_cast %scan3A_324 : i32 to index
        %get3A_336 = arith.constant 16 : index
        %get3A_337 = tpu.vector_load %arg6[%get3A_335, %get3A_336] {strides = array<i32>} : memref<100x64xi32, #tpu.memory_space<vmem>>, vector<16xi32>,
        %bitcast3A_338 = vector.bitcast %get3A_337 : vector<16xi32> to vector<32xbf16>
        %get3A_339 = arith.index_cast %scan3A_324 : i32 to index
        %get3A_340 = arith.constant 16 : index
        %get3A_341 = tpu.vector_load %arg7[%get3A_339, %get3A_340] {strides = array<i32>} : memref<100x64xi32, #tpu.memory_space<vmem>>, vector<16xi32>,
        %bitcast3A_342 = vector.bitcast %get3A_341 : vector<16xi32> to vector<32xbf16>
        %add3A_343 = arith.addf %add3A_302, %bitcast3A_338 : vector<32xbf16>
        %add3A_344 = arith.addf %add3A_343, %bitcast3A_342 : vector<32xbf16>
        %get3A_345 = arith.index_cast %scan3A_324 : i32 to index
        %get3A_346 = arith.constant 32 : index
        %get3A_347 = tpu.vector_load %arg6[%get3A_345, %get3A_346] {strides = array<i32>} : memref<100x64xi32, #tpu.memory_space<vmem>>, vector<16xi32>,
        %bitcast3A_348 = vector.bitcast %get3A_347 : vector<16xi32> to vector<32xbf16>
        %get3A_349 = arith.index_cast %scan3A_324 : i32 to index
        %get3A_350 = arith.constant 32 : index
        %get3A_351 = tpu.vector_load %arg7[%get3A_349, %get3A_350] {strides = array<i32>} : memref<100x64xi32, #tpu.memory_space<vmem>>, vector<16xi32>,
        %bitcast3A_352 = vector.bitcast %get3A_351 : vector<16xi32> to vector<32xbf16>
        %add3A_353 = arith.addf %add3A_312, %bitcast3A_348 : vector<32xbf16>
        %add3A_354 = arith.addf %add3A_353, %bitcast3A_352 : vector<32xbf16>
        %get3A_355 = arith.index_cast %scan3A_324 : i32 to index
        %get3A_356 = arith.constant 48 : index
        %get3A_357 = tpu.vector_load %arg6[%get3A_355, %get3A_356] {strides = array<i32>} : memref<100x64xi32, #tpu.memory_space<vmem>>, vector<16xi32>,
        %bitcast3A_358 = vector.bitcast %get3A_357 : vector<16xi32> to vector<32xbf16>
        %get3A_359 = arith.index_cast %scan3A_324 : i32 to index
        %get3A_360 = arith.constant 48 : index
        %get3A_361 = tpu.vector_load %arg7[%get3A_359, %get3A_360] {strides = array<i32>} : memref<100x64xi32, #tpu.memory_space<vmem>>, vector<16xi32>,
        %bitcast3A_362 = vector.bitcast %get3A_361 : vector<16xi32> to vector<32xbf16>
        %add3A_363 = arith.addf %add3A_322, %bitcast3A_358 : vector<32xbf16>
        %add3A_364 = arith.addf %add3A_363, %bitcast3A_362 : vector<32xbf16>
        %scan3A_365 = arith.constant 3 : i32
        %scan3A_366 = arith.addi %scan3A_237, %scan3A_365 : i32
        %get3A_367 = arith.index_cast %scan3A_366 : i32 to index
        %get3A_368 = arith.constant 0 : index
        %get3A_369 = tpu.vector_load %arg6[%get3A_367, %get3A_368] {strides = array<i32>} : memref<100x64xi32, #tpu.memory_space<vmem>>, vector<16xi32>,
        %bitcast3A_370 = vector.bitcast %get3A_369 : vector<16xi32> to vector<32xbf16>
        %get3A_371 = arith.index_cast %scan3A_366 : i32 to index
        %get3A_372 = arith.constant 0 : index
        %get3A_373 = tpu.vector_load %arg7[%get3A_371, %get3A_372] {strides = array<i32>} : memref<100x64xi32, #tpu.memory_space<vmem>>, vector<16xi32>,
        %bitcast3A_374 = vector.bitcast %get3A_373 : vector<16xi32> to vector<32xbf16>
        %add3A_375 = arith.addf %add3A_334, %bitcast3A_370 : vector<32xbf16>
        %add3A_376 = arith.addf %add3A_375, %bitcast3A_374 : vector<32xbf16>
        %get3A_377 = arith.index_cast %scan3A_366 : i32 to index
        %get3A_378 = arith.constant 16 : index
        %get3A_379 = tpu.vector_load %arg6[%get3A_377, %get3A_378] {strides = array<i32>} : memref<100x64xi32, #tpu.memory_space<vmem>>, vector<16xi32>,
        %bitcast3A_380 = vector.bitcast %get3A_379 : vector<16xi32> to vector<32xbf16>
        %get3A_381 = arith.index_cast %scan3A_366 : i32 to index
        %get3A_382 = arith.constant 16 : index
        %get3A_383 = tpu.vector_load %arg7[%get3A_381, %get3A_382] {strides = array<i32>} : memref<100x64xi32, #tpu.memory_space<vmem>>, vector<16xi32>,
        %bitcast3A_384 = vector.bitcast %get3A_383 : vector<16xi32> to vector<32xbf16>
        %add3A_385 = arith.addf %add3A_344, %bitcast3A_380 : vector<32xbf16>
        %add3A_386 = arith.addf %add3A_385, %bitcast3A_384 : vector<32xbf16>
        %get3A_387 = arith.index_cast %scan3A_366 : i32 to index
        %get3A_388 = arith.constant 32 : index
        %get3A_389 = tpu.vector_load %arg6[%get3A_387, %get3A_388] {strides = array<i32>} : memref<100x64xi32, #tpu.memory_space<vmem>>, vector<16xi32>,
        %bitcast3A_390 = vector.bitcast %get3A_389 : vector<16xi32> to vector<32xbf16>
        %get3A_391 = arith.index_cast %scan3A_366 : i32 to index
        %get3A_392 = arith.constant 32 : index
        %get3A_393 = tpu.vector_load %arg7[%get3A_391, %get3A_392] {strides = array<i32>} : memref<100x64xi32, #tpu.memory_space<vmem>>, vector<16xi32>,
        %bitcast3A_394 = vector.bitcast %get3A_393 : vector<16xi32> to vector<32xbf16>
        %add3A_395 = arith.addf %add3A_354, %bitcast3A_390 : vector<32xbf16>
        %add3A_396 = arith.addf %add3A_395, %bitcast3A_394 : vector<32xbf16>
        %get3A_397 = arith.index_cast %scan3A_366 : i32 to index
        %get3A_398 = arith.constant 48 : index
        %get3A_399 = tpu.vector_load %arg6[%get3A_397, %get3A_398] {strides = array<i32>} : memref<100x64xi32, #tpu.memory_space<vmem>>, vector<16xi32>,
        %bitcast3A_400 = vector.bitcast %get3A_399 : vector<16xi32> to vector<32xbf16>
        %get3A_401 = arith.index_cast %scan3A_366 : i32 to index
        %get3A_402 = arith.constant 48 : index
        %get3A_403 = tpu.vector_load %arg7[%get3A_401, %get3A_402] {strides = array<i32>} : memref<100x64xi32, #tpu.memory_space<vmem>>, vector<16xi32>,
        %bitcast3A_404 = vector.bitcast %get3A_403 : vector<16xi32> to vector<32xbf16>
        %add3A_405 = arith.addf %add3A_364, %bitcast3A_400 : vector<32xbf16>
        %add3A_406 = arith.addf %add3A_405, %bitcast3A_404 : vector<32xbf16>
        scf.yield %add3A_376, %add3A_386, %add3A_396, %add3A_406 : vector<32xbf16>, vector<32xbf16>, vector<32xbf16>, vector<32xbf16>
      }
      %scan3A_81 = arith.constant 100 : i32
      %bitcast3A = vector.bitcast %scan3A_80#0 : vector<32xbf16> to vector<16xi32>
      %swap3A = arith.index_cast %add3A_57 : i32 to index
      %swap3A_82 = arith.constant 0 : index
      %swap3A_83 = tpu.vector_load %arg14[%swap3A, %swap3A_82] {strides = array<i32>} : memref<64x64xi32, #tpu.memory_space<vmem>>, vector<16xi32>,
      tpu.vector_store %arg14[%swap3A, %swap3A_82], %bitcast3A {strides = array<i32>} : memref<64x64xi32, #tpu.memory_space<vmem>>, vector<16xi32>,
      %bitcast3A_84 = vector.bitcast %scan3A_80#1 : vector<32xbf16> to vector<16xi32>
      %swap3A_85 = arith.index_cast %add3A_57 : i32 to index
      %swap3A_86 = arith.constant 16 : index
      %swap3A_87 = tpu.vector_load %arg14[%swap3A_85, %swap3A_86] {strides = array<i32>} : memref<64x64xi32, #tpu.memory_space<vmem>>, vector<16xi32>,
      tpu.vector_store %arg14[%swap3A_85, %swap3A_86], %bitcast3A_84 {strides = array<i32>} : memref<64x64xi32, #tpu.memory_space<vmem>>, vector<16xi32>,
      %bitcast3A_88 = vector.bitcast %scan3A_80#2 : vector<32xbf16> to vector<16xi32>
      %swap3A_89 = arith.index_cast %add3A_57 : i32 to index
      %swap3A_90 = arith.constant 32 : index
      %swap3A_91 = tpu.vector_load %arg14[%swap3A_89, %swap3A_90] {strides = array<i32>} : memref<64x64xi32, #tpu.memory_space<vmem>>, vector<16xi32>,
      tpu.vector_store %arg14[%swap3A_89, %swap3A_90], %bitcast3A_88 {strides = array<i32>} : memref<64x64xi32, #tpu.memory_space<vmem>>, vector<16xi32>,
      %bitcast3A_92 = vector.bitcast %scan3A_80#3 : vector<32xbf16> to vector<16xi32>
      %swap3A_93 = arith.index_cast %add3A_57 : i32 to index
      %swap3A_94 = arith.constant 48 : index
      %swap3A_95 = tpu.vector_load %arg14[%swap3A_93, %swap3A_94] {strides = array<i32>} : memref<64x64xi32, #tpu.memory_space<vmem>>, vector<16xi32>,
      tpu.vector_store %arg14[%swap3A_93, %swap3A_94], %bitcast3A_92 {strides = array<i32>} : memref<64x64xi32, #tpu.memory_space<vmem>>, vector<16xi32>,
      %add3A_96 = arith.constant 1 : i32
      %add3A_97 = arith.addi %add3A_55, %add3A_96 : i32
      %add3A_98 = arith.constant 4 : i32
      %add3A_99 = arith.addi %add3A_97, %add3A_98 : i32
      %sub3A_100 = arith.constant 1 : i32
      %sub3A_101 = arith.subi %add3A_99, %sub3A_100 : i32
      %lt3A_102 = arith.constant 64 : i32
      %lt3A_103 = arith.cmpi slt, %sub3A_101, %lt3A_102 : i32
      %convert_element_type3A_104 = arith.extui %lt3A_103 : i1 to i32
      %cond3A_105 = arith.constant 0 : i32
      %cond3A_106 = arith.cmpi ne, %convert_element_type3A_104, %cond3A_105 : i32
      scf.if %cond3A_106 {
        %add3A_237 = arith.constant 4 : i32
        %add3A_238 = arith.addi %add3A_97, %add3A_237 : i32
        %sub3A_239 = arith.constant 1 : i32
        %sub3A_240 = arith.subi %add3A_238, %sub3A_239 : i32
        %mul3A_241 = arith.constant 2 : i32
        %mul3A_242 = arith.muli %mul3A_241, %sub3A_240 : i32
        %dma_start3A_243 = arith.constant 0 : i32
        %dma_start3A_244 = tpu.memref_slice %arg5[%mul3A_242, %dma_start3A_243] : memref<128x100xi32, #tpu.memory_space<vmem>> -> memref<1x100xi32, #tpu.memory_space<vmem>>
        %dma_start3A_245 = tpu.memref_squeeze %dma_start3A_244 : memref<1x100xi32, #tpu.memory_space<vmem>> -> memref<100xi32, #tpu.memory_space<vmem>>
        %dma_start3A_246 = arith.constant 0 : i32
        %dma_start3A_247 = arith.constant 0 : i32
        %dma_start3A_248 = tpu.memref_slice %arg3[%dma_start3A_246, %dma_start3A_247] : memref<100000x64xi32, #tpu.memory_space<hbm>> -> memref<100000x64xi32, #tpu.memory_space<hbm>>
        tpu.enqueue_indirect_dma source(%dma_start3A_248 : memref<100000x64xi32, #tpu.memory_space<hbm>>) target(%arg6 : memref<100x64xi32, #tpu.memory_space<vmem>>) offsets(%dma_start3A_245 : memref<100xi32, #tpu.memory_space<vmem>>) semaphore(%arg15 : memref<!tpu.dma_semaphore, #tpu.memory_space<semaphore_mem>>)
        %mul3A_249 = arith.constant 2 : i32
        %mul3A_250 = arith.muli %mul3A_249, %sub3A_240 : i32
        %add3A_251 = arith.constant 1 : i32
        %add3A_252 = arith.addi %mul3A_250, %add3A_251 : i32
        %dma_start3A_253 = arith.constant 0 : i32
        %dma_start3A_254 = tpu.memref_slice %arg5[%add3A_252, %dma_start3A_253] : memref<128x100xi32, #tpu.memory_space<vmem>> -> memref<1x100xi32, #tpu.memory_space<vmem>>
        %dma_start3A_255 = tpu.memref_squeeze %dma_start3A_254 : memref<1x100xi32, #tpu.memory_space<vmem>> -> memref<100xi32, #tpu.memory_space<vmem>>
        %dma_start3A_256 = arith.constant 0 : i32
        %dma_start3A_257 = arith.constant 0 : i32
        %dma_start3A_258 = tpu.memref_slice %arg3[%dma_start3A_256, %dma_start3A_257] : memref<100000x64xi32, #tpu.memory_space<hbm>> -> memref<100000x64xi32, #tpu.memory_space<hbm>>
        tpu.enqueue_indirect_dma source(%dma_start3A_258 : memref<100000x64xi32, #tpu.memory_space<hbm>>) target(%arg7 : memref<100x64xi32, #tpu.memory_space<vmem>>) offsets(%dma_start3A_255 : memref<100xi32, #tpu.memory_space<vmem>>) semaphore(%arg15 : memref<!tpu.dma_semaphore, #tpu.memory_space<semaphore_mem>>)
      } else {
      }
      %dma_wait3A_107 = arith.constant 0 : i32
      %dma_wait3A_108 = arith.constant 0 : i32
      %dma_wait3A_109 = tpu.memref_slice %arg5[%dma_wait3A_107, %dma_wait3A_108] : memref<128x100xi32, #tpu.memory_space<vmem>> -> memref<1x100xi32, #tpu.memory_space<vmem>>
      %dma_wait3A_110 = tpu.memref_squeeze %dma_wait3A_109 : memref<1x100xi32, #tpu.memory_space<vmem>> -> memref<100xi32, #tpu.memory_space<vmem>>
      %dma_wait3A_111 = arith.constant 0 : i32
      %dma_wait3A_112 = arith.constant 0 : i32
      %dma_wait3A_113 = tpu.memref_slice %arg3[%dma_wait3A_111, %dma_wait3A_112] : memref<100000x64xi32, #tpu.memory_space<hbm>> -> memref<100000x64xi32, #tpu.memory_space<hbm>>
      tpu.wait_indirect_dma semaphore(%arg16 : memref<!tpu.dma_semaphore, #tpu.memory_space<semaphore_mem>>) src(%dma_wait3A_113 : memref<100000x64xi32, #tpu.memory_space<hbm>>) dst(%arg8 : memref<100x64xi32, #tpu.memory_space<vmem>>)
      %dma_wait3A_114 = arith.constant 0 : i32
      %dma_wait3A_115 = arith.constant 0 : i32
      %dma_wait3A_116 = tpu.memref_slice %arg5[%dma_wait3A_114, %dma_wait3A_115] : memref<128x100xi32, #tpu.memory_space<vmem>> -> memref<1x100xi32, #tpu.memory_space<vmem>>
      %dma_wait3A_117 = tpu.memref_squeeze %dma_wait3A_116 : memref<1x100xi32, #tpu.memory_space<vmem>> -> memref<100xi32, #tpu.memory_space<vmem>>
      %dma_wait3A_118 = arith.constant 0 : i32
      %dma_wait3A_119 = arith.constant 0 : i32
      %dma_wait3A_120 = tpu.memref_slice %arg3[%dma_wait3A_118, %dma_wait3A_119] : memref<100000x64xi32, #tpu.memory_space<hbm>> -> memref<100000x64xi32, #tpu.memory_space<hbm>>
      tpu.wait_indirect_dma semaphore(%arg16 : memref<!tpu.dma_semaphore, #tpu.memory_space<semaphore_mem>>) src(%dma_wait3A_120 : memref<100000x64xi32, #tpu.memory_space<hbm>>) dst(%arg9 : memref<100x64xi32, #tpu.memory_space<vmem>>)
      %scan3A_121 = arith.constant 0 : i32
      %scan3A_122 = arith.constant 100 : i32
      %scan3A_123 = arith.addi %scan3A_121, %scan3A_122 : i32
      %scan3A_124 = arith.constant 4 : i32
      %scan3A_125:4 = scf.for %scan3A_237 = %scan3A_121 to %scan3A_123 step %scan3A_124 iter_args(%scan3A_238 = %broadcast_in_dim3A_44, %scan3A_239 = %broadcast_in_dim3A_44, %scan3A_240 = %broadcast_in_dim3A_44, %scan3A_241 = %broadcast_in_dim3A_44) -> (vector<32xbf16>, vector<32xbf16>, vector<32xbf16>, vector<32xbf16>)  : i32 {
        %get3A = arith.index_cast %scan3A_237 : i32 to index
        %get3A_242 = arith.constant 0 : index
        %get3A_243 = tpu.vector_load %arg8[%get3A, %get3A_242] {strides = array<i32>} : memref<100x64xi32, #tpu.memory_space<vmem>>, vector<16xi32>,
        %bitcast3A_244 = vector.bitcast %get3A_243 : vector<16xi32> to vector<32xbf16>
        %get3A_245 = arith.index_cast %scan3A_237 : i32 to index
        %get3A_246 = arith.constant 0 : index
        %get3A_247 = tpu.vector_load %arg9[%get3A_245, %get3A_246] {strides = array<i32>} : memref<100x64xi32, #tpu.memory_space<vmem>>, vector<16xi32>,
        %bitcast3A_248 = vector.bitcast %get3A_247 : vector<16xi32> to vector<32xbf16>
        %add3A_249 = arith.addf %scan3A_238, %bitcast3A_244 : vector<32xbf16>
        %add3A_250 = arith.addf %add3A_249, %bitcast3A_248 : vector<32xbf16>
        %get3A_251 = arith.index_cast %scan3A_237 : i32 to index
        %get3A_252 = arith.constant 16 : index
        %get3A_253 = tpu.vector_load %arg8[%get3A_251, %get3A_252] {strides = array<i32>} : memref<100x64xi32, #tpu.memory_space<vmem>>, vector<16xi32>,
        %bitcast3A_254 = vector.bitcast %get3A_253 : vector<16xi32> to vector<32xbf16>
        %get3A_255 = arith.index_cast %scan3A_237 : i32 to index
        %get3A_256 = arith.constant 16 : index
        %get3A_257 = tpu.vector_load %arg9[%get3A_255, %get3A_256] {strides = array<i32>} : memref<100x64xi32, #tpu.memory_space<vmem>>, vector<16xi32>,
        %bitcast3A_258 = vector.bitcast %get3A_257 : vector<16xi32> to vector<32xbf16>
        %add3A_259 = arith.addf %scan3A_239, %bitcast3A_254 : vector<32xbf16>
        %add3A_260 = arith.addf %add3A_259, %bitcast3A_258 : vector<32xbf16>
        %get3A_261 = arith.index_cast %scan3A_237 : i32 to index
        %get3A_262 = arith.constant 32 : index
        %get3A_263 = tpu.vector_load %arg8[%get3A_261, %get3A_262] {strides = array<i32>} : memref<100x64xi32, #tpu.memory_space<vmem>>, vector<16xi32>,
        %bitcast3A_264 = vector.bitcast %get3A_263 : vector<16xi32> to vector<32xbf16>
        %get3A_265 = arith.index_cast %scan3A_237 : i32 to index
        %get3A_266 = arith.constant 32 : index
        %get3A_267 = tpu.vector_load %arg9[%get3A_265, %get3A_266] {strides = array<i32>} : memref<100x64xi32, #tpu.memory_space<vmem>>, vector<16xi32>,
        %bitcast3A_268 = vector.bitcast %get3A_267 : vector<16xi32> to vector<32xbf16>
        %add3A_269 = arith.addf %scan3A_240, %bitcast3A_264 : vector<32xbf16>
        %add3A_270 = arith.addf %add3A_269, %bitcast3A_268 : vector<32xbf16>
        %get3A_271 = arith.index_cast %scan3A_237 : i32 to index
        %get3A_272 = arith.constant 48 : index
        %get3A_273 = tpu.vector_load %arg8[%get3A_271, %get3A_272] {strides = array<i32>} : memref<100x64xi32, #tpu.memory_space<vmem>>, vector<16xi32>,
        %bitcast3A_274 = vector.bitcast %get3A_273 : vector<16xi32> to vector<32xbf16>
        %get3A_275 = arith.index_cast %scan3A_237 : i32 to index
        %get3A_276 = arith.constant 48 : index
        %get3A_277 = tpu.vector_load %arg9[%get3A_275, %get3A_276] {strides = array<i32>} : memref<100x64xi32, #tpu.memory_space<vmem>>, vector<16xi32>,
        %bitcast3A_278 = vector.bitcast %get3A_277 : vector<16xi32> to vector<32xbf16>
        %add3A_279 = arith.addf %scan3A_241, %bitcast3A_274 : vector<32xbf16>
        %add3A_280 = arith.addf %add3A_279, %bitcast3A_278 : vector<32xbf16>
        %scan3A_281 = arith.constant 1 : i32
        %scan3A_282 = arith.addi %scan3A_237, %scan3A_281 : i32
        %get3A_283 = arith.index_cast %scan3A_282 : i32 to index
        %get3A_284 = arith.constant 0 : index
        %get3A_285 = tpu.vector_load %arg8[%get3A_283, %get3A_284] {strides = array<i32>} : memref<100x64xi32, #tpu.memory_space<vmem>>, vector<16xi32>,
        %bitcast3A_286 = vector.bitcast %get3A_285 : vector<16xi32> to vector<32xbf16>
        %get3A_287 = arith.index_cast %scan3A_282 : i32 to index
        %get3A_288 = arith.constant 0 : index
        %get3A_289 = tpu.vector_load %arg9[%get3A_287, %get3A_288] {strides = array<i32>} : memref<100x64xi32, #tpu.memory_space<vmem>>, vector<16xi32>,
        %bitcast3A_290 = vector.bitcast %get3A_289 : vector<16xi32> to vector<32xbf16>
        %add3A_291 = arith.addf %add3A_250, %bitcast3A_286 : vector<32xbf16>
        %add3A_292 = arith.addf %add3A_291, %bitcast3A_290 : vector<32xbf16>
        %get3A_293 = arith.index_cast %scan3A_282 : i32 to index
        %get3A_294 = arith.constant 16 : index
        %get3A_295 = tpu.vector_load %arg8[%get3A_293, %get3A_294] {strides = array<i32>} : memref<100x64xi32, #tpu.memory_space<vmem>>, vector<16xi32>,
        %bitcast3A_296 = vector.bitcast %get3A_295 : vector<16xi32> to vector<32xbf16>
        %get3A_297 = arith.index_cast %scan3A_282 : i32 to index
        %get3A_298 = arith.constant 16 : index
        %get3A_299 = tpu.vector_load %arg9[%get3A_297, %get3A_298] {strides = array<i32>} : memref<100x64xi32, #tpu.memory_space<vmem>>, vector<16xi32>,
        %bitcast3A_300 = vector.bitcast %get3A_299 : vector<16xi32> to vector<32xbf16>
        %add3A_301 = arith.addf %add3A_260, %bitcast3A_296 : vector<32xbf16>
        %add3A_302 = arith.addf %add3A_301, %bitcast3A_300 : vector<32xbf16>
        %get3A_303 = arith.index_cast %scan3A_282 : i32 to index
        %get3A_304 = arith.constant 32 : index
        %get3A_305 = tpu.vector_load %arg8[%get3A_303, %get3A_304] {strides = array<i32>} : memref<100x64xi32, #tpu.memory_space<vmem>>, vector<16xi32>,
        %bitcast3A_306 = vector.bitcast %get3A_305 : vector<16xi32> to vector<32xbf16>
        %get3A_307 = arith.index_cast %scan3A_282 : i32 to index
        %get3A_308 = arith.constant 32 : index
        %get3A_309 = tpu.vector_load %arg9[%get3A_307, %get3A_308] {strides = array<i32>} : memref<100x64xi32, #tpu.memory_space<vmem>>, vector<16xi32>,
        %bitcast3A_310 = vector.bitcast %get3A_309 : vector<16xi32> to vector<32xbf16>
        %add3A_311 = arith.addf %add3A_270, %bitcast3A_306 : vector<32xbf16>
        %add3A_312 = arith.addf %add3A_311, %bitcast3A_310 : vector<32xbf16>
        %get3A_313 = arith.index_cast %scan3A_282 : i32 to index
        %get3A_314 = arith.constant 48 : index
        %get3A_315 = tpu.vector_load %arg8[%get3A_313, %get3A_314] {strides = array<i32>} : memref<100x64xi32, #tpu.memory_space<vmem>>, vector<16xi32>,
        %bitcast3A_316 = vector.bitcast %get3A_315 : vector<16xi32> to vector<32xbf16>
        %get3A_317 = arith.index_cast %scan3A_282 : i32 to index
        %get3A_318 = arith.constant 48 : index
        %get3A_319 = tpu.vector_load %arg9[%get3A_317, %get3A_318] {strides = array<i32>} : memref<100x64xi32, #tpu.memory_space<vmem>>, vector<16xi32>,
        %bitcast3A_320 = vector.bitcast %get3A_319 : vector<16xi32> to vector<32xbf16>
        %add3A_321 = arith.addf %add3A_280, %bitcast3A_316 : vector<32xbf16>
        %add3A_322 = arith.addf %add3A_321, %bitcast3A_320 : vector<32xbf16>
        %scan3A_323 = arith.constant 2 : i32
        %scan3A_324 = arith.addi %scan3A_237, %scan3A_323 : i32
        %get3A_325 = arith.index_cast %scan3A_324 : i32 to index
        %get3A_326 = arith.constant 0 : index
        %get3A_327 = tpu.vector_load %arg8[%get3A_325, %get3A_326] {strides = array<i32>} : memref<100x64xi32, #tpu.memory_space<vmem>>, vector<16xi32>,
        %bitcast3A_328 = vector.bitcast %get3A_327 : vector<16xi32> to vector<32xbf16>
        %get3A_329 = arith.index_cast %scan3A_324 : i32 to index
        %get3A_330 = arith.constant 0 : index
        %get3A_331 = tpu.vector_load %arg9[%get3A_329, %get3A_330] {strides = array<i32>} : memref<100x64xi32, #tpu.memory_space<vmem>>, vector<16xi32>,
        %bitcast3A_332 = vector.bitcast %get3A_331 : vector<16xi32> to vector<32xbf16>
        %add3A_333 = arith.addf %add3A_292, %bitcast3A_328 : vector<32xbf16>
        %add3A_334 = arith.addf %add3A_333, %bitcast3A_332 : vector<32xbf16>
        %get3A_335 = arith.index_cast %scan3A_324 : i32 to index
        %get3A_336 = arith.constant 16 : index
        %get3A_337 = tpu.vector_load %arg8[%get3A_335, %get3A_336] {strides = array<i32>} : memref<100x64xi32, #tpu.memory_space<vmem>>, vector<16xi32>,
        %bitcast3A_338 = vector.bitcast %get3A_337 : vector<16xi32> to vector<32xbf16>
        %get3A_339 = arith.index_cast %scan3A_324 : i32 to index
        %get3A_340 = arith.constant 16 : index
        %get3A_341 = tpu.vector_load %arg9[%get3A_339, %get3A_340] {strides = array<i32>} : memref<100x64xi32, #tpu.memory_space<vmem>>, vector<16xi32>,
        %bitcast3A_342 = vector.bitcast %get3A_341 : vector<16xi32> to vector<32xbf16>
        %add3A_343 = arith.addf %add3A_302, %bitcast3A_338 : vector<32xbf16>
        %add3A_344 = arith.addf %add3A_343, %bitcast3A_342 : vector<32xbf16>
        %get3A_345 = arith.index_cast %scan3A_324 : i32 to index
        %get3A_346 = arith.constant 32 : index
        %get3A_347 = tpu.vector_load %arg8[%get3A_345, %get3A_346] {strides = array<i32>} : memref<100x64xi32, #tpu.memory_space<vmem>>, vector<16xi32>,
        %bitcast3A_348 = vector.bitcast %get3A_347 : vector<16xi32> to vector<32xbf16>
        %get3A_349 = arith.index_cast %scan3A_324 : i32 to index
        %get3A_350 = arith.constant 32 : index
        %get3A_351 = tpu.vector_load %arg9[%get3A_349, %get3A_350] {strides = array<i32>} : memref<100x64xi32, #tpu.memory_space<vmem>>, vector<16xi32>,
        %bitcast3A_352 = vector.bitcast %get3A_351 : vector<16xi32> to vector<32xbf16>
        %add3A_353 = arith.addf %add3A_312, %bitcast3A_348 : vector<32xbf16>
        %add3A_354 = arith.addf %add3A_353, %bitcast3A_352 : vector<32xbf16>
        %get3A_355 = arith.index_cast %scan3A_324 : i32 to index
        %get3A_356 = arith.constant 48 : index
        %get3A_357 = tpu.vector_load %arg8[%get3A_355, %get3A_356] {strides = array<i32>} : memref<100x64xi32, #tpu.memory_space<vmem>>, vector<16xi32>,
        %bitcast3A_358 = vector.bitcast %get3A_357 : vector<16xi32> to vector<32xbf16>
        %get3A_359 = arith.index_cast %scan3A_324 : i32 to index
        %get3A_360 = arith.constant 48 : index
        %get3A_361 = tpu.vector_load %arg9[%get3A_359, %get3A_360] {strides = array<i32>} : memref<100x64xi32, #tpu.memory_space<vmem>>, vector<16xi32>,
        %bitcast3A_362 = vector.bitcast %get3A_361 : vector<16xi32> to vector<32xbf16>
        %add3A_363 = arith.addf %add3A_322, %bitcast3A_358 : vector<32xbf16>
        %add3A_364 = arith.addf %add3A_363, %bitcast3A_362 : vector<32xbf16>
        %scan3A_365 = arith.constant 3 : i32
        %scan3A_366 = arith.addi %scan3A_237, %scan3A_365 : i32
        %get3A_367 = arith.index_cast %scan3A_366 : i32 to index
        %get3A_368 = arith.constant 0 : index
        %get3A_369 = tpu.vector_load %arg8[%get3A_367, %get3A_368] {strides = array<i32>} : memref<100x64xi32, #tpu.memory_space<vmem>>, vector<16xi32>,
        %bitcast3A_370 = vector.bitcast %get3A_369 : vector<16xi32> to vector<32xbf16>
        %get3A_371 = arith.index_cast %scan3A_366 : i32 to index
        %get3A_372 = arith.constant 0 : index
        %get3A_373 = tpu.vector_load %arg9[%get3A_371, %get3A_372] {strides = array<i32>} : memref<100x64xi32, #tpu.memory_space<vmem>>, vector<16xi32>,
        %bitcast3A_374 = vector.bitcast %get3A_373 : vector<16xi32> to vector<32xbf16>
        %add3A_375 = arith.addf %add3A_334, %bitcast3A_370 : vector<32xbf16>
        %add3A_376 = arith.addf %add3A_375, %bitcast3A_374 : vector<32xbf16>
        %get3A_377 = arith.index_cast %scan3A_366 : i32 to index
        %get3A_378 = arith.constant 16 : index
        %get3A_379 = tpu.vector_load %arg8[%get3A_377, %get3A_378] {strides = array<i32>} : memref<100x64xi32, #tpu.memory_space<vmem>>, vector<16xi32>,
        %bitcast3A_380 = vector.bitcast %get3A_379 : vector<16xi32> to vector<32xbf16>
        %get3A_381 = arith.index_cast %scan3A_366 : i32 to index
        %get3A_382 = arith.constant 16 : index
        %get3A_383 = tpu.vector_load %arg9[%get3A_381, %get3A_382] {strides = array<i32>} : memref<100x64xi32, #tpu.memory_space<vmem>>, vector<16xi32>,
        %bitcast3A_384 = vector.bitcast %get3A_383 : vector<16xi32> to vector<32xbf16>
        %add3A_385 = arith.addf %add3A_344, %bitcast3A_380 : vector<32xbf16>
        %add3A_386 = arith.addf %add3A_385, %bitcast3A_384 : vector<32xbf16>
        %get3A_387 = arith.index_cast %scan3A_366 : i32 to index
        %get3A_388 = arith.constant 32 : index
        %get3A_389 = tpu.vector_load %arg8[%get3A_387, %get3A_388] {strides = array<i32>} : memref<100x64xi32, #tpu.memory_space<vmem>>, vector<16xi32>,
        %bitcast3A_390 = vector.bitcast %get3A_389 : vector<16xi32> to vector<32xbf16>
        %get3A_391 = arith.index_cast %scan3A_366 : i32 to index
        %get3A_392 = arith.constant 32 : index
        %get3A_393 = tpu.vector_load %arg9[%get3A_391, %get3A_392] {strides = array<i32>} : memref<100x64xi32, #tpu.memory_space<vmem>>, vector<16xi32>,
        %bitcast3A_394 = vector.bitcast %get3A_393 : vector<16xi32> to vector<32xbf16>
        %add3A_395 = arith.addf %add3A_354, %bitcast3A_390 : vector<32xbf16>
        %add3A_396 = arith.addf %add3A_395, %bitcast3A_394 : vector<32xbf16>
        %get3A_397 = arith.index_cast %scan3A_366 : i32 to index
        %get3A_398 = arith.constant 48 : index
        %get3A_399 = tpu.vector_load %arg8[%get3A_397, %get3A_398] {strides = array<i32>} : memref<100x64xi32, #tpu.memory_space<vmem>>, vector<16xi32>,
        %bitcast3A_400 = vector.bitcast %get3A_399 : vector<16xi32> to vector<32xbf16>
        %get3A_401 = arith.index_cast %scan3A_366 : i32 to index
        %get3A_402 = arith.constant 48 : index
        %get3A_403 = tpu.vector_load %arg9[%get3A_401, %get3A_402] {strides = array<i32>} : memref<100x64xi32, #tpu.memory_space<vmem>>, vector<16xi32>,
        %bitcast3A_404 = vector.bitcast %get3A_403 : vector<16xi32> to vector<32xbf16>
        %add3A_405 = arith.addf %add3A_364, %bitcast3A_400 : vector<32xbf16>
        %add3A_406 = arith.addf %add3A_405, %bitcast3A_404 : vector<32xbf16>
        scf.yield %add3A_376, %add3A_386, %add3A_396, %add3A_406 : vector<32xbf16>, vector<32xbf16>, vector<32xbf16>, vector<32xbf16>
      }
      %scan3A_126 = arith.constant 100 : i32
      %bitcast3A_127 = vector.bitcast %scan3A_125#0 : vector<32xbf16> to vector<16xi32>
      %swap3A_128 = arith.index_cast %add3A_97 : i32 to index
      %swap3A_129 = arith.constant 0 : index
      %swap3A_130 = tpu.vector_load %arg14[%swap3A_128, %swap3A_129] {strides = array<i32>} : memref<64x64xi32, #tpu.memory_space<vmem>>, vector<16xi32>,
      tpu.vector_store %arg14[%swap3A_128, %swap3A_129], %bitcast3A_127 {strides = array<i32>} : memref<64x64xi32, #tpu.memory_space<vmem>>, vector<16xi32>,
      %bitcast3A_131 = vector.bitcast %scan3A_125#1 : vector<32xbf16> to vector<16xi32>
      %swap3A_132 = arith.index_cast %add3A_97 : i32 to index
      %swap3A_133 = arith.constant 16 : index
      %swap3A_134 = tpu.vector_load %arg14[%swap3A_132, %swap3A_133] {strides = array<i32>} : memref<64x64xi32, #tpu.memory_space<vmem>>, vector<16xi32>,
      tpu.vector_store %arg14[%swap3A_132, %swap3A_133], %bitcast3A_131 {strides = array<i32>} : memref<64x64xi32, #tpu.memory_space<vmem>>, vector<16xi32>,
      %bitcast3A_135 = vector.bitcast %scan3A_125#2 : vector<32xbf16> to vector<16xi32>
      %swap3A_136 = arith.index_cast %add3A_97 : i32 to index
      %swap3A_137 = arith.constant 32 : index
      %swap3A_138 = tpu.vector_load %arg14[%swap3A_136, %swap3A_137] {strides = array<i32>} : memref<64x64xi32, #tpu.memory_space<vmem>>, vector<16xi32>,
      tpu.vector_store %arg14[%swap3A_136, %swap3A_137], %bitcast3A_135 {strides = array<i32>} : memref<64x64xi32, #tpu.memory_space<vmem>>, vector<16xi32>,
      %bitcast3A_139 = vector.bitcast %scan3A_125#3 : vector<32xbf16> to vector<16xi32>
      %swap3A_140 = arith.index_cast %add3A_97 : i32 to index
      %swap3A_141 = arith.constant 48 : index
      %swap3A_142 = tpu.vector_load %arg14[%swap3A_140, %swap3A_141] {strides = array<i32>} : memref<64x64xi32, #tpu.memory_space<vmem>>, vector<16xi32>,
      tpu.vector_store %arg14[%swap3A_140, %swap3A_141], %bitcast3A_139 {strides = array<i32>} : memref<64x64xi32, #tpu.memory_space<vmem>>, vector<16xi32>,
      %add3A_143 = arith.constant 2 : i32
      %add3A_144 = arith.addi %add3A_55, %add3A_143 : i32
      %add3A_145 = arith.constant 4 : i32
      %add3A_146 = arith.addi %add3A_144, %add3A_145 : i32
      %sub3A_147 = arith.constant 1 : i32
      %sub3A_148 = arith.subi %add3A_146, %sub3A_147 : i32
      %lt3A_149 = arith.constant 64 : i32
      %lt3A_150 = arith.cmpi slt, %sub3A_148, %lt3A_149 : i32
      %convert_element_type3A_151 = arith.extui %lt3A_150 : i1 to i32
      %cond3A_152 = arith.constant 0 : i32
      %cond3A_153 = arith.cmpi ne, %convert_element_type3A_151, %cond3A_152 : i32
      scf.if %cond3A_153 {
        %add3A_237 = arith.constant 4 : i32
        %add3A_238 = arith.addi %add3A_144, %add3A_237 : i32
        %sub3A_239 = arith.constant 1 : i32
        %sub3A_240 = arith.subi %add3A_238, %sub3A_239 : i32
        %mul3A_241 = arith.constant 2 : i32
        %mul3A_242 = arith.muli %mul3A_241, %sub3A_240 : i32
        %dma_start3A_243 = arith.constant 0 : i32
        %dma_start3A_244 = tpu.memref_slice %arg5[%mul3A_242, %dma_start3A_243] : memref<128x100xi32, #tpu.memory_space<vmem>> -> memref<1x100xi32, #tpu.memory_space<vmem>>
        %dma_start3A_245 = tpu.memref_squeeze %dma_start3A_244 : memref<1x100xi32, #tpu.memory_space<vmem>> -> memref<100xi32, #tpu.memory_space<vmem>>
        %dma_start3A_246 = arith.constant 0 : i32
        %dma_start3A_247 = arith.constant 0 : i32
        %dma_start3A_248 = tpu.memref_slice %arg3[%dma_start3A_246, %dma_start3A_247] : memref<100000x64xi32, #tpu.memory_space<hbm>> -> memref<100000x64xi32, #tpu.memory_space<hbm>>
        tpu.enqueue_indirect_dma source(%dma_start3A_248 : memref<100000x64xi32, #tpu.memory_space<hbm>>) target(%arg8 : memref<100x64xi32, #tpu.memory_space<vmem>>) offsets(%dma_start3A_245 : memref<100xi32, #tpu.memory_space<vmem>>) semaphore(%arg16 : memref<!tpu.dma_semaphore, #tpu.memory_space<semaphore_mem>>)
        %mul3A_249 = arith.constant 2 : i32
        %mul3A_250 = arith.muli %mul3A_249, %sub3A_240 : i32
        %add3A_251 = arith.constant 1 : i32
        %add3A_252 = arith.addi %mul3A_250, %add3A_251 : i32
        %dma_start3A_253 = arith.constant 0 : i32
        %dma_start3A_254 = tpu.memref_slice %arg5[%add3A_252, %dma_start3A_253] : memref<128x100xi32, #tpu.memory_space<vmem>> -> memref<1x100xi32, #tpu.memory_space<vmem>>
        %dma_start3A_255 = tpu.memref_squeeze %dma_start3A_254 : memref<1x100xi32, #tpu.memory_space<vmem>> -> memref<100xi32, #tpu.memory_space<vmem>>
        %dma_start3A_256 = arith.constant 0 : i32
        %dma_start3A_257 = arith.constant 0 : i32
        %dma_start3A_258 = tpu.memref_slice %arg3[%dma_start3A_256, %dma_start3A_257] : memref<100000x64xi32, #tpu.memory_space<hbm>> -> memref<100000x64xi32, #tpu.memory_space<hbm>>
        tpu.enqueue_indirect_dma source(%dma_start3A_258 : memref<100000x64xi32, #tpu.memory_space<hbm>>) target(%arg9 : memref<100x64xi32, #tpu.memory_space<vmem>>) offsets(%dma_start3A_255 : memref<100xi32, #tpu.memory_space<vmem>>) semaphore(%arg16 : memref<!tpu.dma_semaphore, #tpu.memory_space<semaphore_mem>>)
      } else {
      }
      %dma_wait3A_154 = arith.constant 0 : i32
      %dma_wait3A_155 = arith.constant 0 : i32
      %dma_wait3A_156 = tpu.memref_slice %arg5[%dma_wait3A_154, %dma_wait3A_155] : memref<128x100xi32, #tpu.memory_space<vmem>> -> memref<1x100xi32, #tpu.memory_space<vmem>>
      %dma_wait3A_157 = tpu.memref_squeeze %dma_wait3A_156 : memref<1x100xi32, #tpu.memory_space<vmem>> -> memref<100xi32, #tpu.memory_space<vmem>>
      %dma_wait3A_158 = arith.constant 0 : i32
      %dma_wait3A_159 = arith.constant 0 : i32
      %dma_wait3A_160 = tpu.memref_slice %arg3[%dma_wait3A_158, %dma_wait3A_159] : memref<100000x64xi32, #tpu.memory_space<hbm>> -> memref<100000x64xi32, #tpu.memory_space<hbm>>
      tpu.wait_indirect_dma semaphore(%arg17 : memref<!tpu.dma_semaphore, #tpu.memory_space<semaphore_mem>>) src(%dma_wait3A_160 : memref<100000x64xi32, #tpu.memory_space<hbm>>) dst(%arg10 : memref<100x64xi32, #tpu.memory_space<vmem>>)
      %dma_wait3A_161 = arith.constant 0 : i32
      %dma_wait3A_162 = arith.constant 0 : i32
      %dma_wait3A_163 = tpu.memref_slice %arg5[%dma_wait3A_161, %dma_wait3A_162] : memref<128x100xi32, #tpu.memory_space<vmem>> -> memref<1x100xi32, #tpu.memory_space<vmem>>
      %dma_wait3A_164 = tpu.memref_squeeze %dma_wait3A_163 : memref<1x100xi32, #tpu.memory_space<vmem>> -> memref<100xi32, #tpu.memory_space<vmem>>
      %dma_wait3A_165 = arith.constant 0 : i32
      %dma_wait3A_166 = arith.constant 0 : i32
      %dma_wait3A_167 = tpu.memref_slice %arg3[%dma_wait3A_165, %dma_wait3A_166] : memref<100000x64xi32, #tpu.memory_space<hbm>> -> memref<100000x64xi32, #tpu.memory_space<hbm>>
      tpu.wait_indirect_dma semaphore(%arg17 : memref<!tpu.dma_semaphore, #tpu.memory_space<semaphore_mem>>) src(%dma_wait3A_167 : memref<100000x64xi32, #tpu.memory_space<hbm>>) dst(%arg11 : memref<100x64xi32, #tpu.memory_space<vmem>>)
      %scan3A_168 = arith.constant 0 : i32
      %scan3A_169 = arith.constant 100 : i32
      %scan3A_170 = arith.addi %scan3A_168, %scan3A_169 : i32
      %scan3A_171 = arith.constant 4 : i32
      %scan3A_172:4 = scf.for %scan3A_237 = %scan3A_168 to %scan3A_170 step %scan3A_171 iter_args(%scan3A_238 = %broadcast_in_dim3A_44, %scan3A_239 = %broadcast_in_dim3A_44, %scan3A_240 = %broadcast_in_dim3A_44, %scan3A_241 = %broadcast_in_dim3A_44) -> (vector<32xbf16>, vector<32xbf16>, vector<32xbf16>, vector<32xbf16>)  : i32 {
        %get3A = arith.index_cast %scan3A_237 : i32 to index
        %get3A_242 = arith.constant 0 : index
        %get3A_243 = tpu.vector_load %arg10[%get3A, %get3A_242] {strides = array<i32>} : memref<100x64xi32, #tpu.memory_space<vmem>>, vector<16xi32>,
        %bitcast3A_244 = vector.bitcast %get3A_243 : vector<16xi32> to vector<32xbf16>
        %get3A_245 = arith.index_cast %scan3A_237 : i32 to index
        %get3A_246 = arith.constant 0 : index
        %get3A_247 = tpu.vector_load %arg11[%get3A_245, %get3A_246] {strides = array<i32>} : memref<100x64xi32, #tpu.memory_space<vmem>>, vector<16xi32>,
        %bitcast3A_248 = vector.bitcast %get3A_247 : vector<16xi32> to vector<32xbf16>
        %add3A_249 = arith.addf %scan3A_238, %bitcast3A_244 : vector<32xbf16>
        %add3A_250 = arith.addf %add3A_249, %bitcast3A_248 : vector<32xbf16>
        %get3A_251 = arith.index_cast %scan3A_237 : i32 to index
        %get3A_252 = arith.constant 16 : index
        %get3A_253 = tpu.vector_load %arg10[%get3A_251, %get3A_252] {strides = array<i32>} : memref<100x64xi32, #tpu.memory_space<vmem>>, vector<16xi32>,
        %bitcast3A_254 = vector.bitcast %get3A_253 : vector<16xi32> to vector<32xbf16>
        %get3A_255 = arith.index_cast %scan3A_237 : i32 to index
        %get3A_256 = arith.constant 16 : index
        %get3A_257 = tpu.vector_load %arg11[%get3A_255, %get3A_256] {strides = array<i32>} : memref<100x64xi32, #tpu.memory_space<vmem>>, vector<16xi32>,
        %bitcast3A_258 = vector.bitcast %get3A_257 : vector<16xi32> to vector<32xbf16>
        %add3A_259 = arith.addf %scan3A_239, %bitcast3A_254 : vector<32xbf16>
        %add3A_260 = arith.addf %add3A_259, %bitcast3A_258 : vector<32xbf16>
        %get3A_261 = arith.index_cast %scan3A_237 : i32 to index
        %get3A_262 = arith.constant 32 : index
        %get3A_263 = tpu.vector_load %arg10[%get3A_261, %get3A_262] {strides = array<i32>} : memref<100x64xi32, #tpu.memory_space<vmem>>, vector<16xi32>,
        %bitcast3A_264 = vector.bitcast %get3A_263 : vector<16xi32> to vector<32xbf16>
        %get3A_265 = arith.index_cast %scan3A_237 : i32 to index
        %get3A_266 = arith.constant 32 : index
        %get3A_267 = tpu.vector_load %arg11[%get3A_265, %get3A_266] {strides = array<i32>} : memref<100x64xi32, #tpu.memory_space<vmem>>, vector<16xi32>,
        %bitcast3A_268 = vector.bitcast %get3A_267 : vector<16xi32> to vector<32xbf16>
        %add3A_269 = arith.addf %scan3A_240, %bitcast3A_264 : vector<32xbf16>
        %add3A_270 = arith.addf %add3A_269, %bitcast3A_268 : vector<32xbf16>
        %get3A_271 = arith.index_cast %scan3A_237 : i32 to index
        %get3A_272 = arith.constant 48 : index
        %get3A_273 = tpu.vector_load %arg10[%get3A_271, %get3A_272] {strides = array<i32>} : memref<100x64xi32, #tpu.memory_space<vmem>>, vector<16xi32>,
        %bitcast3A_274 = vector.bitcast %get3A_273 : vector<16xi32> to vector<32xbf16>
        %get3A_275 = arith.index_cast %scan3A_237 : i32 to index
        %get3A_276 = arith.constant 48 : index
        %get3A_277 = tpu.vector_load %arg11[%get3A_275, %get3A_276] {strides = array<i32>} : memref<100x64xi32, #tpu.memory_space<vmem>>, vector<16xi32>,
        %bitcast3A_278 = vector.bitcast %get3A_277 : vector<16xi32> to vector<32xbf16>
        %add3A_279 = arith.addf %scan3A_241, %bitcast3A_274 : vector<32xbf16>
        %add3A_280 = arith.addf %add3A_279, %bitcast3A_278 : vector<32xbf16>
        %scan3A_281 = arith.constant 1 : i32
        %scan3A_282 = arith.addi %scan3A_237, %scan3A_281 : i32
        %get3A_283 = arith.index_cast %scan3A_282 : i32 to index
        %get3A_284 = arith.constant 0 : index
        %get3A_285 = tpu.vector_load %arg10[%get3A_283, %get3A_284] {strides = array<i32>} : memref<100x64xi32, #tpu.memory_space<vmem>>, vector<16xi32>,
        %bitcast3A_286 = vector.bitcast %get3A_285 : vector<16xi32> to vector<32xbf16>
        %get3A_287 = arith.index_cast %scan3A_282 : i32 to index
        %get3A_288 = arith.constant 0 : index
        %get3A_289 = tpu.vector_load %arg11[%get3A_287, %get3A_288] {strides = array<i32>} : memref<100x64xi32, #tpu.memory_space<vmem>>, vector<16xi32>,
        %bitcast3A_290 = vector.bitcast %get3A_289 : vector<16xi32> to vector<32xbf16>
        %add3A_291 = arith.addf %add3A_250, %bitcast3A_286 : vector<32xbf16>
        %add3A_292 = arith.addf %add3A_291, %bitcast3A_290 : vector<32xbf16>
        %get3A_293 = arith.index_cast %scan3A_282 : i32 to index
        %get3A_294 = arith.constant 16 : index
        %get3A_295 = tpu.vector_load %arg10[%get3A_293, %get3A_294] {strides = array<i32>} : memref<100x64xi32, #tpu.memory_space<vmem>>, vector<16xi32>,
        %bitcast3A_296 = vector.bitcast %get3A_295 : vector<16xi32> to vector<32xbf16>
        %get3A_297 = arith.index_cast %scan3A_282 : i32 to index
        %get3A_298 = arith.constant 16 : index
        %get3A_299 = tpu.vector_load %arg11[%get3A_297, %get3A_298] {strides = array<i32>} : memref<100x64xi32, #tpu.memory_space<vmem>>, vector<16xi32>,
        %bitcast3A_300 = vector.bitcast %get3A_299 : vector<16xi32> to vector<32xbf16>
        %add3A_301 = arith.addf %add3A_260, %bitcast3A_296 : vector<32xbf16>
        %add3A_302 = arith.addf %add3A_301, %bitcast3A_300 : vector<32xbf16>
        %get3A_303 = arith.index_cast %scan3A_282 : i32 to index
        %get3A_304 = arith.constant 32 : index
        %get3A_305 = tpu.vector_load %arg10[%get3A_303, %get3A_304] {strides = array<i32>} : memref<100x64xi32, #tpu.memory_space<vmem>>, vector<16xi32>,
        %bitcast3A_306 = vector.bitcast %get3A_305 : vector<16xi32> to vector<32xbf16>
        %get3A_307 = arith.index_cast %scan3A_282 : i32 to index
        %get3A_308 = arith.constant 32 : index
        %get3A_309 = tpu.vector_load %arg11[%get3A_307, %get3A_308] {strides = array<i32>} : memref<100x64xi32, #tpu.memory_space<vmem>>, vector<16xi32>,
        %bitcast3A_310 = vector.bitcast %get3A_309 : vector<16xi32> to vector<32xbf16>
        %add3A_311 = arith.addf %add3A_270, %bitcast3A_306 : vector<32xbf16>
        %add3A_312 = arith.addf %add3A_311, %bitcast3A_310 : vector<32xbf16>
        %get3A_313 = arith.index_cast %scan3A_282 : i32 to index
        %get3A_314 = arith.constant 48 : index
        %get3A_315 = tpu.vector_load %arg10[%get3A_313, %get3A_314] {strides = array<i32>} : memref<100x64xi32, #tpu.memory_space<vmem>>, vector<16xi32>,
        %bitcast3A_316 = vector.bitcast %get3A_315 : vector<16xi32> to vector<32xbf16>
        %get3A_317 = arith.index_cast %scan3A_282 : i32 to index
        %get3A_318 = arith.constant 48 : index
        %get3A_319 = tpu.vector_load %arg11[%get3A_317, %get3A_318] {strides = array<i32>} : memref<100x64xi32, #tpu.memory_space<vmem>>, vector<16xi32>,
        %bitcast3A_320 = vector.bitcast %get3A_319 : vector<16xi32> to vector<32xbf16>
        %add3A_321 = arith.addf %add3A_280, %bitcast3A_316 : vector<32xbf16>
        %add3A_322 = arith.addf %add3A_321, %bitcast3A_320 : vector<32xbf16>
        %scan3A_323 = arith.constant 2 : i32
        %scan3A_324 = arith.addi %scan3A_237, %scan3A_323 : i32
        %get3A_325 = arith.index_cast %scan3A_324 : i32 to index
        %get3A_326 = arith.constant 0 : index
        %get3A_327 = tpu.vector_load %arg10[%get3A_325, %get3A_326] {strides = array<i32>} : memref<100x64xi32, #tpu.memory_space<vmem>>, vector<16xi32>,
        %bitcast3A_328 = vector.bitcast %get3A_327 : vector<16xi32> to vector<32xbf16>
        %get3A_329 = arith.index_cast %scan3A_324 : i32 to index
        %get3A_330 = arith.constant 0 : index
        %get3A_331 = tpu.vector_load %arg11[%get3A_329, %get3A_330] {strides = array<i32>} : memref<100x64xi32, #tpu.memory_space<vmem>>, vector<16xi32>,
        %bitcast3A_332 = vector.bitcast %get3A_331 : vector<16xi32> to vector<32xbf16>
        %add3A_333 = arith.addf %add3A_292, %bitcast3A_328 : vector<32xbf16>
        %add3A_334 = arith.addf %add3A_333, %bitcast3A_332 : vector<32xbf16>
        %get3A_335 = arith.index_cast %scan3A_324 : i32 to index
        %get3A_336 = arith.constant 16 : index
        %get3A_337 = tpu.vector_load %arg10[%get3A_335, %get3A_336] {strides = array<i32>} : memref<100x64xi32, #tpu.memory_space<vmem>>, vector<16xi32>,
        %bitcast3A_338 = vector.bitcast %get3A_337 : vector<16xi32> to vector<32xbf16>
        %get3A_339 = arith.index_cast %scan3A_324 : i32 to index
        %get3A_340 = arith.constant 16 : index
        %get3A_341 = tpu.vector_load %arg11[%get3A_339, %get3A_340] {strides = array<i32>} : memref<100x64xi32, #tpu.memory_space<vmem>>, vector<16xi32>,
        %bitcast3A_342 = vector.bitcast %get3A_341 : vector<16xi32> to vector<32xbf16>
        %add3A_343 = arith.addf %add3A_302, %bitcast3A_338 : vector<32xbf16>
        %add3A_344 = arith.addf %add3A_343, %bitcast3A_342 : vector<32xbf16>
        %get3A_345 = arith.index_cast %scan3A_324 : i32 to index
        %get3A_346 = arith.constant 32 : index
        %get3A_347 = tpu.vector_load %arg10[%get3A_345, %get3A_346] {strides = array<i32>} : memref<100x64xi32, #tpu.memory_space<vmem>>, vector<16xi32>,
        %bitcast3A_348 = vector.bitcast %get3A_347 : vector<16xi32> to vector<32xbf16>
        %get3A_349 = arith.index_cast %scan3A_324 : i32 to index
        %get3A_350 = arith.constant 32 : index
        %get3A_351 = tpu.vector_load %arg11[%get3A_349, %get3A_350] {strides = array<i32>} : memref<100x64xi32, #tpu.memory_space<vmem>>, vector<16xi32>,
        %bitcast3A_352 = vector.bitcast %get3A_351 : vector<16xi32> to vector<32xbf16>
        %add3A_353 = arith.addf %add3A_312, %bitcast3A_348 : vector<32xbf16>
        %add3A_354 = arith.addf %add3A_353, %bitcast3A_352 : vector<32xbf16>
        %get3A_355 = arith.index_cast %scan3A_324 : i32 to index
        %get3A_356 = arith.constant 48 : index
        %get3A_357 = tpu.vector_load %arg10[%get3A_355, %get3A_356] {strides = array<i32>} : memref<100x64xi32, #tpu.memory_space<vmem>>, vector<16xi32>,
        %bitcast3A_358 = vector.bitcast %get3A_357 : vector<16xi32> to vector<32xbf16>
        %get3A_359 = arith.index_cast %scan3A_324 : i32 to index
        %get3A_360 = arith.constant 48 : index
        %get3A_361 = tpu.vector_load %arg11[%get3A_359, %get3A_360] {strides = array<i32>} : memref<100x64xi32, #tpu.memory_space<vmem>>, vector<16xi32>,
        %bitcast3A_362 = vector.bitcast %get3A_361 : vector<16xi32> to vector<32xbf16>
        %add3A_363 = arith.addf %add3A_322, %bitcast3A_358 : vector<32xbf16>
        %add3A_364 = arith.addf %add3A_363, %bitcast3A_362 : vector<32xbf16>
        %scan3A_365 = arith.constant 3 : i32
        %scan3A_366 = arith.addi %scan3A_237, %scan3A_365 : i32
        %get3A_367 = arith.index_cast %scan3A_366 : i32 to index
        %get3A_368 = arith.constant 0 : index
        %get3A_369 = tpu.vector_load %arg10[%get3A_367, %get3A_368] {strides = array<i32>} : memref<100x64xi32, #tpu.memory_space<vmem>>, vector<16xi32>,
        %bitcast3A_370 = vector.bitcast %get3A_369 : vector<16xi32> to vector<32xbf16>
        %get3A_371 = arith.index_cast %scan3A_366 : i32 to index
        %get3A_372 = arith.constant 0 : index
        %get3A_373 = tpu.vector_load %arg11[%get3A_371, %get3A_372] {strides = array<i32>} : memref<100x64xi32, #tpu.memory_space<vmem>>, vector<16xi32>,
        %bitcast3A_374 = vector.bitcast %get3A_373 : vector<16xi32> to vector<32xbf16>
        %add3A_375 = arith.addf %add3A_334, %bitcast3A_370 : vector<32xbf16>
        %add3A_376 = arith.addf %add3A_375, %bitcast3A_374 : vector<32xbf16>
        %get3A_377 = arith.index_cast %scan3A_366 : i32 to index
        %get3A_378 = arith.constant 16 : index
        %get3A_379 = tpu.vector_load %arg10[%get3A_377, %get3A_378] {strides = array<i32>} : memref<100x64xi32, #tpu.memory_space<vmem>>, vector<16xi32>,
        %bitcast3A_380 = vector.bitcast %get3A_379 : vector<16xi32> to vector<32xbf16>
        %get3A_381 = arith.index_cast %scan3A_366 : i32 to index
        %get3A_382 = arith.constant 16 : index
        %get3A_383 = tpu.vector_load %arg11[%get3A_381, %get3A_382] {strides = array<i32>} : memref<100x64xi32, #tpu.memory_space<vmem>>, vector<16xi32>,
        %bitcast3A_384 = vector.bitcast %get3A_383 : vector<16xi32> to vector<32xbf16>
        %add3A_385 = arith.addf %add3A_344, %bitcast3A_380 : vector<32xbf16>
        %add3A_386 = arith.addf %add3A_385, %bitcast3A_384 : vector<32xbf16>
        %get3A_387 = arith.index_cast %scan3A_366 : i32 to index
        %get3A_388 = arith.constant 32 : index
        %get3A_389 = tpu.vector_load %arg10[%get3A_387, %get3A_388] {strides = array<i32>} : memref<100x64xi32, #tpu.memory_space<vmem>>, vector<16xi32>,
        %bitcast3A_390 = vector.bitcast %get3A_389 : vector<16xi32> to vector<32xbf16>
        %get3A_391 = arith.index_cast %scan3A_366 : i32 to index
        %get3A_392 = arith.constant 32 : index
        %get3A_393 = tpu.vector_load %arg11[%get3A_391, %get3A_392] {strides = array<i32>} : memref<100x64xi32, #tpu.memory_space<vmem>>, vector<16xi32>,
        %bitcast3A_394 = vector.bitcast %get3A_393 : vector<16xi32> to vector<32xbf16>
        %add3A_395 = arith.addf %add3A_354, %bitcast3A_390 : vector<32xbf16>
        %add3A_396 = arith.addf %add3A_395, %bitcast3A_394 : vector<32xbf16>
        %get3A_397 = arith.index_cast %scan3A_366 : i32 to index
        %get3A_398 = arith.constant 48 : index
        %get3A_399 = tpu.vector_load %arg10[%get3A_397, %get3A_398] {strides = array<i32>} : memref<100x64xi32, #tpu.memory_space<vmem>>, vector<16xi32>,
        %bitcast3A_400 = vector.bitcast %get3A_399 : vector<16xi32> to vector<32xbf16>
        %get3A_401 = arith.index_cast %scan3A_366 : i32 to index
        %get3A_402 = arith.constant 48 : index
        %get3A_403 = tpu.vector_load %arg11[%get3A_401, %get3A_402] {strides = array<i32>} : memref<100x64xi32, #tpu.memory_space<vmem>>, vector<16xi32>,
        %bitcast3A_404 = vector.bitcast %get3A_403 : vector<16xi32> to vector<32xbf16>
        %add3A_405 = arith.addf %add3A_364, %bitcast3A_400 : vector<32xbf16>
        %add3A_406 = arith.addf %add3A_405, %bitcast3A_404 : vector<32xbf16>
        scf.yield %add3A_376, %add3A_386, %add3A_396, %add3A_406 : vector<32xbf16>, vector<32xbf16>, vector<32xbf16>, vector<32xbf16>
      }
      %scan3A_173 = arith.constant 100 : i32
      %bitcast3A_174 = vector.bitcast %scan3A_172#0 : vector<32xbf16> to vector<16xi32>
      %swap3A_175 = arith.index_cast %add3A_144 : i32 to index
      %swap3A_176 = arith.constant 0 : index
      %swap3A_177 = tpu.vector_load %arg14[%swap3A_175, %swap3A_176] {strides = array<i32>} : memref<64x64xi32, #tpu.memory_space<vmem>>, vector<16xi32>,
      tpu.vector_store %arg14[%swap3A_175, %swap3A_176], %bitcast3A_174 {strides = array<i32>} : memref<64x64xi32, #tpu.memory_space<vmem>>, vector<16xi32>,
      %bitcast3A_178 = vector.bitcast %scan3A_172#1 : vector<32xbf16> to vector<16xi32>
      %swap3A_179 = arith.index_cast %add3A_144 : i32 to index
      %swap3A_180 = arith.constant 16 : index
      %swap3A_181 = tpu.vector_load %arg14[%swap3A_179, %swap3A_180] {strides = array<i32>} : memref<64x64xi32, #tpu.memory_space<vmem>>, vector<16xi32>,
      tpu.vector_store %arg14[%swap3A_179, %swap3A_180], %bitcast3A_178 {strides = array<i32>} : memref<64x64xi32, #tpu.memory_space<vmem>>, vector<16xi32>,
      %bitcast3A_182 = vector.bitcast %scan3A_172#2 : vector<32xbf16> to vector<16xi32>
      %swap3A_183 = arith.index_cast %add3A_144 : i32 to index
      %swap3A_184 = arith.constant 32 : index
      %swap3A_185 = tpu.vector_load %arg14[%swap3A_183, %swap3A_184] {strides = array<i32>} : memref<64x64xi32, #tpu.memory_space<vmem>>, vector<16xi32>,
      tpu.vector_store %arg14[%swap3A_183, %swap3A_184], %bitcast3A_182 {strides = array<i32>} : memref<64x64xi32, #tpu.memory_space<vmem>>, vector<16xi32>,
      %bitcast3A_186 = vector.bitcast %scan3A_172#3 : vector<32xbf16> to vector<16xi32>
      %swap3A_187 = arith.index_cast %add3A_144 : i32 to index
      %swap3A_188 = arith.constant 48 : index
      %swap3A_189 = tpu.vector_load %arg14[%swap3A_187, %swap3A_188] {strides = array<i32>} : memref<64x64xi32, #tpu.memory_space<vmem>>, vector<16xi32>,
      tpu.vector_store %arg14[%swap3A_187, %swap3A_188], %bitcast3A_186 {strides = array<i32>} : memref<64x64xi32, #tpu.memory_space<vmem>>, vector<16xi32>,
      %add3A_190 = arith.constant 3 : i32
      %add3A_191 = arith.addi %add3A_55, %add3A_190 : i32
      %add3A_192 = arith.constant 4 : i32
      %add3A_193 = arith.addi %add3A_191, %add3A_192 : i32
      %sub3A_194 = arith.constant 1 : i32
      %sub3A_195 = arith.subi %add3A_193, %sub3A_194 : i32
      %lt3A_196 = arith.constant 64 : i32
      %lt3A_197 = arith.cmpi slt, %sub3A_195, %lt3A_196 : i32
      %convert_element_type3A_198 = arith.extui %lt3A_197 : i1 to i32
      %cond3A_199 = arith.constant 0 : i32
      %cond3A_200 = arith.cmpi ne, %convert_element_type3A_198, %cond3A_199 : i32
      scf.if %cond3A_200 {
        %add3A_237 = arith.constant 4 : i32
        %add3A_238 = arith.addi %add3A_191, %add3A_237 : i32
        %sub3A_239 = arith.constant 1 : i32
        %sub3A_240 = arith.subi %add3A_238, %sub3A_239 : i32
        %mul3A_241 = arith.constant 2 : i32
        %mul3A_242 = arith.muli %mul3A_241, %sub3A_240 : i32
        %dma_start3A_243 = arith.constant 0 : i32
        %dma_start3A_244 = tpu.memref_slice %arg5[%mul3A_242, %dma_start3A_243] : memref<128x100xi32, #tpu.memory_space<vmem>> -> memref<1x100xi32, #tpu.memory_space<vmem>>
        %dma_start3A_245 = tpu.memref_squeeze %dma_start3A_244 : memref<1x100xi32, #tpu.memory_space<vmem>> -> memref<100xi32, #tpu.memory_space<vmem>>
        %dma_start3A_246 = arith.constant 0 : i32
        %dma_start3A_247 = arith.constant 0 : i32
        %dma_start3A_248 = tpu.memref_slice %arg3[%dma_start3A_246, %dma_start3A_247] : memref<100000x64xi32, #tpu.memory_space<hbm>> -> memref<100000x64xi32, #tpu.memory_space<hbm>>
        tpu.enqueue_indirect_dma source(%dma_start3A_248 : memref<100000x64xi32, #tpu.memory_space<hbm>>) target(%arg10 : memref<100x64xi32, #tpu.memory_space<vmem>>) offsets(%dma_start3A_245 : memref<100xi32, #tpu.memory_space<vmem>>) semaphore(%arg17 : memref<!tpu.dma_semaphore, #tpu.memory_space<semaphore_mem>>)
        %mul3A_249 = arith.constant 2 : i32
        %mul3A_250 = arith.muli %mul3A_249, %sub3A_240 : i32
        %add3A_251 = arith.constant 1 : i32
        %add3A_252 = arith.addi %mul3A_250, %add3A_251 : i32
        %dma_start3A_253 = arith.constant 0 : i32
        %dma_start3A_254 = tpu.memref_slice %arg5[%add3A_252, %dma_start3A_253] : memref<128x100xi32, #tpu.memory_space<vmem>> -> memref<1x100xi32, #tpu.memory_space<vmem>>
        %dma_start3A_255 = tpu.memref_squeeze %dma_start3A_254 : memref<1x100xi32, #tpu.memory_space<vmem>> -> memref<100xi32, #tpu.memory_space<vmem>>
        %dma_start3A_256 = arith.constant 0 : i32
        %dma_start3A_257 = arith.constant 0 : i32
        %dma_start3A_258 = tpu.memref_slice %arg3[%dma_start3A_256, %dma_start3A_257] : memref<100000x64xi32, #tpu.memory_space<hbm>> -> memref<100000x64xi32, #tpu.memory_space<hbm>>
        tpu.enqueue_indirect_dma source(%dma_start3A_258 : memref<100000x64xi32, #tpu.memory_space<hbm>>) target(%arg11 : memref<100x64xi32, #tpu.memory_space<vmem>>) offsets(%dma_start3A_255 : memref<100xi32, #tpu.memory_space<vmem>>) semaphore(%arg17 : memref<!tpu.dma_semaphore, #tpu.memory_space<semaphore_mem>>)
      } else {
      }
      %dma_wait3A_201 = arith.constant 0 : i32
      %dma_wait3A_202 = arith.constant 0 : i32
      %dma_wait3A_203 = tpu.memref_slice %arg5[%dma_wait3A_201, %dma_wait3A_202] : memref<128x100xi32, #tpu.memory_space<vmem>> -> memref<1x100xi32, #tpu.memory_space<vmem>>
      %dma_wait3A_204 = tpu.memref_squeeze %dma_wait3A_203 : memref<1x100xi32, #tpu.memory_space<vmem>> -> memref<100xi32, #tpu.memory_space<vmem>>
      %dma_wait3A_205 = arith.constant 0 : i32
      %dma_wait3A_206 = arith.constant 0 : i32
      %dma_wait3A_207 = tpu.memref_slice %arg3[%dma_wait3A_205, %dma_wait3A_206] : memref<100000x64xi32, #tpu.memory_space<hbm>> -> memref<100000x64xi32, #tpu.memory_space<hbm>>
      tpu.wait_indirect_dma semaphore(%arg18 : memref<!tpu.dma_semaphore, #tpu.memory_space<semaphore_mem>>) src(%dma_wait3A_207 : memref<100000x64xi32, #tpu.memory_space<hbm>>) dst(%arg12 : memref<100x64xi32, #tpu.memory_space<vmem>>)
      %dma_wait3A_208 = arith.constant 0 : i32
      %dma_wait3A_209 = arith.constant 0 : i32
      %dma_wait3A_210 = tpu.memref_slice %arg5[%dma_wait3A_208, %dma_wait3A_209] : memref<128x100xi32, #tpu.memory_space<vmem>> -> memref<1x100xi32, #tpu.memory_space<vmem>>
      %dma_wait3A_211 = tpu.memref_squeeze %dma_wait3A_210 : memref<1x100xi32, #tpu.memory_space<vmem>> -> memref<100xi32, #tpu.memory_space<vmem>>
      %dma_wait3A_212 = arith.constant 0 : i32
      %dma_wait3A_213 = arith.constant 0 : i32
      %dma_wait3A_214 = tpu.memref_slice %arg3[%dma_wait3A_212, %dma_wait3A_213] : memref<100000x64xi32, #tpu.memory_space<hbm>> -> memref<100000x64xi32, #tpu.memory_space<hbm>>
      tpu.wait_indirect_dma semaphore(%arg18 : memref<!tpu.dma_semaphore, #tpu.memory_space<semaphore_mem>>) src(%dma_wait3A_214 : memref<100000x64xi32, #tpu.memory_space<hbm>>) dst(%arg13 : memref<100x64xi32, #tpu.memory_space<vmem>>)
      %scan3A_215 = arith.constant 0 : i32
      %scan3A_216 = arith.constant 100 : i32
      %scan3A_217 = arith.addi %scan3A_215, %scan3A_216 : i32
      %scan3A_218 = arith.constant 4 : i32
      %scan3A_219:4 = scf.for %scan3A_237 = %scan3A_215 to %scan3A_217 step %scan3A_218 iter_args(%scan3A_238 = %broadcast_in_dim3A_44, %scan3A_239 = %broadcast_in_dim3A_44, %scan3A_240 = %broadcast_in_dim3A_44, %scan3A_241 = %broadcast_in_dim3A_44) -> (vector<32xbf16>, vector<32xbf16>, vector<32xbf16>, vector<32xbf16>)  : i32 {
        %get3A = arith.index_cast %scan3A_237 : i32 to index
        %get3A_242 = arith.constant 0 : index
        %get3A_243 = tpu.vector_load %arg12[%get3A, %get3A_242] {strides = array<i32>} : memref<100x64xi32, #tpu.memory_space<vmem>>, vector<16xi32>,
        %bitcast3A_244 = vector.bitcast %get3A_243 : vector<16xi32> to vector<32xbf16>
        %get3A_245 = arith.index_cast %scan3A_237 : i32 to index
        %get3A_246 = arith.constant 0 : index
        %get3A_247 = tpu.vector_load %arg13[%get3A_245, %get3A_246] {strides = array<i32>} : memref<100x64xi32, #tpu.memory_space<vmem>>, vector<16xi32>,
        %bitcast3A_248 = vector.bitcast %get3A_247 : vector<16xi32> to vector<32xbf16>
        %add3A_249 = arith.addf %scan3A_238, %bitcast3A_244 : vector<32xbf16>
        %add3A_250 = arith.addf %add3A_249, %bitcast3A_248 : vector<32xbf16>
        %get3A_251 = arith.index_cast %scan3A_237 : i32 to index
        %get3A_252 = arith.constant 16 : index
        %get3A_253 = tpu.vector_load %arg12[%get3A_251, %get3A_252] {strides = array<i32>} : memref<100x64xi32, #tpu.memory_space<vmem>>, vector<16xi32>,
        %bitcast3A_254 = vector.bitcast %get3A_253 : vector<16xi32> to vector<32xbf16>
        %get3A_255 = arith.index_cast %scan3A_237 : i32 to index
        %get3A_256 = arith.constant 16 : index
        %get3A_257 = tpu.vector_load %arg13[%get3A_255, %get3A_256] {strides = array<i32>} : memref<100x64xi32, #tpu.memory_space<vmem>>, vector<16xi32>,
        %bitcast3A_258 = vector.bitcast %get3A_257 : vector<16xi32> to vector<32xbf16>
        %add3A_259 = arith.addf %scan3A_239, %bitcast3A_254 : vector<32xbf16>
        %add3A_260 = arith.addf %add3A_259, %bitcast3A_258 : vector<32xbf16>
        %get3A_261 = arith.index_cast %scan3A_237 : i32 to index
        %get3A_262 = arith.constant 32 : index
        %get3A_263 = tpu.vector_load %arg12[%get3A_261, %get3A_262] {strides = array<i32>} : memref<100x64xi32, #tpu.memory_space<vmem>>, vector<16xi32>,
        %bitcast3A_264 = vector.bitcast %get3A_263 : vector<16xi32> to vector<32xbf16>
        %get3A_265 = arith.index_cast %scan3A_237 : i32 to index
        %get3A_266 = arith.constant 32 : index
        %get3A_267 = tpu.vector_load %arg13[%get3A_265, %get3A_266] {strides = array<i32>} : memref<100x64xi32, #tpu.memory_space<vmem>>, vector<16xi32>,
        %bitcast3A_268 = vector.bitcast %get3A_267 : vector<16xi32> to vector<32xbf16>
        %add3A_269 = arith.addf %scan3A_240, %bitcast3A_264 : vector<32xbf16>
        %add3A_270 = arith.addf %add3A_269, %bitcast3A_268 : vector<32xbf16>
        %get3A_271 = arith.index_cast %scan3A_237 : i32 to index
        %get3A_272 = arith.constant 48 : index
        %get3A_273 = tpu.vector_load %arg12[%get3A_271, %get3A_272] {strides = array<i32>} : memref<100x64xi32, #tpu.memory_space<vmem>>, vector<16xi32>,
        %bitcast3A_274 = vector.bitcast %get3A_273 : vector<16xi32> to vector<32xbf16>
        %get3A_275 = arith.index_cast %scan3A_237 : i32 to index
        %get3A_276 = arith.constant 48 : index
        %get3A_277 = tpu.vector_load %arg13[%get3A_275, %get3A_276] {strides = array<i32>} : memref<100x64xi32, #tpu.memory_space<vmem>>, vector<16xi32>,
        %bitcast3A_278 = vector.bitcast %get3A_277 : vector<16xi32> to vector<32xbf16>
        %add3A_279 = arith.addf %scan3A_241, %bitcast3A_274 : vector<32xbf16>
        %add3A_280 = arith.addf %add3A_279, %bitcast3A_278 : vector<32xbf16>
        %scan3A_281 = arith.constant 1 : i32
        %scan3A_282 = arith.addi %scan3A_237, %scan3A_281 : i32
        %get3A_283 = arith.index_cast %scan3A_282 : i32 to index
        %get3A_284 = arith.constant 0 : index
        %get3A_285 = tpu.vector_load %arg12[%get3A_283, %get3A_284] {strides = array<i32>} : memref<100x64xi32, #tpu.memory_space<vmem>>, vector<16xi32>,
        %bitcast3A_286 = vector.bitcast %get3A_285 : vector<16xi32> to vector<32xbf16>
        %get3A_287 = arith.index_cast %scan3A_282 : i32 to index
        %get3A_288 = arith.constant 0 : index
        %get3A_289 = tpu.vector_load %arg13[%get3A_287, %get3A_288] {strides = array<i32>} : memref<100x64xi32, #tpu.memory_space<vmem>>, vector<16xi32>,
        %bitcast3A_290 = vector.bitcast %get3A_289 : vector<16xi32> to vector<32xbf16>
        %add3A_291 = arith.addf %add3A_250, %bitcast3A_286 : vector<32xbf16>
        %add3A_292 = arith.addf %add3A_291, %bitcast3A_290 : vector<32xbf16>
        %get3A_293 = arith.index_cast %scan3A_282 : i32 to index
        %get3A_294 = arith.constant 16 : index
        %get3A_295 = tpu.vector_load %arg12[%get3A_293, %get3A_294] {strides = array<i32>} : memref<100x64xi32, #tpu.memory_space<vmem>>, vector<16xi32>,
        %bitcast3A_296 = vector.bitcast %get3A_295 : vector<16xi32> to vector<32xbf16>
        %get3A_297 = arith.index_cast %scan3A_282 : i32 to index
        %get3A_298 = arith.constant 16 : index
        %get3A_299 = tpu.vector_load %arg13[%get3A_297, %get3A_298] {strides = array<i32>} : memref<100x64xi32, #tpu.memory_space<vmem>>, vector<16xi32>,
        %bitcast3A_300 = vector.bitcast %get3A_299 : vector<16xi32> to vector<32xbf16>
        %add3A_301 = arith.addf %add3A_260, %bitcast3A_296 : vector<32xbf16>
        %add3A_302 = arith.addf %add3A_301, %bitcast3A_300 : vector<32xbf16>
        %get3A_303 = arith.index_cast %scan3A_282 : i32 to index
        %get3A_304 = arith.constant 32 : index
        %get3A_305 = tpu.vector_load %arg12[%get3A_303, %get3A_304] {strides = array<i32>} : memref<100x64xi32, #tpu.memory_space<vmem>>, vector<16xi32>,
        %bitcast3A_306 = vector.bitcast %get3A_305 : vector<16xi32> to vector<32xbf16>
        %get3A_307 = arith.index_cast %scan3A_282 : i32 to index
        %get3A_308 = arith.constant 32 : index
        %get3A_309 = tpu.vector_load %arg13[%get3A_307, %get3A_308] {strides = array<i32>} : memref<100x64xi32, #tpu.memory_space<vmem>>, vector<16xi32>,
        %bitcast3A_310 = vector.bitcast %get3A_309 : vector<16xi32> to vector<32xbf16>
        %add3A_311 = arith.addf %add3A_270, %bitcast3A_306 : vector<32xbf16>
        %add3A_312 = arith.addf %add3A_311, %bitcast3A_310 : vector<32xbf16>
        %get3A_313 = arith.index_cast %scan3A_282 : i32 to index
        %get3A_314 = arith.constant 48 : index
        %get3A_315 = tpu.vector_load %arg12[%get3A_313, %get3A_314] {strides = array<i32>} : memref<100x64xi32, #tpu.memory_space<vmem>>, vector<16xi32>,
        %bitcast3A_316 = vector.bitcast %get3A_315 : vector<16xi32> to vector<32xbf16>
        %get3A_317 = arith.index_cast %scan3A_282 : i32 to index
        %get3A_318 = arith.constant 48 : index
        %get3A_319 = tpu.vector_load %arg13[%get3A_317, %get3A_318] {strides = array<i32>} : memref<100x64xi32, #tpu.memory_space<vmem>>, vector<16xi32>,
        %bitcast3A_320 = vector.bitcast %get3A_319 : vector<16xi32> to vector<32xbf16>
        %add3A_321 = arith.addf %add3A_280, %bitcast3A_316 : vector<32xbf16>
        %add3A_322 = arith.addf %add3A_321, %bitcast3A_320 : vector<32xbf16>
        %scan3A_323 = arith.constant 2 : i32
        %scan3A_324 = arith.addi %scan3A_237, %scan3A_323 : i32
        %get3A_325 = arith.index_cast %scan3A_324 : i32 to index
        %get3A_326 = arith.constant 0 : index
        %get3A_327 = tpu.vector_load %arg12[%get3A_325, %get3A_326] {strides = array<i32>} : memref<100x64xi32, #tpu.memory_space<vmem>>, vector<16xi32>,
        %bitcast3A_328 = vector.bitcast %get3A_327 : vector<16xi32> to vector<32xbf16>
        %get3A_329 = arith.index_cast %scan3A_324 : i32 to index
        %get3A_330 = arith.constant 0 : index
        %get3A_331 = tpu.vector_load %arg13[%get3A_329, %get3A_330] {strides = array<i32>} : memref<100x64xi32, #tpu.memory_space<vmem>>, vector<16xi32>,
        %bitcast3A_332 = vector.bitcast %get3A_331 : vector<16xi32> to vector<32xbf16>
        %add3A_333 = arith.addf %add3A_292, %bitcast3A_328 : vector<32xbf16>
        %add3A_334 = arith.addf %add3A_333, %bitcast3A_332 : vector<32xbf16>
        %get3A_335 = arith.index_cast %scan3A_324 : i32 to index
        %get3A_336 = arith.constant 16 : index
        %get3A_337 = tpu.vector_load %arg12[%get3A_335, %get3A_336] {strides = array<i32>} : memref<100x64xi32, #tpu.memory_space<vmem>>, vector<16xi32>,
        %bitcast3A_338 = vector.bitcast %get3A_337 : vector<16xi32> to vector<32xbf16>
        %get3A_339 = arith.index_cast %scan3A_324 : i32 to index
        %get3A_340 = arith.constant 16 : index
        %get3A_341 = tpu.vector_load %arg13[%get3A_339, %get3A_340] {strides = array<i32>} : memref<100x64xi32, #tpu.memory_space<vmem>>, vector<16xi32>,
        %bitcast3A_342 = vector.bitcast %get3A_341 : vector<16xi32> to vector<32xbf16>
        %add3A_343 = arith.addf %add3A_302, %bitcast3A_338 : vector<32xbf16>
        %add3A_344 = arith.addf %add3A_343, %bitcast3A_342 : vector<32xbf16>
        %get3A_345 = arith.index_cast %scan3A_324 : i32 to index
        %get3A_346 = arith.constant 32 : index
        %get3A_347 = tpu.vector_load %arg12[%get3A_345, %get3A_346] {strides = array<i32>} : memref<100x64xi32, #tpu.memory_space<vmem>>, vector<16xi32>,
        %bitcast3A_348 = vector.bitcast %get3A_347 : vector<16xi32> to vector<32xbf16>
        %get3A_349 = arith.index_cast %scan3A_324 : i32 to index
        %get3A_350 = arith.constant 32 : index
        %get3A_351 = tpu.vector_load %arg13[%get3A_349, %get3A_350] {strides = array<i32>} : memref<100x64xi32, #tpu.memory_space<vmem>>, vector<16xi32>,
        %bitcast3A_352 = vector.bitcast %get3A_351 : vector<16xi32> to vector<32xbf16>
        %add3A_353 = arith.addf %add3A_312, %bitcast3A_348 : vector<32xbf16>
        %add3A_354 = arith.addf %add3A_353, %bitcast3A_352 : vector<32xbf16>
        %get3A_355 = arith.index_cast %scan3A_324 : i32 to index
        %get3A_356 = arith.constant 48 : index
        %get3A_357 = tpu.vector_load %arg12[%get3A_355, %get3A_356] {strides = array<i32>} : memref<100x64xi32, #tpu.memory_space<vmem>>, vector<16xi32>,
        %bitcast3A_358 = vector.bitcast %get3A_357 : vector<16xi32> to vector<32xbf16>
        %get3A_359 = arith.index_cast %scan3A_324 : i32 to index
        %get3A_360 = arith.constant 48 : index
        %get3A_361 = tpu.vector_load %arg13[%get3A_359, %get3A_360] {strides = array<i32>} : memref<100x64xi32, #tpu.memory_space<vmem>>, vector<16xi32>,
        %bitcast3A_362 = vector.bitcast %get3A_361 : vector<16xi32> to vector<32xbf16>
        %add3A_363 = arith.addf %add3A_322, %bitcast3A_358 : vector<32xbf16>
        %add3A_364 = arith.addf %add3A_363, %bitcast3A_362 : vector<32xbf16>
        %scan3A_365 = arith.constant 3 : i32
        %scan3A_366 = arith.addi %scan3A_237, %scan3A_365 : i32
        %get3A_367 = arith.index_cast %scan3A_366 : i32 to index
        %get3A_368 = arith.constant 0 : index
        %get3A_369 = tpu.vector_load %arg12[%get3A_367, %get3A_368] {strides = array<i32>} : memref<100x64xi32, #tpu.memory_space<vmem>>, vector<16xi32>,
        %bitcast3A_370 = vector.bitcast %get3A_369 : vector<16xi32> to vector<32xbf16>
        %get3A_371 = arith.index_cast %scan3A_366 : i32 to index
        %get3A_372 = arith.constant 0 : index
        %get3A_373 = tpu.vector_load %arg13[%get3A_371, %get3A_372] {strides = array<i32>} : memref<100x64xi32, #tpu.memory_space<vmem>>, vector<16xi32>,
        %bitcast3A_374 = vector.bitcast %get3A_373 : vector<16xi32> to vector<32xbf16>
        %add3A_375 = arith.addf %add3A_334, %bitcast3A_370 : vector<32xbf16>
        %add3A_376 = arith.addf %add3A_375, %bitcast3A_374 : vector<32xbf16>
        %get3A_377 = arith.index_cast %scan3A_366 : i32 to index
        %get3A_378 = arith.constant 16 : index
        %get3A_379 = tpu.vector_load %arg12[%get3A_377, %get3A_378] {strides = array<i32>} : memref<100x64xi32, #tpu.memory_space<vmem>>, vector<16xi32>,
        %bitcast3A_380 = vector.bitcast %get3A_379 : vector<16xi32> to vector<32xbf16>
        %get3A_381 = arith.index_cast %scan3A_366 : i32 to index
        %get3A_382 = arith.constant 16 : index
        %get3A_383 = tpu.vector_load %arg13[%get3A_381, %get3A_382] {strides = array<i32>} : memref<100x64xi32, #tpu.memory_space<vmem>>, vector<16xi32>,
        %bitcast3A_384 = vector.bitcast %get3A_383 : vector<16xi32> to vector<32xbf16>
        %add3A_385 = arith.addf %add3A_344, %bitcast3A_380 : vector<32xbf16>
        %add3A_386 = arith.addf %add3A_385, %bitcast3A_384 : vector<32xbf16>
        %get3A_387 = arith.index_cast %scan3A_366 : i32 to index
        %get3A_388 = arith.constant 32 : index
        %get3A_389 = tpu.vector_load %arg12[%get3A_387, %get3A_388] {strides = array<i32>} : memref<100x64xi32, #tpu.memory_space<vmem>>, vector<16xi32>,
        %bitcast3A_390 = vector.bitcast %get3A_389 : vector<16xi32> to vector<32xbf16>
        %get3A_391 = arith.index_cast %scan3A_366 : i32 to index
        %get3A_392 = arith.constant 32 : index
        %get3A_393 = tpu.vector_load %arg13[%get3A_391, %get3A_392] {strides = array<i32>} : memref<100x64xi32, #tpu.memory_space<vmem>>, vector<16xi32>,
        %bitcast3A_394 = vector.bitcast %get3A_393 : vector<16xi32> to vector<32xbf16>
        %add3A_395 = arith.addf %add3A_354, %bitcast3A_390 : vector<32xbf16>
        %add3A_396 = arith.addf %add3A_395, %bitcast3A_394 : vector<32xbf16>
        %get3A_397 = arith.index_cast %scan3A_366 : i32 to index
        %get3A_398 = arith.constant 48 : index
        %get3A_399 = tpu.vector_load %arg12[%get3A_397, %get3A_398] {strides = array<i32>} : memref<100x64xi32, #tpu.memory_space<vmem>>, vector<16xi32>,
        %bitcast3A_400 = vector.bitcast %get3A_399 : vector<16xi32> to vector<32xbf16>
        %get3A_401 = arith.index_cast %scan3A_366 : i32 to index
        %get3A_402 = arith.constant 48 : index
        %get3A_403 = tpu.vector_load %arg13[%get3A_401, %get3A_402] {strides = array<i32>} : memref<100x64xi32, #tpu.memory_space<vmem>>, vector<16xi32>,
        %bitcast3A_404 = vector.bitcast %get3A_403 : vector<16xi32> to vector<32xbf16>
        %add3A_405 = arith.addf %add3A_364, %bitcast3A_400 : vector<32xbf16>
        %add3A_406 = arith.addf %add3A_405, %bitcast3A_404 : vector<32xbf16>
        scf.yield %add3A_376, %add3A_386, %add3A_396, %add3A_406 : vector<32xbf16>, vector<32xbf16>, vector<32xbf16>, vector<32xbf16>
      }
      %scan3A_220 = arith.constant 100 : i32
      %bitcast3A_221 = vector.bitcast %scan3A_219#0 : vector<32xbf16> to vector<16xi32>
      %swap3A_222 = arith.index_cast %add3A_191 : i32 to index
      %swap3A_223 = arith.constant 0 : index
      %swap3A_224 = tpu.vector_load %arg14[%swap3A_222, %swap3A_223] {strides = array<i32>} : memref<64x64xi32, #tpu.memory_space<vmem>>, vector<16xi32>,
      tpu.vector_store %arg14[%swap3A_222, %swap3A_223], %bitcast3A_221 {strides = array<i32>} : memref<64x64xi32, #tpu.memory_space<vmem>>, vector<16xi32>,
      %bitcast3A_225 = vector.bitcast %scan3A_219#1 : vector<32xbf16> to vector<16xi32>
      %swap3A_226 = arith.index_cast %add3A_191 : i32 to index
      %swap3A_227 = arith.constant 16 : index
      %swap3A_228 = tpu.vector_load %arg14[%swap3A_226, %swap3A_227] {strides = array<i32>} : memref<64x64xi32, #tpu.memory_space<vmem>>, vector<16xi32>,
      tpu.vector_store %arg14[%swap3A_226, %swap3A_227], %bitcast3A_225 {strides = array<i32>} : memref<64x64xi32, #tpu.memory_space<vmem>>, vector<16xi32>,
      %bitcast3A_229 = vector.bitcast %scan3A_219#2 : vector<32xbf16> to vector<16xi32>
      %swap3A_230 = arith.index_cast %add3A_191 : i32 to index
      %swap3A_231 = arith.constant 32 : index
      %swap3A_232 = tpu.vector_load %arg14[%swap3A_230, %swap3A_231] {strides = array<i32>} : memref<64x64xi32, #tpu.memory_space<vmem>>, vector<16xi32>,
      tpu.vector_store %arg14[%swap3A_230, %swap3A_231], %bitcast3A_229 {strides = array<i32>} : memref<64x64xi32, #tpu.memory_space<vmem>>, vector<16xi32>,
      %bitcast3A_233 = vector.bitcast %scan3A_219#3 : vector<32xbf16> to vector<16xi32>
      %swap3A_234 = arith.index_cast %add3A_191 : i32 to index
      %swap3A_235 = arith.constant 48 : index
      %swap3A_236 = tpu.vector_load %arg14[%swap3A_234, %swap3A_235] {strides = array<i32>} : memref<64x64xi32, #tpu.memory_space<vmem>>, vector<16xi32>,
      tpu.vector_store %arg14[%swap3A_234, %swap3A_235], %bitcast3A_233 {strides = array<i32>} : memref<64x64xi32, #tpu.memory_space<vmem>>, vector<16xi32>,
    }
    %scan3A_48 = arith.constant 16 : i32
    %mul3A_49 = arith.constant 64 : i32
    %mul3A_50 = arith.muli %add3A, %mul3A_49 : i32
    "tpu.region"() ({
      %run_scoped3A = tpu.sem_alloc : memref<!tpu.dma_semaphore, #tpu.memory_space<semaphore_mem>>
      %dma_start3A_51 = arith.constant 0 : i32
      %dma_start3A_52 = tpu.memref_slice %arg4[%mul3A_50, %dma_start3A_51] : memref<2048x64xi32, #tpu.memory_space<hbm>> -> memref<64x64xi32, #tpu.memory_space<hbm>>
      %dma_start3A_53 = arith.constant 0 : i32
      %dma_start3A_54 = tpu.memref_slice %arg4[%mul3A_50, %dma_start3A_53] : memref<2048x64xi32, #tpu.memory_space<hbm>> -> memref<64x64xi32, #tpu.memory_space<hbm>>
      tpu.enqueue_dma source(%arg14 : memref<64x64xi32, #tpu.memory_space<vmem>>) target(%dma_start3A_54 : memref<64x64xi32, #tpu.memory_space<hbm>>) target_semaphore(%run_scoped3A : memref<!tpu.dma_semaphore, #tpu.memory_space<semaphore_mem>>)
      %dma_wait3A = arith.constant 0 : i32
      %dma_wait3A_55 = tpu.memref_slice %arg4[%mul3A_50, %dma_wait3A] : memref<2048x64xi32, #tpu.memory_space<hbm>> -> memref<64x64xi32, #tpu.memory_space<hbm>>
      %dma_wait3A_56 = arith.constant 0 : i32
      %dma_wait3A_57 = tpu.memref_slice %arg4[%mul3A_50, %dma_wait3A_56] : memref<2048x64xi32, #tpu.memory_space<hbm>> -> memref<64x64xi32, #tpu.memory_space<hbm>>
      tpu.wait_dma2 semaphore(%run_scoped3A : memref<!tpu.dma_semaphore, #tpu.memory_space<semaphore_mem>>) src(%arg14 : memref<64x64xi32, #tpu.memory_space<vmem>>) dst(%dma_wait3A_57 : memref<64x64xi32, #tpu.memory_space<hbm>>)
      tpu.yield
    }) : () -> ()
    return
  }
}

#map = affine_map<(d0, d1) -> (0, 0)>
module attributes {stable_mosaic.version = 14 : i64} {
  func.func @k(%arg0: i32, %arg1: i32, %arg2: memref<4096x100xi32, #tpu.memory_space<hbm>>, %arg3: memref<100000x64xi32, #tpu.memory_space<hbm>>, %arg4: memref<2048x64xi32, #tpu.memory_space<hbm>>, %arg5: memref<128x100xi32, #tpu.memory_space<vmem>>, %arg6: memref<100x64xi32, #tpu.memory_space<vmem>>, %arg7: memref<100x64xi32, #tpu.memory_space<vmem>>, %arg8: memref<100x64xi32, #tpu.memory_space<vmem>>, %arg9: memref<100x64xi32, #tpu.memory_space<vmem>>, %arg10: memref<100x64xi32, #tpu.memory_space<vmem>>, %arg11: memref<100x64xi32, #tpu.memory_space<vmem>>, %arg12: memref<100x64xi32, #tpu.memory_space<vmem>>, %arg13: memref<100x64xi32, #tpu.memory_space<vmem>>, %arg14: memref<64x64xi32, #tpu.memory_space<vmem>>, %arg15: memref<!tpu.dma_semaphore, #tpu.memory_space<semaphore_mem>>, %arg16: memref<!tpu.dma_semaphore, #tpu.memory_space<semaphore_mem>>, %arg17: memref<!tpu.dma_semaphore, #tpu.memory_space<semaphore_mem>>, %arg18: memref<!tpu.dma_semaphore, #tpu.memory_space<semaphore_mem>>) attributes {dimension_semantics = [#tpu.dimension_semantics<core_parallel>, #tpu.dimension_semantics<subcore_parallel>], iteration_bounds = array<i64: 2, 16>, scalar_prefetch = 0 : i64, scratch_operands = 14 : i64, tpu.core_type = #tpu.core_type<sc_vector_subcore>, window_params = [{transform_indices = #map}, {transform_indices = #map}, {transform_indices = #map}]} {
    %mul3A = arith.constant 2 : i32
    %mul3A_0 = arith.muli %arg1, %mul3A : i32
    %add3A = arith.addi %mul3A_0, %arg0 : i32
    %mul3A_1 = arith.constant 128 : i32
    %mul3A_2 = arith.muli %add3A, %mul3A_1 : i32
    "tpu.region"() ({
      %run_scoped3A = tpu.sem_alloc : memref<!tpu.dma_semaphore, #tpu.memory_space<semaphore_mem>>
      %dma_start3A_51 = arith.constant 0 : i32
      %dma_start3A_52 = tpu.memref_slice %arg2[%mul3A_2, %dma_start3A_51] : memref<4096x100xi32, #tpu.memory_space<hbm>> -> memref<128x100xi32, #tpu.memory_space<hbm>>
      %dma_start3A_53 = arith.constant 0 : i32
      %dma_start3A_54 = tpu.memref_slice %arg2[%mul3A_2, %dma_start3A_53] : memref<4096x100xi32, #tpu.memory_space<hbm>> -> memref<128x100xi32, #tpu.memory_space<hbm>>
      tpu.enqueue_dma source(%dma_start3A_54 : memref<128x100xi32, #tpu.memory_space<hbm>>) target(%arg5 : memref<128x100xi32, #tpu.memory_space<vmem>>) target_semaphore(%run_scoped3A : memref<!tpu.dma_semaphore, #tpu.memory_space<semaphore_mem>>)
      %dma_wait3A = arith.constant 0 : i32
      %dma_wait3A_55 = tpu.memref_slice %arg2[%mul3A_2, %dma_wait3A] : memref<4096x100xi32, #tpu.memory_space<hbm>> -> memref<128x100xi32, #tpu.memory_space<hbm>>
      %dma_wait3A_56 = arith.constant 0 : i32
      %dma_wait3A_57 = tpu.memref_slice %arg2[%mul3A_2, %dma_wait3A_56] : memref<4096x100xi32, #tpu.memory_space<hbm>> -> memref<128x100xi32, #tpu.memory_space<hbm>>
      tpu.wait_dma2 semaphore(%run_scoped3A : memref<!tpu.dma_semaphore, #tpu.memory_space<semaphore_mem>>) src(%dma_wait3A_57 : memref<128x100xi32, #tpu.memory_space<hbm>>) dst(%arg5 : memref<128x100xi32, #tpu.memory_space<vmem>>)
      tpu.yield
    }) : () -> ()
    %dma_start3A = arith.constant 0 : i32
    %dma_start3A_3 = arith.constant 0 : i32
    %dma_start3A_4 = tpu.memref_slice %arg5[%dma_start3A, %dma_start3A_3] : memref<128x100xi32, #tpu.memory_space<vmem>> -> memref<1x100xi32, #tpu.memory_space<vmem>>
    %dma_start3A_5 = tpu.memref_squeeze %dma_start3A_4 : memref<1x100xi32, #tpu.memory_space<vmem>> -> memref<100xi32, #tpu.memory_space<vmem>>
    %dma_start3A_6 = arith.constant 0 : i32
    %dma_start3A_7 = arith.constant 0 : i32
    %dma_start3A_8 = tpu.memref_slice %arg3[%dma_start3A_6, %dma_start3A_7] : memref<100000x64xi32, #tpu.memory_space<hbm>> -> memref<100000x64xi32, #tpu.memory_space<hbm>>
    tpu.enqueue_indirect_dma source(%dma_start3A_8 : memref<100000x64xi32, #tpu.memory_space<hbm>>) target(%arg6 : memref<100x64xi32, #tpu.memory_space<vmem>>) offsets(%dma_start3A_5 : memref<100xi32, #tpu.memory_space<vmem>>) semaphore(%arg15 : memref<!tpu.dma_semaphore, #tpu.memory_space<semaphore_mem>>)
    %dma_start3A_9 = arith.constant 1 : i32
    %dma_start3A_10 = arith.constant 0 : i32
    %dma_start3A_11 = tpu.memref_slice %arg5[%dma_start3A_9, %dma_start3A_10] : memref<128x100xi32, #tpu.memory_space<vmem>> -> memref<1x100xi32, #tpu.memory_space<vmem>>
    %dma_start3A_12 = tpu.memref_squeeze %dma_start3A_11 : memref<1x100xi32, #tpu.memory_space<vmem>> -> memref<100xi32, #tpu.memory_space<vmem>>
    %dma_start3A_13 = arith.constant 0 : i32
    %dma_start3A_14 = arith.constant 0 : i32
    %dma_start3A_15 = tpu.memref_slice %arg3[%dma_start3A_13, %dma_start3A_14] : memref<100000x64xi32, #tpu.memory_space<hbm>> -> memref<100000x64xi32, #tpu.memory_space<hbm>>
    tpu.enqueue_indirect_dma source(%dma_start3A_15 : memref<100000x64xi32, #tpu.memory_space<hbm>>) target(%arg7 : memref<100x64xi32, #tpu.memory_space<vmem>>) offsets(%dma_start3A_12 : memref<100xi32, #tpu.memory_space<vmem>>) semaphore(%arg15 : memref<!tpu.dma_semaphore, #tpu.memory_space<semaphore_mem>>)
    %dma_start3A_16 = arith.constant 2 : i32
    %dma_start3A_17 = arith.constant 0 : i32
    %dma_start3A_18 = tpu.memref_slice %arg5[%dma_start3A_16, %dma_start3A_17] : memref<128x100xi32, #tpu.memory_space<vmem>> -> memref<1x100xi32, #tpu.memory_space<vmem>>
    %dma_start3A_19 = tpu.memref_squeeze %dma_start3A_18 : memref<1x100xi32, #tpu.memory_space<vmem>> -> memref<100xi32, #tpu.memory_space<vmem>>
    %dma_start3A_20 = arith.constant 0 : i32
    %dma_start3A_21 = arith.constant 0 : i32
    %dma_start3A_22 = tpu.memref_slice %arg3[%dma_start3A_20, %dma_start3A_21] : memref<100000x64xi32, #tpu.memory_space<hbm>> -> memref<100000x64xi32, #tpu.memory_space<hbm>>
    tpu.enqueue_indirect_dma source(%dma_start3A_22 : memref<100000x64xi32, #tpu.memory_space<hbm>>) target(%arg8 : memref<100x64xi32, #tpu.memory_space<vmem>>) offsets(%dma_start3A_19 : memref<100xi32, #tpu.memory_space<vmem>>) semaphore(%arg16 : memref<!tpu.dma_semaphore, #tpu.memory_space<semaphore_mem>>)
    %dma_start3A_23 = arith.constant 3 : i32
    %dma_start3A_24 = arith.constant 0 : i32
    %dma_start3A_25 = tpu.memref_slice %arg5[%dma_start3A_23, %dma_start3A_24] : memref<128x100xi32, #tpu.memory_space<vmem>> -> memref<1x100xi32, #tpu.memory_space<vmem>>
    %dma_start3A_26 = tpu.memref_squeeze %dma_start3A_25 : memref<1x100xi32, #tpu.memory_space<vmem>> -> memref<100xi32, #tpu.memory_space<vmem>>
    %dma_start3A_27 = arith.constant 0 : i32
    %dma_start3A_28 = arith.constant 0 : i32
    %dma_start3A_29 = tpu.memref_slice %arg3[%dma_start3A_27, %dma_start3A_28] : memref<100000x64xi32, #tpu.memory_space<hbm>> -> memref<100000x64xi32, #tpu.memory_space<hbm>>
    tpu.enqueue_indirect_dma source(%dma_start3A_29 : memref<100000x64xi32, #tpu.memory_space<hbm>>) target(%arg9 : memref<100x64xi32, #tpu.memory_space<vmem>>) offsets(%dma_start3A_26 : memref<100xi32, #tpu.memory_space<vmem>>) semaphore(%arg16 : memref<!tpu.dma_semaphore, #tpu.memory_space<semaphore_mem>>)
    %dma_start3A_30 = arith.constant 4 : i32
    %dma_start3A_31 = arith.constant 0 : i32
    %dma_start3A_32 = tpu.memref_slice %arg5[%dma_start3A_30, %dma_start3A_31] : memref<128x100xi32, #tpu.memory_space<vmem>> -> memref<1x100xi32, #tpu.memory_space<vmem>>
    %dma_start3A_33 = tpu.memref_squeeze %dma_start3A_32 : memref<1x100xi32, #tpu.memory_space<vmem>> -> memref<100xi32, #tpu.memory_space<vmem>>
    %dma_start3A_34 = arith.constant 0 : i32
    %dma_start3A_35 = arith.constant 0 : i32
    %dma_start3A_36 = tpu.memref_slice %arg3[%dma_start3A_34, %dma_start3A_35] : memref<100000x64xi32, #tpu.memory_space<hbm>> -> memref<100000x64xi32, #tpu.memory_space<hbm>>
    tpu.enqueue_indirect_dma source(%dma_start3A_36 : memref<100000x64xi32, #tpu.memory_space<hbm>>) target(%arg10 : memref<100x64xi32, #tpu.memory_space<vmem>>) offsets(%dma_start3A_33 : memref<100xi32, #tpu.memory_space<vmem>>) semaphore(%arg17 : memref<!tpu.dma_semaphore, #tpu.memory_space<semaphore_mem>>)
    %dma_start3A_37 = arith.constant 5 : i32
    %dma_start3A_38 = arith.constant 0 : i32
    %dma_start3A_39 = tpu.memref_slice %arg5[%dma_start3A_37, %dma_start3A_38] : memref<128x100xi32, #tpu.memory_space<vmem>> -> memref<1x100xi32, #tpu.memory_space<vmem>>
    %dma_start3A_40 = tpu.memref_squeeze %dma_start3A_39 : memref<1x100xi32, #tpu.memory_space<vmem>> -> memref<100xi32, #tpu.memory_space<vmem>>
    %dma_start3A_41 = arith.constant 0 : i32
    %dma_start3A_42 = arith.constant 0 : i32
    %dma_start3A_43 = tpu.memref_slice %arg3[%dma_start3A_41, %dma_start3A_42] : memref<100000x64xi32, #tpu.memory_space<hbm>> -> memref<100000x64xi32, #tpu.memory_space<hbm>>
    tpu.enqueue_indirect_dma source(%dma_start3A_43 : memref<100000x64xi32, #tpu.memory_space<hbm>>) target(%arg11 : memref<100x64xi32, #tpu.memory_space<vmem>>) offsets(%dma_start3A_40 : memref<100xi32, #tpu.memory_space<vmem>>) semaphore(%arg17 : memref<!tpu.dma_semaphore, #tpu.memory_space<semaphore_mem>>)
    %broadcast_in_dim3A = arith.constant 0.000000e+00 : bf16
    %broadcast_in_dim3A_44 = vector.broadcast %broadcast_in_dim3A : bf16 to vector<32xbf16>
    %scan3A = arith.constant 0 : i32
    %scan3A_45 = arith.constant 16 : i32
    %scan3A_46 = arith.addi %scan3A, %scan3A_45 : i32
    %scan3A_47 = arith.constant 1 : i32
    scf.for %scan3A_51 = %scan3A to %scan3A_46 step %scan3A_47  : i32 {
      %mul3A_52 = arith.constant 4 : i32
      %mul3A_53 = arith.muli %scan3A_51, %mul3A_52 : i32
      %add3A_54 = arith.constant 0 : i32
      %add3A_55 = arith.addi %add3A_54, %mul3A_53 : i32
      %add3A_56 = arith.constant 0 : i32
      %add3A_57 = arith.addi %add3A_55, %add3A_56 : i32
      %add3A_58 = arith.constant 4 : i32
      %add3A_59 = arith.addi %add3A_57, %add3A_58 : i32
      %sub3A = arith.constant 1 : i32
      %sub3A_60 = arith.subi %add3A_59, %sub3A : i32
      %lt3A = arith.constant 64 : i32
      %lt3A_61 = arith.cmpi slt, %sub3A_60, %lt3A : i32
      %convert_element_type3A = arith.extui %lt3A_61 : i1 to i32
      %cond3A = arith.constant 0 : i32
      %cond3A_62 = arith.cmpi ne, %convert_element_type3A, %cond3A : i32
      scf.if %cond3A_62 {
        %add3A_237 = arith.constant 4 : i32
        %add3A_238 = arith.addi %add3A_57, %add3A_237 : i32
        %sub3A_239 = arith.constant 1 : i32
        %sub3A_240 = arith.subi %add3A_238, %sub3A_239 : i32
        %mul3A_241 = arith.constant 2 : i32
        %mul3A_242 = arith.muli %mul3A_241, %sub3A_240 : i32
        %dma_start3A_243 = arith.constant 0 : i32
        %dma_start3A_244 = tpu.memref_slice %arg5[%mul3A_242, %dma_start3A_243] : memref<128x100xi32, #tpu.memory_space<vmem>> -> memref<1x100xi32, #tpu.memory_space<vmem>>
        %dma_start3A_245 = tpu.memref_squeeze %dma_start3A_244 : memref<1x100xi32, #tpu.memory_space<vmem>> -> memref<100xi32, #tpu.memory_space<vmem>>
        %dma_start3A_246 = arith.constant 0 : i32
        %dma_start3A_247 = arith.constant 0 : i32
        %dma_start3A_248 = tpu.memref_slice %arg3[%dma_start3A_246, %dma_start3A_247] : memref<100000x64xi32, #tpu.memory_space<hbm>> -> memref<100000x64xi32, #tpu.memory_space<hbm>>
        tpu.enqueue_indirect_dma source(%dma_start3A_248 : memref<100000x64xi32, #tpu.memory_space<hbm>>) target(%arg12 : memref<100x64xi32, #tpu.memory_space<vmem>>) offsets(%dma_start3A_245 : memref<100xi32, #tpu.memory_space<vmem>>) semaphore(%arg18 : memref<!tpu.dma_semaphore, #tpu.memory_space<semaphore_mem>>)
        %mul3A_249 = arith.constant 2 : i32
        %mul3A_250 = arith.muli %mul3A_249, %sub3A_240 : i32
        %add3A_251 = arith.constant 1 : i32
        %add3A_252 = arith.addi %mul3A_250, %add3A_251 : i32
        %dma_start3A_253 = arith.constant 0 : i32
        %dma_start3A_254 = tpu.memref_slice %arg5[%add3A_252, %dma_start3A_253] : memref<128x100xi32, #tpu.memory_space<vmem>> -> memref<1x100xi32, #tpu.memory_space<vmem>>
        %dma_start3A_255 = tpu.memref_squeeze %dma_start3A_254 : memref<1x100xi32, #tpu.memory_space<vmem>> -> memref<100xi32, #tpu.memory_space<vmem>>
        %dma_start3A_256 = arith.constant 0 : i32
        %dma_start3A_257 = arith.constant 0 : i32
        %dma_start3A_258 = tpu.memref_slice %arg3[%dma_start3A_256, %dma_start3A_257] : memref<100000x64xi32, #tpu.memory_space<hbm>> -> memref<100000x64xi32, #tpu.memory_space<hbm>>
        tpu.enqueue_indirect_dma source(%dma_start3A_258 : memref<100000x64xi32, #tpu.memory_space<hbm>>) target(%arg13 : memref<100x64xi32, #tpu.memory_space<vmem>>) offsets(%dma_start3A_255 : memref<100xi32, #tpu.memory_space<vmem>>) semaphore(%arg18 : memref<!tpu.dma_semaphore, #tpu.memory_space<semaphore_mem>>)
      } else {
      }
      %dma_wait3A = arith.constant 0 : i32
      %dma_wait3A_63 = arith.constant 0 : i32
      %dma_wait3A_64 = tpu.memref_slice %arg5[%dma_wait3A, %dma_wait3A_63] : memref<128x100xi32, #tpu.memory_space<vmem>> -> memref<1x100xi32, #tpu.memory_space<vmem>>
      %dma_wait3A_65 = tpu.memref_squeeze %dma_wait3A_64 : memref<1x100xi32, #tpu.memory_space<vmem>> -> memref<100xi32, #tpu.memory_space<vmem>>
      %dma_wait3A_66 = arith.constant 0 : i32
      %dma_wait3A_67 = arith.constant 0 : i32
      %dma_wait3A_68 = tpu.memref_slice %arg3[%dma_wait3A_66, %dma_wait3A_67] : memref<100000x64xi32, #tpu.memory_space<hbm>> -> memref<100000x64xi32, #tpu.memory_space<hbm>>
      tpu.wait_indirect_dma semaphore(%arg15 : memref<!tpu.dma_semaphore, #tpu.memory_space<semaphore_mem>>) src(%dma_wait3A_68 : memref<100000x64xi32, #tpu.memory_space<hbm>>) dst(%arg6 : memref<100x64xi32, #tpu.memory_space<vmem>>)
      %dma_wait3A_69 = arith.constant 0 : i32
      %dma_wait3A_70 = arith.constant 0 : i32
      %dma_wait3A_71 = tpu.memref_slice %arg5[%dma_wait3A_69, %dma_wait3A_70] : memref<128x100xi32, #tpu.memory_space<vmem>> -> memref<1x100xi32, #tpu.memory_space<vmem>>
      %dma_wait3A_72 = tpu.memref_squeeze %dma_wait3A_71 : memref<1x100xi32, #tpu.memory_space<vmem>> -> memref<100xi32, #tpu.memory_space<vmem>>
      %dma_wait3A_73 = arith.constant 0 : i32
      %dma_wait3A_74 = arith.constant 0 : i32
      %dma_wait3A_75 = tpu.memref_slice %arg3[%dma_wait3A_73, %dma_wait3A_74] : memref<100000x64xi32, #tpu.memory_space<hbm>> -> memref<100000x64xi32, #tpu.memory_space<hbm>>
      tpu.wait_indirect_dma semaphore(%arg15 : memref<!tpu.dma_semaphore, #tpu.memory_space<semaphore_mem>>) src(%dma_wait3A_75 : memref<100000x64xi32, #tpu.memory_space<hbm>>) dst(%arg7 : memref<100x64xi32, #tpu.memory_space<vmem>>)
      %scan3A_76 = arith.constant 0 : i32
      %scan3A_77 = arith.constant 100 : i32
      %scan3A_78 = arith.addi %scan3A_76, %scan3A_77 : i32
      %scan3A_79 = arith.constant 4 : i32
      %scan3A_80:4 = scf.for %scan3A_237 = %scan3A_76 to %scan3A_78 step %scan3A_79 iter_args(%scan3A_238 = %broadcast_in_dim3A_44, %scan3A_239 = %broadcast_in_dim3A_44, %scan3A_240 = %broadcast_in_dim3A_44, %scan3A_241 = %broadcast_in_dim3A_44) -> (vector<32xbf16>, vector<32xbf16>, vector<32xbf16>, vector<32xbf16>)  : i32 {
        %get3A = arith.index_cast %scan3A_237 : i32 to index
        %get3A_242 = arith.constant 0 : index
        %get3A_243 = tpu.vector_load %arg6[%get3A, %get3A_242] {strides = array<i32>} : memref<100x64xi32, #tpu.memory_space<vmem>>, vector<16xi32>,
        %bitcast3A_244 = vector.bitcast %get3A_243 : vector<16xi32> to vector<32xbf16>
        %get3A_245 = arith.index_cast %scan3A_237 : i32 to index
        %get3A_246 = arith.constant 0 : index
        %get3A_247 = tpu.vector_load %arg7[%get3A_245, %get3A_246] {strides = array<i32>} : memref<100x64xi32, #tpu.memory_space<vmem>>, vector<16xi32>,
        %bitcast3A_248 = vector.bitcast %get3A_247 : vector<16xi32> to vector<32xbf16>
        %add3A_249 = arith.addf %scan3A_238, %bitcast3A_244 : vector<32xbf16>
        %add3A_250 = arith.addf %add3A_249, %bitcast3A_248 : vector<32xbf16>
        %get3A_251 = arith.index_cast %scan3A_237 : i32 to index
        %get3A_252 = arith.constant 16 : index
        %get3A_253 = tpu.vector_load %arg6[%get3A_251, %get3A_252] {strides = array<i32>} : memref<100x64xi32, #tpu.memory_space<vmem>>, vector<16xi32>,
        %bitcast3A_254 = vector.bitcast %get3A_253 : vector<16xi32> to vector<32xbf16>
        %get3A_255 = arith.index_cast %scan3A_237 : i32 to index
        %get3A_256 = arith.constant 16 : index
        %get3A_257 = tpu.vector_load %arg7[%get3A_255, %get3A_256] {strides = array<i32>} : memref<100x64xi32, #tpu.memory_space<vmem>>, vector<16xi32>,
        %bitcast3A_258 = vector.bitcast %get3A_257 : vector<16xi32> to vector<32xbf16>
        %add3A_259 = arith.addf %scan3A_239, %bitcast3A_254 : vector<32xbf16>
        %add3A_260 = arith.addf %add3A_259, %bitcast3A_258 : vector<32xbf16>
        %get3A_261 = arith.index_cast %scan3A_237 : i32 to index
        %get3A_262 = arith.constant 32 : index
        %get3A_263 = tpu.vector_load %arg6[%get3A_261, %get3A_262] {strides = array<i32>} : memref<100x64xi32, #tpu.memory_space<vmem>>, vector<16xi32>,
        %bitcast3A_264 = vector.bitcast %get3A_263 : vector<16xi32> to vector<32xbf16>
        %get3A_265 = arith.index_cast %scan3A_237 : i32 to index
        %get3A_266 = arith.constant 32 : index
        %get3A_267 = tpu.vector_load %arg7[%get3A_265, %get3A_266] {strides = array<i32>} : memref<100x64xi32, #tpu.memory_space<vmem>>, vector<16xi32>,
        %bitcast3A_268 = vector.bitcast %get3A_267 : vector<16xi32> to vector<32xbf16>
        %add3A_269 = arith.addf %scan3A_240, %bitcast3A_264 : vector<32xbf16>
        %add3A_270 = arith.addf %add3A_269, %bitcast3A_268 : vector<32xbf16>
        %get3A_271 = arith.index_cast %scan3A_237 : i32 to index
        %get3A_272 = arith.constant 48 : index
        %get3A_273 = tpu.vector_load %arg6[%get3A_271, %get3A_272] {strides = array<i32>} : memref<100x64xi32, #tpu.memory_space<vmem>>, vector<16xi32>,
        %bitcast3A_274 = vector.bitcast %get3A_273 : vector<16xi32> to vector<32xbf16>
        %get3A_275 = arith.index_cast %scan3A_237 : i32 to index
        %get3A_276 = arith.constant 48 : index
        %get3A_277 = tpu.vector_load %arg7[%get3A_275, %get3A_276] {strides = array<i32>} : memref<100x64xi32, #tpu.memory_space<vmem>>, vector<16xi32>,
        %bitcast3A_278 = vector.bitcast %get3A_277 : vector<16xi32> to vector<32xbf16>
        %add3A_279 = arith.addf %scan3A_241, %bitcast3A_274 : vector<32xbf16>
        %add3A_280 = arith.addf %add3A_279, %bitcast3A_278 : vector<32xbf16>
        %scan3A_281 = arith.constant 1 : i32
        %scan3A_282 = arith.addi %scan3A_237, %scan3A_281 : i32
        %get3A_283 = arith.index_cast %scan3A_282 : i32 to index
        %get3A_284 = arith.constant 0 : index
        %get3A_285 = tpu.vector_load %arg6[%get3A_283, %get3A_284] {strides = array<i32>} : memref<100x64xi32, #tpu.memory_space<vmem>>, vector<16xi32>,
        %bitcast3A_286 = vector.bitcast %get3A_285 : vector<16xi32> to vector<32xbf16>
        %get3A_287 = arith.index_cast %scan3A_282 : i32 to index
        %get3A_288 = arith.constant 0 : index
        %get3A_289 = tpu.vector_load %arg7[%get3A_287, %get3A_288] {strides = array<i32>} : memref<100x64xi32, #tpu.memory_space<vmem>>, vector<16xi32>,
        %bitcast3A_290 = vector.bitcast %get3A_289 : vector<16xi32> to vector<32xbf16>
        %add3A_291 = arith.addf %add3A_250, %bitcast3A_286 : vector<32xbf16>
        %add3A_292 = arith.addf %add3A_291, %bitcast3A_290 : vector<32xbf16>
        %get3A_293 = arith.index_cast %scan3A_282 : i32 to index
        %get3A_294 = arith.constant 16 : index
        %get3A_295 = tpu.vector_load %arg6[%get3A_293, %get3A_294] {strides = array<i32>} : memref<100x64xi32, #tpu.memory_space<vmem>>, vector<16xi32>,
        %bitcast3A_296 = vector.bitcast %get3A_295 : vector<16xi32> to vector<32xbf16>
        %get3A_297 = arith.index_cast %scan3A_282 : i32 to index
        %get3A_298 = arith.constant 16 : index
        %get3A_299 = tpu.vector_load %arg7[%get3A_297, %get3A_298] {strides = array<i32>} : memref<100x64xi32, #tpu.memory_space<vmem>>, vector<16xi32>,
        %bitcast3A_300 = vector.bitcast %get3A_299 : vector<16xi32> to vector<32xbf16>
        %add3A_301 = arith.addf %add3A_260, %bitcast3A_296 : vector<32xbf16>
        %add3A_302 = arith.addf %add3A_301, %bitcast3A_300 : vector<32xbf16>
        %get3A_303 = arith.index_cast %scan3A_282 : i32 to index
        %get3A_304 = arith.constant 32 : index
        %get3A_305 = tpu.vector_load %arg6[%get3A_303, %get3A_304] {strides = array<i32>} : memref<100x64xi32, #tpu.memory_space<vmem>>, vector<16xi32>,
        %bitcast3A_306 = vector.bitcast %get3A_305 : vector<16xi32> to vector<32xbf16>
        %get3A_307 = arith.index_cast %scan3A_282 : i32 to index
        %get3A_308 = arith.constant 32 : index
        %get3A_309 = tpu.vector_load %arg7[%get3A_307, %get3A_308] {strides = array<i32>} : memref<100x64xi32, #tpu.memory_space<vmem>>, vector<16xi32>,
        %bitcast3A_310 = vector.bitcast %get3A_309 : vector<16xi32> to vector<32xbf16>
        %add3A_311 = arith.addf %add3A_270, %bitcast3A_306 : vector<32xbf16>
        %add3A_312 = arith.addf %add3A_311, %bitcast3A_310 : vector<32xbf16>
        %get3A_313 = arith.index_cast %scan3A_282 : i32 to index
        %get3A_314 = arith.constant 48 : index
        %get3A_315 = tpu.vector_load %arg6[%get3A_313, %get3A_314] {strides = array<i32>} : memref<100x64xi32, #tpu.memory_space<vmem>>, vector<16xi32>,
        %bitcast3A_316 = vector.bitcast %get3A_315 : vector<16xi32> to vector<32xbf16>
        %get3A_317 = arith.index_cast %scan3A_282 : i32 to index
        %get3A_318 = arith.constant 48 : index
        %get3A_319 = tpu.vector_load %arg7[%get3A_317, %get3A_318] {strides = array<i32>} : memref<100x64xi32, #tpu.memory_space<vmem>>, vector<16xi32>,
        %bitcast3A_320 = vector.bitcast %get3A_319 : vector<16xi32> to vector<32xbf16>
        %add3A_321 = arith.addf %add3A_280, %bitcast3A_316 : vector<32xbf16>
        %add3A_322 = arith.addf %add3A_321, %bitcast3A_320 : vector<32xbf16>
        %scan3A_323 = arith.constant 2 : i32
        %scan3A_324 = arith.addi %scan3A_237, %scan3A_323 : i32
        %get3A_325 = arith.index_cast %scan3A_324 : i32 to index
        %get3A_326 = arith.constant 0 : index
        %get3A_327 = tpu.vector_load %arg6[%get3A_325, %get3A_326] {strides = array<i32>} : memref<100x64xi32, #tpu.memory_space<vmem>>, vector<16xi32>,
        %bitcast3A_328 = vector.bitcast %get3A_327 : vector<16xi32> to vector<32xbf16>
        %get3A_329 = arith.index_cast %scan3A_324 : i32 to index
        %get3A_330 = arith.constant 0 : index
        %get3A_331 = tpu.vector_load %arg7[%get3A_329, %get3A_330] {strides = array<i32>} : memref<100x64xi32, #tpu.memory_space<vmem>>, vector<16xi32>,
        %bitcast3A_332 = vector.bitcast %get3A_331 : vector<16xi32> to vector<32xbf16>
        %add3A_333 = arith.addf %add3A_292, %bitcast3A_328 : vector<32xbf16>
        %add3A_334 = arith.addf %add3A_333, %bitcast3A_332 : vector<32xbf16>
        %get3A_335 = arith.index_cast %scan3A_324 : i32 to index
        %get3A_336 = arith.constant 16 : index
        %get3A_337 = tpu.vector_load %arg6[%get3A_335, %get3A_336] {strides = array<i32>} : memref<100x64xi32, #tpu.memory_space<vmem>>, vector<16xi32>,
        %bitcast3A_338 = vector.bitcast %get3A_337 : vector<16xi32> to vector<32xbf16>
        %get3A_339 = arith.index_cast %scan3A_324 : i32 to index
        %get3A_340 = arith.constant 16 : index
        %get3A_341 = tpu.vector_load %arg7[%get3A_339, %get3A_340] {strides = array<i32>} : memref<100x64xi32, #tpu.memory_space<vmem>>, vector<16xi32>,
        %bitcast3A_342 = vector.bitcast %get3A_341 : vector<16xi32> to vector<32xbf16>
        %add3A_343 = arith.addf %add3A_302, %bitcast3A_338 : vector<32xbf16>
        %add3A_344 = arith.addf %add3A_343, %bitcast3A_342 : vector<32xbf16>
        %get3A_345 = arith.index_cast %scan3A_324 : i32 to index
        %get3A_346 = arith.constant 32 : index
        %get3A_347 = tpu.vector_load %arg6[%get3A_345, %get3A_346] {strides = array<i32>} : memref<100x64xi32, #tpu.memory_space<vmem>>, vector<16xi32>,
        %bitcast3A_348 = vector.bitcast %get3A_347 : vector<16xi32> to vector<32xbf16>
        %get3A_349 = arith.index_cast %scan3A_324 : i32 to index
        %get3A_350 = arith.constant 32 : index
        %get3A_351 = tpu.vector_load %arg7[%get3A_349, %get3A_350] {strides = array<i32>} : memref<100x64xi32, #tpu.memory_space<vmem>>, vector<16xi32>,
        %bitcast3A_352 = vector.bitcast %get3A_351 : vector<16xi32> to vector<32xbf16>
        %add3A_353 = arith.addf %add3A_312, %bitcast3A_348 : vector<32xbf16>
        %add3A_354 = arith.addf %add3A_353, %bitcast3A_352 : vector<32xbf16>
        %get3A_355 = arith.index_cast %scan3A_324 : i32 to index
        %get3A_356 = arith.constant 48 : index
        %get3A_357 = tpu.vector_load %arg6[%get3A_355, %get3A_356] {strides = array<i32>} : memref<100x64xi32, #tpu.memory_space<vmem>>, vector<16xi32>,
        %bitcast3A_358 = vector.bitcast %get3A_357 : vector<16xi32> to vector<32xbf16>
        %get3A_359 = arith.index_cast %scan3A_324 : i32 to index
        %get3A_360 = arith.constant 48 : index
        %get3A_361 = tpu.vector_load %arg7[%get3A_359, %get3A_360] {strides = array<i32>} : memref<100x64xi32, #tpu.memory_space<vmem>>, vector<16xi32>,
        %bitcast3A_362 = vector.bitcast %get3A_361 : vector<16xi32> to vector<32xbf16>
        %add3A_363 = arith.addf %add3A_322, %bitcast3A_358 : vector<32xbf16>
        %add3A_364 = arith.addf %add3A_363, %bitcast3A_362 : vector<32xbf16>
        %scan3A_365 = arith.constant 3 : i32
        %scan3A_366 = arith.addi %scan3A_237, %scan3A_365 : i32
        %get3A_367 = arith.index_cast %scan3A_366 : i32 to index
        %get3A_368 = arith.constant 0 : index
        %get3A_369 = tpu.vector_load %arg6[%get3A_367, %get3A_368] {strides = array<i32>} : memref<100x64xi32, #tpu.memory_space<vmem>>, vector<16xi32>,
        %bitcast3A_370 = vector.bitcast %get3A_369 : vector<16xi32> to vector<32xbf16>
        %get3A_371 = arith.index_cast %scan3A_366 : i32 to index
        %get3A_372 = arith.constant 0 : index
        %get3A_373 = tpu.vector_load %arg7[%get3A_371, %get3A_372] {strides = array<i32>} : memref<100x64xi32, #tpu.memory_space<vmem>>, vector<16xi32>,
        %bitcast3A_374 = vector.bitcast %get3A_373 : vector<16xi32> to vector<32xbf16>
        %add3A_375 = arith.addf %add3A_334, %bitcast3A_370 : vector<32xbf16>
        %add3A_376 = arith.addf %add3A_375, %bitcast3A_374 : vector<32xbf16>
        %get3A_377 = arith.index_cast %scan3A_366 : i32 to index
        %get3A_378 = arith.constant 16 : index
        %get3A_379 = tpu.vector_load %arg6[%get3A_377, %get3A_378] {strides = array<i32>} : memref<100x64xi32, #tpu.memory_space<vmem>>, vector<16xi32>,
        %bitcast3A_380 = vector.bitcast %get3A_379 : vector<16xi32> to vector<32xbf16>
        %get3A_381 = arith.index_cast %scan3A_366 : i32 to index
        %get3A_382 = arith.constant 16 : index
        %get3A_383 = tpu.vector_load %arg7[%get3A_381, %get3A_382] {strides = array<i32>} : memref<100x64xi32, #tpu.memory_space<vmem>>, vector<16xi32>,
        %bitcast3A_384 = vector.bitcast %get3A_383 : vector<16xi32> to vector<32xbf16>
        %add3A_385 = arith.addf %add3A_344, %bitcast3A_380 : vector<32xbf16>
        %add3A_386 = arith.addf %add3A_385, %bitcast3A_384 : vector<32xbf16>
        %get3A_387 = arith.index_cast %scan3A_366 : i32 to index
        %get3A_388 = arith.constant 32 : index
        %get3A_389 = tpu.vector_load %arg6[%get3A_387, %get3A_388] {strides = array<i32>} : memref<100x64xi32, #tpu.memory_space<vmem>>, vector<16xi32>,
        %bitcast3A_390 = vector.bitcast %get3A_389 : vector<16xi32> to vector<32xbf16>
        %get3A_391 = arith.index_cast %scan3A_366 : i32 to index
        %get3A_392 = arith.constant 32 : index
        %get3A_393 = tpu.vector_load %arg7[%get3A_391, %get3A_392] {strides = array<i32>} : memref<100x64xi32, #tpu.memory_space<vmem>>, vector<16xi32>,
        %bitcast3A_394 = vector.bitcast %get3A_393 : vector<16xi32> to vector<32xbf16>
        %add3A_395 = arith.addf %add3A_354, %bitcast3A_390 : vector<32xbf16>
        %add3A_396 = arith.addf %add3A_395, %bitcast3A_394 : vector<32xbf16>
        %get3A_397 = arith.index_cast %scan3A_366 : i32 to index
        %get3A_398 = arith.constant 48 : index
        %get3A_399 = tpu.vector_load %arg6[%get3A_397, %get3A_398] {strides = array<i32>} : memref<100x64xi32, #tpu.memory_space<vmem>>, vector<16xi32>,
        %bitcast3A_400 = vector.bitcast %get3A_399 : vector<16xi32> to vector<32xbf16>
        %get3A_401 = arith.index_cast %scan3A_366 : i32 to index
        %get3A_402 = arith.constant 48 : index
        %get3A_403 = tpu.vector_load %arg7[%get3A_401, %get3A_402] {strides = array<i32>} : memref<100x64xi32, #tpu.memory_space<vmem>>, vector<16xi32>,
        %bitcast3A_404 = vector.bitcast %get3A_403 : vector<16xi32> to vector<32xbf16>
        %add3A_405 = arith.addf %add3A_364, %bitcast3A_400 : vector<32xbf16>
        %add3A_406 = arith.addf %add3A_405, %bitcast3A_404 : vector<32xbf16>
        scf.yield %add3A_376, %add3A_386, %add3A_396, %add3A_406 : vector<32xbf16>, vector<32xbf16>, vector<32xbf16>, vector<32xbf16>
      }
      %scan3A_81 = arith.constant 100 : i32
      %bitcast3A = vector.bitcast %scan3A_80#0 : vector<32xbf16> to vector<16xi32>
      %swap3A = arith.index_cast %add3A_57 : i32 to index
      %swap3A_82 = arith.constant 0 : index
      %swap3A_83 = tpu.vector_load %arg14[%swap3A, %swap3A_82] {strides = array<i32>} : memref<64x64xi32, #tpu.memory_space<vmem>>, vector<16xi32>,
      tpu.vector_store %arg14[%swap3A, %swap3A_82], %bitcast3A {strides = array<i32>} : memref<64x64xi32, #tpu.memory_space<vmem>>, vector<16xi32>,
      %bitcast3A_84 = vector.bitcast %scan3A_80#1 : vector<32xbf16> to vector<16xi32>
      %swap3A_85 = arith.index_cast %add3A_57 : i32 to index
      %swap3A_86 = arith.constant 16 : index
      %swap3A_87 = tpu.vector_load %arg14[%swap3A_85, %swap3A_86] {strides = array<i32>} : memref<64x64xi32, #tpu.memory_space<vmem>>, vector<16xi32>,
      tpu.vector_store %arg14[%swap3A_85, %swap3A_86], %bitcast3A_84 {strides = array<i32>} : memref<64x64xi32, #tpu.memory_space<vmem>>, vector<16xi32>,
      %bitcast3A_88 = vector.bitcast %scan3A_80#2 : vector<32xbf16> to vector<16xi32>
      %swap3A_89 = arith.index_cast %add3A_57 : i32 to index
      %swap3A_90 = arith.constant 32 : index
      %swap3A_91 = tpu.vector_load %arg14[%swap3A_89, %swap3A_90] {strides = array<i32>} : memref<64x64xi32, #tpu.memory_space<vmem>>, vector<16xi32>,
      tpu.vector_store %arg14[%swap3A_89, %swap3A_90], %bitcast3A_88 {strides = array<i32>} : memref<64x64xi32, #tpu.memory_space<vmem>>, vector<16xi32>,
      %bitcast3A_92 = vector.bitcast %scan3A_80#3 : vector<32xbf16> to vector<16xi32>
      %swap3A_93 = arith.index_cast %add3A_57 : i32 to index
      %swap3A_94 = arith.constant 48 : index
      %swap3A_95 = tpu.vector_load %arg14[%swap3A_93, %swap3A_94] {strides = array<i32>} : memref<64x64xi32, #tpu.memory_space<vmem>>, vector<16xi32>,
      tpu.vector_store %arg14[%swap3A_93, %swap3A_94], %bitcast3A_92 {strides = array<i32>} : memref<64x64xi32, #tpu.memory_space<vmem>>, vector<16xi32>,
      %add3A_96 = arith.constant 1 : i32
      %add3A_97 = arith.addi %add3A_55, %add3A_96 : i32
      %add3A_98 = arith.constant 4 : i32
      %add3A_99 = arith.addi %add3A_97, %add3A_98 : i32
      %sub3A_100 = arith.constant 1 : i32
      %sub3A_101 = arith.subi %add3A_99, %sub3A_100 : i32
      %lt3A_102 = arith.constant 64 : i32
      %lt3A_103 = arith.cmpi slt, %sub3A_101, %lt3A_102 : i32
      %convert_element_type3A_104 = arith.extui %lt3A_103 : i1 to i32
      %cond3A_105 = arith.constant 0 : i32
      %cond3A_106 = arith.cmpi ne, %convert_element_type3A_104, %cond3A_105 : i32
      scf.if %cond3A_106 {
        %add3A_237 = arith.constant 4 : i32
        %add3A_238 = arith.addi %add3A_97, %add3A_237 : i32
        %sub3A_239 = arith.constant 1 : i32
        %sub3A_240 = arith.subi %add3A_238, %sub3A_239 : i32
        %mul3A_241 = arith.constant 2 : i32
        %mul3A_242 = arith.muli %mul3A_241, %sub3A_240 : i32
        %dma_start3A_243 = arith.constant 0 : i32
        %dma_start3A_244 = tpu.memref_slice %arg5[%mul3A_242, %dma_start3A_243] : memref<128x100xi32, #tpu.memory_space<vmem>> -> memref<1x100xi32, #tpu.memory_space<vmem>>
        %dma_start3A_245 = tpu.memref_squeeze %dma_start3A_244 : memref<1x100xi32, #tpu.memory_space<vmem>> -> memref<100xi32, #tpu.memory_space<vmem>>
        %dma_start3A_246 = arith.constant 0 : i32
        %dma_start3A_247 = arith.constant 0 : i32
        %dma_start3A_248 = tpu.memref_slice %arg3[%dma_start3A_246, %dma_start3A_247] : memref<100000x64xi32, #tpu.memory_space<hbm>> -> memref<100000x64xi32, #tpu.memory_space<hbm>>
        tpu.enqueue_indirect_dma source(%dma_start3A_248 : memref<100000x64xi32, #tpu.memory_space<hbm>>) target(%arg6 : memref<100x64xi32, #tpu.memory_space<vmem>>) offsets(%dma_start3A_245 : memref<100xi32, #tpu.memory_space<vmem>>) semaphore(%arg15 : memref<!tpu.dma_semaphore, #tpu.memory_space<semaphore_mem>>)
        %mul3A_249 = arith.constant 2 : i32
        %mul3A_250 = arith.muli %mul3A_249, %sub3A_240 : i32
        %add3A_251 = arith.constant 1 : i32
        %add3A_252 = arith.addi %mul3A_250, %add3A_251 : i32
        %dma_start3A_253 = arith.constant 0 : i32
        %dma_start3A_254 = tpu.memref_slice %arg5[%add3A_252, %dma_start3A_253] : memref<128x100xi32, #tpu.memory_space<vmem>> -> memref<1x100xi32, #tpu.memory_space<vmem>>
        %dma_start3A_255 = tpu.memref_squeeze %dma_start3A_254 : memref<1x100xi32, #tpu.memory_space<vmem>> -> memref<100xi32, #tpu.memory_space<vmem>>
        %dma_start3A_256 = arith.constant 0 : i32
        %dma_start3A_257 = arith.constant 0 : i32
        %dma_start3A_258 = tpu.memref_slice %arg3[%dma_start3A_256, %dma_start3A_257] : memref<100000x64xi32, #tpu.memory_space<hbm>> -> memref<100000x64xi32, #tpu.memory_space<hbm>>
        tpu.enqueue_indirect_dma source(%dma_start3A_258 : memref<100000x64xi32, #tpu.memory_space<hbm>>) target(%arg7 : memref<100x64xi32, #tpu.memory_space<vmem>>) offsets(%dma_start3A_255 : memref<100xi32, #tpu.memory_space<vmem>>) semaphore(%arg15 : memref<!tpu.dma_semaphore, #tpu.memory_space<semaphore_mem>>)
      } else {
      }
      %dma_wait3A_107 = arith.constant 0 : i32
      %dma_wait3A_108 = arith.constant 0 : i32
      %dma_wait3A_109 = tpu.memref_slice %arg5[%dma_wait3A_107, %dma_wait3A_108] : memref<128x100xi32, #tpu.memory_space<vmem>> -> memref<1x100xi32, #tpu.memory_space<vmem>>
      %dma_wait3A_110 = tpu.memref_squeeze %dma_wait3A_109 : memref<1x100xi32, #tpu.memory_space<vmem>> -> memref<100xi32, #tpu.memory_space<vmem>>
      %dma_wait3A_111 = arith.constant 0 : i32
      %dma_wait3A_112 = arith.constant 0 : i32
      %dma_wait3A_113 = tpu.memref_slice %arg3[%dma_wait3A_111, %dma_wait3A_112] : memref<100000x64xi32, #tpu.memory_space<hbm>> -> memref<100000x64xi32, #tpu.memory_space<hbm>>
      tpu.wait_indirect_dma semaphore(%arg16 : memref<!tpu.dma_semaphore, #tpu.memory_space<semaphore_mem>>) src(%dma_wait3A_113 : memref<100000x64xi32, #tpu.memory_space<hbm>>) dst(%arg8 : memref<100x64xi32, #tpu.memory_space<vmem>>)
      %dma_wait3A_114 = arith.constant 0 : i32
      %dma_wait3A_115 = arith.constant 0 : i32
      %dma_wait3A_116 = tpu.memref_slice %arg5[%dma_wait3A_114, %dma_wait3A_115] : memref<128x100xi32, #tpu.memory_space<vmem>> -> memref<1x100xi32, #tpu.memory_space<vmem>>
      %dma_wait3A_117 = tpu.memref_squeeze %dma_wait3A_116 : memref<1x100xi32, #tpu.memory_space<vmem>> -> memref<100xi32, #tpu.memory_space<vmem>>
      %dma_wait3A_118 = arith.constant 0 : i32
      %dma_wait3A_119 = arith.constant 0 : i32
      %dma_wait3A_120 = tpu.memref_slice %arg3[%dma_wait3A_118, %dma_wait3A_119] : memref<100000x64xi32, #tpu.memory_space<hbm>> -> memref<100000x64xi32, #tpu.memory_space<hbm>>
      tpu.wait_indirect_dma semaphore(%arg16 : memref<!tpu.dma_semaphore, #tpu.memory_space<semaphore_mem>>) src(%dma_wait3A_120 : memref<100000x64xi32, #tpu.memory_space<hbm>>) dst(%arg9 : memref<100x64xi32, #tpu.memory_space<vmem>>)
      %scan3A_121 = arith.constant 0 : i32
      %scan3A_122 = arith.constant 100 : i32
      %scan3A_123 = arith.addi %scan3A_121, %scan3A_122 : i32
      %scan3A_124 = arith.constant 4 : i32
      %scan3A_125:4 = scf.for %scan3A_237 = %scan3A_121 to %scan3A_123 step %scan3A_124 iter_args(%scan3A_238 = %broadcast_in_dim3A_44, %scan3A_239 = %broadcast_in_dim3A_44, %scan3A_240 = %broadcast_in_dim3A_44, %scan3A_241 = %broadcast_in_dim3A_44) -> (vector<32xbf16>, vector<32xbf16>, vector<32xbf16>, vector<32xbf16>)  : i32 {
        %get3A = arith.index_cast %scan3A_237 : i32 to index
        %get3A_242 = arith.constant 0 : index
        %get3A_243 = tpu.vector_load %arg8[%get3A, %get3A_242] {strides = array<i32>} : memref<100x64xi32, #tpu.memory_space<vmem>>, vector<16xi32>,
        %bitcast3A_244 = vector.bitcast %get3A_243 : vector<16xi32> to vector<32xbf16>
        %get3A_245 = arith.index_cast %scan3A_237 : i32 to index
        %get3A_246 = arith.constant 0 : index
        %get3A_247 = tpu.vector_load %arg9[%get3A_245, %get3A_246] {strides = array<i32>} : memref<100x64xi32, #tpu.memory_space<vmem>>, vector<16xi32>,
        %bitcast3A_248 = vector.bitcast %get3A_247 : vector<16xi32> to vector<32xbf16>
        %add3A_249 = arith.addf %scan3A_238, %bitcast3A_244 : vector<32xbf16>
        %add3A_250 = arith.addf %add3A_249, %bitcast3A_248 : vector<32xbf16>
        %get3A_251 = arith.index_cast %scan3A_237 : i32 to index
        %get3A_252 = arith.constant 16 : index
        %get3A_253 = tpu.vector_load %arg8[%get3A_251, %get3A_252] {strides = array<i32>} : memref<100x64xi32, #tpu.memory_space<vmem>>, vector<16xi32>,
        %bitcast3A_254 = vector.bitcast %get3A_253 : vector<16xi32> to vector<32xbf16>
        %get3A_255 = arith.index_cast %scan3A_237 : i32 to index
        %get3A_256 = arith.constant 16 : index
        %get3A_257 = tpu.vector_load %arg9[%get3A_255, %get3A_256] {strides = array<i32>} : memref<100x64xi32, #tpu.memory_space<vmem>>, vector<16xi32>,
        %bitcast3A_258 = vector.bitcast %get3A_257 : vector<16xi32> to vector<32xbf16>
        %add3A_259 = arith.addf %scan3A_239, %bitcast3A_254 : vector<32xbf16>
        %add3A_260 = arith.addf %add3A_259, %bitcast3A_258 : vector<32xbf16>
        %get3A_261 = arith.index_cast %scan3A_237 : i32 to index
        %get3A_262 = arith.constant 32 : index
        %get3A_263 = tpu.vector_load %arg8[%get3A_261, %get3A_262] {strides = array<i32>} : memref<100x64xi32, #tpu.memory_space<vmem>>, vector<16xi32>,
        %bitcast3A_264 = vector.bitcast %get3A_263 : vector<16xi32> to vector<32xbf16>
        %get3A_265 = arith.index_cast %scan3A_237 : i32 to index
        %get3A_266 = arith.constant 32 : index
        %get3A_267 = tpu.vector_load %arg9[%get3A_265, %get3A_266] {strides = array<i32>} : memref<100x64xi32, #tpu.memory_space<vmem>>, vector<16xi32>,
        %bitcast3A_268 = vector.bitcast %get3A_267 : vector<16xi32> to vector<32xbf16>
        %add3A_269 = arith.addf %scan3A_240, %bitcast3A_264 : vector<32xbf16>
        %add3A_270 = arith.addf %add3A_269, %bitcast3A_268 : vector<32xbf16>
        %get3A_271 = arith.index_cast %scan3A_237 : i32 to index
        %get3A_272 = arith.constant 48 : index
        %get3A_273 = tpu.vector_load %arg8[%get3A_271, %get3A_272] {strides = array<i32>} : memref<100x64xi32, #tpu.memory_space<vmem>>, vector<16xi32>,
        %bitcast3A_274 = vector.bitcast %get3A_273 : vector<16xi32> to vector<32xbf16>
        %get3A_275 = arith.index_cast %scan3A_237 : i32 to index
        %get3A_276 = arith.constant 48 : index
        %get3A_277 = tpu.vector_load %arg9[%get3A_275, %get3A_276] {strides = array<i32>} : memref<100x64xi32, #tpu.memory_space<vmem>>, vector<16xi32>,
        %bitcast3A_278 = vector.bitcast %get3A_277 : vector<16xi32> to vector<32xbf16>
        %add3A_279 = arith.addf %scan3A_241, %bitcast3A_274 : vector<32xbf16>
        %add3A_280 = arith.addf %add3A_279, %bitcast3A_278 : vector<32xbf16>
        %scan3A_281 = arith.constant 1 : i32
        %scan3A_282 = arith.addi %scan3A_237, %scan3A_281 : i32
        %get3A_283 = arith.index_cast %scan3A_282 : i32 to index
        %get3A_284 = arith.constant 0 : index
        %get3A_285 = tpu.vector_load %arg8[%get3A_283, %get3A_284] {strides = array<i32>} : memref<100x64xi32, #tpu.memory_space<vmem>>, vector<16xi32>,
        %bitcast3A_286 = vector.bitcast %get3A_285 : vector<16xi32> to vector<32xbf16>
        %get3A_287 = arith.index_cast %scan3A_282 : i32 to index
        %get3A_288 = arith.constant 0 : index
        %get3A_289 = tpu.vector_load %arg9[%get3A_287, %get3A_288] {strides = array<i32>} : memref<100x64xi32, #tpu.memory_space<vmem>>, vector<16xi32>,
        %bitcast3A_290 = vector.bitcast %get3A_289 : vector<16xi32> to vector<32xbf16>
        %add3A_291 = arith.addf %add3A_250, %bitcast3A_286 : vector<32xbf16>
        %add3A_292 = arith.addf %add3A_291, %bitcast3A_290 : vector<32xbf16>
        %get3A_293 = arith.index_cast %scan3A_282 : i32 to index
        %get3A_294 = arith.constant 16 : index
        %get3A_295 = tpu.vector_load %arg8[%get3A_293, %get3A_294] {strides = array<i32>} : memref<100x64xi32, #tpu.memory_space<vmem>>, vector<16xi32>,
        %bitcast3A_296 = vector.bitcast %get3A_295 : vector<16xi32> to vector<32xbf16>
        %get3A_297 = arith.index_cast %scan3A_282 : i32 to index
        %get3A_298 = arith.constant 16 : index
        %get3A_299 = tpu.vector_load %arg9[%get3A_297, %get3A_298] {strides = array<i32>} : memref<100x64xi32, #tpu.memory_space<vmem>>, vector<16xi32>,
        %bitcast3A_300 = vector.bitcast %get3A_299 : vector<16xi32> to vector<32xbf16>
        %add3A_301 = arith.addf %add3A_260, %bitcast3A_296 : vector<32xbf16>
        %add3A_302 = arith.addf %add3A_301, %bitcast3A_300 : vector<32xbf16>
        %get3A_303 = arith.index_cast %scan3A_282 : i32 to index
        %get3A_304 = arith.constant 32 : index
        %get3A_305 = tpu.vector_load %arg8[%get3A_303, %get3A_304] {strides = array<i32>} : memref<100x64xi32, #tpu.memory_space<vmem>>, vector<16xi32>,
        %bitcast3A_306 = vector.bitcast %get3A_305 : vector<16xi32> to vector<32xbf16>
        %get3A_307 = arith.index_cast %scan3A_282 : i32 to index
        %get3A_308 = arith.constant 32 : index
        %get3A_309 = tpu.vector_load %arg9[%get3A_307, %get3A_308] {strides = array<i32>} : memref<100x64xi32, #tpu.memory_space<vmem>>, vector<16xi32>,
        %bitcast3A_310 = vector.bitcast %get3A_309 : vector<16xi32> to vector<32xbf16>
        %add3A_311 = arith.addf %add3A_270, %bitcast3A_306 : vector<32xbf16>
        %add3A_312 = arith.addf %add3A_311, %bitcast3A_310 : vector<32xbf16>
        %get3A_313 = arith.index_cast %scan3A_282 : i32 to index
        %get3A_314 = arith.constant 48 : index
        %get3A_315 = tpu.vector_load %arg8[%get3A_313, %get3A_314] {strides = array<i32>} : memref<100x64xi32, #tpu.memory_space<vmem>>, vector<16xi32>,
        %bitcast3A_316 = vector.bitcast %get3A_315 : vector<16xi32> to vector<32xbf16>
        %get3A_317 = arith.index_cast %scan3A_282 : i32 to index
        %get3A_318 = arith.constant 48 : index
        %get3A_319 = tpu.vector_load %arg9[%get3A_317, %get3A_318] {strides = array<i32>} : memref<100x64xi32, #tpu.memory_space<vmem>>, vector<16xi32>,
        %bitcast3A_320 = vector.bitcast %get3A_319 : vector<16xi32> to vector<32xbf16>
        %add3A_321 = arith.addf %add3A_280, %bitcast3A_316 : vector<32xbf16>
        %add3A_322 = arith.addf %add3A_321, %bitcast3A_320 : vector<32xbf16>
        %scan3A_323 = arith.constant 2 : i32
        %scan3A_324 = arith.addi %scan3A_237, %scan3A_323 : i32
        %get3A_325 = arith.index_cast %scan3A_324 : i32 to index
        %get3A_326 = arith.constant 0 : index
        %get3A_327 = tpu.vector_load %arg8[%get3A_325, %get3A_326] {strides = array<i32>} : memref<100x64xi32, #tpu.memory_space<vmem>>, vector<16xi32>,
        %bitcast3A_328 = vector.bitcast %get3A_327 : vector<16xi32> to vector<32xbf16>
        %get3A_329 = arith.index_cast %scan3A_324 : i32 to index
        %get3A_330 = arith.constant 0 : index
        %get3A_331 = tpu.vector_load %arg9[%get3A_329, %get3A_330] {strides = array<i32>} : memref<100x64xi32, #tpu.memory_space<vmem>>, vector<16xi32>,
        %bitcast3A_332 = vector.bitcast %get3A_331 : vector<16xi32> to vector<32xbf16>
        %add3A_333 = arith.addf %add3A_292, %bitcast3A_328 : vector<32xbf16>
        %add3A_334 = arith.addf %add3A_333, %bitcast3A_332 : vector<32xbf16>
        %get3A_335 = arith.index_cast %scan3A_324 : i32 to index
        %get3A_336 = arith.constant 16 : index
        %get3A_337 = tpu.vector_load %arg8[%get3A_335, %get3A_336] {strides = array<i32>} : memref<100x64xi32, #tpu.memory_space<vmem>>, vector<16xi32>,
        %bitcast3A_338 = vector.bitcast %get3A_337 : vector<16xi32> to vector<32xbf16>
        %get3A_339 = arith.index_cast %scan3A_324 : i32 to index
        %get3A_340 = arith.constant 16 : index
        %get3A_341 = tpu.vector_load %arg9[%get3A_339, %get3A_340] {strides = array<i32>} : memref<100x64xi32, #tpu.memory_space<vmem>>, vector<16xi32>,
        %bitcast3A_342 = vector.bitcast %get3A_341 : vector<16xi32> to vector<32xbf16>
        %add3A_343 = arith.addf %add3A_302, %bitcast3A_338 : vector<32xbf16>
        %add3A_344 = arith.addf %add3A_343, %bitcast3A_342 : vector<32xbf16>
        %get3A_345 = arith.index_cast %scan3A_324 : i32 to index
        %get3A_346 = arith.constant 32 : index
        %get3A_347 = tpu.vector_load %arg8[%get3A_345, %get3A_346] {strides = array<i32>} : memref<100x64xi32, #tpu.memory_space<vmem>>, vector<16xi32>,
        %bitcast3A_348 = vector.bitcast %get3A_347 : vector<16xi32> to vector<32xbf16>
        %get3A_349 = arith.index_cast %scan3A_324 : i32 to index
        %get3A_350 = arith.constant 32 : index
        %get3A_351 = tpu.vector_load %arg9[%get3A_349, %get3A_350] {strides = array<i32>} : memref<100x64xi32, #tpu.memory_space<vmem>>, vector<16xi32>,
        %bitcast3A_352 = vector.bitcast %get3A_351 : vector<16xi32> to vector<32xbf16>
        %add3A_353 = arith.addf %add3A_312, %bitcast3A_348 : vector<32xbf16>
        %add3A_354 = arith.addf %add3A_353, %bitcast3A_352 : vector<32xbf16>
        %get3A_355 = arith.index_cast %scan3A_324 : i32 to index
        %get3A_356 = arith.constant 48 : index
        %get3A_357 = tpu.vector_load %arg8[%get3A_355, %get3A_356] {strides = array<i32>} : memref<100x64xi32, #tpu.memory_space<vmem>>, vector<16xi32>,
        %bitcast3A_358 = vector.bitcast %get3A_357 : vector<16xi32> to vector<32xbf16>
        %get3A_359 = arith.index_cast %scan3A_324 : i32 to index
        %get3A_360 = arith.constant 48 : index
        %get3A_361 = tpu.vector_load %arg9[%get3A_359, %get3A_360] {strides = array<i32>} : memref<100x64xi32, #tpu.memory_space<vmem>>, vector<16xi32>,
        %bitcast3A_362 = vector.bitcast %get3A_361 : vector<16xi32> to vector<32xbf16>
        %add3A_363 = arith.addf %add3A_322, %bitcast3A_358 : vector<32xbf16>
        %add3A_364 = arith.addf %add3A_363, %bitcast3A_362 : vector<32xbf16>
        %scan3A_365 = arith.constant 3 : i32
        %scan3A_366 = arith.addi %scan3A_237, %scan3A_365 : i32
        %get3A_367 = arith.index_cast %scan3A_366 : i32 to index
        %get3A_368 = arith.constant 0 : index
        %get3A_369 = tpu.vector_load %arg8[%get3A_367, %get3A_368] {strides = array<i32>} : memref<100x64xi32, #tpu.memory_space<vmem>>, vector<16xi32>,
        %bitcast3A_370 = vector.bitcast %get3A_369 : vector<16xi32> to vector<32xbf16>
        %get3A_371 = arith.index_cast %scan3A_366 : i32 to index
        %get3A_372 = arith.constant 0 : index
        %get3A_373 = tpu.vector_load %arg9[%get3A_371, %get3A_372] {strides = array<i32>} : memref<100x64xi32, #tpu.memory_space<vmem>>, vector<16xi32>,
        %bitcast3A_374 = vector.bitcast %get3A_373 : vector<16xi32> to vector<32xbf16>
        %add3A_375 = arith.addf %add3A_334, %bitcast3A_370 : vector<32xbf16>
        %add3A_376 = arith.addf %add3A_375, %bitcast3A_374 : vector<32xbf16>
        %get3A_377 = arith.index_cast %scan3A_366 : i32 to index
        %get3A_378 = arith.constant 16 : index
        %get3A_379 = tpu.vector_load %arg8[%get3A_377, %get3A_378] {strides = array<i32>} : memref<100x64xi32, #tpu.memory_space<vmem>>, vector<16xi32>,
        %bitcast3A_380 = vector.bitcast %get3A_379 : vector<16xi32> to vector<32xbf16>
        %get3A_381 = arith.index_cast %scan3A_366 : i32 to index
        %get3A_382 = arith.constant 16 : index
        %get3A_383 = tpu.vector_load %arg9[%get3A_381, %get3A_382] {strides = array<i32>} : memref<100x64xi32, #tpu.memory_space<vmem>>, vector<16xi32>,
        %bitcast3A_384 = vector.bitcast %get3A_383 : vector<16xi32> to vector<32xbf16>
        %add3A_385 = arith.addf %add3A_344, %bitcast3A_380 : vector<32xbf16>
        %add3A_386 = arith.addf %add3A_385, %bitcast3A_384 : vector<32xbf16>
        %get3A_387 = arith.index_cast %scan3A_366 : i32 to index
        %get3A_388 = arith.constant 32 : index
        %get3A_389 = tpu.vector_load %arg8[%get3A_387, %get3A_388] {strides = array<i32>} : memref<100x64xi32, #tpu.memory_space<vmem>>, vector<16xi32>,
        %bitcast3A_390 = vector.bitcast %get3A_389 : vector<16xi32> to vector<32xbf16>
        %get3A_391 = arith.index_cast %scan3A_366 : i32 to index
        %get3A_392 = arith.constant 32 : index
        %get3A_393 = tpu.vector_load %arg9[%get3A_391, %get3A_392] {strides = array<i32>} : memref<100x64xi32, #tpu.memory_space<vmem>>, vector<16xi32>,
        %bitcast3A_394 = vector.bitcast %get3A_393 : vector<16xi32> to vector<32xbf16>
        %add3A_395 = arith.addf %add3A_354, %bitcast3A_390 : vector<32xbf16>
        %add3A_396 = arith.addf %add3A_395, %bitcast3A_394 : vector<32xbf16>
        %get3A_397 = arith.index_cast %scan3A_366 : i32 to index
        %get3A_398 = arith.constant 48 : index
        %get3A_399 = tpu.vector_load %arg8[%get3A_397, %get3A_398] {strides = array<i32>} : memref<100x64xi32, #tpu.memory_space<vmem>>, vector<16xi32>,
        %bitcast3A_400 = vector.bitcast %get3A_399 : vector<16xi32> to vector<32xbf16>
        %get3A_401 = arith.index_cast %scan3A_366 : i32 to index
        %get3A_402 = arith.constant 48 : index
        %get3A_403 = tpu.vector_load %arg9[%get3A_401, %get3A_402] {strides = array<i32>} : memref<100x64xi32, #tpu.memory_space<vmem>>, vector<16xi32>,
        %bitcast3A_404 = vector.bitcast %get3A_403 : vector<16xi32> to vector<32xbf16>
        %add3A_405 = arith.addf %add3A_364, %bitcast3A_400 : vector<32xbf16>
        %add3A_406 = arith.addf %add3A_405, %bitcast3A_404 : vector<32xbf16>
        scf.yield %add3A_376, %add3A_386, %add3A_396, %add3A_406 : vector<32xbf16>, vector<32xbf16>, vector<32xbf16>, vector<32xbf16>
      }
      %scan3A_126 = arith.constant 100 : i32
      %bitcast3A_127 = vector.bitcast %scan3A_125#0 : vector<32xbf16> to vector<16xi32>
      %swap3A_128 = arith.index_cast %add3A_97 : i32 to index
      %swap3A_129 = arith.constant 0 : index
      %swap3A_130 = tpu.vector_load %arg14[%swap3A_128, %swap3A_129] {strides = array<i32>} : memref<64x64xi32, #tpu.memory_space<vmem>>, vector<16xi32>,
      tpu.vector_store %arg14[%swap3A_128, %swap3A_129], %bitcast3A_127 {strides = array<i32>} : memref<64x64xi32, #tpu.memory_space<vmem>>, vector<16xi32>,
      %bitcast3A_131 = vector.bitcast %scan3A_125#1 : vector<32xbf16> to vector<16xi32>
      %swap3A_132 = arith.index_cast %add3A_97 : i32 to index
      %swap3A_133 = arith.constant 16 : index
      %swap3A_134 = tpu.vector_load %arg14[%swap3A_132, %swap3A_133] {strides = array<i32>} : memref<64x64xi32, #tpu.memory_space<vmem>>, vector<16xi32>,
      tpu.vector_store %arg14[%swap3A_132, %swap3A_133], %bitcast3A_131 {strides = array<i32>} : memref<64x64xi32, #tpu.memory_space<vmem>>, vector<16xi32>,
      %bitcast3A_135 = vector.bitcast %scan3A_125#2 : vector<32xbf16> to vector<16xi32>
      %swap3A_136 = arith.index_cast %add3A_97 : i32 to index
      %swap3A_137 = arith.constant 32 : index
      %swap3A_138 = tpu.vector_load %arg14[%swap3A_136, %swap3A_137] {strides = array<i32>} : memref<64x64xi32, #tpu.memory_space<vmem>>, vector<16xi32>,
      tpu.vector_store %arg14[%swap3A_136, %swap3A_137], %bitcast3A_135 {strides = array<i32>} : memref<64x64xi32, #tpu.memory_space<vmem>>, vector<16xi32>,
      %bitcast3A_139 = vector.bitcast %scan3A_125#3 : vector<32xbf16> to vector<16xi32>
      %swap3A_140 = arith.index_cast %add3A_97 : i32 to index
      %swap3A_141 = arith.constant 48 : index
      %swap3A_142 = tpu.vector_load %arg14[%swap3A_140, %swap3A_141] {strides = array<i32>} : memref<64x64xi32, #tpu.memory_space<vmem>>, vector<16xi32>,
      tpu.vector_store %arg14[%swap3A_140, %swap3A_141], %bitcast3A_139 {strides = array<i32>} : memref<64x64xi32, #tpu.memory_space<vmem>>, vector<16xi32>,
      %add3A_143 = arith.constant 2 : i32
      %add3A_144 = arith.addi %add3A_55, %add3A_143 : i32
      %add3A_145 = arith.constant 4 : i32
      %add3A_146 = arith.addi %add3A_144, %add3A_145 : i32
      %sub3A_147 = arith.constant 1 : i32
      %sub3A_148 = arith.subi %add3A_146, %sub3A_147 : i32
      %lt3A_149 = arith.constant 64 : i32
      %lt3A_150 = arith.cmpi slt, %sub3A_148, %lt3A_149 : i32
      %convert_element_type3A_151 = arith.extui %lt3A_150 : i1 to i32
      %cond3A_152 = arith.constant 0 : i32
      %cond3A_153 = arith.cmpi ne, %convert_element_type3A_151, %cond3A_152 : i32
      scf.if %cond3A_153 {
        %add3A_237 = arith.constant 4 : i32
        %add3A_238 = arith.addi %add3A_144, %add3A_237 : i32
        %sub3A_239 = arith.constant 1 : i32
        %sub3A_240 = arith.subi %add3A_238, %sub3A_239 : i32
        %mul3A_241 = arith.constant 2 : i32
        %mul3A_242 = arith.muli %mul3A_241, %sub3A_240 : i32
        %dma_start3A_243 = arith.constant 0 : i32
        %dma_start3A_244 = tpu.memref_slice %arg5[%mul3A_242, %dma_start3A_243] : memref<128x100xi32, #tpu.memory_space<vmem>> -> memref<1x100xi32, #tpu.memory_space<vmem>>
        %dma_start3A_245 = tpu.memref_squeeze %dma_start3A_244 : memref<1x100xi32, #tpu.memory_space<vmem>> -> memref<100xi32, #tpu.memory_space<vmem>>
        %dma_start3A_246 = arith.constant 0 : i32
        %dma_start3A_247 = arith.constant 0 : i32
        %dma_start3A_248 = tpu.memref_slice %arg3[%dma_start3A_246, %dma_start3A_247] : memref<100000x64xi32, #tpu.memory_space<hbm>> -> memref<100000x64xi32, #tpu.memory_space<hbm>>
        tpu.enqueue_indirect_dma source(%dma_start3A_248 : memref<100000x64xi32, #tpu.memory_space<hbm>>) target(%arg8 : memref<100x64xi32, #tpu.memory_space<vmem>>) offsets(%dma_start3A_245 : memref<100xi32, #tpu.memory_space<vmem>>) semaphore(%arg16 : memref<!tpu.dma_semaphore, #tpu.memory_space<semaphore_mem>>)
        %mul3A_249 = arith.constant 2 : i32
        %mul3A_250 = arith.muli %mul3A_249, %sub3A_240 : i32
        %add3A_251 = arith.constant 1 : i32
        %add3A_252 = arith.addi %mul3A_250, %add3A_251 : i32
        %dma_start3A_253 = arith.constant 0 : i32
        %dma_start3A_254 = tpu.memref_slice %arg5[%add3A_252, %dma_start3A_253] : memref<128x100xi32, #tpu.memory_space<vmem>> -> memref<1x100xi32, #tpu.memory_space<vmem>>
        %dma_start3A_255 = tpu.memref_squeeze %dma_start3A_254 : memref<1x100xi32, #tpu.memory_space<vmem>> -> memref<100xi32, #tpu.memory_space<vmem>>
        %dma_start3A_256 = arith.constant 0 : i32
        %dma_start3A_257 = arith.constant 0 : i32
        %dma_start3A_258 = tpu.memref_slice %arg3[%dma_start3A_256, %dma_start3A_257] : memref<100000x64xi32, #tpu.memory_space<hbm>> -> memref<100000x64xi32, #tpu.memory_space<hbm>>
        tpu.enqueue_indirect_dma source(%dma_start3A_258 : memref<100000x64xi32, #tpu.memory_space<hbm>>) target(%arg9 : memref<100x64xi32, #tpu.memory_space<vmem>>) offsets(%dma_start3A_255 : memref<100xi32, #tpu.memory_space<vmem>>) semaphore(%arg16 : memref<!tpu.dma_semaphore, #tpu.memory_space<semaphore_mem>>)
      } else {
      }
      %dma_wait3A_154 = arith.constant 0 : i32
      %dma_wait3A_155 = arith.constant 0 : i32
      %dma_wait3A_156 = tpu.memref_slice %arg5[%dma_wait3A_154, %dma_wait3A_155] : memref<128x100xi32, #tpu.memory_space<vmem>> -> memref<1x100xi32, #tpu.memory_space<vmem>>
      %dma_wait3A_157 = tpu.memref_squeeze %dma_wait3A_156 : memref<1x100xi32, #tpu.memory_space<vmem>> -> memref<100xi32, #tpu.memory_space<vmem>>
      %dma_wait3A_158 = arith.constant 0 : i32
      %dma_wait3A_159 = arith.constant 0 : i32
      %dma_wait3A_160 = tpu.memref_slice %arg3[%dma_wait3A_158, %dma_wait3A_159] : memref<100000x64xi32, #tpu.memory_space<hbm>> -> memref<100000x64xi32, #tpu.memory_space<hbm>>
      tpu.wait_indirect_dma semaphore(%arg17 : memref<!tpu.dma_semaphore, #tpu.memory_space<semaphore_mem>>) src(%dma_wait3A_160 : memref<100000x64xi32, #tpu.memory_space<hbm>>) dst(%arg10 : memref<100x64xi32, #tpu.memory_space<vmem>>)
      %dma_wait3A_161 = arith.constant 0 : i32
      %dma_wait3A_162 = arith.constant 0 : i32
      %dma_wait3A_163 = tpu.memref_slice %arg5[%dma_wait3A_161, %dma_wait3A_162] : memref<128x100xi32, #tpu.memory_space<vmem>> -> memref<1x100xi32, #tpu.memory_space<vmem>>
      %dma_wait3A_164 = tpu.memref_squeeze %dma_wait3A_163 : memref<1x100xi32, #tpu.memory_space<vmem>> -> memref<100xi32, #tpu.memory_space<vmem>>
      %dma_wait3A_165 = arith.constant 0 : i32
      %dma_wait3A_166 = arith.constant 0 : i32
      %dma_wait3A_167 = tpu.memref_slice %arg3[%dma_wait3A_165, %dma_wait3A_166] : memref<100000x64xi32, #tpu.memory_space<hbm>> -> memref<100000x64xi32, #tpu.memory_space<hbm>>
      tpu.wait_indirect_dma semaphore(%arg17 : memref<!tpu.dma_semaphore, #tpu.memory_space<semaphore_mem>>) src(%dma_wait3A_167 : memref<100000x64xi32, #tpu.memory_space<hbm>>) dst(%arg11 : memref<100x64xi32, #tpu.memory_space<vmem>>)
      %scan3A_168 = arith.constant 0 : i32
      %scan3A_169 = arith.constant 100 : i32
      %scan3A_170 = arith.addi %scan3A_168, %scan3A_169 : i32
      %scan3A_171 = arith.constant 4 : i32
      %scan3A_172:4 = scf.for %scan3A_237 = %scan3A_168 to %scan3A_170 step %scan3A_171 iter_args(%scan3A_238 = %broadcast_in_dim3A_44, %scan3A_239 = %broadcast_in_dim3A_44, %scan3A_240 = %broadcast_in_dim3A_44, %scan3A_241 = %broadcast_in_dim3A_44) -> (vector<32xbf16>, vector<32xbf16>, vector<32xbf16>, vector<32xbf16>)  : i32 {
        %get3A = arith.index_cast %scan3A_237 : i32 to index
        %get3A_242 = arith.constant 0 : index
        %get3A_243 = tpu.vector_load %arg10[%get3A, %get3A_242] {strides = array<i32>} : memref<100x64xi32, #tpu.memory_space<vmem>>, vector<16xi32>,
        %bitcast3A_244 = vector.bitcast %get3A_243 : vector<16xi32> to vector<32xbf16>
        %get3A_245 = arith.index_cast %scan3A_237 : i32 to index
        %get3A_246 = arith.constant 0 : index
        %get3A_247 = tpu.vector_load %arg11[%get3A_245, %get3A_246] {strides = array<i32>} : memref<100x64xi32, #tpu.memory_space<vmem>>, vector<16xi32>,
        %bitcast3A_248 = vector.bitcast %get3A_247 : vector<16xi32> to vector<32xbf16>
        %add3A_249 = arith.addf %scan3A_238, %bitcast3A_244 : vector<32xbf16>
        %add3A_250 = arith.addf %add3A_249, %bitcast3A_248 : vector<32xbf16>
        %get3A_251 = arith.index_cast %scan3A_237 : i32 to index
        %get3A_252 = arith.constant 16 : index
        %get3A_253 = tpu.vector_load %arg10[%get3A_251, %get3A_252] {strides = array<i32>} : memref<100x64xi32, #tpu.memory_space<vmem>>, vector<16xi32>,
        %bitcast3A_254 = vector.bitcast %get3A_253 : vector<16xi32> to vector<32xbf16>
        %get3A_255 = arith.index_cast %scan3A_237 : i32 to index
        %get3A_256 = arith.constant 16 : index
        %get3A_257 = tpu.vector_load %arg11[%get3A_255, %get3A_256] {strides = array<i32>} : memref<100x64xi32, #tpu.memory_space<vmem>>, vector<16xi32>,
        %bitcast3A_258 = vector.bitcast %get3A_257 : vector<16xi32> to vector<32xbf16>
        %add3A_259 = arith.addf %scan3A_239, %bitcast3A_254 : vector<32xbf16>
        %add3A_260 = arith.addf %add3A_259, %bitcast3A_258 : vector<32xbf16>
        %get3A_261 = arith.index_cast %scan3A_237 : i32 to index
        %get3A_262 = arith.constant 32 : index
        %get3A_263 = tpu.vector_load %arg10[%get3A_261, %get3A_262] {strides = array<i32>} : memref<100x64xi32, #tpu.memory_space<vmem>>, vector<16xi32>,
        %bitcast3A_264 = vector.bitcast %get3A_263 : vector<16xi32> to vector<32xbf16>
        %get3A_265 = arith.index_cast %scan3A_237 : i32 to index
        %get3A_266 = arith.constant 32 : index
        %get3A_267 = tpu.vector_load %arg11[%get3A_265, %get3A_266] {strides = array<i32>} : memref<100x64xi32, #tpu.memory_space<vmem>>, vector<16xi32>,
        %bitcast3A_268 = vector.bitcast %get3A_267 : vector<16xi32> to vector<32xbf16>
        %add3A_269 = arith.addf %scan3A_240, %bitcast3A_264 : vector<32xbf16>
        %add3A_270 = arith.addf %add3A_269, %bitcast3A_268 : vector<32xbf16>
        %get3A_271 = arith.index_cast %scan3A_237 : i32 to index
        %get3A_272 = arith.constant 48 : index
        %get3A_273 = tpu.vector_load %arg10[%get3A_271, %get3A_272] {strides = array<i32>} : memref<100x64xi32, #tpu.memory_space<vmem>>, vector<16xi32>,
        %bitcast3A_274 = vector.bitcast %get3A_273 : vector<16xi32> to vector<32xbf16>
        %get3A_275 = arith.index_cast %scan3A_237 : i32 to index
        %get3A_276 = arith.constant 48 : index
        %get3A_277 = tpu.vector_load %arg11[%get3A_275, %get3A_276] {strides = array<i32>} : memref<100x64xi32, #tpu.memory_space<vmem>>, vector<16xi32>,
        %bitcast3A_278 = vector.bitcast %get3A_277 : vector<16xi32> to vector<32xbf16>
        %add3A_279 = arith.addf %scan3A_241, %bitcast3A_274 : vector<32xbf16>
        %add3A_280 = arith.addf %add3A_279, %bitcast3A_278 : vector<32xbf16>
        %scan3A_281 = arith.constant 1 : i32
        %scan3A_282 = arith.addi %scan3A_237, %scan3A_281 : i32
        %get3A_283 = arith.index_cast %scan3A_282 : i32 to index
        %get3A_284 = arith.constant 0 : index
        %get3A_285 = tpu.vector_load %arg10[%get3A_283, %get3A_284] {strides = array<i32>} : memref<100x64xi32, #tpu.memory_space<vmem>>, vector<16xi32>,
        %bitcast3A_286 = vector.bitcast %get3A_285 : vector<16xi32> to vector<32xbf16>
        %get3A_287 = arith.index_cast %scan3A_282 : i32 to index
        %get3A_288 = arith.constant 0 : index
        %get3A_289 = tpu.vector_load %arg11[%get3A_287, %get3A_288] {strides = array<i32>} : memref<100x64xi32, #tpu.memory_space<vmem>>, vector<16xi32>,
        %bitcast3A_290 = vector.bitcast %get3A_289 : vector<16xi32> to vector<32xbf16>
        %add3A_291 = arith.addf %add3A_250, %bitcast3A_286 : vector<32xbf16>
        %add3A_292 = arith.addf %add3A_291, %bitcast3A_290 : vector<32xbf16>
        %get3A_293 = arith.index_cast %scan3A_282 : i32 to index
        %get3A_294 = arith.constant 16 : index
        %get3A_295 = tpu.vector_load %arg10[%get3A_293, %get3A_294] {strides = array<i32>} : memref<100x64xi32, #tpu.memory_space<vmem>>, vector<16xi32>,
        %bitcast3A_296 = vector.bitcast %get3A_295 : vector<16xi32> to vector<32xbf16>
        %get3A_297 = arith.index_cast %scan3A_282 : i32 to index
        %get3A_298 = arith.constant 16 : index
        %get3A_299 = tpu.vector_load %arg11[%get3A_297, %get3A_298] {strides = array<i32>} : memref<100x64xi32, #tpu.memory_space<vmem>>, vector<16xi32>,
        %bitcast3A_300 = vector.bitcast %get3A_299 : vector<16xi32> to vector<32xbf16>
        %add3A_301 = arith.addf %add3A_260, %bitcast3A_296 : vector<32xbf16>
        %add3A_302 = arith.addf %add3A_301, %bitcast3A_300 : vector<32xbf16>
        %get3A_303 = arith.index_cast %scan3A_282 : i32 to index
        %get3A_304 = arith.constant 32 : index
        %get3A_305 = tpu.vector_load %arg10[%get3A_303, %get3A_304] {strides = array<i32>} : memref<100x64xi32, #tpu.memory_space<vmem>>, vector<16xi32>,
        %bitcast3A_306 = vector.bitcast %get3A_305 : vector<16xi32> to vector<32xbf16>
        %get3A_307 = arith.index_cast %scan3A_282 : i32 to index
        %get3A_308 = arith.constant 32 : index
        %get3A_309 = tpu.vector_load %arg11[%get3A_307, %get3A_308] {strides = array<i32>} : memref<100x64xi32, #tpu.memory_space<vmem>>, vector<16xi32>,
        %bitcast3A_310 = vector.bitcast %get3A_309 : vector<16xi32> to vector<32xbf16>
        %add3A_311 = arith.addf %add3A_270, %bitcast3A_306 : vector<32xbf16>
        %add3A_312 = arith.addf %add3A_311, %bitcast3A_310 : vector<32xbf16>
        %get3A_313 = arith.index_cast %scan3A_282 : i32 to index
        %get3A_314 = arith.constant 48 : index
        %get3A_315 = tpu.vector_load %arg10[%get3A_313, %get3A_314] {strides = array<i32>} : memref<100x64xi32, #tpu.memory_space<vmem>>, vector<16xi32>,
        %bitcast3A_316 = vector.bitcast %get3A_315 : vector<16xi32> to vector<32xbf16>
        %get3A_317 = arith.index_cast %scan3A_282 : i32 to index
        %get3A_318 = arith.constant 48 : index
        %get3A_319 = tpu.vector_load %arg11[%get3A_317, %get3A_318] {strides = array<i32>} : memref<100x64xi32, #tpu.memory_space<vmem>>, vector<16xi32>,
        %bitcast3A_320 = vector.bitcast %get3A_319 : vector<16xi32> to vector<32xbf16>
        %add3A_321 = arith.addf %add3A_280, %bitcast3A_316 : vector<32xbf16>
        %add3A_322 = arith.addf %add3A_321, %bitcast3A_320 : vector<32xbf16>
        %scan3A_323 = arith.constant 2 : i32
        %scan3A_324 = arith.addi %scan3A_237, %scan3A_323 : i32
        %get3A_325 = arith.index_cast %scan3A_324 : i32 to index
        %get3A_326 = arith.constant 0 : index
        %get3A_327 = tpu.vector_load %arg10[%get3A_325, %get3A_326] {strides = array<i32>} : memref<100x64xi32, #tpu.memory_space<vmem>>, vector<16xi32>,
        %bitcast3A_328 = vector.bitcast %get3A_327 : vector<16xi32> to vector<32xbf16>
        %get3A_329 = arith.index_cast %scan3A_324 : i32 to index
        %get3A_330 = arith.constant 0 : index
        %get3A_331 = tpu.vector_load %arg11[%get3A_329, %get3A_330] {strides = array<i32>} : memref<100x64xi32, #tpu.memory_space<vmem>>, vector<16xi32>,
        %bitcast3A_332 = vector.bitcast %get3A_331 : vector<16xi32> to vector<32xbf16>
        %add3A_333 = arith.addf %add3A_292, %bitcast3A_328 : vector<32xbf16>
        %add3A_334 = arith.addf %add3A_333, %bitcast3A_332 : vector<32xbf16>
        %get3A_335 = arith.index_cast %scan3A_324 : i32 to index
        %get3A_336 = arith.constant 16 : index
        %get3A_337 = tpu.vector_load %arg10[%get3A_335, %get3A_336] {strides = array<i32>} : memref<100x64xi32, #tpu.memory_space<vmem>>, vector<16xi32>,
        %bitcast3A_338 = vector.bitcast %get3A_337 : vector<16xi32> to vector<32xbf16>
        %get3A_339 = arith.index_cast %scan3A_324 : i32 to index
        %get3A_340 = arith.constant 16 : index
        %get3A_341 = tpu.vector_load %arg11[%get3A_339, %get3A_340] {strides = array<i32>} : memref<100x64xi32, #tpu.memory_space<vmem>>, vector<16xi32>,
        %bitcast3A_342 = vector.bitcast %get3A_341 : vector<16xi32> to vector<32xbf16>
        %add3A_343 = arith.addf %add3A_302, %bitcast3A_338 : vector<32xbf16>
        %add3A_344 = arith.addf %add3A_343, %bitcast3A_342 : vector<32xbf16>
        %get3A_345 = arith.index_cast %scan3A_324 : i32 to index
        %get3A_346 = arith.constant 32 : index
        %get3A_347 = tpu.vector_load %arg10[%get3A_345, %get3A_346] {strides = array<i32>} : memref<100x64xi32, #tpu.memory_space<vmem>>, vector<16xi32>,
        %bitcast3A_348 = vector.bitcast %get3A_347 : vector<16xi32> to vector<32xbf16>
        %get3A_349 = arith.index_cast %scan3A_324 : i32 to index
        %get3A_350 = arith.constant 32 : index
        %get3A_351 = tpu.vector_load %arg11[%get3A_349, %get3A_350] {strides = array<i32>} : memref<100x64xi32, #tpu.memory_space<vmem>>, vector<16xi32>,
        %bitcast3A_352 = vector.bitcast %get3A_351 : vector<16xi32> to vector<32xbf16>
        %add3A_353 = arith.addf %add3A_312, %bitcast3A_348 : vector<32xbf16>
        %add3A_354 = arith.addf %add3A_353, %bitcast3A_352 : vector<32xbf16>
        %get3A_355 = arith.index_cast %scan3A_324 : i32 to index
        %get3A_356 = arith.constant 48 : index
        %get3A_357 = tpu.vector_load %arg10[%get3A_355, %get3A_356] {strides = array<i32>} : memref<100x64xi32, #tpu.memory_space<vmem>>, vector<16xi32>,
        %bitcast3A_358 = vector.bitcast %get3A_357 : vector<16xi32> to vector<32xbf16>
        %get3A_359 = arith.index_cast %scan3A_324 : i32 to index
        %get3A_360 = arith.constant 48 : index
        %get3A_361 = tpu.vector_load %arg11[%get3A_359, %get3A_360] {strides = array<i32>} : memref<100x64xi32, #tpu.memory_space<vmem>>, vector<16xi32>,
        %bitcast3A_362 = vector.bitcast %get3A_361 : vector<16xi32> to vector<32xbf16>
        %add3A_363 = arith.addf %add3A_322, %bitcast3A_358 : vector<32xbf16>
        %add3A_364 = arith.addf %add3A_363, %bitcast3A_362 : vector<32xbf16>
        %scan3A_365 = arith.constant 3 : i32
        %scan3A_366 = arith.addi %scan3A_237, %scan3A_365 : i32
        %get3A_367 = arith.index_cast %scan3A_366 : i32 to index
        %get3A_368 = arith.constant 0 : index
        %get3A_369 = tpu.vector_load %arg10[%get3A_367, %get3A_368] {strides = array<i32>} : memref<100x64xi32, #tpu.memory_space<vmem>>, vector<16xi32>,
        %bitcast3A_370 = vector.bitcast %get3A_369 : vector<16xi32> to vector<32xbf16>
        %get3A_371 = arith.index_cast %scan3A_366 : i32 to index
        %get3A_372 = arith.constant 0 : index
        %get3A_373 = tpu.vector_load %arg11[%get3A_371, %get3A_372] {strides = array<i32>} : memref<100x64xi32, #tpu.memory_space<vmem>>, vector<16xi32>,
        %bitcast3A_374 = vector.bitcast %get3A_373 : vector<16xi32> to vector<32xbf16>
        %add3A_375 = arith.addf %add3A_334, %bitcast3A_370 : vector<32xbf16>
        %add3A_376 = arith.addf %add3A_375, %bitcast3A_374 : vector<32xbf16>
        %get3A_377 = arith.index_cast %scan3A_366 : i32 to index
        %get3A_378 = arith.constant 16 : index
        %get3A_379 = tpu.vector_load %arg10[%get3A_377, %get3A_378] {strides = array<i32>} : memref<100x64xi32, #tpu.memory_space<vmem>>, vector<16xi32>,
        %bitcast3A_380 = vector.bitcast %get3A_379 : vector<16xi32> to vector<32xbf16>
        %get3A_381 = arith.index_cast %scan3A_366 : i32 to index
        %get3A_382 = arith.constant 16 : index
        %get3A_383 = tpu.vector_load %arg11[%get3A_381, %get3A_382] {strides = array<i32>} : memref<100x64xi32, #tpu.memory_space<vmem>>, vector<16xi32>,
        %bitcast3A_384 = vector.bitcast %get3A_383 : vector<16xi32> to vector<32xbf16>
        %add3A_385 = arith.addf %add3A_344, %bitcast3A_380 : vector<32xbf16>
        %add3A_386 = arith.addf %add3A_385, %bitcast3A_384 : vector<32xbf16>
        %get3A_387 = arith.index_cast %scan3A_366 : i32 to index
        %get3A_388 = arith.constant 32 : index
        %get3A_389 = tpu.vector_load %arg10[%get3A_387, %get3A_388] {strides = array<i32>} : memref<100x64xi32, #tpu.memory_space<vmem>>, vector<16xi32>,
        %bitcast3A_390 = vector.bitcast %get3A_389 : vector<16xi32> to vector<32xbf16>
        %get3A_391 = arith.index_cast %scan3A_366 : i32 to index
        %get3A_392 = arith.constant 32 : index
        %get3A_393 = tpu.vector_load %arg11[%get3A_391, %get3A_392] {strides = array<i32>} : memref<100x64xi32, #tpu.memory_space<vmem>>, vector<16xi32>,
        %bitcast3A_394 = vector.bitcast %get3A_393 : vector<16xi32> to vector<32xbf16>
        %add3A_395 = arith.addf %add3A_354, %bitcast3A_390 : vector<32xbf16>
        %add3A_396 = arith.addf %add3A_395, %bitcast3A_394 : vector<32xbf16>
        %get3A_397 = arith.index_cast %scan3A_366 : i32 to index
        %get3A_398 = arith.constant 48 : index
        %get3A_399 = tpu.vector_load %arg10[%get3A_397, %get3A_398] {strides = array<i32>} : memref<100x64xi32, #tpu.memory_space<vmem>>, vector<16xi32>,
        %bitcast3A_400 = vector.bitcast %get3A_399 : vector<16xi32> to vector<32xbf16>
        %get3A_401 = arith.index_cast %scan3A_366 : i32 to index
        %get3A_402 = arith.constant 48 : index
        %get3A_403 = tpu.vector_load %arg11[%get3A_401, %get3A_402] {strides = array<i32>} : memref<100x64xi32, #tpu.memory_space<vmem>>, vector<16xi32>,
        %bitcast3A_404 = vector.bitcast %get3A_403 : vector<16xi32> to vector<32xbf16>
        %add3A_405 = arith.addf %add3A_364, %bitcast3A_400 : vector<32xbf16>
        %add3A_406 = arith.addf %add3A_405, %bitcast3A_404 : vector<32xbf16>
        scf.yield %add3A_376, %add3A_386, %add3A_396, %add3A_406 : vector<32xbf16>, vector<32xbf16>, vector<32xbf16>, vector<32xbf16>
      }
      %scan3A_173 = arith.constant 100 : i32
      %bitcast3A_174 = vector.bitcast %scan3A_172#0 : vector<32xbf16> to vector<16xi32>
      %swap3A_175 = arith.index_cast %add3A_144 : i32 to index
      %swap3A_176 = arith.constant 0 : index
      %swap3A_177 = tpu.vector_load %arg14[%swap3A_175, %swap3A_176] {strides = array<i32>} : memref<64x64xi32, #tpu.memory_space<vmem>>, vector<16xi32>,
      tpu.vector_store %arg14[%swap3A_175, %swap3A_176], %bitcast3A_174 {strides = array<i32>} : memref<64x64xi32, #tpu.memory_space<vmem>>, vector<16xi32>,
      %bitcast3A_178 = vector.bitcast %scan3A_172#1 : vector<32xbf16> to vector<16xi32>
      %swap3A_179 = arith.index_cast %add3A_144 : i32 to index
      %swap3A_180 = arith.constant 16 : index
      %swap3A_181 = tpu.vector_load %arg14[%swap3A_179, %swap3A_180] {strides = array<i32>} : memref<64x64xi32, #tpu.memory_space<vmem>>, vector<16xi32>,
      tpu.vector_store %arg14[%swap3A_179, %swap3A_180], %bitcast3A_178 {strides = array<i32>} : memref<64x64xi32, #tpu.memory_space<vmem>>, vector<16xi32>,
      %bitcast3A_182 = vector.bitcast %scan3A_172#2 : vector<32xbf16> to vector<16xi32>
      %swap3A_183 = arith.index_cast %add3A_144 : i32 to index
      %swap3A_184 = arith.constant 32 : index
      %swap3A_185 = tpu.vector_load %arg14[%swap3A_183, %swap3A_184] {strides = array<i32>} : memref<64x64xi32, #tpu.memory_space<vmem>>, vector<16xi32>,
      tpu.vector_store %arg14[%swap3A_183, %swap3A_184], %bitcast3A_182 {strides = array<i32>} : memref<64x64xi32, #tpu.memory_space<vmem>>, vector<16xi32>,
      %bitcast3A_186 = vector.bitcast %scan3A_172#3 : vector<32xbf16> to vector<16xi32>
      %swap3A_187 = arith.index_cast %add3A_144 : i32 to index
      %swap3A_188 = arith.constant 48 : index
      %swap3A_189 = tpu.vector_load %arg14[%swap3A_187, %swap3A_188] {strides = array<i32>} : memref<64x64xi32, #tpu.memory_space<vmem>>, vector<16xi32>,
      tpu.vector_store %arg14[%swap3A_187, %swap3A_188], %bitcast3A_186 {strides = array<i32>} : memref<64x64xi32, #tpu.memory_space<vmem>>, vector<16xi32>,
      %add3A_190 = arith.constant 3 : i32
      %add3A_191 = arith.addi %add3A_55, %add3A_190 : i32
      %add3A_192 = arith.constant 4 : i32
      %add3A_193 = arith.addi %add3A_191, %add3A_192 : i32
      %sub3A_194 = arith.constant 1 : i32
      %sub3A_195 = arith.subi %add3A_193, %sub3A_194 : i32
      %lt3A_196 = arith.constant 64 : i32
      %lt3A_197 = arith.cmpi slt, %sub3A_195, %lt3A_196 : i32
      %convert_element_type3A_198 = arith.extui %lt3A_197 : i1 to i32
      %cond3A_199 = arith.constant 0 : i32
      %cond3A_200 = arith.cmpi ne, %convert_element_type3A_198, %cond3A_199 : i32
      scf.if %cond3A_200 {
        %add3A_237 = arith.constant 4 : i32
        %add3A_238 = arith.addi %add3A_191, %add3A_237 : i32
        %sub3A_239 = arith.constant 1 : i32
        %sub3A_240 = arith.subi %add3A_238, %sub3A_239 : i32
        %mul3A_241 = arith.constant 2 : i32
        %mul3A_242 = arith.muli %mul3A_241, %sub3A_240 : i32
        %dma_start3A_243 = arith.constant 0 : i32
        %dma_start3A_244 = tpu.memref_slice %arg5[%mul3A_242, %dma_start3A_243] : memref<128x100xi32, #tpu.memory_space<vmem>> -> memref<1x100xi32, #tpu.memory_space<vmem>>
        %dma_start3A_245 = tpu.memref_squeeze %dma_start3A_244 : memref<1x100xi32, #tpu.memory_space<vmem>> -> memref<100xi32, #tpu.memory_space<vmem>>
        %dma_start3A_246 = arith.constant 0 : i32
        %dma_start3A_247 = arith.constant 0 : i32
        %dma_start3A_248 = tpu.memref_slice %arg3[%dma_start3A_246, %dma_start3A_247] : memref<100000x64xi32, #tpu.memory_space<hbm>> -> memref<100000x64xi32, #tpu.memory_space<hbm>>
        tpu.enqueue_indirect_dma source(%dma_start3A_248 : memref<100000x64xi32, #tpu.memory_space<hbm>>) target(%arg10 : memref<100x64xi32, #tpu.memory_space<vmem>>) offsets(%dma_start3A_245 : memref<100xi32, #tpu.memory_space<vmem>>) semaphore(%arg17 : memref<!tpu.dma_semaphore, #tpu.memory_space<semaphore_mem>>)
        %mul3A_249 = arith.constant 2 : i32
        %mul3A_250 = arith.muli %mul3A_249, %sub3A_240 : i32
        %add3A_251 = arith.constant 1 : i32
        %add3A_252 = arith.addi %mul3A_250, %add3A_251 : i32
        %dma_start3A_253 = arith.constant 0 : i32
        %dma_start3A_254 = tpu.memref_slice %arg5[%add3A_252, %dma_start3A_253] : memref<128x100xi32, #tpu.memory_space<vmem>> -> memref<1x100xi32, #tpu.memory_space<vmem>>
        %dma_start3A_255 = tpu.memref_squeeze %dma_start3A_254 : memref<1x100xi32, #tpu.memory_space<vmem>> -> memref<100xi32, #tpu.memory_space<vmem>>
        %dma_start3A_256 = arith.constant 0 : i32
        %dma_start3A_257 = arith.constant 0 : i32
        %dma_start3A_258 = tpu.memref_slice %arg3[%dma_start3A_256, %dma_start3A_257] : memref<100000x64xi32, #tpu.memory_space<hbm>> -> memref<100000x64xi32, #tpu.memory_space<hbm>>
        tpu.enqueue_indirect_dma source(%dma_start3A_258 : memref<100000x64xi32, #tpu.memory_space<hbm>>) target(%arg11 : memref<100x64xi32, #tpu.memory_space<vmem>>) offsets(%dma_start3A_255 : memref<100xi32, #tpu.memory_space<vmem>>) semaphore(%arg17 : memref<!tpu.dma_semaphore, #tpu.memory_space<semaphore_mem>>)
      } else {
      }
      %dma_wait3A_201 = arith.constant 0 : i32
      %dma_wait3A_202 = arith.constant 0 : i32
      %dma_wait3A_203 = tpu.memref_slice %arg5[%dma_wait3A_201, %dma_wait3A_202] : memref<128x100xi32, #tpu.memory_space<vmem>> -> memref<1x100xi32, #tpu.memory_space<vmem>>
      %dma_wait3A_204 = tpu.memref_squeeze %dma_wait3A_203 : memref<1x100xi32, #tpu.memory_space<vmem>> -> memref<100xi32, #tpu.memory_space<vmem>>
      %dma_wait3A_205 = arith.constant 0 : i32
      %dma_wait3A_206 = arith.constant 0 : i32
      %dma_wait3A_207 = tpu.memref_slice %arg3[%dma_wait3A_205, %dma_wait3A_206] : memref<100000x64xi32, #tpu.memory_space<hbm>> -> memref<100000x64xi32, #tpu.memory_space<hbm>>
      tpu.wait_indirect_dma semaphore(%arg18 : memref<!tpu.dma_semaphore, #tpu.memory_space<semaphore_mem>>) src(%dma_wait3A_207 : memref<100000x64xi32, #tpu.memory_space<hbm>>) dst(%arg12 : memref<100x64xi32, #tpu.memory_space<vmem>>)
      %dma_wait3A_208 = arith.constant 0 : i32
      %dma_wait3A_209 = arith.constant 0 : i32
      %dma_wait3A_210 = tpu.memref_slice %arg5[%dma_wait3A_208, %dma_wait3A_209] : memref<128x100xi32, #tpu.memory_space<vmem>> -> memref<1x100xi32, #tpu.memory_space<vmem>>
      %dma_wait3A_211 = tpu.memref_squeeze %dma_wait3A_210 : memref<1x100xi32, #tpu.memory_space<vmem>> -> memref<100xi32, #tpu.memory_space<vmem>>
      %dma_wait3A_212 = arith.constant 0 : i32
      %dma_wait3A_213 = arith.constant 0 : i32
      %dma_wait3A_214 = tpu.memref_slice %arg3[%dma_wait3A_212, %dma_wait3A_213] : memref<100000x64xi32, #tpu.memory_space<hbm>> -> memref<100000x64xi32, #tpu.memory_space<hbm>>
      tpu.wait_indirect_dma semaphore(%arg18 : memref<!tpu.dma_semaphore, #tpu.memory_space<semaphore_mem>>) src(%dma_wait3A_214 : memref<100000x64xi32, #tpu.memory_space<hbm>>) dst(%arg13 : memref<100x64xi32, #tpu.memory_space<vmem>>)
      %scan3A_215 = arith.constant 0 : i32
      %scan3A_216 = arith.constant 100 : i32
      %scan3A_217 = arith.addi %scan3A_215, %scan3A_216 : i32
      %scan3A_218 = arith.constant 4 : i32
      %scan3A_219:4 = scf.for %scan3A_237 = %scan3A_215 to %scan3A_217 step %scan3A_218 iter_args(%scan3A_238 = %broadcast_in_dim3A_44, %scan3A_239 = %broadcast_in_dim3A_44, %scan3A_240 = %broadcast_in_dim3A_44, %scan3A_241 = %broadcast_in_dim3A_44) -> (vector<32xbf16>, vector<32xbf16>, vector<32xbf16>, vector<32xbf16>)  : i32 {
        %get3A = arith.index_cast %scan3A_237 : i32 to index
        %get3A_242 = arith.constant 0 : index
        %get3A_243 = tpu.vector_load %arg12[%get3A, %get3A_242] {strides = array<i32>} : memref<100x64xi32, #tpu.memory_space<vmem>>, vector<16xi32>,
        %bitcast3A_244 = vector.bitcast %get3A_243 : vector<16xi32> to vector<32xbf16>
        %get3A_245 = arith.index_cast %scan3A_237 : i32 to index
        %get3A_246 = arith.constant 0 : index
        %get3A_247 = tpu.vector_load %arg13[%get3A_245, %get3A_246] {strides = array<i32>} : memref<100x64xi32, #tpu.memory_space<vmem>>, vector<16xi32>,
        %bitcast3A_248 = vector.bitcast %get3A_247 : vector<16xi32> to vector<32xbf16>
        %add3A_249 = arith.addf %scan3A_238, %bitcast3A_244 : vector<32xbf16>
        %add3A_250 = arith.addf %add3A_249, %bitcast3A_248 : vector<32xbf16>
        %get3A_251 = arith.index_cast %scan3A_237 : i32 to index
        %get3A_252 = arith.constant 16 : index
        %get3A_253 = tpu.vector_load %arg12[%get3A_251, %get3A_252] {strides = array<i32>} : memref<100x64xi32, #tpu.memory_space<vmem>>, vector<16xi32>,
        %bitcast3A_254 = vector.bitcast %get3A_253 : vector<16xi32> to vector<32xbf16>
        %get3A_255 = arith.index_cast %scan3A_237 : i32 to index
        %get3A_256 = arith.constant 16 : index
        %get3A_257 = tpu.vector_load %arg13[%get3A_255, %get3A_256] {strides = array<i32>} : memref<100x64xi32, #tpu.memory_space<vmem>>, vector<16xi32>,
        %bitcast3A_258 = vector.bitcast %get3A_257 : vector<16xi32> to vector<32xbf16>
        %add3A_259 = arith.addf %scan3A_239, %bitcast3A_254 : vector<32xbf16>
        %add3A_260 = arith.addf %add3A_259, %bitcast3A_258 : vector<32xbf16>
        %get3A_261 = arith.index_cast %scan3A_237 : i32 to index
        %get3A_262 = arith.constant 32 : index
        %get3A_263 = tpu.vector_load %arg12[%get3A_261, %get3A_262] {strides = array<i32>} : memref<100x64xi32, #tpu.memory_space<vmem>>, vector<16xi32>,
        %bitcast3A_264 = vector.bitcast %get3A_263 : vector<16xi32> to vector<32xbf16>
        %get3A_265 = arith.index_cast %scan3A_237 : i32 to index
        %get3A_266 = arith.constant 32 : index
        %get3A_267 = tpu.vector_load %arg13[%get3A_265, %get3A_266] {strides = array<i32>} : memref<100x64xi32, #tpu.memory_space<vmem>>, vector<16xi32>,
        %bitcast3A_268 = vector.bitcast %get3A_267 : vector<16xi32> to vector<32xbf16>
        %add3A_269 = arith.addf %scan3A_240, %bitcast3A_264 : vector<32xbf16>
        %add3A_270 = arith.addf %add3A_269, %bitcast3A_268 : vector<32xbf16>
        %get3A_271 = arith.index_cast %scan3A_237 : i32 to index
        %get3A_272 = arith.constant 48 : index
        %get3A_273 = tpu.vector_load %arg12[%get3A_271, %get3A_272] {strides = array<i32>} : memref<100x64xi32, #tpu.memory_space<vmem>>, vector<16xi32>,
        %bitcast3A_274 = vector.bitcast %get3A_273 : vector<16xi32> to vector<32xbf16>
        %get3A_275 = arith.index_cast %scan3A_237 : i32 to index
        %get3A_276 = arith.constant 48 : index
        %get3A_277 = tpu.vector_load %arg13[%get3A_275, %get3A_276] {strides = array<i32>} : memref<100x64xi32, #tpu.memory_space<vmem>>, vector<16xi32>,
        %bitcast3A_278 = vector.bitcast %get3A_277 : vector<16xi32> to vector<32xbf16>
        %add3A_279 = arith.addf %scan3A_241, %bitcast3A_274 : vector<32xbf16>
        %add3A_280 = arith.addf %add3A_279, %bitcast3A_278 : vector<32xbf16>
        %scan3A_281 = arith.constant 1 : i32
        %scan3A_282 = arith.addi %scan3A_237, %scan3A_281 : i32
        %get3A_283 = arith.index_cast %scan3A_282 : i32 to index
        %get3A_284 = arith.constant 0 : index
        %get3A_285 = tpu.vector_load %arg12[%get3A_283, %get3A_284] {strides = array<i32>} : memref<100x64xi32, #tpu.memory_space<vmem>>, vector<16xi32>,
        %bitcast3A_286 = vector.bitcast %get3A_285 : vector<16xi32> to vector<32xbf16>
        %get3A_287 = arith.index_cast %scan3A_282 : i32 to index
        %get3A_288 = arith.constant 0 : index
        %get3A_289 = tpu.vector_load %arg13[%get3A_287, %get3A_288] {strides = array<i32>} : memref<100x64xi32, #tpu.memory_space<vmem>>, vector<16xi32>,
        %bitcast3A_290 = vector.bitcast %get3A_289 : vector<16xi32> to vector<32xbf16>
        %add3A_291 = arith.addf %add3A_250, %bitcast3A_286 : vector<32xbf16>
        %add3A_292 = arith.addf %add3A_291, %bitcast3A_290 : vector<32xbf16>
        %get3A_293 = arith.index_cast %scan3A_282 : i32 to index
        %get3A_294 = arith.constant 16 : index
        %get3A_295 = tpu.vector_load %arg12[%get3A_293, %get3A_294] {strides = array<i32>} : memref<100x64xi32, #tpu.memory_space<vmem>>, vector<16xi32>,
        %bitcast3A_296 = vector.bitcast %get3A_295 : vector<16xi32> to vector<32xbf16>
        %get3A_297 = arith.index_cast %scan3A_282 : i32 to index
        %get3A_298 = arith.constant 16 : index
        %get3A_299 = tpu.vector_load %arg13[%get3A_297, %get3A_298] {strides = array<i32>} : memref<100x64xi32, #tpu.memory_space<vmem>>, vector<16xi32>,
        %bitcast3A_300 = vector.bitcast %get3A_299 : vector<16xi32> to vector<32xbf16>
        %add3A_301 = arith.addf %add3A_260, %bitcast3A_296 : vector<32xbf16>
        %add3A_302 = arith.addf %add3A_301, %bitcast3A_300 : vector<32xbf16>
        %get3A_303 = arith.index_cast %scan3A_282 : i32 to index
        %get3A_304 = arith.constant 32 : index
        %get3A_305 = tpu.vector_load %arg12[%get3A_303, %get3A_304] {strides = array<i32>} : memref<100x64xi32, #tpu.memory_space<vmem>>, vector<16xi32>,
        %bitcast3A_306 = vector.bitcast %get3A_305 : vector<16xi32> to vector<32xbf16>
        %get3A_307 = arith.index_cast %scan3A_282 : i32 to index
        %get3A_308 = arith.constant 32 : index
        %get3A_309 = tpu.vector_load %arg13[%get3A_307, %get3A_308] {strides = array<i32>} : memref<100x64xi32, #tpu.memory_space<vmem>>, vector<16xi32>,
        %bitcast3A_310 = vector.bitcast %get3A_309 : vector<16xi32> to vector<32xbf16>
        %add3A_311 = arith.addf %add3A_270, %bitcast3A_306 : vector<32xbf16>
        %add3A_312 = arith.addf %add3A_311, %bitcast3A_310 : vector<32xbf16>
        %get3A_313 = arith.index_cast %scan3A_282 : i32 to index
        %get3A_314 = arith.constant 48 : index
        %get3A_315 = tpu.vector_load %arg12[%get3A_313, %get3A_314] {strides = array<i32>} : memref<100x64xi32, #tpu.memory_space<vmem>>, vector<16xi32>,
        %bitcast3A_316 = vector.bitcast %get3A_315 : vector<16xi32> to vector<32xbf16>
        %get3A_317 = arith.index_cast %scan3A_282 : i32 to index
        %get3A_318 = arith.constant 48 : index
        %get3A_319 = tpu.vector_load %arg13[%get3A_317, %get3A_318] {strides = array<i32>} : memref<100x64xi32, #tpu.memory_space<vmem>>, vector<16xi32>,
        %bitcast3A_320 = vector.bitcast %get3A_319 : vector<16xi32> to vector<32xbf16>
        %add3A_321 = arith.addf %add3A_280, %bitcast3A_316 : vector<32xbf16>
        %add3A_322 = arith.addf %add3A_321, %bitcast3A_320 : vector<32xbf16>
        %scan3A_323 = arith.constant 2 : i32
        %scan3A_324 = arith.addi %scan3A_237, %scan3A_323 : i32
        %get3A_325 = arith.index_cast %scan3A_324 : i32 to index
        %get3A_326 = arith.constant 0 : index
        %get3A_327 = tpu.vector_load %arg12[%get3A_325, %get3A_326] {strides = array<i32>} : memref<100x64xi32, #tpu.memory_space<vmem>>, vector<16xi32>,
        %bitcast3A_328 = vector.bitcast %get3A_327 : vector<16xi32> to vector<32xbf16>
        %get3A_329 = arith.index_cast %scan3A_324 : i32 to index
        %get3A_330 = arith.constant 0 : index
        %get3A_331 = tpu.vector_load %arg13[%get3A_329, %get3A_330] {strides = array<i32>} : memref<100x64xi32, #tpu.memory_space<vmem>>, vector<16xi32>,
        %bitcast3A_332 = vector.bitcast %get3A_331 : vector<16xi32> to vector<32xbf16>
        %add3A_333 = arith.addf %add3A_292, %bitcast3A_328 : vector<32xbf16>
        %add3A_334 = arith.addf %add3A_333, %bitcast3A_332 : vector<32xbf16>
        %get3A_335 = arith.index_cast %scan3A_324 : i32 to index
        %get3A_336 = arith.constant 16 : index
        %get3A_337 = tpu.vector_load %arg12[%get3A_335, %get3A_336] {strides = array<i32>} : memref<100x64xi32, #tpu.memory_space<vmem>>, vector<16xi32>,
        %bitcast3A_338 = vector.bitcast %get3A_337 : vector<16xi32> to vector<32xbf16>
        %get3A_339 = arith.index_cast %scan3A_324 : i32 to index
        %get3A_340 = arith.constant 16 : index
        %get3A_341 = tpu.vector_load %arg13[%get3A_339, %get3A_340] {strides = array<i32>} : memref<100x64xi32, #tpu.memory_space<vmem>>, vector<16xi32>,
        %bitcast3A_342 = vector.bitcast %get3A_341 : vector<16xi32> to vector<32xbf16>
        %add3A_343 = arith.addf %add3A_302, %bitcast3A_338 : vector<32xbf16>
        %add3A_344 = arith.addf %add3A_343, %bitcast3A_342 : vector<32xbf16>
        %get3A_345 = arith.index_cast %scan3A_324 : i32 to index
        %get3A_346 = arith.constant 32 : index
        %get3A_347 = tpu.vector_load %arg12[%get3A_345, %get3A_346] {strides = array<i32>} : memref<100x64xi32, #tpu.memory_space<vmem>>, vector<16xi32>,
        %bitcast3A_348 = vector.bitcast %get3A_347 : vector<16xi32> to vector<32xbf16>
        %get3A_349 = arith.index_cast %scan3A_324 : i32 to index
        %get3A_350 = arith.constant 32 : index
        %get3A_351 = tpu.vector_load %arg13[%get3A_349, %get3A_350] {strides = array<i32>} : memref<100x64xi32, #tpu.memory_space<vmem>>, vector<16xi32>,
        %bitcast3A_352 = vector.bitcast %get3A_351 : vector<16xi32> to vector<32xbf16>
        %add3A_353 = arith.addf %add3A_312, %bitcast3A_348 : vector<32xbf16>
        %add3A_354 = arith.addf %add3A_353, %bitcast3A_352 : vector<32xbf16>
        %get3A_355 = arith.index_cast %scan3A_324 : i32 to index
        %get3A_356 = arith.constant 48 : index
        %get3A_357 = tpu.vector_load %arg12[%get3A_355, %get3A_356] {strides = array<i32>} : memref<100x64xi32, #tpu.memory_space<vmem>>, vector<16xi32>,
        %bitcast3A_358 = vector.bitcast %get3A_357 : vector<16xi32> to vector<32xbf16>
        %get3A_359 = arith.index_cast %scan3A_324 : i32 to index
        %get3A_360 = arith.constant 48 : index
        %get3A_361 = tpu.vector_load %arg13[%get3A_359, %get3A_360] {strides = array<i32>} : memref<100x64xi32, #tpu.memory_space<vmem>>, vector<16xi32>,
        %bitcast3A_362 = vector.bitcast %get3A_361 : vector<16xi32> to vector<32xbf16>
        %add3A_363 = arith.addf %add3A_322, %bitcast3A_358 : vector<32xbf16>
        %add3A_364 = arith.addf %add3A_363, %bitcast3A_362 : vector<32xbf16>
        %scan3A_365 = arith.constant 3 : i32
        %scan3A_366 = arith.addi %scan3A_237, %scan3A_365 : i32
        %get3A_367 = arith.index_cast %scan3A_366 : i32 to index
        %get3A_368 = arith.constant 0 : index
        %get3A_369 = tpu.vector_load %arg12[%get3A_367, %get3A_368] {strides = array<i32>} : memref<100x64xi32, #tpu.memory_space<vmem>>, vector<16xi32>,
        %bitcast3A_370 = vector.bitcast %get3A_369 : vector<16xi32> to vector<32xbf16>
        %get3A_371 = arith.index_cast %scan3A_366 : i32 to index
        %get3A_372 = arith.constant 0 : index
        %get3A_373 = tpu.vector_load %arg13[%get3A_371, %get3A_372] {strides = array<i32>} : memref<100x64xi32, #tpu.memory_space<vmem>>, vector<16xi32>,
        %bitcast3A_374 = vector.bitcast %get3A_373 : vector<16xi32> to vector<32xbf16>
        %add3A_375 = arith.addf %add3A_334, %bitcast3A_370 : vector<32xbf16>
        %add3A_376 = arith.addf %add3A_375, %bitcast3A_374 : vector<32xbf16>
        %get3A_377 = arith.index_cast %scan3A_366 : i32 to index
        %get3A_378 = arith.constant 16 : index
        %get3A_379 = tpu.vector_load %arg12[%get3A_377, %get3A_378] {strides = array<i32>} : memref<100x64xi32, #tpu.memory_space<vmem>>, vector<16xi32>,
        %bitcast3A_380 = vector.bitcast %get3A_379 : vector<16xi32> to vector<32xbf16>
        %get3A_381 = arith.index_cast %scan3A_366 : i32 to index
        %get3A_382 = arith.constant 16 : index
        %get3A_383 = tpu.vector_load %arg13[%get3A_381, %get3A_382] {strides = array<i32>} : memref<100x64xi32, #tpu.memory_space<vmem>>, vector<16xi32>,
        %bitcast3A_384 = vector.bitcast %get3A_383 : vector<16xi32> to vector<32xbf16>
        %add3A_385 = arith.addf %add3A_344, %bitcast3A_380 : vector<32xbf16>
        %add3A_386 = arith.addf %add3A_385, %bitcast3A_384 : vector<32xbf16>
        %get3A_387 = arith.index_cast %scan3A_366 : i32 to index
        %get3A_388 = arith.constant 32 : index
        %get3A_389 = tpu.vector_load %arg12[%get3A_387, %get3A_388] {strides = array<i32>} : memref<100x64xi32, #tpu.memory_space<vmem>>, vector<16xi32>,
        %bitcast3A_390 = vector.bitcast %get3A_389 : vector<16xi32> to vector<32xbf16>
        %get3A_391 = arith.index_cast %scan3A_366 : i32 to index
        %get3A_392 = arith.constant 32 : index
        %get3A_393 = tpu.vector_load %arg13[%get3A_391, %get3A_392] {strides = array<i32>} : memref<100x64xi32, #tpu.memory_space<vmem>>, vector<16xi32>,
        %bitcast3A_394 = vector.bitcast %get3A_393 : vector<16xi32> to vector<32xbf16>
        %add3A_395 = arith.addf %add3A_354, %bitcast3A_390 : vector<32xbf16>
        %add3A_396 = arith.addf %add3A_395, %bitcast3A_394 : vector<32xbf16>
        %get3A_397 = arith.index_cast %scan3A_366 : i32 to index
        %get3A_398 = arith.constant 48 : index
        %get3A_399 = tpu.vector_load %arg12[%get3A_397, %get3A_398] {strides = array<i32>} : memref<100x64xi32, #tpu.memory_space<vmem>>, vector<16xi32>,
        %bitcast3A_400 = vector.bitcast %get3A_399 : vector<16xi32> to vector<32xbf16>
        %get3A_401 = arith.index_cast %scan3A_366 : i32 to index
        %get3A_402 = arith.constant 48 : index
        %get3A_403 = tpu.vector_load %arg13[%get3A_401, %get3A_402] {strides = array<i32>} : memref<100x64xi32, #tpu.memory_space<vmem>>, vector<16xi32>,
        %bitcast3A_404 = vector.bitcast %get3A_403 : vector<16xi32> to vector<32xbf16>
        %add3A_405 = arith.addf %add3A_364, %bitcast3A_400 : vector<32xbf16>
        %add3A_406 = arith.addf %add3A_405, %bitcast3A_404 : vector<32xbf16>
        scf.yield %add3A_376, %add3A_386, %add3A_396, %add3A_406 : vector<32xbf16>, vector<32xbf16>, vector<32xbf16>, vector<32xbf16>
      }
      %scan3A_220 = arith.constant 100 : i32
      %bitcast3A_221 = vector.bitcast %scan3A_219#0 : vector<32xbf16> to vector<16xi32>
      %swap3A_222 = arith.index_cast %add3A_191 : i32 to index
      %swap3A_223 = arith.constant 0 : index
      %swap3A_224 = tpu.vector_load %arg14[%swap3A_222, %swap3A_223] {strides = array<i32>} : memref<64x64xi32, #tpu.memory_space<vmem>>, vector<16xi32>,
      tpu.vector_store %arg14[%swap3A_222, %swap3A_223], %bitcast3A_221 {strides = array<i32>} : memref<64x64xi32, #tpu.memory_space<vmem>>, vector<16xi32>,
      %bitcast3A_225 = vector.bitcast %scan3A_219#1 : vector<32xbf16> to vector<16xi32>
      %swap3A_226 = arith.index_cast %add3A_191 : i32 to index
      %swap3A_227 = arith.constant 16 : index
      %swap3A_228 = tpu.vector_load %arg14[%swap3A_226, %swap3A_227] {strides = array<i32>} : memref<64x64xi32, #tpu.memory_space<vmem>>, vector<16xi32>,
      tpu.vector_store %arg14[%swap3A_226, %swap3A_227], %bitcast3A_225 {strides = array<i32>} : memref<64x64xi32, #tpu.memory_space<vmem>>, vector<16xi32>,
      %bitcast3A_229 = vector.bitcast %scan3A_219#2 : vector<32xbf16> to vector<16xi32>
      %swap3A_230 = arith.index_cast %add3A_191 : i32 to index
      %swap3A_231 = arith.constant 32 : index
      %swap3A_232 = tpu.vector_load %arg14[%swap3A_230, %swap3A_231] {strides = array<i32>} : memref<64x64xi32, #tpu.memory_space<vmem>>, vector<16xi32>,
      tpu.vector_store %arg14[%swap3A_230, %swap3A_231], %bitcast3A_229 {strides = array<i32>} : memref<64x64xi32, #tpu.memory_space<vmem>>, vector<16xi32>,
      %bitcast3A_233 = vector.bitcast %scan3A_219#3 : vector<32xbf16> to vector<16xi32>
      %swap3A_234 = arith.index_cast %add3A_191 : i32 to index
      %swap3A_235 = arith.constant 48 : index
      %swap3A_236 = tpu.vector_load %arg14[%swap3A_234, %swap3A_235] {strides = array<i32>} : memref<64x64xi32, #tpu.memory_space<vmem>>, vector<16xi32>,
      tpu.vector_store %arg14[%swap3A_234, %swap3A_235], %bitcast3A_233 {strides = array<i32>} : memref<64x64xi32, #tpu.memory_space<vmem>>, vector<16xi32>,
    }
    %scan3A_48 = arith.constant 16 : i32
    %mul3A_49 = arith.constant 64 : i32
    %mul3A_50 = arith.muli %add3A, %mul3A_49 : i32
    "tpu.region"() ({
      %run_scoped3A = tpu.sem_alloc : memref<!tpu.dma_semaphore, #tpu.memory_space<semaphore_mem>>
      %dma_start3A_51 = arith.constant 0 : i32
      %dma_start3A_52 = tpu.memref_slice %arg4[%mul3A_50, %dma_start3A_51] : memref<2048x64xi32, #tpu.memory_space<hbm>> -> memref<64x64xi32, #tpu.memory_space<hbm>>
      %dma_start3A_53 = arith.constant 0 : i32
      %dma_start3A_54 = tpu.memref_slice %arg4[%mul3A_50, %dma_start3A_53] : memref<2048x64xi32, #tpu.memory_space<hbm>> -> memref<64x64xi32, #tpu.memory_space<hbm>>
      tpu.enqueue_dma source(%arg14 : memref<64x64xi32, #tpu.memory_space<vmem>>) target(%dma_start3A_54 : memref<64x64xi32, #tpu.memory_space<hbm>>) target_semaphore(%run_scoped3A : memref<!tpu.dma_semaphore, #tpu.memory_space<semaphore_mem>>)
      %dma_wait3A = arith.constant 0 : i32
      %dma_wait3A_55 = tpu.memref_slice %arg4[%mul3A_50, %dma_wait3A] : memref<2048x64xi32, #tpu.memory_space<hbm>> -> memref<64x64xi32, #tpu.memory_space<hbm>>
      %dma_wait3A_56 = arith.constant 0 : i32
      %dma_wait3A_57 = tpu.memref_slice %arg4[%mul3A_50, %dma_wait3A_56] : memref<2048x64xi32, #tpu.memory_space<hbm>> -> memref<64x64xi32, #tpu.memory_space<hbm>>
      tpu.wait_dma2 semaphore(%run_scoped3A : memref<!tpu.dma_semaphore, #tpu.memory_space<semaphore_mem>>) src(%arg14 : memref<64x64xi32, #tpu.memory_space<vmem>>) dst(%dma_wait3A_57 : memref<64x64xi32, #tpu.memory_space<hbm>>)
      tpu.yield
    }) : () -> ()
    return
  }
}

#map = affine_map<(d0, d1) -> (0)>
module attributes {stable_mosaic.version = 14 : i64} {
  func.func @k(%arg0: i32, %arg1: i32, %arg2: memref<12800000xf32, #tpu.memory_space<hbm>>, %arg3: memref<6400000xi32, #tpu.memory_space<hbm>>, %arg4: memref<16000xf32, #tpu.memory_space<vmem>>, %arg5: memref<16000xf32, #tpu.memory_space<vmem>>, %arg6: memref<8000xi32, #tpu.memory_space<vmem>>, %arg7: memref<8000xi32, #tpu.memory_space<vmem>>, %arg8: memref<!tpu.dma_semaphore, #tpu.memory_space<semaphore_mem>>, %arg9: memref<!tpu.dma_semaphore, #tpu.memory_space<semaphore_mem>>, %arg10: memref<!tpu.dma_semaphore, #tpu.memory_space<semaphore_mem>>, %arg11: memref<!tpu.dma_semaphore, #tpu.memory_space<semaphore_mem>>) attributes {dimension_semantics = [#tpu.dimension_semantics<core_parallel>, #tpu.dimension_semantics<subcore_parallel>], iteration_bounds = array<i64: 2, 16>, scalar_prefetch = 0 : i64, scratch_operands = 8 : i64, tpu.core_type = #tpu.core_type<sc_vector_subcore>, window_params = [{transform_indices = #map}, {transform_indices = #map}]} {
    %mul3A = arith.constant 2 : i32
    %mul3A_0 = arith.muli %arg1, %mul3A : i32
    %add3A = arith.addi %mul3A_0, %arg0 : i32
    %mul3A_1 = arith.constant 3125 : i32
    %mul3A_2 = arith.muli %add3A, %mul3A_1 : i32
    %mul3A_3 = arith.constant 128 : i32
    %mul3A_4 = arith.muli %mul3A_2, %mul3A_3 : i32
    %mul3A_5 = arith.constant 3125 : i32
    %mul3A_6 = arith.muli %add3A, %mul3A_5 : i32
    %mul3A_7 = arith.constant 64 : i32
    %mul3A_8 = arith.muli %mul3A_6, %mul3A_7 : i32
    %add3A_9 = arith.constant 0 : i32
    %add3A_10 = arith.addi %mul3A_4, %add3A_9 : i32
    %dma_start3A = tpu.memref_slice %arg2[%add3A_10] : memref<12800000xf32, #tpu.memory_space<hbm>> -> memref<16000xf32, #tpu.memory_space<hbm>>
    %dma_start3A_11 = tpu.memref_slice %arg2[%add3A_10] : memref<12800000xf32, #tpu.memory_space<hbm>> -> memref<16000xf32, #tpu.memory_space<hbm>>
    tpu.enqueue_dma source(%dma_start3A_11 : memref<16000xf32, #tpu.memory_space<hbm>>) target(%arg4 : memref<16000xf32, #tpu.memory_space<vmem>>) target_semaphore(%arg8 : memref<!tpu.dma_semaphore, #tpu.memory_space<semaphore_mem>>)
    %scan3A = arith.constant 0 : i32
    %scan3A_12 = arith.constant 13 : i32
    %scan3A_13 = arith.addi %scan3A, %scan3A_12 : i32
    %scan3A_14 = arith.constant 1 : i32
    scf.for %scan3A_23 = %scan3A to %scan3A_13 step %scan3A_14  : i32 {
      %mul3A_24 = arith.constant 2 : i32
      %mul3A_25 = arith.muli %scan3A_23, %mul3A_24 : i32
      %add3A_26 = arith.constant 0 : i32
      %add3A_27 = arith.addi %add3A_26, %mul3A_25 : i32
      %add3A_28 = arith.constant 0 : i32
      %add3A_29 = arith.addi %add3A_27, %add3A_28 : i32
      %lt3A = arith.constant 25 : i32
      %lt3A_30 = arith.cmpi slt, %add3A_29, %lt3A : i32
      %convert_element_type3A = arith.extui %lt3A_30 : i1 to i32
      %cond3A = arith.constant 0 : i32
      %cond3A_31 = arith.cmpi ne, %convert_element_type3A, %cond3A : i32
      scf.if %cond3A_31 {
        %add3A_39 = arith.constant 2 : i32
        %add3A_40 = arith.addi %add3A_29, %add3A_39 : i32
        %sub3A = arith.constant 1 : i32
        %sub3A_41 = arith.subi %add3A_40, %sub3A : i32
        %lt3A_42 = arith.constant 25 : i32
        %lt3A_43 = arith.cmpi slt, %sub3A_41, %lt3A_42 : i32
        %convert_element_type3A_44 = arith.extui %lt3A_43 : i1 to i32
        %cond3A_45 = arith.constant 0 : i32
        %cond3A_46 = arith.cmpi ne, %convert_element_type3A_44, %cond3A_45 : i32
        scf.if %cond3A_46 {
          %add3A_180 = arith.constant 2 : i32
          %add3A_181 = arith.addi %add3A_29, %add3A_180 : i32
          %sub3A_182 = arith.constant 1 : i32
          %sub3A_183 = arith.subi %add3A_181, %sub3A_182 : i32
          %mul3A_184 = arith.constant 16000 : i32
          %mul3A_185 = arith.muli %sub3A_183, %mul3A_184 : i32
          %add3A_186 = arith.addi %mul3A_4, %mul3A_185 : i32
          %dma_start3A_187 = tpu.memref_slice %arg2[%add3A_186] : memref<12800000xf32, #tpu.memory_space<hbm>> -> memref<16000xf32, #tpu.memory_space<hbm>>
          %dma_start3A_188 = tpu.memref_slice %arg2[%add3A_186] : memref<12800000xf32, #tpu.memory_space<hbm>> -> memref<16000xf32, #tpu.memory_space<hbm>>
          tpu.enqueue_dma source(%dma_start3A_188 : memref<16000xf32, #tpu.memory_space<hbm>>) target(%arg5 : memref<16000xf32, #tpu.memory_space<vmem>>) target_semaphore(%arg9 : memref<!tpu.dma_semaphore, #tpu.memory_space<semaphore_mem>>)
        } else {
        }
        %dma_wait3A_47 = arith.constant 0 : i32
        %dma_wait3A_48 = tpu.memref_slice %arg2[%dma_wait3A_47] : memref<12800000xf32, #tpu.memory_space<hbm>> -> memref<16000xf32, #tpu.memory_space<hbm>>
        %dma_wait3A_49 = arith.constant 0 : i32
        %dma_wait3A_50 = tpu.memref_slice %arg2[%dma_wait3A_49] : memref<12800000xf32, #tpu.memory_space<hbm>> -> memref<16000xf32, #tpu.memory_space<hbm>>
        tpu.wait_dma2 semaphore(%arg8 : memref<!tpu.dma_semaphore, #tpu.memory_space<semaphore_mem>>) src(%dma_wait3A_50 : memref<16000xf32, #tpu.memory_space<hbm>>) dst(%arg4 : memref<16000xf32, #tpu.memory_space<vmem>>)
        %ge3A = arith.constant 2 : i32
        %ge3A_51 = arith.cmpi sge, %add3A_29, %ge3A : i32
        %convert_element_type3A_52 = arith.extui %ge3A_51 : i1 to i32
        %cond3A_53 = arith.constant 0 : i32
        %cond3A_54 = arith.cmpi ne, %convert_element_type3A_52, %cond3A_53 : i32
        scf.if %cond3A_54 {
          %dma_wait3A_180 = arith.constant 0 : i32
          %dma_wait3A_181 = tpu.memref_slice %arg3[%dma_wait3A_180] : memref<6400000xi32, #tpu.memory_space<hbm>> -> memref<8000xi32, #tpu.memory_space<hbm>>
          %dma_wait3A_182 = arith.constant 0 : i32
          %dma_wait3A_183 = tpu.memref_slice %arg3[%dma_wait3A_182] : memref<6400000xi32, #tpu.memory_space<hbm>> -> memref<8000xi32, #tpu.memory_space<hbm>>
          tpu.wait_dma2 semaphore(%arg10 : memref<!tpu.dma_semaphore, #tpu.memory_space<semaphore_mem>>) src(%arg6 : memref<8000xi32, #tpu.memory_space<vmem>>) dst(%dma_wait3A_183 : memref<8000xi32, #tpu.memory_space<hbm>>)
        } else {
        }
        %scan3A_55 = arith.constant 0 : i32
        %scan3A_56 = arith.constant 0 : i32
        %scan3A_57 = arith.constant 124 : i32
        %scan3A_58 = arith.addi %scan3A_56, %scan3A_57 : i32
        %scan3A_59 = arith.constant 4 : i32
        %scan3A_60 = scf.for %scan3A_180 = %scan3A_56 to %scan3A_58 step %scan3A_59 iter_args(%scan3A_181 = %scan3A_55) -> (i32)  : i32 {
          %mul3A_182 = arith.constant 128 : i32
          %mul3A_183 = arith.muli %scan3A_180, %mul3A_182 : i32
          %add3A_184 = arith.constant 0 : i32
          %add3A_185 = arith.addi %mul3A_183, %add3A_184 : i32
          %get3A_186 = arith.index_cast %add3A_185 : i32 to index
          %get3A_187 = tpu.vector_load %arg4[%get3A_186] {strides = array<i32>} : memref<16000xf32, #tpu.memory_space<vmem>>, vector<16xf32>,
          %bitcast3A_188 = vector.bitcast %get3A_187 : vector<16xf32> to vector<16xi32>
          %mul3A_189 = arith.constant 128 : i32
          %mul3A_190 = arith.muli %scan3A_180, %mul3A_189 : i32
          %add3A_191 = arith.constant 64 : i32
          %add3A_192 = arith.addi %mul3A_190, %add3A_191 : i32
          %add3A_193 = arith.constant 0 : i32
          %add3A_194 = arith.addi %add3A_192, %add3A_193 : i32
          %get3A_195 = arith.index_cast %add3A_194 : i32 to index
          %get3A_196 = tpu.vector_load %arg4[%get3A_195] {strides = array<i32>} : memref<16000xf32, #tpu.memory_space<vmem>>, vector<16xf32>,
          %bitcast3A_197 = vector.bitcast %get3A_196 : vector<16xf32> to vector<16xi32>
          %shift_right_logical3A_198 = arith.constant 16 : i32
          %shift_right_logical3A_199 = vector.broadcast %shift_right_logical3A_198 : i32 to vector<16xi32>
          %shift_right_logical3A_200 = arith.shrui %bitcast3A_188, %shift_right_logical3A_199 : vector<16xi32>
          %and3A_201 = arith.constant -65536 : i32
          %and3A_202 = vector.broadcast %and3A_201 : i32 to vector<16xi32>
          %and3A_203 = arith.andi %bitcast3A_197, %and3A_202 : vector<16xi32>
          %or3A_204 = arith.ori %shift_right_logical3A_200, %and3A_203 : vector<16xi32>
          %mul3A_205 = arith.constant 64 : i32
          %mul3A_206 = arith.muli %scan3A_180, %mul3A_205 : i32
          %add3A_207 = arith.constant 0 : i32
          %add3A_208 = arith.addi %mul3A_206, %add3A_207 : i32
          %swap3A_209 = arith.index_cast %add3A_208 : i32 to index
          %swap3A_210 = tpu.vector_load %arg6[%swap3A_209] {strides = array<i32>} : memref<8000xi32, #tpu.memory_space<vmem>>, vector<16xi32>,
          tpu.vector_store %arg6[%swap3A_209], %or3A_204 {strides = array<i32>} : memref<8000xi32, #tpu.memory_space<vmem>>, vector<16xi32>,
          %mul3A_211 = arith.constant 128 : i32
          %mul3A_212 = arith.muli %scan3A_180, %mul3A_211 : i32
          %add3A_213 = arith.constant 16 : i32
          %add3A_214 = arith.addi %mul3A_212, %add3A_213 : i32
          %get3A_215 = arith.index_cast %add3A_214 : i32 to index
          %get3A_216 = tpu.vector_load %arg4[%get3A_215] {strides = array<i32>} : memref<16000xf32, #tpu.memory_space<vmem>>, vector<16xf32>,
          %bitcast3A_217 = vector.bitcast %get3A_216 : vector<16xf32> to vector<16xi32>
          %mul3A_218 = arith.constant 128 : i32
          %mul3A_219 = arith.muli %scan3A_180, %mul3A_218 : i32
          %add3A_220 = arith.constant 64 : i32
          %add3A_221 = arith.addi %mul3A_219, %add3A_220 : i32
          %add3A_222 = arith.constant 16 : i32
          %add3A_223 = arith.addi %add3A_221, %add3A_222 : i32
          %get3A_224 = arith.index_cast %add3A_223 : i32 to index
          %get3A_225 = tpu.vector_load %arg4[%get3A_224] {strides = array<i32>} : memref<16000xf32, #tpu.memory_space<vmem>>, vector<16xf32>,
          %bitcast3A_226 = vector.bitcast %get3A_225 : vector<16xf32> to vector<16xi32>
          %shift_right_logical3A_227 = arith.constant 16 : i32
          %shift_right_logical3A_228 = vector.broadcast %shift_right_logical3A_227 : i32 to vector<16xi32>
          %shift_right_logical3A_229 = arith.shrui %bitcast3A_217, %shift_right_logical3A_228 : vector<16xi32>
          %and3A_230 = arith.constant -65536 : i32
          %and3A_231 = vector.broadcast %and3A_230 : i32 to vector<16xi32>
          %and3A_232 = arith.andi %bitcast3A_226, %and3A_231 : vector<16xi32>
          %or3A_233 = arith.ori %shift_right_logical3A_229, %and3A_232 : vector<16xi32>
          %mul3A_234 = arith.constant 64 : i32
          %mul3A_235 = arith.muli %scan3A_180, %mul3A_234 : i32
          %add3A_236 = arith.constant 16 : i32
          %add3A_237 = arith.addi %mul3A_235, %add3A_236 : i32
          %swap3A_238 = arith.index_cast %add3A_237 : i32 to index
          %swap3A_239 = tpu.vector_load %arg6[%swap3A_238] {strides = array<i32>} : memref<8000xi32, #tpu.memory_space<vmem>>, vector<16xi32>,
          tpu.vector_store %arg6[%swap3A_238], %or3A_233 {strides = array<i32>} : memref<8000xi32, #tpu.memory_space<vmem>>, vector<16xi32>,
          %mul3A_240 = arith.constant 128 : i32
          %mul3A_241 = arith.muli %scan3A_180, %mul3A_240 : i32
          %add3A_242 = arith.constant 32 : i32
          %add3A_243 = arith.addi %mul3A_241, %add3A_242 : i32
          %get3A_244 = arith.index_cast %add3A_243 : i32 to index
          %get3A_245 = tpu.vector_load %arg4[%get3A_244] {strides = array<i32>} : memref<16000xf32, #tpu.memory_space<vmem>>, vector<16xf32>,
          %bitcast3A_246 = vector.bitcast %get3A_245 : vector<16xf32> to vector<16xi32>
          %mul3A_247 = arith.constant 128 : i32
          %mul3A_248 = arith.muli %scan3A_180, %mul3A_247 : i32
          %add3A_249 = arith.constant 64 : i32
          %add3A_250 = arith.addi %mul3A_248, %add3A_249 : i32
          %add3A_251 = arith.constant 32 : i32
          %add3A_252 = arith.addi %add3A_250, %add3A_251 : i32
          %get3A_253 = arith.index_cast %add3A_252 : i32 to index
          %get3A_254 = tpu.vector_load %arg4[%get3A_253] {strides = array<i32>} : memref<16000xf32, #tpu.memory_space<vmem>>, vector<16xf32>,
          %bitcast3A_255 = vector.bitcast %get3A_254 : vector<16xf32> to vector<16xi32>
          %shift_right_logical3A_256 = arith.constant 16 : i32
          %shift_right_logical3A_257 = vector.broadcast %shift_right_logical3A_256 : i32 to vector<16xi32>
          %shift_right_logical3A_258 = arith.shrui %bitcast3A_246, %shift_right_logical3A_257 : vector<16xi32>
          %and3A_259 = arith.constant -65536 : i32
          %and3A_260 = vector.broadcast %and3A_259 : i32 to vector<16xi32>
          %and3A_261 = arith.andi %bitcast3A_255, %and3A_260 : vector<16xi32>
          %or3A_262 = arith.ori %shift_right_logical3A_258, %and3A_261 : vector<16xi32>
          %mul3A_263 = arith.constant 64 : i32
          %mul3A_264 = arith.muli %scan3A_180, %mul3A_263 : i32
          %add3A_265 = arith.constant 32 : i32
          %add3A_266 = arith.addi %mul3A_264, %add3A_265 : i32
          %swap3A_267 = arith.index_cast %add3A_266 : i32 to index
          %swap3A_268 = tpu.vector_load %arg6[%swap3A_267] {strides = array<i32>} : memref<8000xi32, #tpu.memory_space<vmem>>, vector<16xi32>,
          tpu.vector_store %arg6[%swap3A_267], %or3A_262 {strides = array<i32>} : memref<8000xi32, #tpu.memory_space<vmem>>, vector<16xi32>,
          %mul3A_269 = arith.constant 128 : i32
          %mul3A_270 = arith.muli %scan3A_180, %mul3A_269 : i32
          %add3A_271 = arith.constant 48 : i32
          %add3A_272 = arith.addi %mul3A_270, %add3A_271 : i32
          %get3A_273 = arith.index_cast %add3A_272 : i32 to index
          %get3A_274 = tpu.vector_load %arg4[%get3A_273] {strides = array<i32>} : memref<16000xf32, #tpu.memory_space<vmem>>, vector<16xf32>,
          %bitcast3A_275 = vector.bitcast %get3A_274 : vector<16xf32> to vector<16xi32>
          %mul3A_276 = arith.constant 128 : i32
          %mul3A_277 = arith.muli %scan3A_180, %mul3A_276 : i32
          %add3A_278 = arith.constant 64 : i32
          %add3A_279 = arith.addi %mul3A_277, %add3A_278 : i32
          %add3A_280 = arith.constant 48 : i32
          %add3A_281 = arith.addi %add3A_279, %add3A_280 : i32
          %get3A_282 = arith.index_cast %add3A_281 : i32 to index
          %get3A_283 = tpu.vector_load %arg4[%get3A_282] {strides = array<i32>} : memref<16000xf32, #tpu.memory_space<vmem>>, vector<16xf32>,
          %bitcast3A_284 = vector.bitcast %get3A_283 : vector<16xf32> to vector<16xi32>
          %shift_right_logical3A_285 = arith.constant 16 : i32
          %shift_right_logical3A_286 = vector.broadcast %shift_right_logical3A_285 : i32 to vector<16xi32>
          %shift_right_logical3A_287 = arith.shrui %bitcast3A_275, %shift_right_logical3A_286 : vector<16xi32>
          %and3A_288 = arith.constant -65536 : i32
          %and3A_289 = vector.broadcast %and3A_288 : i32 to vector<16xi32>
          %and3A_290 = arith.andi %bitcast3A_284, %and3A_289 : vector<16xi32>
          %or3A_291 = arith.ori %shift_right_logical3A_287, %and3A_290 : vector<16xi32>
          %mul3A_292 = arith.constant 64 : i32
          %mul3A_293 = arith.muli %scan3A_180, %mul3A_292 : i32
          %add3A_294 = arith.constant 48 : i32
          %add3A_295 = arith.addi %mul3A_293, %add3A_294 : i32
          %swap3A_296 = arith.index_cast %add3A_295 : i32 to index
          %swap3A_297 = tpu.vector_load %arg6[%swap3A_296] {strides = array<i32>} : memref<8000xi32, #tpu.memory_space<vmem>>, vector<16xi32>,
          tpu.vector_store %arg6[%swap3A_296], %or3A_291 {strides = array<i32>} : memref<8000xi32, #tpu.memory_space<vmem>>, vector<16xi32>,
          %scan3A_298 = arith.constant 0 : i32
          %scan3A_299 = arith.constant 1 : i32
          %scan3A_300 = arith.addi %scan3A_180, %scan3A_299 : i32
          %mul3A_301 = arith.constant 128 : i32
          %mul3A_302 = arith.muli %scan3A_300, %mul3A_301 : i32
          %add3A_303 = arith.constant 0 : i32
          %add3A_304 = arith.addi %mul3A_302, %add3A_303 : i32
          %get3A_305 = arith.index_cast %add3A_304 : i32 to index
          %get3A_306 = tpu.vector_load %arg4[%get3A_305] {strides = array<i32>} : memref<16000xf32, #tpu.memory_space<vmem>>, vector<16xf32>,
          %bitcast3A_307 = vector.bitcast %get3A_306 : vector<16xf32> to vector<16xi32>
          %mul3A_308 = arith.constant 128 : i32
          %mul3A_309 = arith.muli %scan3A_300, %mul3A_308 : i32
          %add3A_310 = arith.constant 64 : i32
          %add3A_311 = arith.addi %mul3A_309, %add3A_310 : i32
          %add3A_312 = arith.constant 0 : i32
          %add3A_313 = arith.addi %add3A_311, %add3A_312 : i32
          %get3A_314 = arith.index_cast %add3A_313 : i32 to index
          %get3A_315 = tpu.vector_load %arg4[%get3A_314] {strides = array<i32>} : memref<16000xf32, #tpu.memory_space<vmem>>, vector<16xf32>,
          %bitcast3A_316 = vector.bitcast %get3A_315 : vector<16xf32> to vector<16xi32>
          %shift_right_logical3A_317 = arith.constant 16 : i32
          %shift_right_logical3A_318 = vector.broadcast %shift_right_logical3A_317 : i32 to vector<16xi32>
          %shift_right_logical3A_319 = arith.shrui %bitcast3A_307, %shift_right_logical3A_318 : vector<16xi32>
          %and3A_320 = arith.constant -65536 : i32
          %and3A_321 = vector.broadcast %and3A_320 : i32 to vector<16xi32>
          %and3A_322 = arith.andi %bitcast3A_316, %and3A_321 : vector<16xi32>
          %or3A_323 = arith.ori %shift_right_logical3A_319, %and3A_322 : vector<16xi32>
          %mul3A_324 = arith.constant 64 : i32
          %mul3A_325 = arith.muli %scan3A_300, %mul3A_324 : i32
          %add3A_326 = arith.constant 0 : i32
          %add3A_327 = arith.addi %mul3A_325, %add3A_326 : i32
          %swap3A_328 = arith.index_cast %add3A_327 : i32 to index
          %swap3A_329 = tpu.vector_load %arg6[%swap3A_328] {strides = array<i32>} : memref<8000xi32, #tpu.memory_space<vmem>>, vector<16xi32>,
          tpu.vector_store %arg6[%swap3A_328], %or3A_323 {strides = array<i32>} : memref<8000xi32, #tpu.memory_space<vmem>>, vector<16xi32>,
          %mul3A_330 = arith.constant 128 : i32
          %mul3A_331 = arith.muli %scan3A_300, %mul3A_330 : i32
          %add3A_332 = arith.constant 16 : i32
          %add3A_333 = arith.addi %mul3A_331, %add3A_332 : i32
          %get3A_334 = arith.index_cast %add3A_333 : i32 to index
          %get3A_335 = tpu.vector_load %arg4[%get3A_334] {strides = array<i32>} : memref<16000xf32, #tpu.memory_space<vmem>>, vector<16xf32>,
          %bitcast3A_336 = vector.bitcast %get3A_335 : vector<16xf32> to vector<16xi32>
          %mul3A_337 = arith.constant 128 : i32
          %mul3A_338 = arith.muli %scan3A_300, %mul3A_337 : i32
          %add3A_339 = arith.constant 64 : i32
          %add3A_340 = arith.addi %mul3A_338, %add3A_339 : i32
          %add3A_341 = arith.constant 16 : i32
          %add3A_342 = arith.addi %add3A_340, %add3A_341 : i32
          %get3A_343 = arith.index_cast %add3A_342 : i32 to index
          %get3A_344 = tpu.vector_load %arg4[%get3A_343] {strides = array<i32>} : memref<16000xf32, #tpu.memory_space<vmem>>, vector<16xf32>,
          %bitcast3A_345 = vector.bitcast %get3A_344 : vector<16xf32> to vector<16xi32>
          %shift_right_logical3A_346 = arith.constant 16 : i32
          %shift_right_logical3A_347 = vector.broadcast %shift_right_logical3A_346 : i32 to vector<16xi32>
          %shift_right_logical3A_348 = arith.shrui %bitcast3A_336, %shift_right_logical3A_347 : vector<16xi32>
          %and3A_349 = arith.constant -65536 : i32
          %and3A_350 = vector.broadcast %and3A_349 : i32 to vector<16xi32>
          %and3A_351 = arith.andi %bitcast3A_345, %and3A_350 : vector<16xi32>
          %or3A_352 = arith.ori %shift_right_logical3A_348, %and3A_351 : vector<16xi32>
          %mul3A_353 = arith.constant 64 : i32
          %mul3A_354 = arith.muli %scan3A_300, %mul3A_353 : i32
          %add3A_355 = arith.constant 16 : i32
          %add3A_356 = arith.addi %mul3A_354, %add3A_355 : i32
          %swap3A_357 = arith.index_cast %add3A_356 : i32 to index
          %swap3A_358 = tpu.vector_load %arg6[%swap3A_357] {strides = array<i32>} : memref<8000xi32, #tpu.memory_space<vmem>>, vector<16xi32>,
          tpu.vector_store %arg6[%swap3A_357], %or3A_352 {strides = array<i32>} : memref<8000xi32, #tpu.memory_space<vmem>>, vector<16xi32>,
          %mul3A_359 = arith.constant 128 : i32
          %mul3A_360 = arith.muli %scan3A_300, %mul3A_359 : i32
          %add3A_361 = arith.constant 32 : i32
          %add3A_362 = arith.addi %mul3A_360, %add3A_361 : i32
          %get3A_363 = arith.index_cast %add3A_362 : i32 to index
          %get3A_364 = tpu.vector_load %arg4[%get3A_363] {strides = array<i32>} : memref<16000xf32, #tpu.memory_space<vmem>>, vector<16xf32>,
          %bitcast3A_365 = vector.bitcast %get3A_364 : vector<16xf32> to vector<16xi32>
          %mul3A_366 = arith.constant 128 : i32
          %mul3A_367 = arith.muli %scan3A_300, %mul3A_366 : i32
          %add3A_368 = arith.constant 64 : i32
          %add3A_369 = arith.addi %mul3A_367, %add3A_368 : i32
          %add3A_370 = arith.constant 32 : i32
          %add3A_371 = arith.addi %add3A_369, %add3A_370 : i32
          %get3A_372 = arith.index_cast %add3A_371 : i32 to index
          %get3A_373 = tpu.vector_load %arg4[%get3A_372] {strides = array<i32>} : memref<16000xf32, #tpu.memory_space<vmem>>, vector<16xf32>,
          %bitcast3A_374 = vector.bitcast %get3A_373 : vector<16xf32> to vector<16xi32>
          %shift_right_logical3A_375 = arith.constant 16 : i32
          %shift_right_logical3A_376 = vector.broadcast %shift_right_logical3A_375 : i32 to vector<16xi32>
          %shift_right_logical3A_377 = arith.shrui %bitcast3A_365, %shift_right_logical3A_376 : vector<16xi32>
          %and3A_378 = arith.constant -65536 : i32
          %and3A_379 = vector.broadcast %and3A_378 : i32 to vector<16xi32>
          %and3A_380 = arith.andi %bitcast3A_374, %and3A_379 : vector<16xi32>
          %or3A_381 = arith.ori %shift_right_logical3A_377, %and3A_380 : vector<16xi32>
          %mul3A_382 = arith.constant 64 : i32
          %mul3A_383 = arith.muli %scan3A_300, %mul3A_382 : i32
          %add3A_384 = arith.constant 32 : i32
          %add3A_385 = arith.addi %mul3A_383, %add3A_384 : i32
          %swap3A_386 = arith.index_cast %add3A_385 : i32 to index
          %swap3A_387 = tpu.vector_load %arg6[%swap3A_386] {strides = array<i32>} : memref<8000xi32, #tpu.memory_space<vmem>>, vector<16xi32>,
          tpu.vector_store %arg6[%swap3A_386], %or3A_381 {strides = array<i32>} : memref<8000xi32, #tpu.memory_space<vmem>>, vector<16xi32>,
          %mul3A_388 = arith.constant 128 : i32
          %mul3A_389 = arith.muli %scan3A_300, %mul3A_388 : i32
          %add3A_390 = arith.constant 48 : i32
          %add3A_391 = arith.addi %mul3A_389, %add3A_390 : i32
          %get3A_392 = arith.index_cast %add3A_391 : i32 to index
          %get3A_393 = tpu.vector_load %arg4[%get3A_392] {strides = array<i32>} : memref<16000xf32, #tpu.memory_space<vmem>>, vector<16xf32>,
          %bitcast3A_394 = vector.bitcast %get3A_393 : vector<16xf32> to vector<16xi32>
          %mul3A_395 = arith.constant 128 : i32
          %mul3A_396 = arith.muli %scan3A_300, %mul3A_395 : i32
          %add3A_397 = arith.constant 64 : i32
          %add3A_398 = arith.addi %mul3A_396, %add3A_397 : i32
          %add3A_399 = arith.constant 48 : i32
          %add3A_400 = arith.addi %add3A_398, %add3A_399 : i32
          %get3A_401 = arith.index_cast %add3A_400 : i32 to index
          %get3A_402 = tpu.vector_load %arg4[%get3A_401] {strides = array<i32>} : memref<16000xf32, #tpu.memory_space<vmem>>, vector<16xf32>,
          %bitcast3A_403 = vector.bitcast %get3A_402 : vector<16xf32> to vector<16xi32>
          %shift_right_logical3A_404 = arith.constant 16 : i32
          %shift_right_logical3A_405 = vector.broadcast %shift_right_logical3A_404 : i32 to vector<16xi32>
          %shift_right_logical3A_406 = arith.shrui %bitcast3A_394, %shift_right_logical3A_405 : vector<16xi32>
          %and3A_407 = arith.constant -65536 : i32
          %and3A_408 = vector.broadcast %and3A_407 : i32 to vector<16xi32>
          %and3A_409 = arith.andi %bitcast3A_403, %and3A_408 : vector<16xi32>
          %or3A_410 = arith.ori %shift_right_logical3A_406, %and3A_409 : vector<16xi32>
          %mul3A_411 = arith.constant 64 : i32
          %mul3A_412 = arith.muli %scan3A_300, %mul3A_411 : i32
          %add3A_413 = arith.constant 48 : i32
          %add3A_414 = arith.addi %mul3A_412, %add3A_413 : i32
          %swap3A_415 = arith.index_cast %add3A_414 : i32 to index
          %swap3A_416 = tpu.vector_load %arg6[%swap3A_415] {strides = array<i32>} : memref<8000xi32, #tpu.memory_space<vmem>>, vector<16xi32>,
          tpu.vector_store %arg6[%swap3A_415], %or3A_410 {strides = array<i32>} : memref<8000xi32, #tpu.memory_space<vmem>>, vector<16xi32>,
          %scan3A_417 = arith.constant 0 : i32
          %scan3A_418 = arith.constant 2 : i32
          %scan3A_419 = arith.addi %scan3A_180, %scan3A_418 : i32
          %mul3A_420 = arith.constant 128 : i32
          %mul3A_421 = arith.muli %scan3A_419, %mul3A_420 : i32
          %add3A_422 = arith.constant 0 : i32
          %add3A_423 = arith.addi %mul3A_421, %add3A_422 : i32
          %get3A_424 = arith.index_cast %add3A_423 : i32 to index
          %get3A_425 = tpu.vector_load %arg4[%get3A_424] {strides = array<i32>} : memref<16000xf32, #tpu.memory_space<vmem>>, vector<16xf32>,
          %bitcast3A_426 = vector.bitcast %get3A_425 : vector<16xf32> to vector<16xi32>
          %mul3A_427 = arith.constant 128 : i32
          %mul3A_428 = arith.muli %scan3A_419, %mul3A_427 : i32
          %add3A_429 = arith.constant 64 : i32
          %add3A_430 = arith.addi %mul3A_428, %add3A_429 : i32
          %add3A_431 = arith.constant 0 : i32
          %add3A_432 = arith.addi %add3A_430, %add3A_431 : i32
          %get3A_433 = arith.index_cast %add3A_432 : i32 to index
          %get3A_434 = tpu.vector_load %arg4[%get3A_433] {strides = array<i32>} : memref<16000xf32, #tpu.memory_space<vmem>>, vector<16xf32>,
          %bitcast3A_435 = vector.bitcast %get3A_434 : vector<16xf32> to vector<16xi32>
          %shift_right_logical3A_436 = arith.constant 16 : i32
          %shift_right_logical3A_437 = vector.broadcast %shift_right_logical3A_436 : i32 to vector<16xi32>
          %shift_right_logical3A_438 = arith.shrui %bitcast3A_426, %shift_right_logical3A_437 : vector<16xi32>
          %and3A_439 = arith.constant -65536 : i32
          %and3A_440 = vector.broadcast %and3A_439 : i32 to vector<16xi32>
          %and3A_441 = arith.andi %bitcast3A_435, %and3A_440 : vector<16xi32>
          %or3A_442 = arith.ori %shift_right_logical3A_438, %and3A_441 : vector<16xi32>
          %mul3A_443 = arith.constant 64 : i32
          %mul3A_444 = arith.muli %scan3A_419, %mul3A_443 : i32
          %add3A_445 = arith.constant 0 : i32
          %add3A_446 = arith.addi %mul3A_444, %add3A_445 : i32
          %swap3A_447 = arith.index_cast %add3A_446 : i32 to index
          %swap3A_448 = tpu.vector_load %arg6[%swap3A_447] {strides = array<i32>} : memref<8000xi32, #tpu.memory_space<vmem>>, vector<16xi32>,
          tpu.vector_store %arg6[%swap3A_447], %or3A_442 {strides = array<i32>} : memref<8000xi32, #tpu.memory_space<vmem>>, vector<16xi32>,
          %mul3A_449 = arith.constant 128 : i32
          %mul3A_450 = arith.muli %scan3A_419, %mul3A_449 : i32
          %add3A_451 = arith.constant 16 : i32
          %add3A_452 = arith.addi %mul3A_450, %add3A_451 : i32
          %get3A_453 = arith.index_cast %add3A_452 : i32 to index
          %get3A_454 = tpu.vector_load %arg4[%get3A_453] {strides = array<i32>} : memref<16000xf32, #tpu.memory_space<vmem>>, vector<16xf32>,
          %bitcast3A_455 = vector.bitcast %get3A_454 : vector<16xf32> to vector<16xi32>
          %mul3A_456 = arith.constant 128 : i32
          %mul3A_457 = arith.muli %scan3A_419, %mul3A_456 : i32
          %add3A_458 = arith.constant 64 : i32
          %add3A_459 = arith.addi %mul3A_457, %add3A_458 : i32
          %add3A_460 = arith.constant 16 : i32
          %add3A_461 = arith.addi %add3A_459, %add3A_460 : i32
          %get3A_462 = arith.index_cast %add3A_461 : i32 to index
          %get3A_463 = tpu.vector_load %arg4[%get3A_462] {strides = array<i32>} : memref<16000xf32, #tpu.memory_space<vmem>>, vector<16xf32>,
          %bitcast3A_464 = vector.bitcast %get3A_463 : vector<16xf32> to vector<16xi32>
          %shift_right_logical3A_465 = arith.constant 16 : i32
          %shift_right_logical3A_466 = vector.broadcast %shift_right_logical3A_465 : i32 to vector<16xi32>
          %shift_right_logical3A_467 = arith.shrui %bitcast3A_455, %shift_right_logical3A_466 : vector<16xi32>
          %and3A_468 = arith.constant -65536 : i32
          %and3A_469 = vector.broadcast %and3A_468 : i32 to vector<16xi32>
          %and3A_470 = arith.andi %bitcast3A_464, %and3A_469 : vector<16xi32>
          %or3A_471 = arith.ori %shift_right_logical3A_467, %and3A_470 : vector<16xi32>
          %mul3A_472 = arith.constant 64 : i32
          %mul3A_473 = arith.muli %scan3A_419, %mul3A_472 : i32
          %add3A_474 = arith.constant 16 : i32
          %add3A_475 = arith.addi %mul3A_473, %add3A_474 : i32
          %swap3A_476 = arith.index_cast %add3A_475 : i32 to index
          %swap3A_477 = tpu.vector_load %arg6[%swap3A_476] {strides = array<i32>} : memref<8000xi32, #tpu.memory_space<vmem>>, vector<16xi32>,
          tpu.vector_store %arg6[%swap3A_476], %or3A_471 {strides = array<i32>} : memref<8000xi32, #tpu.memory_space<vmem>>, vector<16xi32>,
          %mul3A_478 = arith.constant 128 : i32
          %mul3A_479 = arith.muli %scan3A_419, %mul3A_478 : i32
          %add3A_480 = arith.constant 32 : i32
          %add3A_481 = arith.addi %mul3A_479, %add3A_480 : i32
          %get3A_482 = arith.index_cast %add3A_481 : i32 to index
          %get3A_483 = tpu.vector_load %arg4[%get3A_482] {strides = array<i32>} : memref<16000xf32, #tpu.memory_space<vmem>>, vector<16xf32>,
          %bitcast3A_484 = vector.bitcast %get3A_483 : vector<16xf32> to vector<16xi32>
          %mul3A_485 = arith.constant 128 : i32
          %mul3A_486 = arith.muli %scan3A_419, %mul3A_485 : i32
          %add3A_487 = arith.constant 64 : i32
          %add3A_488 = arith.addi %mul3A_486, %add3A_487 : i32
          %add3A_489 = arith.constant 32 : i32
          %add3A_490 = arith.addi %add3A_488, %add3A_489 : i32
          %get3A_491 = arith.index_cast %add3A_490 : i32 to index
          %get3A_492 = tpu.vector_load %arg4[%get3A_491] {strides = array<i32>} : memref<16000xf32, #tpu.memory_space<vmem>>, vector<16xf32>,
          %bitcast3A_493 = vector.bitcast %get3A_492 : vector<16xf32> to vector<16xi32>
          %shift_right_logical3A_494 = arith.constant 16 : i32
          %shift_right_logical3A_495 = vector.broadcast %shift_right_logical3A_494 : i32 to vector<16xi32>
          %shift_right_logical3A_496 = arith.shrui %bitcast3A_484, %shift_right_logical3A_495 : vector<16xi32>
          %and3A_497 = arith.constant -65536 : i32
          %and3A_498 = vector.broadcast %and3A_497 : i32 to vector<16xi32>
          %and3A_499 = arith.andi %bitcast3A_493, %and3A_498 : vector<16xi32>
          %or3A_500 = arith.ori %shift_right_logical3A_496, %and3A_499 : vector<16xi32>
          %mul3A_501 = arith.constant 64 : i32
          %mul3A_502 = arith.muli %scan3A_419, %mul3A_501 : i32
          %add3A_503 = arith.constant 32 : i32
          %add3A_504 = arith.addi %mul3A_502, %add3A_503 : i32
          %swap3A_505 = arith.index_cast %add3A_504 : i32 to index
          %swap3A_506 = tpu.vector_load %arg6[%swap3A_505] {strides = array<i32>} : memref<8000xi32, #tpu.memory_space<vmem>>, vector<16xi32>,
          tpu.vector_store %arg6[%swap3A_505], %or3A_500 {strides = array<i32>} : memref<8000xi32, #tpu.memory_space<vmem>>, vector<16xi32>,
          %mul3A_507 = arith.constant 128 : i32
          %mul3A_508 = arith.muli %scan3A_419, %mul3A_507 : i32
          %add3A_509 = arith.constant 48 : i32
          %add3A_510 = arith.addi %mul3A_508, %add3A_509 : i32
          %get3A_511 = arith.index_cast %add3A_510 : i32 to index
          %get3A_512 = tpu.vector_load %arg4[%get3A_511] {strides = array<i32>} : memref<16000xf32, #tpu.memory_space<vmem>>, vector<16xf32>,
          %bitcast3A_513 = vector.bitcast %get3A_512 : vector<16xf32> to vector<16xi32>
          %mul3A_514 = arith.constant 128 : i32
          %mul3A_515 = arith.muli %scan3A_419, %mul3A_514 : i32
          %add3A_516 = arith.constant 64 : i32
          %add3A_517 = arith.addi %mul3A_515, %add3A_516 : i32
          %add3A_518 = arith.constant 48 : i32
          %add3A_519 = arith.addi %add3A_517, %add3A_518 : i32
          %get3A_520 = arith.index_cast %add3A_519 : i32 to index
          %get3A_521 = tpu.vector_load %arg4[%get3A_520] {strides = array<i32>} : memref<16000xf32, #tpu.memory_space<vmem>>, vector<16xf32>,
          %bitcast3A_522 = vector.bitcast %get3A_521 : vector<16xf32> to vector<16xi32>
          %shift_right_logical3A_523 = arith.constant 16 : i32
          %shift_right_logical3A_524 = vector.broadcast %shift_right_logical3A_523 : i32 to vector<16xi32>
          %shift_right_logical3A_525 = arith.shrui %bitcast3A_513, %shift_right_logical3A_524 : vector<16xi32>
          %and3A_526 = arith.constant -65536 : i32
          %and3A_527 = vector.broadcast %and3A_526 : i32 to vector<16xi32>
          %and3A_528 = arith.andi %bitcast3A_522, %and3A_527 : vector<16xi32>
          %or3A_529 = arith.ori %shift_right_logical3A_525, %and3A_528 : vector<16xi32>
          %mul3A_530 = arith.constant 64 : i32
          %mul3A_531 = arith.muli %scan3A_419, %mul3A_530 : i32
          %add3A_532 = arith.constant 48 : i32
          %add3A_533 = arith.addi %mul3A_531, %add3A_532 : i32
          %swap3A_534 = arith.index_cast %add3A_533 : i32 to index
          %swap3A_535 = tpu.vector_load %arg6[%swap3A_534] {strides = array<i32>} : memref<8000xi32, #tpu.memory_space<vmem>>, vector<16xi32>,
          tpu.vector_store %arg6[%swap3A_534], %or3A_529 {strides = array<i32>} : memref<8000xi32, #tpu.memory_space<vmem>>, vector<16xi32>,
          %scan3A_536 = arith.constant 0 : i32
          %scan3A_537 = arith.constant 3 : i32
          %scan3A_538 = arith.addi %scan3A_180, %scan3A_537 : i32
          %mul3A_539 = arith.constant 128 : i32
          %mul3A_540 = arith.muli %scan3A_538, %mul3A_539 : i32
          %add3A_541 = arith.constant 0 : i32
          %add3A_542 = arith.addi %mul3A_540, %add3A_541 : i32
          %get3A_543 = arith.index_cast %add3A_542 : i32 to index
          %get3A_544 = tpu.vector_load %arg4[%get3A_543] {strides = array<i32>} : memref<16000xf32, #tpu.memory_space<vmem>>, vector<16xf32>,
          %bitcast3A_545 = vector.bitcast %get3A_544 : vector<16xf32> to vector<16xi32>
          %mul3A_546 = arith.constant 128 : i32
          %mul3A_547 = arith.muli %scan3A_538, %mul3A_546 : i32
          %add3A_548 = arith.constant 64 : i32
          %add3A_549 = arith.addi %mul3A_547, %add3A_548 : i32
          %add3A_550 = arith.constant 0 : i32
          %add3A_551 = arith.addi %add3A_549, %add3A_550 : i32
          %get3A_552 = arith.index_cast %add3A_551 : i32 to index
          %get3A_553 = tpu.vector_load %arg4[%get3A_552] {strides = array<i32>} : memref<16000xf32, #tpu.memory_space<vmem>>, vector<16xf32>,
          %bitcast3A_554 = vector.bitcast %get3A_553 : vector<16xf32> to vector<16xi32>
          %shift_right_logical3A_555 = arith.constant 16 : i32
          %shift_right_logical3A_556 = vector.broadcast %shift_right_logical3A_555 : i32 to vector<16xi32>
          %shift_right_logical3A_557 = arith.shrui %bitcast3A_545, %shift_right_logical3A_556 : vector<16xi32>
          %and3A_558 = arith.constant -65536 : i32
          %and3A_559 = vector.broadcast %and3A_558 : i32 to vector<16xi32>
          %and3A_560 = arith.andi %bitcast3A_554, %and3A_559 : vector<16xi32>
          %or3A_561 = arith.ori %shift_right_logical3A_557, %and3A_560 : vector<16xi32>
          %mul3A_562 = arith.constant 64 : i32
          %mul3A_563 = arith.muli %scan3A_538, %mul3A_562 : i32
          %add3A_564 = arith.constant 0 : i32
          %add3A_565 = arith.addi %mul3A_563, %add3A_564 : i32
          %swap3A_566 = arith.index_cast %add3A_565 : i32 to index
          %swap3A_567 = tpu.vector_load %arg6[%swap3A_566] {strides = array<i32>} : memref<8000xi32, #tpu.memory_space<vmem>>, vector<16xi32>,
          tpu.vector_store %arg6[%swap3A_566], %or3A_561 {strides = array<i32>} : memref<8000xi32, #tpu.memory_space<vmem>>, vector<16xi32>,
          %mul3A_568 = arith.constant 128 : i32
          %mul3A_569 = arith.muli %scan3A_538, %mul3A_568 : i32
          %add3A_570 = arith.constant 16 : i32
          %add3A_571 = arith.addi %mul3A_569, %add3A_570 : i32
          %get3A_572 = arith.index_cast %add3A_571 : i32 to index
          %get3A_573 = tpu.vector_load %arg4[%get3A_572] {strides = array<i32>} : memref<16000xf32, #tpu.memory_space<vmem>>, vector<16xf32>,
          %bitcast3A_574 = vector.bitcast %get3A_573 : vector<16xf32> to vector<16xi32>
          %mul3A_575 = arith.constant 128 : i32
          %mul3A_576 = arith.muli %scan3A_538, %mul3A_575 : i32
          %add3A_577 = arith.constant 64 : i32
          %add3A_578 = arith.addi %mul3A_576, %add3A_577 : i32
          %add3A_579 = arith.constant 16 : i32
          %add3A_580 = arith.addi %add3A_578, %add3A_579 : i32
          %get3A_581 = arith.index_cast %add3A_580 : i32 to index
          %get3A_582 = tpu.vector_load %arg4[%get3A_581] {strides = array<i32>} : memref<16000xf32, #tpu.memory_space<vmem>>, vector<16xf32>,
          %bitcast3A_583 = vector.bitcast %get3A_582 : vector<16xf32> to vector<16xi32>
          %shift_right_logical3A_584 = arith.constant 16 : i32
          %shift_right_logical3A_585 = vector.broadcast %shift_right_logical3A_584 : i32 to vector<16xi32>
          %shift_right_logical3A_586 = arith.shrui %bitcast3A_574, %shift_right_logical3A_585 : vector<16xi32>
          %and3A_587 = arith.constant -65536 : i32
          %and3A_588 = vector.broadcast %and3A_587 : i32 to vector<16xi32>
          %and3A_589 = arith.andi %bitcast3A_583, %and3A_588 : vector<16xi32>
          %or3A_590 = arith.ori %shift_right_logical3A_586, %and3A_589 : vector<16xi32>
          %mul3A_591 = arith.constant 64 : i32
          %mul3A_592 = arith.muli %scan3A_538, %mul3A_591 : i32
          %add3A_593 = arith.constant 16 : i32
          %add3A_594 = arith.addi %mul3A_592, %add3A_593 : i32
          %swap3A_595 = arith.index_cast %add3A_594 : i32 to index
          %swap3A_596 = tpu.vector_load %arg6[%swap3A_595] {strides = array<i32>} : memref<8000xi32, #tpu.memory_space<vmem>>, vector<16xi32>,
          tpu.vector_store %arg6[%swap3A_595], %or3A_590 {strides = array<i32>} : memref<8000xi32, #tpu.memory_space<vmem>>, vector<16xi32>,
          %mul3A_597 = arith.constant 128 : i32
          %mul3A_598 = arith.muli %scan3A_538, %mul3A_597 : i32
          %add3A_599 = arith.constant 32 : i32
          %add3A_600 = arith.addi %mul3A_598, %add3A_599 : i32
          %get3A_601 = arith.index_cast %add3A_600 : i32 to index
          %get3A_602 = tpu.vector_load %arg4[%get3A_601] {strides = array<i32>} : memref<16000xf32, #tpu.memory_space<vmem>>, vector<16xf32>,
          %bitcast3A_603 = vector.bitcast %get3A_602 : vector<16xf32> to vector<16xi32>
          %mul3A_604 = arith.constant 128 : i32
          %mul3A_605 = arith.muli %scan3A_538, %mul3A_604 : i32
          %add3A_606 = arith.constant 64 : i32
          %add3A_607 = arith.addi %mul3A_605, %add3A_606 : i32
          %add3A_608 = arith.constant 32 : i32
          %add3A_609 = arith.addi %add3A_607, %add3A_608 : i32
          %get3A_610 = arith.index_cast %add3A_609 : i32 to index
          %get3A_611 = tpu.vector_load %arg4[%get3A_610] {strides = array<i32>} : memref<16000xf32, #tpu.memory_space<vmem>>, vector<16xf32>,
          %bitcast3A_612 = vector.bitcast %get3A_611 : vector<16xf32> to vector<16xi32>
          %shift_right_logical3A_613 = arith.constant 16 : i32
          %shift_right_logical3A_614 = vector.broadcast %shift_right_logical3A_613 : i32 to vector<16xi32>
          %shift_right_logical3A_615 = arith.shrui %bitcast3A_603, %shift_right_logical3A_614 : vector<16xi32>
          %and3A_616 = arith.constant -65536 : i32
          %and3A_617 = vector.broadcast %and3A_616 : i32 to vector<16xi32>
          %and3A_618 = arith.andi %bitcast3A_612, %and3A_617 : vector<16xi32>
          %or3A_619 = arith.ori %shift_right_logical3A_615, %and3A_618 : vector<16xi32>
          %mul3A_620 = arith.constant 64 : i32
          %mul3A_621 = arith.muli %scan3A_538, %mul3A_620 : i32
          %add3A_622 = arith.constant 32 : i32
          %add3A_623 = arith.addi %mul3A_621, %add3A_622 : i32
          %swap3A_624 = arith.index_cast %add3A_623 : i32 to index
          %swap3A_625 = tpu.vector_load %arg6[%swap3A_624] {strides = array<i32>} : memref<8000xi32, #tpu.memory_space<vmem>>, vector<16xi32>,
          tpu.vector_store %arg6[%swap3A_624], %or3A_619 {strides = array<i32>} : memref<8000xi32, #tpu.memory_space<vmem>>, vector<16xi32>,
          %mul3A_626 = arith.constant 128 : i32
          %mul3A_627 = arith.muli %scan3A_538, %mul3A_626 : i32
          %add3A_628 = arith.constant 48 : i32
          %add3A_629 = arith.addi %mul3A_627, %add3A_628 : i32
          %get3A_630 = arith.index_cast %add3A_629 : i32 to index
          %get3A_631 = tpu.vector_load %arg4[%get3A_630] {strides = array<i32>} : memref<16000xf32, #tpu.memory_space<vmem>>, vector<16xf32>,
          %bitcast3A_632 = vector.bitcast %get3A_631 : vector<16xf32> to vector<16xi32>
          %mul3A_633 = arith.constant 128 : i32
          %mul3A_634 = arith.muli %scan3A_538, %mul3A_633 : i32
          %add3A_635 = arith.constant 64 : i32
          %add3A_636 = arith.addi %mul3A_634, %add3A_635 : i32
          %add3A_637 = arith.constant 48 : i32
          %add3A_638 = arith.addi %add3A_636, %add3A_637 : i32
          %get3A_639 = arith.index_cast %add3A_638 : i32 to index
          %get3A_640 = tpu.vector_load %arg4[%get3A_639] {strides = array<i32>} : memref<16000xf32, #tpu.memory_space<vmem>>, vector<16xf32>,
          %bitcast3A_641 = vector.bitcast %get3A_640 : vector<16xf32> to vector<16xi32>
          %shift_right_logical3A_642 = arith.constant 16 : i32
          %shift_right_logical3A_643 = vector.broadcast %shift_right_logical3A_642 : i32 to vector<16xi32>
          %shift_right_logical3A_644 = arith.shrui %bitcast3A_632, %shift_right_logical3A_643 : vector<16xi32>
          %and3A_645 = arith.constant -65536 : i32
          %and3A_646 = vector.broadcast %and3A_645 : i32 to vector<16xi32>
          %and3A_647 = arith.andi %bitcast3A_641, %and3A_646 : vector<16xi32>
          %or3A_648 = arith.ori %shift_right_logical3A_644, %and3A_647 : vector<16xi32>
          %mul3A_649 = arith.constant 64 : i32
          %mul3A_650 = arith.muli %scan3A_538, %mul3A_649 : i32
          %add3A_651 = arith.constant 48 : i32
          %add3A_652 = arith.addi %mul3A_650, %add3A_651 : i32
          %swap3A_653 = arith.index_cast %add3A_652 : i32 to index
          %swap3A_654 = tpu.vector_load %arg6[%swap3A_653] {strides = array<i32>} : memref<8000xi32, #tpu.memory_space<vmem>>, vector<16xi32>,
          tpu.vector_store %arg6[%swap3A_653], %or3A_648 {strides = array<i32>} : memref<8000xi32, #tpu.memory_space<vmem>>, vector<16xi32>,
          %scan3A_655 = arith.constant 0 : i32
          scf.yield %scan3A_655 : i32
        }
        %scan3A_61 = arith.constant 124 : i32
        %scan3A_62 = arith.addi %scan3A_56, %scan3A_61 : i32
        %mul3A_63 = arith.constant 128 : i32
        %mul3A_64 = arith.muli %scan3A_62, %mul3A_63 : i32
        %add3A_65 = arith.constant 0 : i32
        %add3A_66 = arith.addi %mul3A_64, %add3A_65 : i32
        %get3A = arith.index_cast %add3A_66 : i32 to index
        %get3A_67 = tpu.vector_load %arg4[%get3A] {strides = array<i32>} : memref<16000xf32, #tpu.memory_space<vmem>>, vector<16xf32>,
        %bitcast3A = vector.bitcast %get3A_67 : vector<16xf32> to vector<16xi32>
        %mul3A_68 = arith.constant 128 : i32
        %mul3A_69 = arith.muli %scan3A_62, %mul3A_68 : i32
        %add3A_70 = arith.constant 64 : i32
        %add3A_71 = arith.addi %mul3A_69, %add3A_70 : i32
        %add3A_72 = arith.constant 0 : i32
        %add3A_73 = arith.addi %add3A_71, %add3A_72 : i32
        %get3A_74 = arith.index_cast %add3A_73 : i32 to index
        %get3A_75 = tpu.vector_load %arg4[%get3A_74] {strides = array<i32>} : memref<16000xf32, #tpu.memory_space<vmem>>, vector<16xf32>,
        %bitcast3A_76 = vector.bitcast %get3A_75 : vector<16xf32> to vector<16xi32>
        %shift_right_logical3A = arith.constant 16 : i32
        %shift_right_logical3A_77 = vector.broadcast %shift_right_logical3A : i32 to vector<16xi32>
        %shift_right_logical3A_78 = arith.shrui %bitcast3A, %shift_right_logical3A_77 : vector<16xi32>
        %and3A = arith.constant -65536 : i32
        %and3A_79 = vector.broadcast %and3A : i32 to vector<16xi32>
        %and3A_80 = arith.andi %bitcast3A_76, %and3A_79 : vector<16xi32>
        %or3A = arith.ori %shift_right_logical3A_78, %and3A_80 : vector<16xi32>
        %mul3A_81 = arith.constant 64 : i32
        %mul3A_82 = arith.muli %scan3A_62, %mul3A_81 : i32
        %add3A_83 = arith.constant 0 : i32
        %add3A_84 = arith.addi %mul3A_82, %add3A_83 : i32
        %swap3A = arith.index_cast %add3A_84 : i32 to index
        %swap3A_85 = tpu.vector_load %arg6[%swap3A] {strides = array<i32>} : memref<8000xi32, #tpu.memory_space<vmem>>, vector<16xi32>,
        tpu.vector_store %arg6[%swap3A], %or3A {strides = array<i32>} : memref<8000xi32, #tpu.memory_space<vmem>>, vector<16xi32>,
        %mul3A_86 = arith.constant 128 : i32
        %mul3A_87 = arith.muli %scan3A_62, %mul3A_86 : i32
        %add3A_88 = arith.constant 16 : i32
        %add3A_89 = arith.addi %mul3A_87, %add3A_88 : i32
        %get3A_90 = arith.index_cast %add3A_89 : i32 to index
        %get3A_91 = tpu.vector_load %arg4[%get3A_90] {strides = array<i32>} : memref<16000xf32, #tpu.memory_space<vmem>>, vector<16xf32>,
        %bitcast3A_92 = vector.bitcast %get3A_91 : vector<16xf32> to vector<16xi32>
        %mul3A_93 = arith.constant 128 : i32
        %mul3A_94 = arith.muli %scan3A_62, %mul3A_93 : i32
        %add3A_95 = arith.constant 64 : i32
        %add3A_96 = arith.addi %mul3A_94, %add3A_95 : i32
        %add3A_97 = arith.constant 16 : i32
        %add3A_98 = arith.addi %add3A_96, %add3A_97 : i32
        %get3A_99 = arith.index_cast %add3A_98 : i32 to index
        %get3A_100 = tpu.vector_load %arg4[%get3A_99] {strides = array<i32>} : memref<16000xf32, #tpu.memory_space<vmem>>, vector<16xf32>,
        %bitcast3A_101 = vector.bitcast %get3A_100 : vector<16xf32> to vector<16xi32>
        %shift_right_logical3A_102 = arith.constant 16 : i32
        %shift_right_logical3A_103 = vector.broadcast %shift_right_logical3A_102 : i32 to vector<16xi32>
        %shift_right_logical3A_104 = arith.shrui %bitcast3A_92, %shift_right_logical3A_103 : vector<16xi32>
        %and3A_105 = arith.constant -65536 : i32
        %and3A_106 = vector.broadcast %and3A_105 : i32 to vector<16xi32>
        %and3A_107 = arith.andi %bitcast3A_101, %and3A_106 : vector<16xi32>
        %or3A_108 = arith.ori %shift_right_logical3A_104, %and3A_107 : vector<16xi32>
        %mul3A_109 = arith.constant 64 : i32
        %mul3A_110 = arith.muli %scan3A_62, %mul3A_109 : i32
        %add3A_111 = arith.constant 16 : i32
        %add3A_112 = arith.addi %mul3A_110, %add3A_111 : i32
        %swap3A_113 = arith.index_cast %add3A_112 : i32 to index
        %swap3A_114 = tpu.vector_load %arg6[%swap3A_113] {strides = array<i32>} : memref<8000xi32, #tpu.memory_space<vmem>>, vector<16xi32>,
        tpu.vector_store %arg6[%swap3A_113], %or3A_108 {strides = array<i32>} : memref<8000xi32, #tpu.memory_space<vmem>>, vector<16xi32>,
        %mul3A_115 = arith.constant 128 : i32
        %mul3A_116 = arith.muli %scan3A_62, %mul3A_115 : i32
        %add3A_117 = arith.constant 32 : i32
        %add3A_118 = arith.addi %mul3A_116, %add3A_117 : i32
        %get3A_119 = arith.index_cast %add3A_118 : i32 to index
        %get3A_120 = tpu.vector_load %arg4[%get3A_119] {strides = array<i32>} : memref<16000xf32, #tpu.memory_space<vmem>>, vector<16xf32>,
        %bitcast3A_121 = vector.bitcast %get3A_120 : vector<16xf32> to vector<16xi32>
        %mul3A_122 = arith.constant 128 : i32
        %mul3A_123 = arith.muli %scan3A_62, %mul3A_122 : i32
        %add3A_124 = arith.constant 64 : i32
        %add3A_125 = arith.addi %mul3A_123, %add3A_124 : i32
        %add3A_126 = arith.constant 32 : i32
        %add3A_127 = arith.addi %add3A_125, %add3A_126 : i32
        %get3A_128 = arith.index_cast %add3A_127 : i32 to index
        %get3A_129 = tpu.vector_load %arg4[%get3A_128] {strides = array<i32>} : memref<16000xf32, #tpu.memory_space<vmem>>, vector<16xf32>,
        %bitcast3A_130 = vector.bitcast %get3A_129 : vector<16xf32> to vector<16xi32>
        %shift_right_logical3A_131 = arith.constant 16 : i32
        %shift_right_logical3A_132 = vector.broadcast %shift_right_logical3A_131 : i32 to vector<16xi32>
        %shift_right_logical3A_133 = arith.shrui %bitcast3A_121, %shift_right_logical3A_132 : vector<16xi32>
        %and3A_134 = arith.constant -65536 : i32
        %and3A_135 = vector.broadcast %and3A_134 : i32 to vector<16xi32>
        %and3A_136 = arith.andi %bitcast3A_130, %and3A_135 : vector<16xi32>
        %or3A_137 = arith.ori %shift_right_logical3A_133, %and3A_136 : vector<16xi32>
        %mul3A_138 = arith.constant 64 : i32
        %mul3A_139 = arith.muli %scan3A_62, %mul3A_138 : i32
        %add3A_140 = arith.constant 32 : i32
        %add3A_141 = arith.addi %mul3A_139, %add3A_140 : i32
        %swap3A_142 = arith.index_cast %add3A_141 : i32 to index
        %swap3A_143 = tpu.vector_load %arg6[%swap3A_142] {strides = array<i32>} : memref<8000xi32, #tpu.memory_space<vmem>>, vector<16xi32>,
        tpu.vector_store %arg6[%swap3A_142], %or3A_137 {strides = array<i32>} : memref<8000xi32, #tpu.memory_space<vmem>>, vector<16xi32>,
        %mul3A_144 = arith.constant 128 : i32
        %mul3A_145 = arith.muli %scan3A_62, %mul3A_144 : i32
        %add3A_146 = arith.constant 48 : i32
        %add3A_147 = arith.addi %mul3A_145, %add3A_146 : i32
        %get3A_148 = arith.index_cast %add3A_147 : i32 to index
        %get3A_149 = tpu.vector_load %arg4[%get3A_148] {strides = array<i32>} : memref<16000xf32, #tpu.memory_space<vmem>>, vector<16xf32>,
        %bitcast3A_150 = vector.bitcast %get3A_149 : vector<16xf32> to vector<16xi32>
        %mul3A_151 = arith.constant 128 : i32
        %mul3A_152 = arith.muli %scan3A_62, %mul3A_151 : i32
        %add3A_153 = arith.constant 64 : i32
        %add3A_154 = arith.addi %mul3A_152, %add3A_153 : i32
        %add3A_155 = arith.constant 48 : i32
        %add3A_156 = arith.addi %add3A_154, %add3A_155 : i32
        %get3A_157 = arith.index_cast %add3A_156 : i32 to index
        %get3A_158 = tpu.vector_load %arg4[%get3A_157] {strides = array<i32>} : memref<16000xf32, #tpu.memory_space<vmem>>, vector<16xf32>,
        %bitcast3A_159 = vector.bitcast %get3A_158 : vector<16xf32> to vector<16xi32>
        %shift_right_logical3A_160 = arith.constant 16 : i32
        %shift_right_logical3A_161 = vector.broadcast %shift_right_logical3A_160 : i32 to vector<16xi32>
        %shift_right_logical3A_162 = arith.shrui %bitcast3A_150, %shift_right_logical3A_161 : vector<16xi32>
        %and3A_163 = arith.constant -65536 : i32
        %and3A_164 = vector.broadcast %and3A_163 : i32 to vector<16xi32>
        %and3A_165 = arith.andi %bitcast3A_159, %and3A_164 : vector<16xi32>
        %or3A_166 = arith.ori %shift_right_logical3A_162, %and3A_165 : vector<16xi32>
        %mul3A_167 = arith.constant 64 : i32
        %mul3A_168 = arith.muli %scan3A_62, %mul3A_167 : i32
        %add3A_169 = arith.constant 48 : i32
        %add3A_170 = arith.addi %mul3A_168, %add3A_169 : i32
        %swap3A_171 = arith.index_cast %add3A_170 : i32 to index
        %swap3A_172 = tpu.vector_load %arg6[%swap3A_171] {strides = array<i32>} : memref<8000xi32, #tpu.memory_space<vmem>>, vector<16xi32>,
        tpu.vector_store %arg6[%swap3A_171], %or3A_166 {strides = array<i32>} : memref<8000xi32, #tpu.memory_space<vmem>>, vector<16xi32>,
        %scan3A_173 = arith.constant 0 : i32
        %scan3A_174 = arith.constant 125 : i32
        %mul3A_175 = arith.constant 8000 : i32
        %mul3A_176 = arith.muli %add3A_29, %mul3A_175 : i32
        %add3A_177 = arith.addi %mul3A_8, %mul3A_176 : i32
        %dma_start3A_178 = tpu.memref_slice %arg3[%add3A_177] : memref<6400000xi32, #tpu.memory_space<hbm>> -> memref<8000xi32, #tpu.memory_space<hbm>>
        %dma_start3A_179 = tpu.memref_slice %arg3[%add3A_177] : memref<6400000xi32, #tpu.memory_space<hbm>> -> memref<8000xi32, #tpu.memory_space<hbm>>
        tpu.enqueue_dma source(%arg6 : memref<8000xi32, #tpu.memory_space<vmem>>) target(%dma_start3A_179 : memref<8000xi32, #tpu.memory_space<hbm>>) target_semaphore(%arg10 : memref<!tpu.dma_semaphore, #tpu.memory_space<semaphore_mem>>)
      } else {
      }
      %add3A_32 = arith.constant 1 : i32
      %add3A_33 = arith.addi %add3A_27, %add3A_32 : i32
      %lt3A_34 = arith.constant 25 : i32
      %lt3A_35 = arith.cmpi slt, %add3A_33, %lt3A_34 : i32
      %convert_element_type3A_36 = arith.extui %lt3A_35 : i1 to i32
      %cond3A_37 = arith.constant 0 : i32
      %cond3A_38 = arith.cmpi ne, %convert_element_type3A_36, %cond3A_37 : i32
      scf.if %cond3A_38 {
        %add3A_39 = arith.constant 2 : i32
        %add3A_40 = arith.addi %add3A_33, %add3A_39 : i32
        %sub3A = arith.constant 1 : i32
        %sub3A_41 = arith.subi %add3A_40, %sub3A : i32
        %lt3A_42 = arith.constant 25 : i32
        %lt3A_43 = arith.cmpi slt, %sub3A_41, %lt3A_42 : i32
        %convert_element_type3A_44 = arith.extui %lt3A_43 : i1 to i32
        %cond3A_45 = arith.constant 0 : i32
        %cond3A_46 = arith.cmpi ne, %convert_element_type3A_44, %cond3A_45 : i32
        scf.if %cond3A_46 {
          %add3A_180 = arith.constant 2 : i32
          %add3A_181 = arith.addi %add3A_33, %add3A_180 : i32
          %sub3A_182 = arith.constant 1 : i32
          %sub3A_183 = arith.subi %add3A_181, %sub3A_182 : i32
          %mul3A_184 = arith.constant 16000 : i32
          %mul3A_185 = arith.muli %sub3A_183, %mul3A_184 : i32
          %add3A_186 = arith.addi %mul3A_4, %mul3A_185 : i32
          %dma_start3A_187 = tpu.memref_slice %arg2[%add3A_186] : memref<12800000xf32, #tpu.memory_space<hbm>> -> memref<16000xf32, #tpu.memory_space<hbm>>
          %dma_start3A_188 = tpu.memref_slice %arg2[%add3A_186] : memref<12800000xf32, #tpu.memory_space<hbm>> -> memref<16000xf32, #tpu.memory_space<hbm>>
          tpu.enqueue_dma source(%dma_start3A_188 : memref<16000xf32, #tpu.memory_space<hbm>>) target(%arg4 : memref<16000xf32, #tpu.memory_space<vmem>>) target_semaphore(%arg8 : memref<!tpu.dma_semaphore, #tpu.memory_space<semaphore_mem>>)
        } else {
        }
        %dma_wait3A_47 = arith.constant 0 : i32
        %dma_wait3A_48 = tpu.memref_slice %arg2[%dma_wait3A_47] : memref<12800000xf32, #tpu.memory_space<hbm>> -> memref<16000xf32, #tpu.memory_space<hbm>>
        %dma_wait3A_49 = arith.constant 0 : i32
        %dma_wait3A_50 = tpu.memref_slice %arg2[%dma_wait3A_49] : memref<12800000xf32, #tpu.memory_space<hbm>> -> memref<16000xf32, #tpu.memory_space<hbm>>
        tpu.wait_dma2 semaphore(%arg9 : memref<!tpu.dma_semaphore, #tpu.memory_space<semaphore_mem>>) src(%dma_wait3A_50 : memref<16000xf32, #tpu.memory_space<hbm>>) dst(%arg5 : memref<16000xf32, #tpu.memory_space<vmem>>)
        %ge3A = arith.constant 2 : i32
        %ge3A_51 = arith.cmpi sge, %add3A_33, %ge3A : i32
        %convert_element_type3A_52 = arith.extui %ge3A_51 : i1 to i32
        %cond3A_53 = arith.constant 0 : i32
        %cond3A_54 = arith.cmpi ne, %convert_element_type3A_52, %cond3A_53 : i32
        scf.if %cond3A_54 {
          %dma_wait3A_180 = arith.constant 0 : i32
          %dma_wait3A_181 = tpu.memref_slice %arg3[%dma_wait3A_180] : memref<6400000xi32, #tpu.memory_space<hbm>> -> memref<8000xi32, #tpu.memory_space<hbm>>
          %dma_wait3A_182 = arith.constant 0 : i32
          %dma_wait3A_183 = tpu.memref_slice %arg3[%dma_wait3A_182] : memref<6400000xi32, #tpu.memory_space<hbm>> -> memref<8000xi32, #tpu.memory_space<hbm>>
          tpu.wait_dma2 semaphore(%arg11 : memref<!tpu.dma_semaphore, #tpu.memory_space<semaphore_mem>>) src(%arg7 : memref<8000xi32, #tpu.memory_space<vmem>>) dst(%dma_wait3A_183 : memref<8000xi32, #tpu.memory_space<hbm>>)
        } else {
        }
        %scan3A_55 = arith.constant 0 : i32
        %scan3A_56 = arith.constant 0 : i32
        %scan3A_57 = arith.constant 124 : i32
        %scan3A_58 = arith.addi %scan3A_56, %scan3A_57 : i32
        %scan3A_59 = arith.constant 4 : i32
        %scan3A_60 = scf.for %scan3A_180 = %scan3A_56 to %scan3A_58 step %scan3A_59 iter_args(%scan3A_181 = %scan3A_55) -> (i32)  : i32 {
          %mul3A_182 = arith.constant 128 : i32
          %mul3A_183 = arith.muli %scan3A_180, %mul3A_182 : i32
          %add3A_184 = arith.constant 0 : i32
          %add3A_185 = arith.addi %mul3A_183, %add3A_184 : i32
          %get3A_186 = arith.index_cast %add3A_185 : i32 to index
          %get3A_187 = tpu.vector_load %arg5[%get3A_186] {strides = array<i32>} : memref<16000xf32, #tpu.memory_space<vmem>>, vector<16xf32>,
          %bitcast3A_188 = vector.bitcast %get3A_187 : vector<16xf32> to vector<16xi32>
          %mul3A_189 = arith.constant 128 : i32
          %mul3A_190 = arith.muli %scan3A_180, %mul3A_189 : i32
          %add3A_191 = arith.constant 64 : i32
          %add3A_192 = arith.addi %mul3A_190, %add3A_191 : i32
          %add3A_193 = arith.constant 0 : i32
          %add3A_194 = arith.addi %add3A_192, %add3A_193 : i32
          %get3A_195 = arith.index_cast %add3A_194 : i32 to index
          %get3A_196 = tpu.vector_load %arg5[%get3A_195] {strides = array<i32>} : memref<16000xf32, #tpu.memory_space<vmem>>, vector<16xf32>,
          %bitcast3A_197 = vector.bitcast %get3A_196 : vector<16xf32> to vector<16xi32>
          %shift_right_logical3A_198 = arith.constant 16 : i32
          %shift_right_logical3A_199 = vector.broadcast %shift_right_logical3A_198 : i32 to vector<16xi32>
          %shift_right_logical3A_200 = arith.shrui %bitcast3A_188, %shift_right_logical3A_199 : vector<16xi32>
          %and3A_201 = arith.constant -65536 : i32
          %and3A_202 = vector.broadcast %and3A_201 : i32 to vector<16xi32>
          %and3A_203 = arith.andi %bitcast3A_197, %and3A_202 : vector<16xi32>
          %or3A_204 = arith.ori %shift_right_logical3A_200, %and3A_203 : vector<16xi32>
          %mul3A_205 = arith.constant 64 : i32
          %mul3A_206 = arith.muli %scan3A_180, %mul3A_205 : i32
          %add3A_207 = arith.constant 0 : i32
          %add3A_208 = arith.addi %mul3A_206, %add3A_207 : i32
          %swap3A_209 = arith.index_cast %add3A_208 : i32 to index
          %swap3A_210 = tpu.vector_load %arg7[%swap3A_209] {strides = array<i32>} : memref<8000xi32, #tpu.memory_space<vmem>>, vector<16xi32>,
          tpu.vector_store %arg7[%swap3A_209], %or3A_204 {strides = array<i32>} : memref<8000xi32, #tpu.memory_space<vmem>>, vector<16xi32>,
          %mul3A_211 = arith.constant 128 : i32
          %mul3A_212 = arith.muli %scan3A_180, %mul3A_211 : i32
          %add3A_213 = arith.constant 16 : i32
          %add3A_214 = arith.addi %mul3A_212, %add3A_213 : i32
          %get3A_215 = arith.index_cast %add3A_214 : i32 to index
          %get3A_216 = tpu.vector_load %arg5[%get3A_215] {strides = array<i32>} : memref<16000xf32, #tpu.memory_space<vmem>>, vector<16xf32>,
          %bitcast3A_217 = vector.bitcast %get3A_216 : vector<16xf32> to vector<16xi32>
          %mul3A_218 = arith.constant 128 : i32
          %mul3A_219 = arith.muli %scan3A_180, %mul3A_218 : i32
          %add3A_220 = arith.constant 64 : i32
          %add3A_221 = arith.addi %mul3A_219, %add3A_220 : i32
          %add3A_222 = arith.constant 16 : i32
          %add3A_223 = arith.addi %add3A_221, %add3A_222 : i32
          %get3A_224 = arith.index_cast %add3A_223 : i32 to index
          %get3A_225 = tpu.vector_load %arg5[%get3A_224] {strides = array<i32>} : memref<16000xf32, #tpu.memory_space<vmem>>, vector<16xf32>,
          %bitcast3A_226 = vector.bitcast %get3A_225 : vector<16xf32> to vector<16xi32>
          %shift_right_logical3A_227 = arith.constant 16 : i32
          %shift_right_logical3A_228 = vector.broadcast %shift_right_logical3A_227 : i32 to vector<16xi32>
          %shift_right_logical3A_229 = arith.shrui %bitcast3A_217, %shift_right_logical3A_228 : vector<16xi32>
          %and3A_230 = arith.constant -65536 : i32
          %and3A_231 = vector.broadcast %and3A_230 : i32 to vector<16xi32>
          %and3A_232 = arith.andi %bitcast3A_226, %and3A_231 : vector<16xi32>
          %or3A_233 = arith.ori %shift_right_logical3A_229, %and3A_232 : vector<16xi32>
          %mul3A_234 = arith.constant 64 : i32
          %mul3A_235 = arith.muli %scan3A_180, %mul3A_234 : i32
          %add3A_236 = arith.constant 16 : i32
          %add3A_237 = arith.addi %mul3A_235, %add3A_236 : i32
          %swap3A_238 = arith.index_cast %add3A_237 : i32 to index
          %swap3A_239 = tpu.vector_load %arg7[%swap3A_238] {strides = array<i32>} : memref<8000xi32, #tpu.memory_space<vmem>>, vector<16xi32>,
          tpu.vector_store %arg7[%swap3A_238], %or3A_233 {strides = array<i32>} : memref<8000xi32, #tpu.memory_space<vmem>>, vector<16xi32>,
          %mul3A_240 = arith.constant 128 : i32
          %mul3A_241 = arith.muli %scan3A_180, %mul3A_240 : i32
          %add3A_242 = arith.constant 32 : i32
          %add3A_243 = arith.addi %mul3A_241, %add3A_242 : i32
          %get3A_244 = arith.index_cast %add3A_243 : i32 to index
          %get3A_245 = tpu.vector_load %arg5[%get3A_244] {strides = array<i32>} : memref<16000xf32, #tpu.memory_space<vmem>>, vector<16xf32>,
          %bitcast3A_246 = vector.bitcast %get3A_245 : vector<16xf32> to vector<16xi32>
          %mul3A_247 = arith.constant 128 : i32
          %mul3A_248 = arith.muli %scan3A_180, %mul3A_247 : i32
          %add3A_249 = arith.constant 64 : i32
          %add3A_250 = arith.addi %mul3A_248, %add3A_249 : i32
          %add3A_251 = arith.constant 32 : i32
          %add3A_252 = arith.addi %add3A_250, %add3A_251 : i32
          %get3A_253 = arith.index_cast %add3A_252 : i32 to index
          %get3A_254 = tpu.vector_load %arg5[%get3A_253] {strides = array<i32>} : memref<16000xf32, #tpu.memory_space<vmem>>, vector<16xf32>,
          %bitcast3A_255 = vector.bitcast %get3A_254 : vector<16xf32> to vector<16xi32>
          %shift_right_logical3A_256 = arith.constant 16 : i32
          %shift_right_logical3A_257 = vector.broadcast %shift_right_logical3A_256 : i32 to vector<16xi32>
          %shift_right_logical3A_258 = arith.shrui %bitcast3A_246, %shift_right_logical3A_257 : vector<16xi32>
          %and3A_259 = arith.constant -65536 : i32
          %and3A_260 = vector.broadcast %and3A_259 : i32 to vector<16xi32>
          %and3A_261 = arith.andi %bitcast3A_255, %and3A_260 : vector<16xi32>
          %or3A_262 = arith.ori %shift_right_logical3A_258, %and3A_261 : vector<16xi32>
          %mul3A_263 = arith.constant 64 : i32
          %mul3A_264 = arith.muli %scan3A_180, %mul3A_263 : i32
          %add3A_265 = arith.constant 32 : i32
          %add3A_266 = arith.addi %mul3A_264, %add3A_265 : i32
          %swap3A_267 = arith.index_cast %add3A_266 : i32 to index
          %swap3A_268 = tpu.vector_load %arg7[%swap3A_267] {strides = array<i32>} : memref<8000xi32, #tpu.memory_space<vmem>>, vector<16xi32>,
          tpu.vector_store %arg7[%swap3A_267], %or3A_262 {strides = array<i32>} : memref<8000xi32, #tpu.memory_space<vmem>>, vector<16xi32>,
          %mul3A_269 = arith.constant 128 : i32
          %mul3A_270 = arith.muli %scan3A_180, %mul3A_269 : i32
          %add3A_271 = arith.constant 48 : i32
          %add3A_272 = arith.addi %mul3A_270, %add3A_271 : i32
          %get3A_273 = arith.index_cast %add3A_272 : i32 to index
          %get3A_274 = tpu.vector_load %arg5[%get3A_273] {strides = array<i32>} : memref<16000xf32, #tpu.memory_space<vmem>>, vector<16xf32>,
          %bitcast3A_275 = vector.bitcast %get3A_274 : vector<16xf32> to vector<16xi32>
          %mul3A_276 = arith.constant 128 : i32
          %mul3A_277 = arith.muli %scan3A_180, %mul3A_276 : i32
          %add3A_278 = arith.constant 64 : i32
          %add3A_279 = arith.addi %mul3A_277, %add3A_278 : i32
          %add3A_280 = arith.constant 48 : i32
          %add3A_281 = arith.addi %add3A_279, %add3A_280 : i32
          %get3A_282 = arith.index_cast %add3A_281 : i32 to index
          %get3A_283 = tpu.vector_load %arg5[%get3A_282] {strides = array<i32>} : memref<16000xf32, #tpu.memory_space<vmem>>, vector<16xf32>,
          %bitcast3A_284 = vector.bitcast %get3A_283 : vector<16xf32> to vector<16xi32>
          %shift_right_logical3A_285 = arith.constant 16 : i32
          %shift_right_logical3A_286 = vector.broadcast %shift_right_logical3A_285 : i32 to vector<16xi32>
          %shift_right_logical3A_287 = arith.shrui %bitcast3A_275, %shift_right_logical3A_286 : vector<16xi32>
          %and3A_288 = arith.constant -65536 : i32
          %and3A_289 = vector.broadcast %and3A_288 : i32 to vector<16xi32>
          %and3A_290 = arith.andi %bitcast3A_284, %and3A_289 : vector<16xi32>
          %or3A_291 = arith.ori %shift_right_logical3A_287, %and3A_290 : vector<16xi32>
          %mul3A_292 = arith.constant 64 : i32
          %mul3A_293 = arith.muli %scan3A_180, %mul3A_292 : i32
          %add3A_294 = arith.constant 48 : i32
          %add3A_295 = arith.addi %mul3A_293, %add3A_294 : i32
          %swap3A_296 = arith.index_cast %add3A_295 : i32 to index
          %swap3A_297 = tpu.vector_load %arg7[%swap3A_296] {strides = array<i32>} : memref<8000xi32, #tpu.memory_space<vmem>>, vector<16xi32>,
          tpu.vector_store %arg7[%swap3A_296], %or3A_291 {strides = array<i32>} : memref<8000xi32, #tpu.memory_space<vmem>>, vector<16xi32>,
          %scan3A_298 = arith.constant 0 : i32
          %scan3A_299 = arith.constant 1 : i32
          %scan3A_300 = arith.addi %scan3A_180, %scan3A_299 : i32
          %mul3A_301 = arith.constant 128 : i32
          %mul3A_302 = arith.muli %scan3A_300, %mul3A_301 : i32
          %add3A_303 = arith.constant 0 : i32
          %add3A_304 = arith.addi %mul3A_302, %add3A_303 : i32
          %get3A_305 = arith.index_cast %add3A_304 : i32 to index
          %get3A_306 = tpu.vector_load %arg5[%get3A_305] {strides = array<i32>} : memref<16000xf32, #tpu.memory_space<vmem>>, vector<16xf32>,
          %bitcast3A_307 = vector.bitcast %get3A_306 : vector<16xf32> to vector<16xi32>
          %mul3A_308 = arith.constant 128 : i32
          %mul3A_309 = arith.muli %scan3A_300, %mul3A_308 : i32
          %add3A_310 = arith.constant 64 : i32
          %add3A_311 = arith.addi %mul3A_309, %add3A_310 : i32
          %add3A_312 = arith.constant 0 : i32
          %add3A_313 = arith.addi %add3A_311, %add3A_312 : i32
          %get3A_314 = arith.index_cast %add3A_313 : i32 to index
          %get3A_315 = tpu.vector_load %arg5[%get3A_314] {strides = array<i32>} : memref<16000xf32, #tpu.memory_space<vmem>>, vector<16xf32>,
          %bitcast3A_316 = vector.bitcast %get3A_315 : vector<16xf32> to vector<16xi32>
          %shift_right_logical3A_317 = arith.constant 16 : i32
          %shift_right_logical3A_318 = vector.broadcast %shift_right_logical3A_317 : i32 to vector<16xi32>
          %shift_right_logical3A_319 = arith.shrui %bitcast3A_307, %shift_right_logical3A_318 : vector<16xi32>
          %and3A_320 = arith.constant -65536 : i32
          %and3A_321 = vector.broadcast %and3A_320 : i32 to vector<16xi32>
          %and3A_322 = arith.andi %bitcast3A_316, %and3A_321 : vector<16xi32>
          %or3A_323 = arith.ori %shift_right_logical3A_319, %and3A_322 : vector<16xi32>
          %mul3A_324 = arith.constant 64 : i32
          %mul3A_325 = arith.muli %scan3A_300, %mul3A_324 : i32
          %add3A_326 = arith.constant 0 : i32
          %add3A_327 = arith.addi %mul3A_325, %add3A_326 : i32
          %swap3A_328 = arith.index_cast %add3A_327 : i32 to index
          %swap3A_329 = tpu.vector_load %arg7[%swap3A_328] {strides = array<i32>} : memref<8000xi32, #tpu.memory_space<vmem>>, vector<16xi32>,
          tpu.vector_store %arg7[%swap3A_328], %or3A_323 {strides = array<i32>} : memref<8000xi32, #tpu.memory_space<vmem>>, vector<16xi32>,
          %mul3A_330 = arith.constant 128 : i32
          %mul3A_331 = arith.muli %scan3A_300, %mul3A_330 : i32
          %add3A_332 = arith.constant 16 : i32
          %add3A_333 = arith.addi %mul3A_331, %add3A_332 : i32
          %get3A_334 = arith.index_cast %add3A_333 : i32 to index
          %get3A_335 = tpu.vector_load %arg5[%get3A_334] {strides = array<i32>} : memref<16000xf32, #tpu.memory_space<vmem>>, vector<16xf32>,
          %bitcast3A_336 = vector.bitcast %get3A_335 : vector<16xf32> to vector<16xi32>
          %mul3A_337 = arith.constant 128 : i32
          %mul3A_338 = arith.muli %scan3A_300, %mul3A_337 : i32
          %add3A_339 = arith.constant 64 : i32
          %add3A_340 = arith.addi %mul3A_338, %add3A_339 : i32
          %add3A_341 = arith.constant 16 : i32
          %add3A_342 = arith.addi %add3A_340, %add3A_341 : i32
          %get3A_343 = arith.index_cast %add3A_342 : i32 to index
          %get3A_344 = tpu.vector_load %arg5[%get3A_343] {strides = array<i32>} : memref<16000xf32, #tpu.memory_space<vmem>>, vector<16xf32>,
          %bitcast3A_345 = vector.bitcast %get3A_344 : vector<16xf32> to vector<16xi32>
          %shift_right_logical3A_346 = arith.constant 16 : i32
          %shift_right_logical3A_347 = vector.broadcast %shift_right_logical3A_346 : i32 to vector<16xi32>
          %shift_right_logical3A_348 = arith.shrui %bitcast3A_336, %shift_right_logical3A_347 : vector<16xi32>
          %and3A_349 = arith.constant -65536 : i32
          %and3A_350 = vector.broadcast %and3A_349 : i32 to vector<16xi32>
          %and3A_351 = arith.andi %bitcast3A_345, %and3A_350 : vector<16xi32>
          %or3A_352 = arith.ori %shift_right_logical3A_348, %and3A_351 : vector<16xi32>
          %mul3A_353 = arith.constant 64 : i32
          %mul3A_354 = arith.muli %scan3A_300, %mul3A_353 : i32
          %add3A_355 = arith.constant 16 : i32
          %add3A_356 = arith.addi %mul3A_354, %add3A_355 : i32
          %swap3A_357 = arith.index_cast %add3A_356 : i32 to index
          %swap3A_358 = tpu.vector_load %arg7[%swap3A_357] {strides = array<i32>} : memref<8000xi32, #tpu.memory_space<vmem>>, vector<16xi32>,
          tpu.vector_store %arg7[%swap3A_357], %or3A_352 {strides = array<i32>} : memref<8000xi32, #tpu.memory_space<vmem>>, vector<16xi32>,
          %mul3A_359 = arith.constant 128 : i32
          %mul3A_360 = arith.muli %scan3A_300, %mul3A_359 : i32
          %add3A_361 = arith.constant 32 : i32
          %add3A_362 = arith.addi %mul3A_360, %add3A_361 : i32
          %get3A_363 = arith.index_cast %add3A_362 : i32 to index
          %get3A_364 = tpu.vector_load %arg5[%get3A_363] {strides = array<i32>} : memref<16000xf32, #tpu.memory_space<vmem>>, vector<16xf32>,
          %bitcast3A_365 = vector.bitcast %get3A_364 : vector<16xf32> to vector<16xi32>
          %mul3A_366 = arith.constant 128 : i32
          %mul3A_367 = arith.muli %scan3A_300, %mul3A_366 : i32
          %add3A_368 = arith.constant 64 : i32
          %add3A_369 = arith.addi %mul3A_367, %add3A_368 : i32
          %add3A_370 = arith.constant 32 : i32
          %add3A_371 = arith.addi %add3A_369, %add3A_370 : i32
          %get3A_372 = arith.index_cast %add3A_371 : i32 to index
          %get3A_373 = tpu.vector_load %arg5[%get3A_372] {strides = array<i32>} : memref<16000xf32, #tpu.memory_space<vmem>>, vector<16xf32>,
          %bitcast3A_374 = vector.bitcast %get3A_373 : vector<16xf32> to vector<16xi32>
          %shift_right_logical3A_375 = arith.constant 16 : i32
          %shift_right_logical3A_376 = vector.broadcast %shift_right_logical3A_375 : i32 to vector<16xi32>
          %shift_right_logical3A_377 = arith.shrui %bitcast3A_365, %shift_right_logical3A_376 : vector<16xi32>
          %and3A_378 = arith.constant -65536 : i32
          %and3A_379 = vector.broadcast %and3A_378 : i32 to vector<16xi32>
          %and3A_380 = arith.andi %bitcast3A_374, %and3A_379 : vector<16xi32>
          %or3A_381 = arith.ori %shift_right_logical3A_377, %and3A_380 : vector<16xi32>
          %mul3A_382 = arith.constant 64 : i32
          %mul3A_383 = arith.muli %scan3A_300, %mul3A_382 : i32
          %add3A_384 = arith.constant 32 : i32
          %add3A_385 = arith.addi %mul3A_383, %add3A_384 : i32
          %swap3A_386 = arith.index_cast %add3A_385 : i32 to index
          %swap3A_387 = tpu.vector_load %arg7[%swap3A_386] {strides = array<i32>} : memref<8000xi32, #tpu.memory_space<vmem>>, vector<16xi32>,
          tpu.vector_store %arg7[%swap3A_386], %or3A_381 {strides = array<i32>} : memref<8000xi32, #tpu.memory_space<vmem>>, vector<16xi32>,
          %mul3A_388 = arith.constant 128 : i32
          %mul3A_389 = arith.muli %scan3A_300, %mul3A_388 : i32
          %add3A_390 = arith.constant 48 : i32
          %add3A_391 = arith.addi %mul3A_389, %add3A_390 : i32
          %get3A_392 = arith.index_cast %add3A_391 : i32 to index
          %get3A_393 = tpu.vector_load %arg5[%get3A_392] {strides = array<i32>} : memref<16000xf32, #tpu.memory_space<vmem>>, vector<16xf32>,
          %bitcast3A_394 = vector.bitcast %get3A_393 : vector<16xf32> to vector<16xi32>
          %mul3A_395 = arith.constant 128 : i32
          %mul3A_396 = arith.muli %scan3A_300, %mul3A_395 : i32
          %add3A_397 = arith.constant 64 : i32
          %add3A_398 = arith.addi %mul3A_396, %add3A_397 : i32
          %add3A_399 = arith.constant 48 : i32
          %add3A_400 = arith.addi %add3A_398, %add3A_399 : i32
          %get3A_401 = arith.index_cast %add3A_400 : i32 to index
          %get3A_402 = tpu.vector_load %arg5[%get3A_401] {strides = array<i32>} : memref<16000xf32, #tpu.memory_space<vmem>>, vector<16xf32>,
          %bitcast3A_403 = vector.bitcast %get3A_402 : vector<16xf32> to vector<16xi32>
          %shift_right_logical3A_404 = arith.constant 16 : i32
          %shift_right_logical3A_405 = vector.broadcast %shift_right_logical3A_404 : i32 to vector<16xi32>
          %shift_right_logical3A_406 = arith.shrui %bitcast3A_394, %shift_right_logical3A_405 : vector<16xi32>
          %and3A_407 = arith.constant -65536 : i32
          %and3A_408 = vector.broadcast %and3A_407 : i32 to vector<16xi32>
          %and3A_409 = arith.andi %bitcast3A_403, %and3A_408 : vector<16xi32>
          %or3A_410 = arith.ori %shift_right_logical3A_406, %and3A_409 : vector<16xi32>
          %mul3A_411 = arith.constant 64 : i32
          %mul3A_412 = arith.muli %scan3A_300, %mul3A_411 : i32
          %add3A_413 = arith.constant 48 : i32
          %add3A_414 = arith.addi %mul3A_412, %add3A_413 : i32
          %swap3A_415 = arith.index_cast %add3A_414 : i32 to index
          %swap3A_416 = tpu.vector_load %arg7[%swap3A_415] {strides = array<i32>} : memref<8000xi32, #tpu.memory_space<vmem>>, vector<16xi32>,
          tpu.vector_store %arg7[%swap3A_415], %or3A_410 {strides = array<i32>} : memref<8000xi32, #tpu.memory_space<vmem>>, vector<16xi32>,
          %scan3A_417 = arith.constant 0 : i32
          %scan3A_418 = arith.constant 2 : i32
          %scan3A_419 = arith.addi %scan3A_180, %scan3A_418 : i32
          %mul3A_420 = arith.constant 128 : i32
          %mul3A_421 = arith.muli %scan3A_419, %mul3A_420 : i32
          %add3A_422 = arith.constant 0 : i32
          %add3A_423 = arith.addi %mul3A_421, %add3A_422 : i32
          %get3A_424 = arith.index_cast %add3A_423 : i32 to index
          %get3A_425 = tpu.vector_load %arg5[%get3A_424] {strides = array<i32>} : memref<16000xf32, #tpu.memory_space<vmem>>, vector<16xf32>,
          %bitcast3A_426 = vector.bitcast %get3A_425 : vector<16xf32> to vector<16xi32>
          %mul3A_427 = arith.constant 128 : i32
          %mul3A_428 = arith.muli %scan3A_419, %mul3A_427 : i32
          %add3A_429 = arith.constant 64 : i32
          %add3A_430 = arith.addi %mul3A_428, %add3A_429 : i32
          %add3A_431 = arith.constant 0 : i32
          %add3A_432 = arith.addi %add3A_430, %add3A_431 : i32
          %get3A_433 = arith.index_cast %add3A_432 : i32 to index
          %get3A_434 = tpu.vector_load %arg5[%get3A_433] {strides = array<i32>} : memref<16000xf32, #tpu.memory_space<vmem>>, vector<16xf32>,
          %bitcast3A_435 = vector.bitcast %get3A_434 : vector<16xf32> to vector<16xi32>
          %shift_right_logical3A_436 = arith.constant 16 : i32
          %shift_right_logical3A_437 = vector.broadcast %shift_right_logical3A_436 : i32 to vector<16xi32>
          %shift_right_logical3A_438 = arith.shrui %bitcast3A_426, %shift_right_logical3A_437 : vector<16xi32>
          %and3A_439 = arith.constant -65536 : i32
          %and3A_440 = vector.broadcast %and3A_439 : i32 to vector<16xi32>
          %and3A_441 = arith.andi %bitcast3A_435, %and3A_440 : vector<16xi32>
          %or3A_442 = arith.ori %shift_right_logical3A_438, %and3A_441 : vector<16xi32>
          %mul3A_443 = arith.constant 64 : i32
          %mul3A_444 = arith.muli %scan3A_419, %mul3A_443 : i32
          %add3A_445 = arith.constant 0 : i32
          %add3A_446 = arith.addi %mul3A_444, %add3A_445 : i32
          %swap3A_447 = arith.index_cast %add3A_446 : i32 to index
          %swap3A_448 = tpu.vector_load %arg7[%swap3A_447] {strides = array<i32>} : memref<8000xi32, #tpu.memory_space<vmem>>, vector<16xi32>,
          tpu.vector_store %arg7[%swap3A_447], %or3A_442 {strides = array<i32>} : memref<8000xi32, #tpu.memory_space<vmem>>, vector<16xi32>,
          %mul3A_449 = arith.constant 128 : i32
          %mul3A_450 = arith.muli %scan3A_419, %mul3A_449 : i32
          %add3A_451 = arith.constant 16 : i32
          %add3A_452 = arith.addi %mul3A_450, %add3A_451 : i32
          %get3A_453 = arith.index_cast %add3A_452 : i32 to index
          %get3A_454 = tpu.vector_load %arg5[%get3A_453] {strides = array<i32>} : memref<16000xf32, #tpu.memory_space<vmem>>, vector<16xf32>,
          %bitcast3A_455 = vector.bitcast %get3A_454 : vector<16xf32> to vector<16xi32>
          %mul3A_456 = arith.constant 128 : i32
          %mul3A_457 = arith.muli %scan3A_419, %mul3A_456 : i32
          %add3A_458 = arith.constant 64 : i32
          %add3A_459 = arith.addi %mul3A_457, %add3A_458 : i32
          %add3A_460 = arith.constant 16 : i32
          %add3A_461 = arith.addi %add3A_459, %add3A_460 : i32
          %get3A_462 = arith.index_cast %add3A_461 : i32 to index
          %get3A_463 = tpu.vector_load %arg5[%get3A_462] {strides = array<i32>} : memref<16000xf32, #tpu.memory_space<vmem>>, vector<16xf32>,
          %bitcast3A_464 = vector.bitcast %get3A_463 : vector<16xf32> to vector<16xi32>
          %shift_right_logical3A_465 = arith.constant 16 : i32
          %shift_right_logical3A_466 = vector.broadcast %shift_right_logical3A_465 : i32 to vector<16xi32>
          %shift_right_logical3A_467 = arith.shrui %bitcast3A_455, %shift_right_logical3A_466 : vector<16xi32>
          %and3A_468 = arith.constant -65536 : i32
          %and3A_469 = vector.broadcast %and3A_468 : i32 to vector<16xi32>
          %and3A_470 = arith.andi %bitcast3A_464, %and3A_469 : vector<16xi32>
          %or3A_471 = arith.ori %shift_right_logical3A_467, %and3A_470 : vector<16xi32>
          %mul3A_472 = arith.constant 64 : i32
          %mul3A_473 = arith.muli %scan3A_419, %mul3A_472 : i32
          %add3A_474 = arith.constant 16 : i32
          %add3A_475 = arith.addi %mul3A_473, %add3A_474 : i32
          %swap3A_476 = arith.index_cast %add3A_475 : i32 to index
          %swap3A_477 = tpu.vector_load %arg7[%swap3A_476] {strides = array<i32>} : memref<8000xi32, #tpu.memory_space<vmem>>, vector<16xi32>,
          tpu.vector_store %arg7[%swap3A_476], %or3A_471 {strides = array<i32>} : memref<8000xi32, #tpu.memory_space<vmem>>, vector<16xi32>,
          %mul3A_478 = arith.constant 128 : i32
          %mul3A_479 = arith.muli %scan3A_419, %mul3A_478 : i32
          %add3A_480 = arith.constant 32 : i32
          %add3A_481 = arith.addi %mul3A_479, %add3A_480 : i32
          %get3A_482 = arith.index_cast %add3A_481 : i32 to index
          %get3A_483 = tpu.vector_load %arg5[%get3A_482] {strides = array<i32>} : memref<16000xf32, #tpu.memory_space<vmem>>, vector<16xf32>,
          %bitcast3A_484 = vector.bitcast %get3A_483 : vector<16xf32> to vector<16xi32>
          %mul3A_485 = arith.constant 128 : i32
          %mul3A_486 = arith.muli %scan3A_419, %mul3A_485 : i32
          %add3A_487 = arith.constant 64 : i32
          %add3A_488 = arith.addi %mul3A_486, %add3A_487 : i32
          %add3A_489 = arith.constant 32 : i32
          %add3A_490 = arith.addi %add3A_488, %add3A_489 : i32
          %get3A_491 = arith.index_cast %add3A_490 : i32 to index
          %get3A_492 = tpu.vector_load %arg5[%get3A_491] {strides = array<i32>} : memref<16000xf32, #tpu.memory_space<vmem>>, vector<16xf32>,
          %bitcast3A_493 = vector.bitcast %get3A_492 : vector<16xf32> to vector<16xi32>
          %shift_right_logical3A_494 = arith.constant 16 : i32
          %shift_right_logical3A_495 = vector.broadcast %shift_right_logical3A_494 : i32 to vector<16xi32>
          %shift_right_logical3A_496 = arith.shrui %bitcast3A_484, %shift_right_logical3A_495 : vector<16xi32>
          %and3A_497 = arith.constant -65536 : i32
          %and3A_498 = vector.broadcast %and3A_497 : i32 to vector<16xi32>
          %and3A_499 = arith.andi %bitcast3A_493, %and3A_498 : vector<16xi32>
          %or3A_500 = arith.ori %shift_right_logical3A_496, %and3A_499 : vector<16xi32>
          %mul3A_501 = arith.constant 64 : i32
          %mul3A_502 = arith.muli %scan3A_419, %mul3A_501 : i32
          %add3A_503 = arith.constant 32 : i32
          %add3A_504 = arith.addi %mul3A_502, %add3A_503 : i32
          %swap3A_505 = arith.index_cast %add3A_504 : i32 to index
          %swap3A_506 = tpu.vector_load %arg7[%swap3A_505] {strides = array<i32>} : memref<8000xi32, #tpu.memory_space<vmem>>, vector<16xi32>,
          tpu.vector_store %arg7[%swap3A_505], %or3A_500 {strides = array<i32>} : memref<8000xi32, #tpu.memory_space<vmem>>, vector<16xi32>,
          %mul3A_507 = arith.constant 128 : i32
          %mul3A_508 = arith.muli %scan3A_419, %mul3A_507 : i32
          %add3A_509 = arith.constant 48 : i32
          %add3A_510 = arith.addi %mul3A_508, %add3A_509 : i32
          %get3A_511 = arith.index_cast %add3A_510 : i32 to index
          %get3A_512 = tpu.vector_load %arg5[%get3A_511] {strides = array<i32>} : memref<16000xf32, #tpu.memory_space<vmem>>, vector<16xf32>,
          %bitcast3A_513 = vector.bitcast %get3A_512 : vector<16xf32> to vector<16xi32>
          %mul3A_514 = arith.constant 128 : i32
          %mul3A_515 = arith.muli %scan3A_419, %mul3A_514 : i32
          %add3A_516 = arith.constant 64 : i32
          %add3A_517 = arith.addi %mul3A_515, %add3A_516 : i32
          %add3A_518 = arith.constant 48 : i32
          %add3A_519 = arith.addi %add3A_517, %add3A_518 : i32
          %get3A_520 = arith.index_cast %add3A_519 : i32 to index
          %get3A_521 = tpu.vector_load %arg5[%get3A_520] {strides = array<i32>} : memref<16000xf32, #tpu.memory_space<vmem>>, vector<16xf32>,
          %bitcast3A_522 = vector.bitcast %get3A_521 : vector<16xf32> to vector<16xi32>
          %shift_right_logical3A_523 = arith.constant 16 : i32
          %shift_right_logical3A_524 = vector.broadcast %shift_right_logical3A_523 : i32 to vector<16xi32>
          %shift_right_logical3A_525 = arith.shrui %bitcast3A_513, %shift_right_logical3A_524 : vector<16xi32>
          %and3A_526 = arith.constant -65536 : i32
          %and3A_527 = vector.broadcast %and3A_526 : i32 to vector<16xi32>
          %and3A_528 = arith.andi %bitcast3A_522, %and3A_527 : vector<16xi32>
          %or3A_529 = arith.ori %shift_right_logical3A_525, %and3A_528 : vector<16xi32>
          %mul3A_530 = arith.constant 64 : i32
          %mul3A_531 = arith.muli %scan3A_419, %mul3A_530 : i32
          %add3A_532 = arith.constant 48 : i32
          %add3A_533 = arith.addi %mul3A_531, %add3A_532 : i32
          %swap3A_534 = arith.index_cast %add3A_533 : i32 to index
          %swap3A_535 = tpu.vector_load %arg7[%swap3A_534] {strides = array<i32>} : memref<8000xi32, #tpu.memory_space<vmem>>, vector<16xi32>,
          tpu.vector_store %arg7[%swap3A_534], %or3A_529 {strides = array<i32>} : memref<8000xi32, #tpu.memory_space<vmem>>, vector<16xi32>,
          %scan3A_536 = arith.constant 0 : i32
          %scan3A_537 = arith.constant 3 : i32
          %scan3A_538 = arith.addi %scan3A_180, %scan3A_537 : i32
          %mul3A_539 = arith.constant 128 : i32
          %mul3A_540 = arith.muli %scan3A_538, %mul3A_539 : i32
          %add3A_541 = arith.constant 0 : i32
          %add3A_542 = arith.addi %mul3A_540, %add3A_541 : i32
          %get3A_543 = arith.index_cast %add3A_542 : i32 to index
          %get3A_544 = tpu.vector_load %arg5[%get3A_543] {strides = array<i32>} : memref<16000xf32, #tpu.memory_space<vmem>>, vector<16xf32>,
          %bitcast3A_545 = vector.bitcast %get3A_544 : vector<16xf32> to vector<16xi32>
          %mul3A_546 = arith.constant 128 : i32
          %mul3A_547 = arith.muli %scan3A_538, %mul3A_546 : i32
          %add3A_548 = arith.constant 64 : i32
          %add3A_549 = arith.addi %mul3A_547, %add3A_548 : i32
          %add3A_550 = arith.constant 0 : i32
          %add3A_551 = arith.addi %add3A_549, %add3A_550 : i32
          %get3A_552 = arith.index_cast %add3A_551 : i32 to index
          %get3A_553 = tpu.vector_load %arg5[%get3A_552] {strides = array<i32>} : memref<16000xf32, #tpu.memory_space<vmem>>, vector<16xf32>,
          %bitcast3A_554 = vector.bitcast %get3A_553 : vector<16xf32> to vector<16xi32>
          %shift_right_logical3A_555 = arith.constant 16 : i32
          %shift_right_logical3A_556 = vector.broadcast %shift_right_logical3A_555 : i32 to vector<16xi32>
          %shift_right_logical3A_557 = arith.shrui %bitcast3A_545, %shift_right_logical3A_556 : vector<16xi32>
          %and3A_558 = arith.constant -65536 : i32
          %and3A_559 = vector.broadcast %and3A_558 : i32 to vector<16xi32>
          %and3A_560 = arith.andi %bitcast3A_554, %and3A_559 : vector<16xi32>
          %or3A_561 = arith.ori %shift_right_logical3A_557, %and3A_560 : vector<16xi32>
          %mul3A_562 = arith.constant 64 : i32
          %mul3A_563 = arith.muli %scan3A_538, %mul3A_562 : i32
          %add3A_564 = arith.constant 0 : i32
          %add3A_565 = arith.addi %mul3A_563, %add3A_564 : i32
          %swap3A_566 = arith.index_cast %add3A_565 : i32 to index
          %swap3A_567 = tpu.vector_load %arg7[%swap3A_566] {strides = array<i32>} : memref<8000xi32, #tpu.memory_space<vmem>>, vector<16xi32>,
          tpu.vector_store %arg7[%swap3A_566], %or3A_561 {strides = array<i32>} : memref<8000xi32, #tpu.memory_space<vmem>>, vector<16xi32>,
          %mul3A_568 = arith.constant 128 : i32
          %mul3A_569 = arith.muli %scan3A_538, %mul3A_568 : i32
          %add3A_570 = arith.constant 16 : i32
          %add3A_571 = arith.addi %mul3A_569, %add3A_570 : i32
          %get3A_572 = arith.index_cast %add3A_571 : i32 to index
          %get3A_573 = tpu.vector_load %arg5[%get3A_572] {strides = array<i32>} : memref<16000xf32, #tpu.memory_space<vmem>>, vector<16xf32>,
          %bitcast3A_574 = vector.bitcast %get3A_573 : vector<16xf32> to vector<16xi32>
          %mul3A_575 = arith.constant 128 : i32
          %mul3A_576 = arith.muli %scan3A_538, %mul3A_575 : i32
          %add3A_577 = arith.constant 64 : i32
          %add3A_578 = arith.addi %mul3A_576, %add3A_577 : i32
          %add3A_579 = arith.constant 16 : i32
          %add3A_580 = arith.addi %add3A_578, %add3A_579 : i32
          %get3A_581 = arith.index_cast %add3A_580 : i32 to index
          %get3A_582 = tpu.vector_load %arg5[%get3A_581] {strides = array<i32>} : memref<16000xf32, #tpu.memory_space<vmem>>, vector<16xf32>,
          %bitcast3A_583 = vector.bitcast %get3A_582 : vector<16xf32> to vector<16xi32>
          %shift_right_logical3A_584 = arith.constant 16 : i32
          %shift_right_logical3A_585 = vector.broadcast %shift_right_logical3A_584 : i32 to vector<16xi32>
          %shift_right_logical3A_586 = arith.shrui %bitcast3A_574, %shift_right_logical3A_585 : vector<16xi32>
          %and3A_587 = arith.constant -65536 : i32
          %and3A_588 = vector.broadcast %and3A_587 : i32 to vector<16xi32>
          %and3A_589 = arith.andi %bitcast3A_583, %and3A_588 : vector<16xi32>
          %or3A_590 = arith.ori %shift_right_logical3A_586, %and3A_589 : vector<16xi32>
          %mul3A_591 = arith.constant 64 : i32
          %mul3A_592 = arith.muli %scan3A_538, %mul3A_591 : i32
          %add3A_593 = arith.constant 16 : i32
          %add3A_594 = arith.addi %mul3A_592, %add3A_593 : i32
          %swap3A_595 = arith.index_cast %add3A_594 : i32 to index
          %swap3A_596 = tpu.vector_load %arg7[%swap3A_595] {strides = array<i32>} : memref<8000xi32, #tpu.memory_space<vmem>>, vector<16xi32>,
          tpu.vector_store %arg7[%swap3A_595], %or3A_590 {strides = array<i32>} : memref<8000xi32, #tpu.memory_space<vmem>>, vector<16xi32>,
          %mul3A_597 = arith.constant 128 : i32
          %mul3A_598 = arith.muli %scan3A_538, %mul3A_597 : i32
          %add3A_599 = arith.constant 32 : i32
          %add3A_600 = arith.addi %mul3A_598, %add3A_599 : i32
          %get3A_601 = arith.index_cast %add3A_600 : i32 to index
          %get3A_602 = tpu.vector_load %arg5[%get3A_601] {strides = array<i32>} : memref<16000xf32, #tpu.memory_space<vmem>>, vector<16xf32>,
          %bitcast3A_603 = vector.bitcast %get3A_602 : vector<16xf32> to vector<16xi32>
          %mul3A_604 = arith.constant 128 : i32
          %mul3A_605 = arith.muli %scan3A_538, %mul3A_604 : i32
          %add3A_606 = arith.constant 64 : i32
          %add3A_607 = arith.addi %mul3A_605, %add3A_606 : i32
          %add3A_608 = arith.constant 32 : i32
          %add3A_609 = arith.addi %add3A_607, %add3A_608 : i32
          %get3A_610 = arith.index_cast %add3A_609 : i32 to index
          %get3A_611 = tpu.vector_load %arg5[%get3A_610] {strides = array<i32>} : memref<16000xf32, #tpu.memory_space<vmem>>, vector<16xf32>,
          %bitcast3A_612 = vector.bitcast %get3A_611 : vector<16xf32> to vector<16xi32>
          %shift_right_logical3A_613 = arith.constant 16 : i32
          %shift_right_logical3A_614 = vector.broadcast %shift_right_logical3A_613 : i32 to vector<16xi32>
          %shift_right_logical3A_615 = arith.shrui %bitcast3A_603, %shift_right_logical3A_614 : vector<16xi32>
          %and3A_616 = arith.constant -65536 : i32
          %and3A_617 = vector.broadcast %and3A_616 : i32 to vector<16xi32>
          %and3A_618 = arith.andi %bitcast3A_612, %and3A_617 : vector<16xi32>
          %or3A_619 = arith.ori %shift_right_logical3A_615, %and3A_618 : vector<16xi32>
          %mul3A_620 = arith.constant 64 : i32
          %mul3A_621 = arith.muli %scan3A_538, %mul3A_620 : i32
          %add3A_622 = arith.constant 32 : i32
          %add3A_623 = arith.addi %mul3A_621, %add3A_622 : i32
          %swap3A_624 = arith.index_cast %add3A_623 : i32 to index
          %swap3A_625 = tpu.vector_load %arg7[%swap3A_624] {strides = array<i32>} : memref<8000xi32, #tpu.memory_space<vmem>>, vector<16xi32>,
          tpu.vector_store %arg7[%swap3A_624], %or3A_619 {strides = array<i32>} : memref<8000xi32, #tpu.memory_space<vmem>>, vector<16xi32>,
          %mul3A_626 = arith.constant 128 : i32
          %mul3A_627 = arith.muli %scan3A_538, %mul3A_626 : i32
          %add3A_628 = arith.constant 48 : i32
          %add3A_629 = arith.addi %mul3A_627, %add3A_628 : i32
          %get3A_630 = arith.index_cast %add3A_629 : i32 to index
          %get3A_631 = tpu.vector_load %arg5[%get3A_630] {strides = array<i32>} : memref<16000xf32, #tpu.memory_space<vmem>>, vector<16xf32>,
          %bitcast3A_632 = vector.bitcast %get3A_631 : vector<16xf32> to vector<16xi32>
          %mul3A_633 = arith.constant 128 : i32
          %mul3A_634 = arith.muli %scan3A_538, %mul3A_633 : i32
          %add3A_635 = arith.constant 64 : i32
          %add3A_636 = arith.addi %mul3A_634, %add3A_635 : i32
          %add3A_637 = arith.constant 48 : i32
          %add3A_638 = arith.addi %add3A_636, %add3A_637 : i32
          %get3A_639 = arith.index_cast %add3A_638 : i32 to index
          %get3A_640 = tpu.vector_load %arg5[%get3A_639] {strides = array<i32>} : memref<16000xf32, #tpu.memory_space<vmem>>, vector<16xf32>,
          %bitcast3A_641 = vector.bitcast %get3A_640 : vector<16xf32> to vector<16xi32>
          %shift_right_logical3A_642 = arith.constant 16 : i32
          %shift_right_logical3A_643 = vector.broadcast %shift_right_logical3A_642 : i32 to vector<16xi32>
          %shift_right_logical3A_644 = arith.shrui %bitcast3A_632, %shift_right_logical3A_643 : vector<16xi32>
          %and3A_645 = arith.constant -65536 : i32
          %and3A_646 = vector.broadcast %and3A_645 : i32 to vector<16xi32>
          %and3A_647 = arith.andi %bitcast3A_641, %and3A_646 : vector<16xi32>
          %or3A_648 = arith.ori %shift_right_logical3A_644, %and3A_647 : vector<16xi32>
          %mul3A_649 = arith.constant 64 : i32
          %mul3A_650 = arith.muli %scan3A_538, %mul3A_649 : i32
          %add3A_651 = arith.constant 48 : i32
          %add3A_652 = arith.addi %mul3A_650, %add3A_651 : i32
          %swap3A_653 = arith.index_cast %add3A_652 : i32 to index
          %swap3A_654 = tpu.vector_load %arg7[%swap3A_653] {strides = array<i32>} : memref<8000xi32, #tpu.memory_space<vmem>>, vector<16xi32>,
          tpu.vector_store %arg7[%swap3A_653], %or3A_648 {strides = array<i32>} : memref<8000xi32, #tpu.memory_space<vmem>>, vector<16xi32>,
          %scan3A_655 = arith.constant 0 : i32
          scf.yield %scan3A_655 : i32
        }
        %scan3A_61 = arith.constant 124 : i32
        %scan3A_62 = arith.addi %scan3A_56, %scan3A_61 : i32
        %mul3A_63 = arith.constant 128 : i32
        %mul3A_64 = arith.muli %scan3A_62, %mul3A_63 : i32
        %add3A_65 = arith.constant 0 : i32
        %add3A_66 = arith.addi %mul3A_64, %add3A_65 : i32
        %get3A = arith.index_cast %add3A_66 : i32 to index
        %get3A_67 = tpu.vector_load %arg5[%get3A] {strides = array<i32>} : memref<16000xf32, #tpu.memory_space<vmem>>, vector<16xf32>,
        %bitcast3A = vector.bitcast %get3A_67 : vector<16xf32> to vector<16xi32>
        %mul3A_68 = arith.constant 128 : i32
        %mul3A_69 = arith.muli %scan3A_62, %mul3A_68 : i32
        %add3A_70 = arith.constant 64 : i32
        %add3A_71 = arith.addi %mul3A_69, %add3A_70 : i32
        %add3A_72 = arith.constant 0 : i32
        %add3A_73 = arith.addi %add3A_71, %add3A_72 : i32
        %get3A_74 = arith.index_cast %add3A_73 : i32 to index
        %get3A_75 = tpu.vector_load %arg5[%get3A_74] {strides = array<i32>} : memref<16000xf32, #tpu.memory_space<vmem>>, vector<16xf32>,
        %bitcast3A_76 = vector.bitcast %get3A_75 : vector<16xf32> to vector<16xi32>
        %shift_right_logical3A = arith.constant 16 : i32
        %shift_right_logical3A_77 = vector.broadcast %shift_right_logical3A : i32 to vector<16xi32>
        %shift_right_logical3A_78 = arith.shrui %bitcast3A, %shift_right_logical3A_77 : vector<16xi32>
        %and3A = arith.constant -65536 : i32
        %and3A_79 = vector.broadcast %and3A : i32 to vector<16xi32>
        %and3A_80 = arith.andi %bitcast3A_76, %and3A_79 : vector<16xi32>
        %or3A = arith.ori %shift_right_logical3A_78, %and3A_80 : vector<16xi32>
        %mul3A_81 = arith.constant 64 : i32
        %mul3A_82 = arith.muli %scan3A_62, %mul3A_81 : i32
        %add3A_83 = arith.constant 0 : i32
        %add3A_84 = arith.addi %mul3A_82, %add3A_83 : i32
        %swap3A = arith.index_cast %add3A_84 : i32 to index
        %swap3A_85 = tpu.vector_load %arg7[%swap3A] {strides = array<i32>} : memref<8000xi32, #tpu.memory_space<vmem>>, vector<16xi32>,
        tpu.vector_store %arg7[%swap3A], %or3A {strides = array<i32>} : memref<8000xi32, #tpu.memory_space<vmem>>, vector<16xi32>,
        %mul3A_86 = arith.constant 128 : i32
        %mul3A_87 = arith.muli %scan3A_62, %mul3A_86 : i32
        %add3A_88 = arith.constant 16 : i32
        %add3A_89 = arith.addi %mul3A_87, %add3A_88 : i32
        %get3A_90 = arith.index_cast %add3A_89 : i32 to index
        %get3A_91 = tpu.vector_load %arg5[%get3A_90] {strides = array<i32>} : memref<16000xf32, #tpu.memory_space<vmem>>, vector<16xf32>,
        %bitcast3A_92 = vector.bitcast %get3A_91 : vector<16xf32> to vector<16xi32>
        %mul3A_93 = arith.constant 128 : i32
        %mul3A_94 = arith.muli %scan3A_62, %mul3A_93 : i32
        %add3A_95 = arith.constant 64 : i32
        %add3A_96 = arith.addi %mul3A_94, %add3A_95 : i32
        %add3A_97 = arith.constant 16 : i32
        %add3A_98 = arith.addi %add3A_96, %add3A_97 : i32
        %get3A_99 = arith.index_cast %add3A_98 : i32 to index
        %get3A_100 = tpu.vector_load %arg5[%get3A_99] {strides = array<i32>} : memref<16000xf32, #tpu.memory_space<vmem>>, vector<16xf32>,
        %bitcast3A_101 = vector.bitcast %get3A_100 : vector<16xf32> to vector<16xi32>
        %shift_right_logical3A_102 = arith.constant 16 : i32
        %shift_right_logical3A_103 = vector.broadcast %shift_right_logical3A_102 : i32 to vector<16xi32>
        %shift_right_logical3A_104 = arith.shrui %bitcast3A_92, %shift_right_logical3A_103 : vector<16xi32>
        %and3A_105 = arith.constant -65536 : i32
        %and3A_106 = vector.broadcast %and3A_105 : i32 to vector<16xi32>
        %and3A_107 = arith.andi %bitcast3A_101, %and3A_106 : vector<16xi32>
        %or3A_108 = arith.ori %shift_right_logical3A_104, %and3A_107 : vector<16xi32>
        %mul3A_109 = arith.constant 64 : i32
        %mul3A_110 = arith.muli %scan3A_62, %mul3A_109 : i32
        %add3A_111 = arith.constant 16 : i32
        %add3A_112 = arith.addi %mul3A_110, %add3A_111 : i32
        %swap3A_113 = arith.index_cast %add3A_112 : i32 to index
        %swap3A_114 = tpu.vector_load %arg7[%swap3A_113] {strides = array<i32>} : memref<8000xi32, #tpu.memory_space<vmem>>, vector<16xi32>,
        tpu.vector_store %arg7[%swap3A_113], %or3A_108 {strides = array<i32>} : memref<8000xi32, #tpu.memory_space<vmem>>, vector<16xi32>,
        %mul3A_115 = arith.constant 128 : i32
        %mul3A_116 = arith.muli %scan3A_62, %mul3A_115 : i32
        %add3A_117 = arith.constant 32 : i32
        %add3A_118 = arith.addi %mul3A_116, %add3A_117 : i32
        %get3A_119 = arith.index_cast %add3A_118 : i32 to index
        %get3A_120 = tpu.vector_load %arg5[%get3A_119] {strides = array<i32>} : memref<16000xf32, #tpu.memory_space<vmem>>, vector<16xf32>,
        %bitcast3A_121 = vector.bitcast %get3A_120 : vector<16xf32> to vector<16xi32>
        %mul3A_122 = arith.constant 128 : i32
        %mul3A_123 = arith.muli %scan3A_62, %mul3A_122 : i32
        %add3A_124 = arith.constant 64 : i32
        %add3A_125 = arith.addi %mul3A_123, %add3A_124 : i32
        %add3A_126 = arith.constant 32 : i32
        %add3A_127 = arith.addi %add3A_125, %add3A_126 : i32
        %get3A_128 = arith.index_cast %add3A_127 : i32 to index
        %get3A_129 = tpu.vector_load %arg5[%get3A_128] {strides = array<i32>} : memref<16000xf32, #tpu.memory_space<vmem>>, vector<16xf32>,
        %bitcast3A_130 = vector.bitcast %get3A_129 : vector<16xf32> to vector<16xi32>
        %shift_right_logical3A_131 = arith.constant 16 : i32
        %shift_right_logical3A_132 = vector.broadcast %shift_right_logical3A_131 : i32 to vector<16xi32>
        %shift_right_logical3A_133 = arith.shrui %bitcast3A_121, %shift_right_logical3A_132 : vector<16xi32>
        %and3A_134 = arith.constant -65536 : i32
        %and3A_135 = vector.broadcast %and3A_134 : i32 to vector<16xi32>
        %and3A_136 = arith.andi %bitcast3A_130, %and3A_135 : vector<16xi32>
        %or3A_137 = arith.ori %shift_right_logical3A_133, %and3A_136 : vector<16xi32>
        %mul3A_138 = arith.constant 64 : i32
        %mul3A_139 = arith.muli %scan3A_62, %mul3A_138 : i32
        %add3A_140 = arith.constant 32 : i32
        %add3A_141 = arith.addi %mul3A_139, %add3A_140 : i32
        %swap3A_142 = arith.index_cast %add3A_141 : i32 to index
        %swap3A_143 = tpu.vector_load %arg7[%swap3A_142] {strides = array<i32>} : memref<8000xi32, #tpu.memory_space<vmem>>, vector<16xi32>,
        tpu.vector_store %arg7[%swap3A_142], %or3A_137 {strides = array<i32>} : memref<8000xi32, #tpu.memory_space<vmem>>, vector<16xi32>,
        %mul3A_144 = arith.constant 128 : i32
        %mul3A_145 = arith.muli %scan3A_62, %mul3A_144 : i32
        %add3A_146 = arith.constant 48 : i32
        %add3A_147 = arith.addi %mul3A_145, %add3A_146 : i32
        %get3A_148 = arith.index_cast %add3A_147 : i32 to index
        %get3A_149 = tpu.vector_load %arg5[%get3A_148] {strides = array<i32>} : memref<16000xf32, #tpu.memory_space<vmem>>, vector<16xf32>,
        %bitcast3A_150 = vector.bitcast %get3A_149 : vector<16xf32> to vector<16xi32>
        %mul3A_151 = arith.constant 128 : i32
        %mul3A_152 = arith.muli %scan3A_62, %mul3A_151 : i32
        %add3A_153 = arith.constant 64 : i32
        %add3A_154 = arith.addi %mul3A_152, %add3A_153 : i32
        %add3A_155 = arith.constant 48 : i32
        %add3A_156 = arith.addi %add3A_154, %add3A_155 : i32
        %get3A_157 = arith.index_cast %add3A_156 : i32 to index
        %get3A_158 = tpu.vector_load %arg5[%get3A_157] {strides = array<i32>} : memref<16000xf32, #tpu.memory_space<vmem>>, vector<16xf32>,
        %bitcast3A_159 = vector.bitcast %get3A_158 : vector<16xf32> to vector<16xi32>
        %shift_right_logical3A_160 = arith.constant 16 : i32
        %shift_right_logical3A_161 = vector.broadcast %shift_right_logical3A_160 : i32 to vector<16xi32>
        %shift_right_logical3A_162 = arith.shrui %bitcast3A_150, %shift_right_logical3A_161 : vector<16xi32>
        %and3A_163 = arith.constant -65536 : i32
        %and3A_164 = vector.broadcast %and3A_163 : i32 to vector<16xi32>
        %and3A_165 = arith.andi %bitcast3A_159, %and3A_164 : vector<16xi32>
        %or3A_166 = arith.ori %shift_right_logical3A_162, %and3A_165 : vector<16xi32>
        %mul3A_167 = arith.constant 64 : i32
        %mul3A_168 = arith.muli %scan3A_62, %mul3A_167 : i32
        %add3A_169 = arith.constant 48 : i32
        %add3A_170 = arith.addi %mul3A_168, %add3A_169 : i32
        %swap3A_171 = arith.index_cast %add3A_170 : i32 to index
        %swap3A_172 = tpu.vector_load %arg7[%swap3A_171] {strides = array<i32>} : memref<8000xi32, #tpu.memory_space<vmem>>, vector<16xi32>,
        tpu.vector_store %arg7[%swap3A_171], %or3A_166 {strides = array<i32>} : memref<8000xi32, #tpu.memory_space<vmem>>, vector<16xi32>,
        %scan3A_173 = arith.constant 0 : i32
        %scan3A_174 = arith.constant 125 : i32
        %mul3A_175 = arith.constant 8000 : i32
        %mul3A_176 = arith.muli %add3A_33, %mul3A_175 : i32
        %add3A_177 = arith.addi %mul3A_8, %mul3A_176 : i32
        %dma_start3A_178 = tpu.memref_slice %arg3[%add3A_177] : memref<6400000xi32, #tpu.memory_space<hbm>> -> memref<8000xi32, #tpu.memory_space<hbm>>
        %dma_start3A_179 = tpu.memref_slice %arg3[%add3A_177] : memref<6400000xi32, #tpu.memory_space<hbm>> -> memref<8000xi32, #tpu.memory_space<hbm>>
        tpu.enqueue_dma source(%arg7 : memref<8000xi32, #tpu.memory_space<vmem>>) target(%dma_start3A_179 : memref<8000xi32, #tpu.memory_space<hbm>>) target_semaphore(%arg11 : memref<!tpu.dma_semaphore, #tpu.memory_space<semaphore_mem>>)
      } else {
      }
    }
    %scan3A_15 = arith.constant 13 : i32
    %dma_wait3A = arith.constant 0 : i32
    %dma_wait3A_16 = tpu.memref_slice %arg3[%dma_wait3A] : memref<6400000xi32, #tpu.memory_space<hbm>> -> memref<8000xi32, #tpu.memory_space<hbm>>
    %dma_wait3A_17 = arith.constant 0 : i32
    %dma_wait3A_18 = tpu.memref_slice %arg3[%dma_wait3A_17] : memref<6400000xi32, #tpu.memory_space<hbm>> -> memref<8000xi32, #tpu.memory_space<hbm>>
    tpu.wait_dma2 semaphore(%arg10 : memref<!tpu.dma_semaphore, #tpu.memory_space<semaphore_mem>>) src(%arg6 : memref<8000xi32, #tpu.memory_space<vmem>>) dst(%dma_wait3A_18 : memref<8000xi32, #tpu.memory_space<hbm>>)
    %dma_wait3A_19 = arith.constant 0 : i32
    %dma_wait3A_20 = tpu.memref_slice %arg3[%dma_wait3A_19] : memref<6400000xi32, #tpu.memory_space<hbm>> -> memref<8000xi32, #tpu.memory_space<hbm>>
    %dma_wait3A_21 = arith.constant 0 : i32
    %dma_wait3A_22 = tpu.memref_slice %arg3[%dma_wait3A_21] : memref<6400000xi32, #tpu.memory_space<hbm>> -> memref<8000xi32, #tpu.memory_space<hbm>>
    tpu.wait_dma2 semaphore(%arg11 : memref<!tpu.dma_semaphore, #tpu.memory_space<semaphore_mem>>) src(%arg7 : memref<8000xi32, #tpu.memory_space<vmem>>) dst(%dma_wait3A_22 : memref<8000xi32, #tpu.memory_space<hbm>>)
    return
  }
}

module attributes {stable_mosaic.version = 14 : i64} {
  func.func @kfn(%arg0: i32, %arg1: memref<512x128xbf16, #tpu.memory_space<vmem>>, %arg2: memref<128x8xbf16, #tpu.memory_space<vmem>>, %arg3: memref<128x4096xbf16, #tpu.memory_space<vmem>>, %arg4: memref<1x4096xf32, #tpu.memory_space<vmem>>, %arg5: memref<4096x128xbf16, #tpu.memory_space<vmem>>, %arg6: memref<8x128xf32, #tpu.memory_space<vmem>>, %arg7: memref<128x2xf32, #tpu.memory_space<vmem>>, %arg8: memref<1x2xf32, #tpu.memory_space<vmem>>, %arg9: memref<512x2xf32, #tpu.memory_space<vmem>>) attributes {dimension_semantics = [#tpu.dimension_semantics<arbitrary>], iteration_bounds = array<i64: 4>, scalar_prefetch = 0 : i64, scratch_operands = 0 : i64, tpu.core_type = #tpu.core_type<tc>, window_params = [{transform_indices = @transform_0, window_bounds = array<i64: 512, 128>}, {pipeline_mode = #tpu.pipeline_mode<synchronous>, transform_indices = @transform_1, window_bounds = array<i64: 128, 8>}, {pipeline_mode = #tpu.pipeline_mode<synchronous>, transform_indices = @transform_2, window_bounds = array<i64: 128, 4096>}, {pipeline_mode = #tpu.pipeline_mode<synchronous>, transform_indices = @transform_3, window_bounds = array<i64: 1, 4096>}, {pipeline_mode = #tpu.pipeline_mode<synchronous>, transform_indices = @transform_4, window_bounds = array<i64: 4096, 128>}, {pipeline_mode = #tpu.pipeline_mode<synchronous>, transform_indices = @transform_5, window_bounds = array<i64: 8, 128>}, {pipeline_mode = #tpu.pipeline_mode<synchronous>, transform_indices = @transform_6, window_bounds = array<i64: 128, 2>}, {pipeline_mode = #tpu.pipeline_mode<synchronous>, transform_indices = @transform_7, window_bounds = array<i64: 1, 2>}, {transform_indices = @transform_8, window_bounds = array<i64: 512, 2>}]} {
    %get3A = arith.constant 0 : index
    %get3A_0 = arith.constant 0 : index
    %get3A_1 = vector.load %arg1[%get3A, %get3A_0] : memref<512x128xbf16, #tpu.memory_space<vmem>>, vector<512x128xbf16>
    %get3A_2 = arith.constant 0 : index
    %get3A_3 = arith.constant 0 : index
    %get3A_4 = vector.load %arg2[%get3A_2, %get3A_3] : memref<128x8xbf16, #tpu.memory_space<vmem>>, vector<128x8xbf16>
    %dot_general3A = arith.constant dense<0.000000e+00> : vector<512x8xf32>
    %dot_general3A_5 = tpu.matmul %get3A_1, %get3A_4, %dot_general3A {dimension_numbers = #tpu.dot_dimension_numbers<[1], [0], [0], [1], [0, 0, 1, 1], [], []>, transpose_lhs_hint = false} : vector<512x128xbf16>, vector<128x8xbf16>, vector<512x8xf32> -> vector<512x8xf32>
    %mul3A = arith.constant 5.000000e-03 : f32
    %mul3A_6 = vector.broadcast %mul3A : f32 to vector<512x8xf32>
    %mul3A_7 = arith.mulf %dot_general3A_5, %mul3A_6 : vector<512x8xf32>
    %reduce_max3A = arith.constant dense<0xFF800000> : vector<512xf32>
    %reduce_max3A_8 = vector.multi_reduction <maximumf>, %mul3A_7, %reduce_max3A [1] : vector<512x8xf32> to vector<512xf32>
    %broadcast_in_dim3A = vector.shape_cast %reduce_max3A_8 : vector<512xf32> to vector<512x1xf32>
    %sub3A = vector.broadcast %broadcast_in_dim3A : vector<512x1xf32> to vector<512x8xf32>
    %sub3A_9 = arith.subf %mul3A_7, %sub3A : vector<512x8xf32>
    %exp3A = math.exp %sub3A_9 : vector<512x8xf32>
    %reduce_sum3A = arith.constant dense<0.000000e+00> : vector<512xf32>
    %reduce_sum3A_10 = vector.multi_reduction <add>, %exp3A, %reduce_sum3A [1] : vector<512x8xf32> to vector<512xf32>
    %broadcast_in_dim3A_11 = vector.shape_cast %reduce_sum3A_10 : vector<512xf32> to vector<512x1xf32>
    %div3A = arith.constant 1.000000e+00 : f32
    %div3A_12 = vector.broadcast %div3A : f32 to vector<512x1xf32>
    %div3A_13 = arith.divf %div3A_12, %broadcast_in_dim3A_11 : vector<512x1xf32>
    %iota3A = tpu.iota {dimensions = array<i32: 1>} : vector<512x8xi32>
    %ge3A = vector.broadcast %broadcast_in_dim3A : vector<512x1xf32> to vector<512x8xf32>
    %ge3A_14 = arith.cmpf oge, %mul3A_7, %ge3A : vector<512x8xf32>
    %jit3A = arith.constant 8 : i32
    %broadcast_in_dim3A_15 = vector.broadcast %jit3A : i32 to vector<512x8xi32>
    %select_n3A = arith.select %ge3A_14, %iota3A, %broadcast_in_dim3A_15 : vector<512x8xi1>, vector<512x8xi32>
    %reduce_min3A = arith.constant dense<2147483647> : vector<512xi32>
    %reduce_min3A_16 = vector.multi_reduction <minsi>, %select_n3A, %reduce_min3A [1] : vector<512x8xi32> to vector<512xi32>
    %broadcast_in_dim3A_17 = vector.shape_cast %reduce_min3A_16 : vector<512xi32> to vector<512x1xi32>
    %get3A_18 = arith.constant 0 : index
    %get3A_19 = arith.constant 0 : index
    %get3A_20 = vector.load %arg3[%get3A_18, %get3A_19] : memref<128x4096xbf16, #tpu.memory_space<vmem>>, vector<128x4096xbf16>
    %dot_general3A_21 = arith.constant dense<0.000000e+00> : vector<512x4096xf32>
    %dot_general3A_22 = tpu.matmul %get3A_1, %get3A_20, %dot_general3A_21 {dimension_numbers = #tpu.dot_dimension_numbers<[1], [0], [0], [1], [0, 0, 1, 1], [], []>, transpose_lhs_hint = false} : vector<512x128xbf16>, vector<128x4096xbf16>, vector<512x4096xf32> -> vector<512x4096xf32>
    %mul3A_23 = arith.constant 5.000000e-03 : f32
    %mul3A_24 = vector.broadcast %mul3A_23 : f32 to vector<512x4096xf32>
    %mul3A_25 = arith.mulf %dot_general3A_22, %mul3A_24 : vector<512x4096xf32>
    %get3A_26 = arith.constant 0 : index
    %get3A_27 = arith.constant 0 : index
    %get3A_28 = vector.load %arg4[%get3A_26, %get3A_27] : memref<1x4096xf32, #tpu.memory_space<vmem>>, vector<1x4096xf32>
    %add3A = vector.broadcast %get3A_28 : vector<1x4096xf32> to vector<512x4096xf32>
    %add3A_29 = arith.addf %mul3A_25, %add3A : vector<512x4096xf32>
    %max3A = arith.constant 0.000000e+00 : f32
    %max3A_30 = vector.broadcast %max3A : f32 to vector<512x4096xf32>
    %max3A_31 = arith.maximumf %add3A_29, %max3A_30 : vector<512x4096xf32>
    %iota3A_32 = tpu.iota {dimensions = array<i32: 1>} : vector<512x4096xi32>
    %shift_right_logical3A = arith.constant 9 : i32
    %shift_right_logical3A_33 = vector.broadcast %shift_right_logical3A : i32 to vector<512x4096xi32>
    %shift_right_logical3A_34 = arith.shrui %iota3A_32, %shift_right_logical3A_33 : vector<512x4096xi32>
    %convert_element_type3A = arith.truncf %max3A_31 : vector<512x4096xf32> to vector<512x4096xbf16>
    %eq3A = vector.broadcast %broadcast_in_dim3A_17 : vector<512x1xi32> to vector<512x4096xi32>
    %eq3A_35 = arith.cmpi eq, %shift_right_logical3A_34, %eq3A : vector<512x4096xi32>
    %convert_element_type3A_36 = arith.extui %eq3A_35 : vector<512x4096xi1> to vector<512x4096xi32>
    %convert_element_type3A_37 = arith.sitofp %convert_element_type3A_36 : vector<512x4096xi32> to vector<512x4096xf32>
    %convert_element_type3A_38 = arith.truncf %convert_element_type3A_37 : vector<512x4096xf32> to vector<512x4096xbf16>
    %mul3A_39 = arith.mulf %convert_element_type3A, %convert_element_type3A_38 : vector<512x4096xbf16>
    %get3A_40 = arith.constant 0 : index
    %get3A_41 = arith.constant 0 : index
    %get3A_42 = vector.load %arg5[%get3A_40, %get3A_41] : memref<4096x128xbf16, #tpu.memory_space<vmem>>, vector<4096x128xbf16>
    %dot_general3A_43 = arith.constant dense<0.000000e+00> : vector<512x128xf32>
    %dot_general3A_44 = tpu.matmul %mul3A_39, %get3A_42, %dot_general3A_43 {dimension_numbers = #tpu.dot_dimension_numbers<[1], [0], [0], [1], [0, 0, 1, 1], [], []>, transpose_lhs_hint = false} : vector<512x4096xbf16>, vector<4096x128xbf16>, vector<512x128xf32> -> vector<512x128xf32>
    %eq3A_45 = vector.broadcast %broadcast_in_dim3A_17 : vector<512x1xi32> to vector<512x8xi32>
    %eq3A_46 = arith.cmpi eq, %iota3A, %eq3A_45 : vector<512x8xi32>
    %convert_element_type3A_47 = arith.extui %eq3A_46 : vector<512x8xi1> to vector<512x8xi32>
    %convert_element_type3A_48 = arith.sitofp %convert_element_type3A_47 : vector<512x8xi32> to vector<512x8xf32>
    %get3A_49 = arith.constant 0 : index
    %get3A_50 = arith.constant 0 : index
    %get3A_51 = vector.load %arg6[%get3A_49, %get3A_50] : memref<8x128xf32, #tpu.memory_space<vmem>>, vector<8x128xf32>
    %dot_general3A_52 = arith.constant dense<0.000000e+00> : vector<512x128xf32>
    %dot_general3A_53 = tpu.matmul %convert_element_type3A_48, %get3A_51, %dot_general3A_52 {dimension_numbers = #tpu.dot_dimension_numbers<[1], [0], [0], [1], [0, 0, 1, 1], [], []>, transpose_lhs_hint = false} : vector<512x8xf32>, vector<8x128xf32>, vector<512x128xf32> -> vector<512x128xf32>
    %add3A_54 = arith.addf %dot_general3A_44, %dot_general3A_53 : vector<512x128xf32>
    %mul3A_55 = vector.broadcast %div3A_13 : vector<512x1xf32> to vector<512x128xf32>
    %mul3A_56 = arith.mulf %add3A_54, %mul3A_55 : vector<512x128xf32>
    %get3A_57 = arith.constant 0 : index
    %get3A_58 = arith.constant 0 : index
    %get3A_59 = vector.load %arg7[%get3A_57, %get3A_58] : memref<128x2xf32, #tpu.memory_space<vmem>>, vector<128x2xf32>
    %dot_general3A_60 = arith.constant dense<0.000000e+00> : vector<512x2xf32>
    %dot_general3A_61 = tpu.matmul %mul3A_56, %get3A_59, %dot_general3A_60 {dimension_numbers = #tpu.dot_dimension_numbers<[1], [0], [0], [1], [0, 0, 1, 1], [], []>, transpose_lhs_hint = false} : vector<512x128xf32>, vector<128x2xf32>, vector<512x2xf32> -> vector<512x2xf32>
    %get3A_62 = arith.constant 0 : index
    %get3A_63 = arith.constant 0 : index
    %get3A_64 = vector.load %arg8[%get3A_62, %get3A_63] : memref<1x2xf32, #tpu.memory_space<vmem>>, vector<1x2xf32>
    %add3A_65 = vector.broadcast %get3A_64 : vector<1x2xf32> to vector<512x2xf32>
    %add3A_66 = arith.addf %dot_general3A_61, %add3A_65 : vector<512x2xf32>
    %reduce_max3A_67 = arith.constant dense<0xFF800000> : vector<512xf32>
    %reduce_max3A_68 = vector.multi_reduction <maximumf>, %add3A_66, %reduce_max3A_67 [1] : vector<512x2xf32> to vector<512xf32>
    %broadcast_in_dim3A_69 = vector.shape_cast %reduce_max3A_68 : vector<512xf32> to vector<512x1xf32>
    %sub3A_70 = vector.broadcast %broadcast_in_dim3A_69 : vector<512x1xf32> to vector<512x2xf32>
    %sub3A_71 = arith.subf %add3A_66, %sub3A_70 : vector<512x2xf32>
    %exp3A_72 = math.exp %sub3A_71 : vector<512x2xf32>
    %reduce_sum3A_73 = arith.constant dense<0.000000e+00> : vector<512xf32>
    %reduce_sum3A_74 = vector.multi_reduction <add>, %exp3A_72, %reduce_sum3A_73 [1] : vector<512x2xf32> to vector<512xf32>
    %broadcast_in_dim3A_75 = vector.shape_cast %reduce_sum3A_74 : vector<512xf32> to vector<512x1xf32>
    %log3A = math.log %broadcast_in_dim3A_75 : vector<512x1xf32>
    %sub3A_76 = vector.broadcast %log3A : vector<512x1xf32> to vector<512x2xf32>
    %sub3A_77 = arith.subf %sub3A_71, %sub3A_76 : vector<512x2xf32>
    %swap3A = arith.constant 0 : index
    %swap3A_78 = arith.constant 0 : index
    %swap3A_79 = vector.load %arg9[%swap3A, %swap3A_78] : memref<512x2xf32, #tpu.memory_space<vmem>>, vector<512x2xf32>
    tpu.vector_store %arg9[%swap3A, %swap3A_78], %sub3A_77 {strides = array<i32>} : memref<512x2xf32, #tpu.memory_space<vmem>>, vector<512x2xf32>,
    return
  }
  func.func @transform_0(%arg0: i32) -> (i32, i32) {
    %c0_i32 = arith.constant 0 : i32
    %c0_i32_0 = arith.constant 0 : i32
    return %arg0, %c0_i32 : i32, i32
  }
  func.func @transform_1(%arg0: i32) -> (i32, i32) {
    %c0_i32 = arith.constant 0 : i32
    %c0_i32_0 = arith.constant 0 : i32
    %c0_i32_1 = arith.constant 0 : i32
    return %c0_i32, %c0_i32_0 : i32, i32
  }
  func.func @transform_2(%arg0: i32) -> (i32, i32) {
    %c0_i32 = arith.constant 0 : i32
    %c0_i32_0 = arith.constant 0 : i32
    %c0_i32_1 = arith.constant 0 : i32
    return %c0_i32, %c0_i32_0 : i32, i32
  }
  func.func @transform_3(%arg0: i32) -> (i32, i32) {
    %c0_i32 = arith.constant 0 : i32
    %c0_i32_0 = arith.constant 0 : i32
    %c0_i32_1 = arith.constant 0 : i32
    return %c0_i32, %c0_i32_0 : i32, i32
  }
  func.func @transform_4(%arg0: i32) -> (i32, i32) {
    %c0_i32 = arith.constant 0 : i32
    %c0_i32_0 = arith.constant 0 : i32
    %c0_i32_1 = arith.constant 0 : i32
    return %c0_i32, %c0_i32_0 : i32, i32
  }
  func.func @transform_5(%arg0: i32) -> (i32, i32) {
    %c0_i32 = arith.constant 0 : i32
    %c0_i32_0 = arith.constant 0 : i32
    %c0_i32_1 = arith.constant 0 : i32
    return %c0_i32, %c0_i32_0 : i32, i32
  }
  func.func @transform_6(%arg0: i32) -> (i32, i32) {
    %c0_i32 = arith.constant 0 : i32
    %c0_i32_0 = arith.constant 0 : i32
    %c0_i32_1 = arith.constant 0 : i32
    return %c0_i32, %c0_i32_0 : i32, i32
  }
  func.func @transform_7(%arg0: i32) -> (i32, i32) {
    %c0_i32 = arith.constant 0 : i32
    %c0_i32_0 = arith.constant 0 : i32
    %c0_i32_1 = arith.constant 0 : i32
    return %c0_i32, %c0_i32_0 : i32, i32
  }
  func.func @transform_8(%arg0: i32) -> (i32, i32) {
    %c0_i32 = arith.constant 0 : i32
    %c0_i32_0 = arith.constant 0 : i32
    return %arg0, %c0_i32 : i32, i32
  }
}

</mosaic_0001>

<sc_bundles>
// kernel: kernel.10.cloned.1.call-start
scs
__scs_entry_jumppad:
0x0: {  	(pc) =	sbr.rel $0x88, $3  }
0x1: {  	(tag) =	ssettag $0x0;
	lr =	simm.s32 $0x1  }
0x2: {  	[smem:$0x3F98] =	sst lr;
	_ =	strace $0xD0000000  }
0x3: {  	_ = 	snop  }
0x4: {  	_ = 	snop  }
0x5: {  	_ = 	snop  }
0x6: {  	_ = 	snop  }
0x7: {  	_ = 	snop  }
__scs_overlays_trampoline_lowered:
0x8: {  	[smem:$0x3FA7] =	sst s0  }
0x9: {  	[smem:$0x3FA8] =	sst s1  }
0xa: {  	[smem:$0x3FA9] =	sst s2  }
0xb: {  	[smem:$0x3FAA] =	sst s3  }
0xc: {  	[smem:$0x3FAB] =	sst s4  }
0xd: {  	[smem:$0x3FAC] =	sst s5  }
0xe: {  	[smem:$0x3FAD] =	sst s6  }
0xf: {  	[smem:$0x3FAE] =	sst s7  }
0x10: {  	[smem:$0x3FAF] =	sst s8  }
0x11: {  	[smem:$0x3FB0] =	sst s9;
	s0 =	simm.s32 @!p0 $0x0  }
0x12: {  	s1 =	sld [smem:$0x3F96];
	s0 =	simm.s32 @p0 $0x1  }
0x13: {  	[smem:$0x3FB1] =	sst s0;
	s0 =	simm.s32 @!p1 $0x0  }
0x14: {  	s2 =	sld [smem:$0x3F95];
	s0 =	simm.s32 @p1 $0x1  }
0x15: {  	[smem:$0x3FB2] =	sst s0;
	s0 =	simm.s32 @!p2 $0x0  }
0x16: {  	s3 =	sld [smem:$0x3FDB];
	s0 =	simm.s32 @p2 $0x1  }
0x17: {  	s4 =	simm.s32 $0x1BF5;
	[smem:$0x3FB4] =	sst s0  }
0x18: {  	s0 =	sld [smem:$0x3F97];
	_ =	swait.ge [sflag:s4], $0x0  }
0x19: {  	s7 =	sld [smem:$0x3F98]  }
0x1a: {  	s8 =	sadd.s32 $0xFFFFE003, lr  }
0x1b: {  	s9 =	sadd.s32 $0xFFFFFEF7, lr;
	s5 =	simm.s32 $0xFFFFFFFF;
	p2 =	slt.u32 s8, $0xFFFFF086  }
0x1c: {  	p1 =	slt.u32 s9, $0xF7A;
	s5 =	simm.s32 @!p2 $0x0  }
0x1d: {  	s5 =	simm.s32 @p1 $0x1;
	p0 =	seq.s32 s7, s2  }
0x1e: {  	s7 =	smul.u32 @!p0 $0xF7A, s2;
	p2 =	seq.s32 @!p0 s5, $0x0  }
0x1f: {  	s9 =	smul.u32 $0xF7A, s1;
	s8 =	simm.s32 @!p0 $0x1BF5;
	p2 =	por !p2, p0  }
0x20: {  	[sflag:s8] =	ssyncset.s32 @!p0 $0xFFFFF086;
	s6 =	sadd.s32 @!p0 s3, s7;
	s7 =	simm.s32 @!p0 $0x108  }
0x21: {  	s3 =	sadd.s32 s3, s9;
	s6 =	sadd.s32 @!p0 $0x88, s6;
	s7 =	simm.s32 @p2 $0x1082  }
0x22: {  	[simem:s7], [sflag:s8] =	dma.local @!p0 [hbm:s6], $0xF7A  }
0x23: {  	s9 =	sor.u32 $0xD0000000, s2;
	s6 =	simm.s32 $0x108;
	_ =	swait.ge @!p0 [sflag:s8], $0x0  }
0x24: {  	s3 =	sadd.s32 $0x88, s3;
	s6 =	simm.s32 @!p1 $0x1082;
	[sflag:s4] =	ssyncset.s32 $0xFFFFF086  }
0x25: {  	[simem:s6], [sflag:s4] =	dma.local [hbm:s3], $0xF7A  }
0x26: {  	[smem:$0x3F98] =	sst s1;
	(tag) =	ssettag s2;
	_ =	strace s9  }
0x27: {  	s1 =	sld [smem:$0x3FA8]  }
0x28: {  	s2 =	sld [smem:$0x3FA9]  }
0x29: {  	s4 =	sld [smem:$0x3FAB]  }
0x2a: {  	p0 =	seq.s32 s5, $0x0;
	s5 =	sld [smem:$0x3FAC]  }
0x2b: {  	s6 =	sld [smem:$0x3FAD]  }
0x2c: {  	s7 =	sld [smem:$0x3FAE]  }
0x2d: {  	s3 =	simm.s32 $0x108;
	s8 =	sld [smem:$0x3FAF]  }
0x2e: {  	s3 =	simm.s32 @!p0 $0x1082;
	s9 =	sld [smem:$0x3FB0]  }
0x2f: {  	lr =	sadd.s32 s0, s3;
	s0 =	sld [smem:$0x3FA7]  }
0x30: {  	s3 =	sld [smem:$0x3FAA]  }
0x31: {  	[smem:$0x3FB3] =	sst s10  }
0x32: {  	s10 =	sld [smem:$0x3FB1];
	_ =	sdelay $0x3  }
0x33: {  	p0 =	seq.s32 s10, $0x1;
	s10 =	sld [smem:$0x3FB3];
	_ =	sdelay $0x3  }
0x34: {  	[smem:$0x3FB3] =	sst s10  }
0x35: {  	s10 =	sld [smem:$0x3FB2];
	_ =	sdelay $0x3  }
0x36: {  	p1 =	seq.s32 s10, $0x1;
	s10 =	sld [smem:$0x3FB3];
	_ =	sdelay $0x3  }
0x37: {  	[smem:$0x3FB3] =	sst s10  }
0x38: {  	s10 =	sld [smem:$0x3FB4]  }
0x39: {  	_ = 	snop;
	(pc) =	sbr.ind lr, $3  }
0x3a: {  	_ = 	snop  }
0x3b: {  	_ = 	snop  }
0x3c: {  	p2 =	seq.s32 s10, $0x1;
	s10 =	sld [smem:$0x3FB3]  }
0x3d: {  	_ =	shalt  }
0x3e: {  	_ =	shalt  }
0x3f: {  	_ =	shalt  }
0x40: {  	_ =	shalt  }
0x41: {  	_ =	shalt  }
0x42: {  	_ =	shalt  }
0x43: {  	_ =	shalt  }
0x44: {  	_ =	shalt  }
0x45: {  	_ =	shalt  }
0x46: {  	_ =	shalt  }
0x47: {  	_ =	shalt  }
0x48: {  	_ =	shalt  }
0x49: {  	_ =	shalt  }
0x4a: {  	_ =	shalt  }
0x4b: {  	_ =	shalt  }
0x4c: {  	_ =	shalt  }
0x4d: {  	_ =	shalt  }
0x4e: {  	_ =	shalt  }
0x4f: {  	_ =	shalt  }
0x50: {  	_ =	shalt  }
0x51: {  	_ =	shalt  }
0x52: {  	_ =	shalt  }
0x53: {  	_ =	shalt  }
0x54: {  	_ =	shalt  }
0x55: {  	_ =	shalt  }
0x56: {  	_ =	shalt  }
0x57: {  	_ =	shalt  }
0x58: {  	_ =	shalt  }
0x59: {  	_ =	shalt  }
0x5a: {  	_ =	shalt  }
0x5b: {  	_ =	shalt  }
0x5c: {  	_ =	shalt  }
0x5d: {  	_ =	shalt  }
0x5e: {  	_ =	shalt  }
0x5f: {  	_ =	shalt  }
0x60: {  	_ =	shalt  }
0x61: {  	_ =	shalt  }
0x62: {  	_ =	shalt  }
0x63: {  	_ =	shalt  }
0x64: {  	_ =	shalt  }
0x65: {  	_ =	shalt  }
0x66: {  	_ =	shalt  }
0x67: {  	_ =	shalt  }
0x68: {  	_ =	shalt  }
0x69: {  	_ =	shalt  }
0x6a: {  	_ =	shalt  }
0x6b: {  	_ =	shalt  }
0x6c: {  	_ =	shalt  }
0x6d: {  	_ =	shalt  }
0x6e: {  	_ =	shalt  }
0x6f: {  	_ =	shalt  }
0x70: {  	_ =	shalt  }
0x71: {  	_ =	shalt  }
0x72: {  	_ =	shalt  }
0x73: {  	_ =	shalt  }
0x74: {  	_ =	shalt  }
0x75: {  	_ =	shalt  }
0x76: {  	_ =	shalt  }
0x77: {  	_ =	shalt  }
0x78: {  	_ =	shalt  }
0x79: {  	_ =	shalt  }
0x7a: {  	_ =	shalt  }
0x7b: {  	_ =	shalt  }
0x7c: {  	_ =	shalt  }
0x7d: {  	_ =	shalt  }
0x7e: {  	_ =	shalt  }
0x7f: {  	_ =	shalt  }
0x80: {  	_ =	shalt  }
0x81: {  	_ =	shalt  }
0x82: {  	_ =	shalt  }
0x83: {  	_ =	shalt  }
0x84: {  	_ =	shalt  }
0x85: {  	_ =	shalt  }
0x86: {  	_ =	shalt  }
0x87: {  	_ =	shalt  }
.Lfunc_end0:
.L_simem_size_0:
called_computation.1_lowered:
.L_overlay_start_0:
0x88: {  	s2 =	sld [smem:$0x3FD9]  }
0x89: {  	s3 =	sld [smem:$0x3FFE];
	_ =	sdelay $0x1  }
0x8a: {  	s1 =	srdreg.scid  }
0x8b: {  	s0 =	sand.u32 $0x1, s1  }
0x8c: {  	s17 =	sshll.u32 s0, $0xA;
	s2 =	sadd.s32 s3, s2  }
0x8d: {  	s2 =	sadd.s32 s2, s17  }
0x8e: {  	[smem:$0x3FBF] =	sst s2  }
0x8f: {  	_ = 	snop  }
0x90: {  	(tm) =	ssettm $0x1  }
0x91: {  	s18 =	sld [smem:$0x3FFB];
	_ =	sdelay $0x3  }
0x92: {  	_ =	strace s18  }
0x93: {  	s2 =	sld [smem:$0x3FFC];
	_ =	sdelay $0x3  }
0x94: {  	_ =	strace s2  }
0x95: {  	s2 =	sld [smem:$0x3FFD];
	_ =	sdelay $0x3  }
0x96: {  	_ =	strace s2  }
0x97: {  	_ =	strace $0x8FFFFFFF  }
0x98: {  	s19 =	sld [smem:$0x3FDB];
	_ =	sdelay $0x1  }
0x99: {  	s20 =	simm.s32 $_scs_section_size  }
0x9a: {  	s4 =	simm.s32 $_size__tile_overlayer_lowered;
	s5 =	simm.s32 $_tile_overlayer_lowered  }
0x9b: {  	s6 =	simm.s32 $0x1BFF;
	s21 =	sshll.u32 s5, $0x1;
	s3 =	sadd.s32 s20, s19  }
0x9c: {  	s22 =	simm.s32 $0x0;
	s4 =	sshll.u32 s4, $0x1;
	s5 =	sadd.s32 s21, s3  }
0x9d: {  	[timem:s22], [sflag:s6] =	dma.local [hbm:s5], s4  }
0x9e: {  	_ =	swait.ge [sflag:s6], s4  }
0x9f: {  	s4 =	ssub.s32 $0x0, s4;
	[sflag:s6] =	ssyncset.done $0x0  }
0xa0: {  	[sflag:s6] =	ssyncadd.s32 s4;
	_ =	sdelay $0x1  }
0xa1: {  	s23 =	simm.s32 $0x1B8B  }
0xa2: {  	_ =	swait.ge [sflag:s23], $0x1  }
0xa3: {  	[sflag:s23] =	ssyncset.done $0x0  }
0xa4: {  	[sflag:s23] =	ssyncadd.s32 $0xFFFFFFFF  }
0xa5: {  	s4 =	sld [smem:$0x0]  }
0xa6: {  	s5 =	sand.u32 $0xFFFFFFFE, s1  }
0xa7: {  	p0 =	sne.s32 s1, s5  }
0xa8: {  	s5 =	sshll.u32 @p0 s5, $0xE  }
0xa9: {  	s5 =	sadd.s32 @p0 $0x11B8D, s5;
	s6 =	sshll.u32 @p0 s4, $0x11  }
0xaa: {  	s5 =	sor.u32 @p0 s6, s5  }
0xab: {  	[sflag:s5] =	ssyncadd.remote.s32 @p0 $0x1;
	_ =	sdelay $0x1  }
0xac: {  	s5 =	simm.s32 @p0 $0x1B8D  }
0xad: {  	_ =	swait.eq @p0 [sflag:s5], $0x1  }
0xae: {  	[sflag:s5] =	ssyncadd.s32 @p0 $0xFFFFFFFF  }
0xaf: {  	s6 =	sshll.u32 @!p0 s1, $0xE  }
0xb0: {  	s6 =	sor.u32 @!p0 $0x4000, s6;
	s5 =	simm.s32 @!p0 $0x1B8D  }
0xb1: {  	s4 =	sshll.u32 @!p0 s4, $0x11;
	s6 =	sadd.s32 @!p0 $0x11B8D, s6;
	_ =	swait.eq @!p0 [sflag:s5], $0x1  }
0xb2: {  	s4 =	sor.u32 @!p0 s4, s6;
	[sflag:s5] =	ssyncadd.s32 @!p0 $0xFFFFFFFF  }
0xb3: {  	s25 =	simm.s32 $0x1B8E;
	s24 =	sld [smem:$0x3FFE];
	[sflag:s4] =	ssyncadd.remote.s32 @!p0 $0x1  }
0xb4: {  	s26 =	simm.s32 $execute0_lowered;
	[smem:$0x3FD2] =	sst s25  }
0xb5: {  	s5 =	sshll.u32 s26, $0x1;
	_ =	strace $0x8000004C;
	[dreg:$0x1] =	wrdreg $0xFFFFFFFF  }
0xb6: {  	s28 =	simm.s32 $_size_execute0_lowered;
	s3 =	sadd.s32 s3, s5;
	[dreg:$0x0] =	wrdreg $0x0  }
0xb7: {  	s5 =	sshll.u32 s28, $0x1;
	[dreg:$0x2] =	wrdreg s3  }
0xb8: {  	[dreg:$0x3] =	wrdreg s5  }
0xb9: {  	[dreg:$0x4] =	wrdreg $0xC0  }
0xba: {  	_ =	task [dreg:s22], $0x5FFFF  }
0xbb: {  	[dreg:$0x1] =	wrdreg $0xFFFFFFFF  }
0xbc: {  	[dreg:$0x0] =	wrdreg $0x60  }
0xbd: {  	[dreg:$0x2] =	wrdreg s24  }
0xbe: {  	[dreg:$0x3] =	wrdreg $0x9  }
0xbf: {  	_ =	task.clear_ibuf [dreg:s22], $0x4FFFF;
	_ =	strace $0x9000004C  }
0xc0: {  	s29 =	simm.s32 $0x9;
	_ =	strace $0x8000004E  }
0xc1: {  	_ =	swait.ge [sflag:s29], $0x1  }
0xc2: {  	[sflag:s29] =	ssyncadd.s32 $0xFFFFFFFF  }
0xc3: {  	_ =	strace $0x9000004E  }
0xc4: {  	_ =	sfence  }
0xc5: {  	s30 =	sld [smem:$0x0];
	_ =	sdelay $0x2  }
0xc6: {  	s31 =	sshll.u32 s1, $0xD;
	s1 =	sshrl.u32 s1, $0x2  }
0xc7: {  	s4 =	sand.u32 $0x4000, s31;
	s1 =	sadd.s32 s1, s30  }
0xc8: {  	s0 =	sor.u32 s4, s0;
	s1 =	sshll.u32 s1, $0x11  }
0xc9: {  	s0 =	sor.u32 s1, s0  }
0xca: {  	s0 =	sadd.s32 $0x8F2B, s0  }
0xcb: {  	[sflag:s0] =	ssyncadd.remote.s32 $0x1  }
0xcc: {  	_ =	sfence.sel $0xFFFF  }
0xcd: {  	[dreg:$0x0] =	wrdreg $0xFFFFFFFF;
	(pc) =	sbr.abs _section_cstart, $3  }
0xce: {  	[dreg:$0x1] =	wrdreg $0xFFFFFFFF  }
0xcf: {  	_ =	task.clear_ibuf [dreg:s22], $0x2FFFF;
	_ =	strace $0x9FFFFFFF  }
0xd0: {  	(tm) =	ssettm $0x7FFFFFFF  }
0xd1: {  	_ =	shalt  }
tec
execute0_lowered:
.L_overlay_start_1:
0x0: {  	(tag) =	ssettag $0x1  }
0x1: {  	s0 =	srdreg.scid  }
0x2: {  	s2 =	stileid.u32;
	s1 =	rddreg [dreg:$0x0]  }
0x3: {  	s7 =	simm.s32 $0x5;
	s8 =	simm.s32 $0x64;
	s11 =	simm.s32 $0x4D00  }
0x4: {  	s12 =	simm.s32 $0xD0;
	s13 =	simm.s32 $0x6600;
	s14 =	simm.s32 $0x138  }
0x5: {  	s15 =	simm.s32 $0x7F00;
	s16 =	simm.s32 $0x1A0;
	s17 =	simm.s32 $0x9800  }
0x6: {  	s18 =	simm.s32 $0x208;
	s19 =	simm.s32 $0xB100;
	s20 =	simm.s32 $0xCA00  }
0x7: {  	s21 =	simm.s32 $0xE300;
	s22 =	simm.s32 $0x1;
	s23 =	simm.s32 $0x2  }
0x8: {  	s24 =	simm.s32 $0x3;
	s25 =	simm.s32 $0x4;
	s26 =	simm.s32 $0xFC00  }
0x9: {  	s0 =	sand.u32 $0x1, s0;
	s3 =	sshll.u32 s2, $0x1;
	s2 =	simm.s32 $0x0  }
0xa: {  	s28 =	simm.s32 $0x0;
	s3 =	sor.u32 s0, s3;
	[smem:$0x7FF] =	sst s2  }
0xb: {  	s0 =	ssub.s32 $0x2, s0;
	s4 =	smul.u32 $0x680, s3;
	_ =	strace $0x8000004D  }
0xc: {  	s5 =	sshll.u32 s3, $0x9;
	s6 =	sshrl.u32 s0, $0x1;
	s3 =	sadd.s32 $0x2400, s1  }
0xd: {  	s0 =	ssub.s32 s0, s6;
	s4 =	sadd.s32 s4, s1;
	s1 =	sadd.s32 s5, s1  }
0xe: {  	s6 =	smax.u32 s0, $0x1;
	s4 =	sadd.s32 $0xD6A00, s4;
	s5 =	sadd.s32 $0xE3A00, s1  }
.LBB2_1:
0xf: {  	[tilespmem:s2], [sflag:$0x5] =	stream.linear.gather [hbm4b:s4+s2], $0x3400, $0x38;
	[tilespmem:$0x10C00] =	vst v63  }
0x10: {  	_ =	swait.ge [sflag:s7], $0x3400  }
0x11: {  	[sflag:s7] =	ssyncset.done $0x0  }
0x12: {  	s0 =	simm.s32 $0x3400;
	[sflag:s7] =	ssyncadd.s32 $0xFFFFCC00  }
0x13: {  	[tilespmem:s0], [sflag:$0x1] =	stream.indirect.gather [hbm4b:s3+s8], $0x40, s2, s8, $0xb8;
	[tilespmem:$0x10C00] =	vst v63  }
0x14: {  	s31 =	simm.s32 $0x68  }
0x15: {  	[tilespmem:s11], [sflag:$0x1] =	stream.indirect.gather [hbm4b:s3+s8], $0x40, s31, s8, $0xb8;
	[tilespmem:$0x10C00] =	vst v63  }
0x16: {  	_ = 	snop  }
0x17: {  	[tilespmem:s13], [sflag:$0x2] =	stream.indirect.gather [hbm4b:s3+s8], $0x40, s12, s8, $0xb8;
	[tilespmem:$0x10C00] =	vst v63  }
0x18: {  	_ = 	snop  }
0x19: {  	[tilespmem:s15], [sflag:$0x2] =	stream.indirect.gather [hbm4b:s3+s8], $0x40, s14, s8, $0xb8;
	[tilespmem:$0x10C00] =	vst v63  }
0x1a: {  	_ = 	snop  }
0x1b: {  	[tilespmem:s17], [sflag:$0x3] =	stream.indirect.gather [hbm4b:s3+s8], $0x40, s16, s8, $0xb8;
	[tilespmem:$0x10C00] =	vst v63  }
0x1c: {  	s29 =	simm.s32 $0x0  }
0x1d: {  	[tilespmem:s19], [sflag:$0x3] =	stream.indirect.gather [hbm4b:s3+s8], $0x40, s18, s8, $0xb8;
	[tilespmem:$0x10C00] =	vst v63  }
.LBB2_2:
0x1e: {  	s30 =	sshllo.u32 s29, $0x2  }
0x1f: {  	s0 =	smul.u32 $0x340, s30;
	_ =	sdelay $0x1  }
0x20: {  	s0 =	sshra.s32 s0, $0x2  }
0x21: {  	[tilespmem:s20], [sflag:$0x4] =	stream.indirect.gather [hbm4b:s3+s8], $0x40, s0, s8, $0xb8;
	[tilespmem:$0x10C00] =	vst v63  }
0x22: {  	s0 =	sadd.s32 $0x68, s0  }
0x23: {  	[tilespmem:s21], [sflag:$0x4] =	stream.indirect.gather [hbm4b:s3+s8], $0x40, s0, s8, $0xb8;
	[tilespmem:$0x10C00] =	vst v63  }
0x24: {  	_ =	swait.ge [sflag:s22], $0x1900  }
0x25: {  	[sflag:s22] =	ssyncset.done $0x0  }
0x26: {  	[sflag:s22] =	ssyncadd.s32 $0xFFFFE700  }
0x27: {  	_ =	swait.ge [sflag:s22], $0x1900  }
0x28: {  	[sflag:s22] =	ssyncset.done $0x0  }
0x29: {  	s9 =	simm.s32 $0x4D80;
	[sflag:s22] =	ssyncadd.s32 $0xFFFFE700  }
0x2a: {  	v0 =	vld [tilespmem:s9+$0x40]  }
0x2b: {  	s1 =	simm.s32 $0x3480;
	v1 =	vld [tilespmem:s9+$0x50]  }
0x2c: {  	v2 =	vld [tilespmem:s1+$0x40]  }
0x2d: {  	v3 =	vld [tilespmem:s1+$0x50]  }
0x2e: {  	v9 =	vld [tilespmem:s9+$0x0]  }
0x2f: {  	v12 =	vld [tilespmem:s9+$0x10]  }
0x30: {  	v5 =	vld [tilespmem:s1+$0x0]  }
0x31: {  	v8 =	vld [tilespmem:s1+$0x10]  }
0x32: {  	v6 =	vld [tilespmem:s9+$0xFFFFFFC0]  }
0x33: {  	v7 =	vld [tilespmem:s9+$0xFFFFFFD0]  }
0x34: {  	v4 =	vld [tilespmem:s1+$0xFFFFFFC0]  }
0x35: {  	v10 =	vld [tilespmem:s1+$0xFFFFFFD0]  }
0x36: {  	v11 =	vld [tilespmem:s9+$0xFFFFFF80]  }
0x37: {  	v13 =	vld [tilespmem:s9+$0xFFFFFF90]  }
0x38: {  	v14 =	vld [tilespmem:s1+$0xFFFFFF80]  }
0x39: {  	v15 =	vld [tilespmem:s1+$0xFFFFFF90]  }
0x3a: {  	v16 =	vld [tilespmem:s1+$0xFFFFFFA0]  }
0x3b: {  	v17 =	vld [tilespmem:s1+$0xFFFFFFB0]  }
0x3c: {  	v18 =	vld [tilespmem:s9+$0xFFFFFFA0]  }
0x3d: {  	v19 =	vld [tilespmem:s9+$0xFFFFFFB0]  }
0x3e: {  	v20 =	vimm.bf16 $0.0e+00;
	v21 =	vld [tilespmem:s1+$0xFFFFFFE0]  }
0x3f: {  	v22 =	vld [tilespmem:s1+$0xFFFFFFF0];
	v14 =	vadd.bf16 v14, v20;
	v15 =	vadd.bf16 v15, v20  }
0x40: {  	v59 =	vld [tilespmem:s9+$0xFFFFFFE0];
	v16 =	vadd.bf16 v16, v20;
	v17 =	vadd.bf16 v17, v20  }
0x41: {  	v11 =	vadd.bf16 v11, v14;
	v13 =	vadd.bf16 v13, v15;
	v14 =	vld [tilespmem:s9+$0xFFFFFFF0]  }
0x42: {  	v61 =	vld [tilespmem:s1+$0x20];
	v15 =	vadd.bf16 v18, v16;
	v60 =	vadd.bf16 v19, v17  }
0x43: {  	v11 =	vadd.bf16 v4, v11;
	v10 =	vadd.bf16 v10, v13;
	v13 =	vld [tilespmem:s1+$0x30]  }
0x44: {  	v15 =	vadd.bf16 v21, v15;
	v16 =	vadd.bf16 v22, v60;
	v4 =	vld [tilespmem:s9+$0x20]  }
0x45: {  	v11 =	vadd.bf16 v6, v11;
	v10 =	vadd.bf16 v7, v10;
	v7 =	vld [tilespmem:s9+$0x30]  }
0x46: {  	v15 =	vadd.bf16 v59, v15;
	v6 =	vld [tilespmem:s1+$0x60];
	v14 =	vadd.bf16 v14, v16  }
0x47: {  	v62 =	vadd.bf16 v5, v11;
	v63 =	vadd.bf16 v8, v10;
	v8 =	vld [tilespmem:s1+$0x70]  }
0x48: {  	v11 =	vadd.bf16 v61, v15;
	v5 =	vld [tilespmem:s9+$0x60];
	v10 =	vadd.bf16 v13, v14  }
0x49: {  	s0 =	simm.s32 $0x0;
	v13 =	vadd.bf16 v9, v62;
	v12 =	vadd.bf16 v12, v63;
	v9 =	vld [tilespmem:s9+$0x70];
	s9 =	simm.s32 $0x4E80  }
.LBB2_3:
0x4a: {  	v14 =	vld [tilespmem:s9+$0x40];
	v4 =	vadd.bf16 v4, v11;
	v7 =	vadd.bf16 v7, v10  }
0x4b: {  	s1 =	sadd.s32 $0x100, s1;
	v10 =	vld [tilespmem:s9+$0x50];
	v11 =	vadd.bf16 v2, v13;
	v12 =	vadd.bf16 v3, v12  }
0x4c: {  	v2 =	vld [tilespmem:s1+$0x40];
	v4 =	vadd.bf16 v6, v4;
	v6 =	vadd.bf16 v8, v7  }
0x4d: {  	v3 =	vld [tilespmem:s1+$0x50];
	v7 =	vadd.bf16 v0, v11;
	v8 =	vadd.bf16 v1, v12  }
0x4e: {  	v12 =	vld [tilespmem:s9+$0x0];
	v4 =	vadd.bf16 v5, v4;
	v5 =	vadd.bf16 v9, v6  }
0x4f: {  	v9 =	vld [tilespmem:s9+$0x10];
	v0 =	vmov v14  }
0x50: {  	v11 =	vld [tilespmem:s1+$0x0];
	v1 =	vmov v10  }
0x51: {  	v10 =	vld [tilespmem:s1+$0x10]  }
0x52: {  	v6 =	vld [tilespmem:s9+$0xFFFFFFC0]  }
0x53: {  	v13 =	vld [tilespmem:s9+$0xFFFFFFD0]  }
0x54: {  	v14 =	vld [tilespmem:s1+$0xFFFFFFC0]  }
0x55: {  	v15 =	vld [tilespmem:s1+$0xFFFFFFD0]  }
0x56: {  	v16 =	vld [tilespmem:s9+$0xFFFFFF80]  }
0x57: {  	v17 =	vld [tilespmem:s9+$0xFFFFFF90]  }
0x58: {  	v18 =	vld [tilespmem:s1+$0xFFFFFF80]  }
0x59: {  	v19 =	vld [tilespmem:s1+$0xFFFFFF90]  }
0x5a: {  	v20 =	vld [tilespmem:s1+$0xFFFFFFA0]  }
0x5b: {  	s0 =	sadd.s32 $0x4, s0;
	v21 =	vld [tilespmem:s1+$0xFFFFFFB0]  }
0x5c: {  	p0 =	slt.u32 s0, $0x60;
	v22 =	vld [tilespmem:s9+$0xFFFFFFA0]  }
0x5d: {  	v23 =	vld [tilespmem:s9+$0xFFFFFFB0]  }
0x5e: {  	v24 =	vld [tilespmem:s1+$0xFFFFFFE0]  }
0x5f: {  	v7 =	vadd.bf16 v18, v7;
	v8 =	vadd.bf16 v19, v8;
	v18 =	vld [tilespmem:s1+$0xFFFFFFF0]  }
0x60: {  	v4 =	vadd.bf16 v20, v4;
	v5 =	vadd.bf16 v21, v5;
	v19 =	vld [tilespmem:s9+$0xFFFFFFE0]  }
0x61: {  	v7 =	vadd.bf16 v16, v7;
	v8 =	vadd.bf16 v17, v8;
	v16 =	vld [tilespmem:s9+$0xFFFFFFF0]  }
0x62: {  	v4 =	vadd.bf16 v22, v4;
	v5 =	vadd.bf16 v23, v5;
	v17 =	vld [tilespmem:s1+$0x20]  }
0x63: {  	v7 =	vadd.bf16 v14, v7;
	v8 =	vadd.bf16 v15, v8;
	v14 =	vld [tilespmem:s1+$0x30]  }
0x64: {  	v15 =	vadd.bf16 v24, v4;
	v5 =	vadd.bf16 v18, v5;
	v4 =	vld [tilespmem:s9+$0x20]  }
.Ltmp0:
0x65: {  	v18 =	vadd.bf16 v6, v7;
	v8 =	vadd.bf16 v13, v8;
	v7 =	vld [tilespmem:s9+$0x30];
	(pc) =	sbr.rel @p0 .LBB2_3-.Ltmp0, $4  }
0x66: {  	v13 =	vadd.bf16 v19, v15;
	v5 =	vadd.bf16 v16, v5;
	v6 =	vld [tilespmem:s1+$0x60]  }
0x67: {  	v15 =	vadd.bf16 v11, v18;
	v16 =	vadd.bf16 v10, v8;
	v8 =	vld [tilespmem:s1+$0x70]  }
0x68: {  	v11 =	vadd.bf16 v17, v13;
	v10 =	vadd.bf16 v14, v5;
	v5 =	vld [tilespmem:s9+$0x60]  }
0x69: {  	v13 =	vadd.bf16 v12, v15;
	v12 =	vadd.bf16 v9, v16;
	v9 =	vld [tilespmem:s9+$0x70];
	s9 =	sadd.s32 $0x100, s9  }
0x6a: {  	_ = 	snop  }
0x6b: {  	v4 =	vadd.bf16 v4, v11;
	v2 =	vadd.bf16 v2, v13  }
0x6c: {  	v7 =	vadd.bf16 v7, v10;
	v3 =	vadd.bf16 v3, v12  }
0x6d: {  	s0 =	sshll.u32 s29, $0x8;
	v4 =	vadd.bf16 v6, v4;
	v0 =	vadd.bf16 v0, v2  }
0x6e: {  	p0 =	seq.s32 s29, $0xF;
	s31 =	sand.u32 $0x3FFFFF00, s0;
	v2 =	vadd.bf16 v8, v7;
	v1 =	vadd.bf16 v1, v3  }
0x6f: {  	s0 =	smul.u32 @!p0 $0xD00, s29;
	v3 =	vadd.bf16 v5, v4;
	[tilespmem:s31+$0xFC00] =	vst v0  }
0x70: {  	v0 =	vadd.bf16 v9, v2;
	[tilespmem:s31+$0xFC10] =	vst v1  }
0x71: {  	s1 =	sshra.s32 @!p0 s0, $0x2;
	[tilespmem:s31+$0xFC20] =	vst v3  }
0x72: {  	s9 =	simm.s32 @!p0 $0x64;
	s10 =	simm.s32 @!p0 $0x3400;
	s0 =	sadd.s32 @!p0 $0x340, s1;
	[tilespmem:s31+$0xFC30] =	vst v0  }
0x73: {  	[tilespmem:s10], [sflag:$0x1] =	stream.indirect.gather @!p0 [hbm4b:s3+s9], $0x40, s0, s9, $0xb8;
	[tilespmem:$0x10C00] =	vst v63  }
0x74: {  	s0 =	sadd.s32 @!p0 $0x3A8, s1;
	s10 =	simm.s32 @!p0 $0x4D00  }
0x75: {  	[tilespmem:s10], [sflag:$0x1] =	stream.indirect.gather @!p0 [hbm4b:s3+s9], $0x40, s0, s9, $0xb8;
	[tilespmem:$0x10C00] =	vst v63  }
0x76: {  	_ =	swait.ge [sflag:s23], $0x1900  }
0x77: {  	[sflag:s23] =	ssyncset.done $0x0  }
0x78: {  	[sflag:s23] =	ssyncadd.s32 $0xFFFFE700  }
0x79: {  	_ =	swait.ge [sflag:s23], $0x1900  }
0x7a: {  	[sflag:s23] =	ssyncset.done $0x0  }
0x7b: {  	s10 =	simm.s32 $0x7F80;
	[sflag:s23] =	ssyncadd.s32 $0xFFFFE700  }
0x7c: {  	v0 =	vld [tilespmem:s10+$0x40]  }
0x7d: {  	s0 =	simm.s32 $0x6680;
	v1 =	vld [tilespmem:s10+$0x50]  }
0x7e: {  	v2 =	vld [tilespmem:s0+$0x40]  }
0x7f: {  	v3 =	vld [tilespmem:s0+$0x50]  }
0x80: {  	v9 =	vld [tilespmem:s10+$0x0]  }
0x81: {  	v12 =	vld [tilespmem:s10+$0x10]  }
0x82: {  	v6 =	vld [tilespmem:s0+$0x0]  }
0x83: {  	v8 =	vld [tilespmem:s0+$0x10]  }
0x84: {  	v5 =	vld [tilespmem:s10+$0xFFFFFFC0]  }
0x85: {  	v7 =	vld [tilespmem:s10+$0xFFFFFFD0]  }
0x86: {  	v4 =	vld [tilespmem:s0+$0xFFFFFFC0]  }
0x87: {  	v10 =	vld [tilespmem:s0+$0xFFFFFFD0]  }
0x88: {  	v11 =	vld [tilespmem:s10+$0xFFFFFF80]  }
0x89: {  	v13 =	vld [tilespmem:s10+$0xFFFFFF90]  }
0x8a: {  	v14 =	vld [tilespmem:s0+$0xFFFFFF80]  }
0x8b: {  	v15 =	vld [tilespmem:s0+$0xFFFFFF90]  }
0x8c: {  	v16 =	vld [tilespmem:s0+$0xFFFFFFA0]  }
0x8d: {  	v17 =	vld [tilespmem:s0+$0xFFFFFFB0]  }
0x8e: {  	v18 =	vld [tilespmem:s10+$0xFFFFFFA0]  }
0x8f: {  	v19 =	vld [tilespmem:s10+$0xFFFFFFB0]  }
0x90: {  	v20 =	vimm.bf16 $0.0e+00;
	v21 =	vld [tilespmem:s0+$0xFFFFFFE0]  }
0x91: {  	v22 =	vld [tilespmem:s0+$0xFFFFFFF0];
	v14 =	vadd.bf16 v14, v20;
	v15 =	vadd.bf16 v15, v20  }
0x92: {  	v59 =	vld [tilespmem:s10+$0xFFFFFFE0];
	v16 =	vadd.bf16 v16, v20;
	v17 =	vadd.bf16 v17, v20  }
0x93: {  	v11 =	vadd.bf16 v11, v14;
	v13 =	vadd.bf16 v13, v15;
	v14 =	vld [tilespmem:s10+$0xFFFFFFF0]  }
0x94: {  	v61 =	vld [tilespmem:s0+$0x20];
	v15 =	vadd.bf16 v18, v16;
	v60 =	vadd.bf16 v19, v17  }
0x95: {  	v11 =	vadd.bf16 v4, v11;
	v10 =	vadd.bf16 v10, v13;
	v13 =	vld [tilespmem:s0+$0x30]  }
0x96: {  	v15 =	vadd.bf16 v21, v15;
	v16 =	vadd.bf16 v22, v60;
	v4 =	vld [tilespmem:s10+$0x20]  }
0x97: {  	v11 =	vadd.bf16 v5, v11;
	v10 =	vadd.bf16 v7, v10;
	v7 =	vld [tilespmem:s10+$0x30]  }
0x98: {  	v15 =	vadd.bf16 v59, v15;
	v5 =	vld [tilespmem:s0+$0x60];
	v14 =	vadd.bf16 v14, v16  }
0x99: {  	v62 =	vadd.bf16 v6, v11;
	v63 =	vadd.bf16 v8, v10;
	v8 =	vld [tilespmem:s0+$0x70]  }
0x9a: {  	v11 =	vadd.bf16 v61, v15;
	v6 =	vld [tilespmem:s10+$0x60];
	v10 =	vadd.bf16 v13, v14  }
0x9b: {  	s9 =	simm.s32 $0x0;
	v13 =	vadd.bf16 v9, v62;
	v12 =	vadd.bf16 v12, v63;
	v9 =	vld [tilespmem:s10+$0x70];
	s10 =	simm.s32 $0x8080  }
.LBB2_5:
0x9c: {  	v14 =	vld [tilespmem:s10+$0x40];
	v4 =	vadd.bf16 v4, v11;
	v7 =	vadd.bf16 v7, v10  }
0x9d: {  	s0 =	sadd.s32 $0x100, s0;
	v10 =	vld [tilespmem:s10+$0x50];
	v11 =	vadd.bf16 v2, v13;
	v12 =	vadd.bf16 v3, v12  }
0x9e: {  	v2 =	vld [tilespmem:s0+$0x40];
	v4 =	vadd.bf16 v5, v4;
	v5 =	vadd.bf16 v8, v7  }
0x9f: {  	v3 =	vld [tilespmem:s0+$0x50];
	v7 =	vadd.bf16 v0, v11;
	v8 =	vadd.bf16 v1, v12  }
0xa0: {  	v12 =	vld [tilespmem:s10+$0x0];
	v4 =	vadd.bf16 v6, v4;
	v5 =	vadd.bf16 v9, v5  }
0xa1: {  	v9 =	vld [tilespmem:s10+$0x10];
	v0 =	vmov v14  }
0xa2: {  	v6 =	vld [tilespmem:s0+$0x0];
	v1 =	vmov v10  }
0xa3: {  	v10 =	vld [tilespmem:s0+$0x10]  }
0xa4: {  	v11 =	vld [tilespmem:s10+$0xFFFFFFC0]  }
0xa5: {  	v13 =	vld [tilespmem:s10+$0xFFFFFFD0]  }
0xa6: {  	v14 =	vld [tilespmem:s0+$0xFFFFFFC0]  }
0xa7: {  	v15 =	vld [tilespmem:s0+$0xFFFFFFD0]  }
0xa8: {  	v16 =	vld [tilespmem:s10+$0xFFFFFF80]  }
0xa9: {  	v17 =	vld [tilespmem:s10+$0xFFFFFF90]  }
0xaa: {  	v18 =	vld [tilespmem:s0+$0xFFFFFF80]  }
0xab: {  	v19 =	vld [tilespmem:s0+$0xFFFFFF90]  }
0xac: {  	v20 =	vld [tilespmem:s0+$0xFFFFFFA0]  }
0xad: {  	s9 =	sadd.s32 $0x4, s9;
	v21 =	vld [tilespmem:s0+$0xFFFFFFB0]  }
0xae: {  	p1 =	slt.u32 s9, $0x60;
	v22 =	vld [tilespmem:s10+$0xFFFFFFA0]  }
0xaf: {  	v23 =	vld [tilespmem:s10+$0xFFFFFFB0]  }
0xb0: {  	v24 =	vld [tilespmem:s0+$0xFFFFFFE0]  }
0xb1: {  	v7 =	vadd.bf16 v18, v7;
	v8 =	vadd.bf16 v19, v8;
	v18 =	vld [tilespmem:s0+$0xFFFFFFF0]  }
0xb2: {  	v4 =	vadd.bf16 v20, v4;
	v5 =	vadd.bf16 v21, v5;
	v19 =	vld [tilespmem:s10+$0xFFFFFFE0]  }
0xb3: {  	v7 =	vadd.bf16 v16, v7;
	v8 =	vadd.bf16 v17, v8;
	v16 =	vld [tilespmem:s10+$0xFFFFFFF0]  }
0xb4: {  	v4 =	vadd.bf16 v22, v4;
	v5 =	vadd.bf16 v23, v5;
	v17 =	vld [tilespmem:s0+$0x20]  }
0xb5: {  	v7 =	vadd.bf16 v14, v7;
	v8 =	vadd.bf16 v15, v8;
	v14 =	vld [tilespmem:s0+$0x30]  }
0xb6: {  	v15 =	vadd.bf16 v24, v4;
	v5 =	vadd.bf16 v18, v5;
	v4 =	vld [tilespmem:s10+$0x20]  }
.Ltmp1:
0xb7: {  	v11 =	vadd.bf16 v11, v7;
	v8 =	vadd.bf16 v13, v8;
	v7 =	vld [tilespmem:s10+$0x30];
	(pc) =	sbr.rel @p1 .LBB2_5-.Ltmp1, $4  }
0xb8: {  	v13 =	vadd.bf16 v19, v15;
	v15 =	vadd.bf16 v16, v5;
	v5 =	vld [tilespmem:s0+$0x60]  }
0xb9: {  	v16 =	vadd.bf16 v6, v11;
	v18 =	vadd.bf16 v10, v8;
	v8 =	vld [tilespmem:s0+$0x70]  }
0xba: {  	v11 =	vadd.bf16 v17, v13;
	v10 =	vadd.bf16 v14, v15;
	v6 =	vld [tilespmem:s10+$0x60]  }
0xbb: {  	v13 =	vadd.bf16 v12, v16;
	v12 =	vadd.bf16 v9, v18;
	v9 =	vld [tilespmem:s10+$0x70];
	s10 =	sadd.s32 $0x100, s10  }
0xbc: {  	_ = 	snop  }
0xbd: {  	v4 =	vadd.bf16 v4, v11;
	v2 =	vadd.bf16 v2, v13  }
0xbe: {  	v7 =	vadd.bf16 v7, v10;
	v3 =	vadd.bf16 v3, v12  }
0xbf: {  	v4 =	vadd.bf16 v5, v4;
	v0 =	vadd.bf16 v0, v2  }
0xc0: {  	v2 =	vadd.bf16 v8, v7;
	v1 =	vadd.bf16 v1, v3  }
0xc1: {  	v3 =	vadd.bf16 v6, v4;
	[tilespmem:s31+$0xFC40] =	vst v0  }
0xc2: {  	v0 =	vadd.bf16 v9, v2;
	[tilespmem:s31+$0xFC50] =	vst v1  }
0xc3: {  	[tilespmem:s31+$0xFC60] =	vst v3  }
0xc4: {  	s0 =	sadd.s32 @!p0 $0x410, s1;
	s9 =	simm.s32 @!p0 $0x64;
	s10 =	simm.s32 @!p0 $0x6600;
	[tilespmem:s31+$0xFC70] =	vst v0  }
0xc5: {  	[tilespmem:s10], [sflag:$0x2] =	stream.indirect.gather @!p0 [hbm4b:s3+s9], $0x40, s0, s9, $0xb8;
	[tilespmem:$0x10C00] =	vst v63  }
0xc6: {  	s0 =	sadd.s32 @!p0 $0x478, s1;
	s10 =	simm.s32 @!p0 $0x7F00  }
0xc7: {  	[tilespmem:s10], [sflag:$0x2] =	stream.indirect.gather @!p0 [hbm4b:s3+s9], $0x40, s0, s9, $0xb8;
	[tilespmem:$0x10C00] =	vst v63  }
0xc8: {  	_ =	swait.ge [sflag:s24], $0x1900  }
0xc9: {  	[sflag:s24] =	ssyncset.done $0x0  }
0xca: {  	[sflag:s24] =	ssyncadd.s32 $0xFFFFE700  }
0xcb: {  	_ =	swait.ge [sflag:s24], $0x1900  }
0xcc: {  	[sflag:s24] =	ssyncset.done $0x0  }
0xcd: {  	s10 =	simm.s32 $0xB180;
	[sflag:s24] =	ssyncadd.s32 $0xFFFFE700  }
0xce: {  	v0 =	vld [tilespmem:s10+$0x40]  }
0xcf: {  	s0 =	simm.s32 $0x9880;
	v1 =	vld [tilespmem:s10+$0x50]  }
0xd0: {  	v2 =	vld [tilespmem:s0+$0x40]  }
0xd1: {  	v3 =	vld [tilespmem:s0+$0x50]  }
0xd2: {  	v9 =	vld [tilespmem:s10+$0x0]  }
0xd3: {  	v12 =	vld [tilespmem:s10+$0x10]  }
0xd4: {  	v6 =	vld [tilespmem:s0+$0x0]  }
0xd5: {  	v8 =	vld [tilespmem:s0+$0x10]  }
0xd6: {  	v5 =	vld [tilespmem:s10+$0xFFFFFFC0]  }
0xd7: {  	v7 =	vld [tilespmem:s10+$0xFFFFFFD0]  }
0xd8: {  	v4 =	vld [tilespmem:s0+$0xFFFFFFC0]  }
0xd9: {  	v10 =	vld [tilespmem:s0+$0xFFFFFFD0]  }
0xda: {  	v11 =	vld [tilespmem:s10+$0xFFFFFF80]  }
0xdb: {  	v13 =	vld [tilespmem:s10+$0xFFFFFF90]  }
0xdc: {  	v14 =	vld [tilespmem:s0+$0xFFFFFF80]  }
0xdd: {  	v15 =	vld [tilespmem:s0+$0xFFFFFF90]  }
0xde: {  	v16 =	vld [tilespmem:s0+$0xFFFFFFA0]  }
0xdf: {  	v17 =	vld [tilespmem:s0+$0xFFFFFFB0]  }
0xe0: {  	v18 =	vld [tilespmem:s10+$0xFFFFFFA0]  }
0xe1: {  	v19 =	vld [tilespmem:s10+$0xFFFFFFB0]  }
0xe2: {  	v20 =	vimm.bf16 $0.0e+00;
	v21 =	vld [tilespmem:s0+$0xFFFFFFE0]  }
0xe3: {  	v22 =	vld [tilespmem:s0+$0xFFFFFFF0];
	v14 =	vadd.bf16 v14, v20;
	v15 =	vadd.bf16 v15, v20  }
0xe4: {  	v59 =	vld [tilespmem:s10+$0xFFFFFFE0];
	v16 =	vadd.bf16 v16, v20;
	v17 =	vadd.bf16 v17, v20  }
0xe5: {  	v11 =	vadd.bf16 v11, v14;
	v13 =	vadd.bf16 v13, v15;
	v14 =	vld [tilespmem:s10+$0xFFFFFFF0]  }
0xe6: {  	v61 =	vld [tilespmem:s0+$0x20];
	v15 =	vadd.bf16 v18, v16;
	v60 =	vadd.bf16 v19, v17  }
0xe7: {  	v11 =	vadd.bf16 v4, v11;
	v10 =	vadd.bf16 v10, v13;
	v13 =	vld [tilespmem:s0+$0x30]  }
0xe8: {  	v15 =	vadd.bf16 v21, v15;
	v16 =	vadd.bf16 v22, v60;
	v4 =	vld [tilespmem:s10+$0x20]  }
0xe9: {  	v11 =	vadd.bf16 v5, v11;
	v10 =	vadd.bf16 v7, v10;
	v7 =	vld [tilespmem:s10+$0x30]  }
0xea: {  	v15 =	vadd.bf16 v59, v15;
	v5 =	vld [tilespmem:s0+$0x60];
	v14 =	vadd.bf16 v14, v16  }
0xeb: {  	v62 =	vadd.bf16 v6, v11;
	v63 =	vadd.bf16 v8, v10;
	v8 =	vld [tilespmem:s0+$0x70]  }
0xec: {  	v11 =	vadd.bf16 v61, v15;
	v6 =	vld [tilespmem:s10+$0x60];
	v10 =	vadd.bf16 v13, v14  }
0xed: {  	s9 =	simm.s32 $0x0;
	v13 =	vadd.bf16 v9, v62;
	v12 =	vadd.bf16 v12, v63;
	v9 =	vld [tilespmem:s10+$0x70];
	s10 =	simm.s32 $0xB280  }
.LBB2_7:
0xee: {  	v14 =	vld [tilespmem:s10+$0x40];
	v4 =	vadd.bf16 v4, v11;
	v7 =	vadd.bf16 v7, v10  }
0xef: {  	s0 =	sadd.s32 $0x100, s0;
	v10 =	vld [tilespmem:s10+$0x50];
	v11 =	vadd.bf16 v2, v13;
	v12 =	vadd.bf16 v3, v12  }
0xf0: {  	v2 =	vld [tilespmem:s0+$0x40];
	v4 =	vadd.bf16 v5, v4;
	v5 =	vadd.bf16 v8, v7  }
0xf1: {  	v3 =	vld [tilespmem:s0+$0x50];
	v7 =	vadd.bf16 v0, v11;
	v8 =	vadd.bf16 v1, v12  }
0xf2: {  	v12 =	vld [tilespmem:s10+$0x0];
	v4 =	vadd.bf16 v6, v4;
	v5 =	vadd.bf16 v9, v5  }
0xf3: {  	v9 =	vld [tilespmem:s10+$0x10];
	v0 =	vmov v14  }
0xf4: {  	v6 =	vld [tilespmem:s0+$0x0];
	v1 =	vmov v10  }
0xf5: {  	v10 =	vld [tilespmem:s0+$0x10]  }
0xf6: {  	v11 =	vld [tilespmem:s10+$0xFFFFFFC0]  }
0xf7: {  	v13 =	vld [tilespmem:s10+$0xFFFFFFD0]  }
0xf8: {  	v14 =	vld [tilespmem:s0+$0xFFFFFFC0]  }
0xf9: {  	v15 =	vld [tilespmem:s0+$0xFFFFFFD0]  }
0xfa: {  	v16 =	vld [tilespmem:s10+$0xFFFFFF80]  }
0xfb: {  	v17 =	vld [tilespmem:s10+$0xFFFFFF90]  }
0xfc: {  	v18 =	vld [tilespmem:s0+$0xFFFFFF80]  }
0xfd: {  	v19 =	vld [tilespmem:s0+$0xFFFFFF90]  }
0xfe: {  	v20 =	vld [tilespmem:s0+$0xFFFFFFA0]  }
0xff: {  	s9 =	sadd.s32 $0x4, s9;
	v21 =	vld [tilespmem:s0+$0xFFFFFFB0]  }
0x100: {  	p1 =	slt.u32 s9, $0x60;
	v22 =	vld [tilespmem:s10+$0xFFFFFFA0]  }
0x101: {  	v23 =	vld [tilespmem:s10+$0xFFFFFFB0]  }
0x102: {  	v24 =	vld [tilespmem:s0+$0xFFFFFFE0]  }
0x103: {  	v7 =	vadd.bf16 v18, v7;
	v8 =	vadd.bf16 v19, v8;
	v18 =	vld [tilespmem:s0+$0xFFFFFFF0]  }
0x104: {  	v4 =	vadd.bf16 v20, v4;
	v5 =	vadd.bf16 v21, v5;
	v19 =	vld [tilespmem:s10+$0xFFFFFFE0]  }
0x105: {  	v7 =	vadd.bf16 v16, v7;
	v8 =	vadd.bf16 v17, v8;
	v16 =	vld [tilespmem:s10+$0xFFFFFFF0]  }
0x106: {  	v4 =	vadd.bf16 v22, v4;
	v5 =	vadd.bf16 v23, v5;
	v17 =	vld [tilespmem:s0+$0x20]  }
0x107: {  	v7 =	vadd.bf16 v14, v7;
	v8 =	vadd.bf16 v15, v8;
	v14 =	vld [tilespmem:s0+$0x30]  }
0x108: {  	v15 =	vadd.bf16 v24, v4;
	v5 =	vadd.bf16 v18, v5;
	v4 =	vld [tilespmem:s10+$0x20]  }
.Ltmp2:
0x109: {  	v11 =	vadd.bf16 v11, v7;
	v8 =	vadd.bf16 v13, v8;
	v7 =	vld [tilespmem:s10+$0x30];
	(pc) =	sbr.rel @p1 .LBB2_7-.Ltmp2, $4  }
0x10a: {  	v13 =	vadd.bf16 v19, v15;
	v15 =	vadd.bf16 v16, v5;
	v5 =	vld [tilespmem:s0+$0x60]  }
0x10b: {  	v16 =	vadd.bf16 v6, v11;
	v18 =	vadd.bf16 v10, v8;
	v8 =	vld [tilespmem:s0+$0x70]  }
0x10c: {  	v11 =	vadd.bf16 v17, v13;
	v10 =	vadd.bf16 v14, v15;
	v6 =	vld [tilespmem:s10+$0x60]  }
0x10d: {  	v13 =	vadd.bf16 v12, v16;
	v12 =	vadd.bf16 v9, v18;
	v9 =	vld [tilespmem:s10+$0x70];
	s10 =	sadd.s32 $0x100, s10  }
0x10e: {  	_ = 	snop  }
0x10f: {  	v4 =	vadd.bf16 v4, v11;
	v2 =	vadd.bf16 v2, v13  }
0x110: {  	v7 =	vadd.bf16 v7, v10;
	v3 =	vadd.bf16 v3, v12  }
0x111: {  	v4 =	vadd.bf16 v5, v4;
	v0 =	vadd.bf16 v0, v2  }
0x112: {  	v2 =	vadd.bf16 v8, v7;
	v1 =	vadd.bf16 v1, v3  }
0x113: {  	v3 =	vadd.bf16 v6, v4;
	[tilespmem:s31+$0xFC80] =	vst v0  }
0x114: {  	v0 =	vadd.bf16 v9, v2;
	[tilespmem:s31+$0xFC90] =	vst v1  }
0x115: {  	[tilespmem:s31+$0xFCA0] =	vst v3  }
0x116: {  	s0 =	sadd.s32 @!p0 $0x4E0, s1;
	s9 =	simm.s32 @!p0 $0x64;
	s10 =	simm.s32 @!p0 $0x9800;
	[tilespmem:s31+$0xFCB0] =	vst v0  }
0x117: {  	[tilespmem:s10], [sflag:$0x3] =	stream.indirect.gather @!p0 [hbm4b:s3+s9], $0x40, s0, s9, $0xb8;
	[tilespmem:$0x10C00] =	vst v63  }
0x118: {  	s0 =	sadd.s32 @!p0 $0x548, s1;
	s1 =	simm.s32 @!p0 $0xB100  }
0x119: {  	[tilespmem:s1], [sflag:$0x3] =	stream.indirect.gather @!p0 [hbm4b:s3+s9], $0x40, s0, s9, $0xb8;
	[tilespmem:$0x10C00] =	vst v63  }
0x11a: {  	_ =	swait.ge [sflag:s25], $0x1900  }
0x11b: {  	[sflag:s25] =	ssyncset.done $0x0  }
0x11c: {  	[sflag:s25] =	ssyncadd.s32 $0xFFFFE700  }
0x11d: {  	_ =	swait.ge [sflag:s25], $0x1900  }
0x11e: {  	[sflag:s25] =	ssyncset.done $0x0  }
0x11f: {  	s31 =	simm.s32 $0xE380;
	[sflag:s25] =	ssyncadd.s32 $0xFFFFE700  }
0x120: {  	v0 =	vld [tilespmem:s31+$0x40]  }
0x121: {  	s0 =	simm.s32 $0xCA80;
	v1 =	vld [tilespmem:s31+$0x50]  }
0x122: {  	v2 =	vld [tilespmem:s0+$0x40]  }
0x123: {  	v3 =	vld [tilespmem:s0+$0x50]  }
0x124: {  	v9 =	vld [tilespmem:s31+$0x0]  }
0x125: {  	v12 =	vld [tilespmem:s31+$0x10]  }
0x126: {  	v6 =	vld [tilespmem:s0+$0x0]  }
0x127: {  	v8 =	vld [tilespmem:s0+$0x10]  }
0x128: {  	v5 =	vld [tilespmem:s31+$0xFFFFFFC0]  }
0x129: {  	v7 =	vld [tilespmem:s31+$0xFFFFFFD0]  }
0x12a: {  	v4 =	vld [tilespmem:s0+$0xFFFFFFC0]  }
0x12b: {  	v10 =	vld [tilespmem:s0+$0xFFFFFFD0]  }
0x12c: {  	v11 =	vld [tilespmem:s31+$0xFFFFFF80]  }
0x12d: {  	v13 =	vld [tilespmem:s31+$0xFFFFFF90]  }
0x12e: {  	v14 =	vld [tilespmem:s0+$0xFFFFFF80]  }
0x12f: {  	v15 =	vld [tilespmem:s0+$0xFFFFFF90]  }
0x130: {  	v16 =	vld [tilespmem:s0+$0xFFFFFFA0]  }
0x131: {  	v17 =	vld [tilespmem:s0+$0xFFFFFFB0]  }
0x132: {  	v18 =	vld [tilespmem:s31+$0xFFFFFFA0]  }
0x133: {  	v19 =	vld [tilespmem:s31+$0xFFFFFFB0]  }
0x134: {  	v20 =	vimm.bf16 $0.0e+00;
	v21 =	vld [tilespmem:s0+$0xFFFFFFE0]  }
0x135: {  	v22 =	vld [tilespmem:s0+$0xFFFFFFF0];
	v14 =	vadd.bf16 v14, v20;
	v15 =	vadd.bf16 v15, v20  }
0x136: {  	v59 =	vld [tilespmem:s31+$0xFFFFFFE0];
	v16 =	vadd.bf16 v16, v20;
	v17 =	vadd.bf16 v17, v20  }
0x137: {  	v11 =	vadd.bf16 v11, v14;
	v13 =	vadd.bf16 v13, v15;
	v14 =	vld [tilespmem:s31+$0xFFFFFFF0]  }
0x138: {  	v61 =	vld [tilespmem:s0+$0x20];
	v15 =	vadd.bf16 v18, v16;
	v60 =	vadd.bf16 v19, v17  }
0x139: {  	v11 =	vadd.bf16 v4, v11;
	v10 =	vadd.bf16 v10, v13;
	v13 =	vld [tilespmem:s0+$0x30]  }
0x13a: {  	v15 =	vadd.bf16 v21, v15;
	v16 =	vadd.bf16 v22, v60;
	v4 =	vld [tilespmem:s31+$0x20]  }
0x13b: {  	v11 =	vadd.bf16 v5, v11;
	v10 =	vadd.bf16 v7, v10;
	v7 =	vld [tilespmem:s31+$0x30]  }
0x13c: {  	v15 =	vadd.bf16 v59, v15;
	v5 =	vld [tilespmem:s0+$0x60];
	v14 =	vadd.bf16 v14, v16  }
0x13d: {  	v62 =	vadd.bf16 v6, v11;
	v63 =	vadd.bf16 v8, v10;
	v8 =	vld [tilespmem:s0+$0x70]  }
0x13e: {  	v11 =	vadd.bf16 v61, v15;
	v6 =	vld [tilespmem:s31+$0x60];
	v10 =	vadd.bf16 v13, v14  }
0x13f: {  	s1 =	simm.s32 $0x0;
	s9 =	simm.s32 $0xE480;
	v13 =	vadd.bf16 v9, v62;
	v12 =	vadd.bf16 v12, v63;
	v9 =	vld [tilespmem:s31+$0x70]  }
.LBB2_9:
0x140: {  	v14 =	vld [tilespmem:s9+$0x40];
	v4 =	vadd.bf16 v4, v11;
	v7 =	vadd.bf16 v7, v10  }
0x141: {  	s0 =	sadd.s32 $0x100, s0;
	v10 =	vld [tilespmem:s9+$0x50];
	v11 =	vadd.bf16 v2, v13;
	v12 =	vadd.bf16 v3, v12  }
0x142: {  	v2 =	vld [tilespmem:s0+$0x40];
	v4 =	vadd.bf16 v5, v4;
	v5 =	vadd.bf16 v8, v7  }
0x143: {  	v3 =	vld [tilespmem:s0+$0x50];
	v7 =	vadd.bf16 v0, v11;
	v8 =	vadd.bf16 v1, v12  }
0x144: {  	v12 =	vld [tilespmem:s9+$0x0];
	v4 =	vadd.bf16 v6, v4;
	v5 =	vadd.bf16 v9, v5  }
0x145: {  	v9 =	vld [tilespmem:s9+$0x10];
	v0 =	vmov v14  }
0x146: {  	v6 =	vld [tilespmem:s0+$0x0];
	v1 =	vmov v10  }
0x147: {  	v10 =	vld [tilespmem:s0+$0x10]  }
0x148: {  	v11 =	vld [tilespmem:s9+$0xFFFFFFC0]  }
0x149: {  	v13 =	vld [tilespmem:s9+$0xFFFFFFD0]  }
0x14a: {  	v14 =	vld [tilespmem:s0+$0xFFFFFFC0]  }
0x14b: {  	v15 =	vld [tilespmem:s0+$0xFFFFFFD0]  }
0x14c: {  	v16 =	vld [tilespmem:s9+$0xFFFFFF80]  }
0x14d: {  	v17 =	vld [tilespmem:s9+$0xFFFFFF90]  }
0x14e: {  	v18 =	vld [tilespmem:s0+$0xFFFFFF80]  }
0x14f: {  	v19 =	vld [tilespmem:s0+$0xFFFFFF90]  }
0x150: {  	v20 =	vld [tilespmem:s0+$0xFFFFFFA0]  }
0x151: {  	s1 =	sadd.s32 $0x4, s1;
	v21 =	vld [tilespmem:s0+$0xFFFFFFB0]  }
0x152: {  	p0 =	slt.u32 s1, $0x60;
	v22 =	vld [tilespmem:s9+$0xFFFFFFA0]  }
0x153: {  	v23 =	vld [tilespmem:s9+$0xFFFFFFB0]  }
0x154: {  	v24 =	vld [tilespmem:s0+$0xFFFFFFE0]  }
0x155: {  	v7 =	vadd.bf16 v18, v7;
	v8 =	vadd.bf16 v19, v8;
	v18 =	vld [tilespmem:s0+$0xFFFFFFF0]  }
0x156: {  	v4 =	vadd.bf16 v20, v4;
	v5 =	vadd.bf16 v21, v5;
	v19 =	vld [tilespmem:s9+$0xFFFFFFE0]  }
0x157: {  	v7 =	vadd.bf16 v16, v7;
	v8 =	vadd.bf16 v17, v8;
	v16 =	vld [tilespmem:s9+$0xFFFFFFF0]  }
0x158: {  	v4 =	vadd.bf16 v22, v4;
	v5 =	vadd.bf16 v23, v5;
	v17 =	vld [tilespmem:s0+$0x20]  }
0x159: {  	v7 =	vadd.bf16 v14, v7;
	v8 =	vadd.bf16 v15, v8;
	v14 =	vld [tilespmem:s0+$0x30]  }
0x15a: {  	v15 =	vadd.bf16 v24, v4;
	v5 =	vadd.bf16 v18, v5;
	v4 =	vld [tilespmem:s9+$0x20]  }
.Ltmp3:
0x15b: {  	v11 =	vadd.bf16 v11, v7;
	v8 =	vadd.bf16 v13, v8;
	v7 =	vld [tilespmem:s9+$0x30];
	(pc) =	sbr.rel @p0 .LBB2_9-.Ltmp3, $4  }
0x15c: {  	v13 =	vadd.bf16 v19, v15;
	v15 =	vadd.bf16 v16, v5;
	v5 =	vld [tilespmem:s0+$0x60]  }
0x15d: {  	v16 =	vadd.bf16 v6, v11;
	v18 =	vadd.bf16 v10, v8;
	v8 =	vld [tilespmem:s0+$0x70]  }
0x15e: {  	v11 =	vadd.bf16 v17, v13;
	v10 =	vadd.bf16 v14, v15;
	v6 =	vld [tilespmem:s9+$0x60]  }
0x15f: {  	v13 =	vadd.bf16 v12, v16;
	v12 =	vadd.bf16 v9, v18;
	v9 =	vld [tilespmem:s9+$0x70];
	s9 =	sadd.s32 $0x100, s9  }
0x160: {  	_ = 	snop  }
0x161: {  	v4 =	vadd.bf16 v4, v11;
	v2 =	vadd.bf16 v2, v13  }
0x162: {  	v7 =	vadd.bf16 v7, v10;
	s29 =	sadd.s32 $0x1, s29;
	v3 =	vadd.bf16 v3, v12  }
0x163: {  	s0 =	sshll.u32 s30, $0x6;
	p0 =	sne.s32 s29, $0x10;
	v4 =	vadd.bf16 v5, v4;
	v0 =	vadd.bf16 v0, v2  }
.Ltmp4:
0x164: {  	s0 =	sand.u32 $0x3FFFFFC0, s0;
	v61 =	vadd.bf16 v8, v7;
	v1 =	vadd.bf16 v1, v3;
	(pc) =	sbr.rel @p0 .LBB2_2-.Ltmp4, $4  }
0x165: {  	v62 =	vadd.bf16 v6, v4;
	[tilespmem:s0+$0xFC00] =	vst v0  }
0x166: {  	v63 =	vadd.bf16 v9, v61;
	[tilespmem:s0+$0xFC10] =	vst v1  }
0x167: {  	[tilespmem:s0+$0xFC20] =	vst v62  }
0x168: {  	[tilespmem:s0+$0xFC30] =	vst v63  }
0x169: {  	s28 =	sadd.s32 $0x1, s28  }
0x16a: {  	p0 =	sne.s32 s28, s6  }
.Ltmp5:
0x16b: {  	_ = 	snop;
	(pc) =	sbr.rel @p0 .LBB2_1-.Ltmp5, $4  }
0x16c: {  	[hbm4b:s5+s2] =	stream.linear.scatter [tilespmem:s26], [sflag:$0x5], $0x1000, $0x38;
	[tilespmem:$0x10C00] =	vst v63  }
0x16d: {  	_ =	swait.ge [sflag:s7], $0x1000  }
0x16e: {  	[sflag:s7] =	ssyncset.done $0x0  }
0x16f: {  	[sflag:s7] =	ssyncadd.s32 $0xFFFFF000  }
0x170: {  	_ =	sfence.sel $0x180000  }
0x171: {  	[bflag:$0x0] =	sbarrier.arrive $0xFFFF  }
0x172: {  	_ =	strace $0x9000004D  }
0x173: {  	s0 =	stileid.u32;
	[bflag:$0x2] =	sbarrier.arrive $0xFFFF  }
0x174: {  	p0 =	sne.s32 s0, $0x0;
	s0 =	rddreg [dreg:$0x1]  }
0x175: {  	s0 =	sadd.s32 @!p0 $0x100000, s0  }
0x176: {  	[sflag:s0] =	ssyncadd.tile.s32 @!p0 $0x1;
	_ =	shalt  }
.Lfunc_end2:
_tile_overlayer_lowered:
.L_overlay_start_2:
0x177: {  	(tag) =	ssettag $0x2  }
0x178: {  	s0 =	rddreg [dreg:$0x0];
	s2 =	stileid.u32  }
0x179: {  	s1 =	rddreg [dreg:$0x1];
	p0 =	sne.s32 s2, $0x0  }
0x17a: {  	s3 =	rddreg [dreg:$0x2];
	[bflag:$0x3] =	sbarrier.arrive $0xFFFF;
	s2 =	simm.s32 @!p0 $0x1C05  }
0x17b: {  	[timem:s3], [sflag:s2] =	dma.local @!p0 [hbm:s0], s1  }
0x17c: {  	s0 =	simm.s32 @!p0 $0x5  }
0x17d: {  	_ =	swait.ge @!p0 [sflag:s0], s1  }
0x17e: {  	s1 =	ssub.s32 @!p0 $0x0, s1;
	[sflag:s0] =	ssyncset.done @!p0 $0x0  }
0x17f: {  	[sflag:s0] =	ssyncadd.s32 @!p0 s1  }
0x180: {  	[bflag:$0x3] =	sbarrier.arrive $0xFFFF  }
0x181: {  	_ =	shalt  }

// kernel: kernel.13.cloned.1.call-start
scs
__scs_entry_jumppad:
0x0: {  	(pc) =	sbr.rel $0x88, $3  }
0x1: {  	(tag) =	ssettag $0x0;
	lr =	simm.s32 $0x1  }
0x2: {  	[smem:$0x3F98] =	sst lr;
	_ =	strace $0xD0000000  }
0x3: {  	_ = 	snop  }
0x4: {  	_ = 	snop  }
0x5: {  	_ = 	snop  }
0x6: {  	_ = 	snop  }
0x7: {  	_ = 	snop  }
__scs_overlays_trampoline_lowered:
0x8: {  	[smem:$0x3FA7] =	sst s0  }
0x9: {  	[smem:$0x3FA8] =	sst s1  }
0xa: {  	[smem:$0x3FA9] =	sst s2  }
0xb: {  	[smem:$0x3FAA] =	sst s3  }
0xc: {  	[smem:$0x3FAB] =	sst s4  }
0xd: {  	[smem:$0x3FAC] =	sst s5  }
0xe: {  	[smem:$0x3FAD] =	sst s6  }
0xf: {  	[smem:$0x3FAE] =	sst s7  }
0x10: {  	[smem:$0x3FAF] =	sst s8  }
0x11: {  	[smem:$0x3FB0] =	sst s9;
	s0 =	simm.s32 @!p0 $0x0  }
0x12: {  	s1 =	sld [smem:$0x3F96];
	s0 =	simm.s32 @p0 $0x1  }
0x13: {  	[smem:$0x3FB1] =	sst s0;
	s0 =	simm.s32 @!p1 $0x0  }
0x14: {  	s2 =	sld [smem:$0x3F95];
	s0 =	simm.s32 @p1 $0x1  }
0x15: {  	[smem:$0x3FB2] =	sst s0;
	s0 =	simm.s32 @!p2 $0x0  }
0x16: {  	s3 =	sld [smem:$0x3FDB];
	s0 =	simm.s32 @p2 $0x1  }
0x17: {  	s4 =	simm.s32 $0x1BF5;
	[smem:$0x3FB4] =	sst s0  }
0x18: {  	s0 =	sld [smem:$0x3F97];
	_ =	swait.ge [sflag:s4], $0x0  }
0x19: {  	s7 =	sld [smem:$0x3F98]  }
0x1a: {  	s8 =	sadd.s32 $0xFFFFE003, lr  }
0x1b: {  	s9 =	sadd.s32 $0xFFFFFEF7, lr;
	s5 =	simm.s32 $0xFFFFFFFF;
	p2 =	slt.u32 s8, $0xFFFFF086  }
0x1c: {  	p1 =	slt.u32 s9, $0xF7A;
	s5 =	simm.s32 @!p2 $0x0  }
0x1d: {  	s5 =	simm.s32 @p1 $0x1;
	p0 =	seq.s32 s7, s2  }
0x1e: {  	s7 =	smul.u32 @!p0 $0xF7A, s2;
	p2 =	seq.s32 @!p0 s5, $0x0  }
0x1f: {  	s9 =	smul.u32 $0xF7A, s1;
	s8 =	simm.s32 @!p0 $0x1BF5;
	p2 =	por !p2, p0  }
0x20: {  	[sflag:s8] =	ssyncset.s32 @!p0 $0xFFFFF086;
	s6 =	sadd.s32 @!p0 s3, s7;
	s7 =	simm.s32 @!p0 $0x108  }
0x21: {  	s3 =	sadd.s32 s3, s9;
	s6 =	sadd.s32 @!p0 $0x88, s6;
	s7 =	simm.s32 @p2 $0x1082  }
0x22: {  	[simem:s7], [sflag:s8] =	dma.local @!p0 [hbm:s6], $0xF7A  }
0x23: {  	s9 =	sor.u32 $0xD0000000, s2;
	s6 =	simm.s32 $0x108;
	_ =	swait.ge @!p0 [sflag:s8], $0x0  }
0x24: {  	s3 =	sadd.s32 $0x88, s3;
	s6 =	simm.s32 @!p1 $0x1082;
	[sflag:s4] =	ssyncset.s32 $0xFFFFF086  }
0x25: {  	[simem:s6], [sflag:s4] =	dma.local [hbm:s3], $0xF7A  }
0x26: {  	[smem:$0x3F98] =	sst s1;
	(tag) =	ssettag s2;
	_ =	strace s9  }
0x27: {  	s1 =	sld [smem:$0x3FA8]  }
0x28: {  	s2 =	sld [smem:$0x3FA9]  }
0x29: {  	s4 =	sld [smem:$0x3FAB]  }
0x2a: {  	p0 =	seq.s32 s5, $0x0;
	s5 =	sld [smem:$0x3FAC]  }
0x2b: {  	s6 =	sld [smem:$0x3FAD]  }
0x2c: {  	s7 =	sld [smem:$0x3FAE]  }
0x2d: {  	s3 =	simm.s32 $0x108;
	s8 =	sld [smem:$0x3FAF]  }
0x2e: {  	s3 =	simm.s32 @!p0 $0x1082;
	s9 =	sld [smem:$0x3FB0]  }
0x2f: {  	lr =	sadd.s32 s0, s3;
	s0 =	sld [smem:$0x3FA7]  }
0x30: {  	s3 =	sld [smem:$0x3FAA]  }
0x31: {  	[smem:$0x3FB3] =	sst s10  }
0x32: {  	s10 =	sld [smem:$0x3FB1];
	_ =	sdelay $0x3  }
0x33: {  	p0 =	seq.s32 s10, $0x1;
	s10 =	sld [smem:$0x3FB3];
	_ =	sdelay $0x3  }
0x34: {  	[smem:$0x3FB3] =	sst s10  }
0x35: {  	s10 =	sld [smem:$0x3FB2];
	_ =	sdelay $0x3  }
0x36: {  	p1 =	seq.s32 s10, $0x1;
	s10 =	sld [smem:$0x3FB3];
	_ =	sdelay $0x3  }
0x37: {  	[smem:$0x3FB3] =	sst s10  }
0x38: {  	s10 =	sld [smem:$0x3FB4]  }
0x39: {  	_ = 	snop;
	(pc) =	sbr.ind lr, $3  }
0x3a: {  	_ = 	snop  }
0x3b: {  	_ = 	snop  }
0x3c: {  	p2 =	seq.s32 s10, $0x1;
	s10 =	sld [smem:$0x3FB3]  }
0x3d: {  	_ =	shalt  }
0x3e: {  	_ =	shalt  }
0x3f: {  	_ =	shalt  }
0x40: {  	_ =	shalt  }
0x41: {  	_ =	shalt  }
0x42: {  	_ =	shalt  }
0x43: {  	_ =	shalt  }
0x44: {  	_ =	shalt  }
0x45: {  	_ =	shalt  }
0x46: {  	_ =	shalt  }
0x47: {  	_ =	shalt  }
0x48: {  	_ =	shalt  }
0x49: {  	_ =	shalt  }
0x4a: {  	_ =	shalt  }
0x4b: {  	_ =	shalt  }
0x4c: {  	_ =	shalt  }
0x4d: {  	_ =	shalt  }
0x4e: {  	_ =	shalt  }
0x4f: {  	_ =	shalt  }
0x50: {  	_ =	shalt  }
0x51: {  	_ =	shalt  }
0x52: {  	_ =	shalt  }
0x53: {  	_ =	shalt  }
0x54: {  	_ =	shalt  }
0x55: {  	_ =	shalt  }
0x56: {  	_ =	shalt  }
0x57: {  	_ =	shalt  }
0x58: {  	_ =	shalt  }
0x59: {  	_ =	shalt  }
0x5a: {  	_ =	shalt  }
0x5b: {  	_ =	shalt  }
0x5c: {  	_ =	shalt  }
0x5d: {  	_ =	shalt  }
0x5e: {  	_ =	shalt  }
0x5f: {  	_ =	shalt  }
0x60: {  	_ =	shalt  }
0x61: {  	_ =	shalt  }
0x62: {  	_ =	shalt  }
0x63: {  	_ =	shalt  }
0x64: {  	_ =	shalt  }
0x65: {  	_ =	shalt  }
0x66: {  	_ =	shalt  }
0x67: {  	_ =	shalt  }
0x68: {  	_ =	shalt  }
0x69: {  	_ =	shalt  }
0x6a: {  	_ =	shalt  }
0x6b: {  	_ =	shalt  }
0x6c: {  	_ =	shalt  }
0x6d: {  	_ =	shalt  }
0x6e: {  	_ =	shalt  }
0x6f: {  	_ =	shalt  }
0x70: {  	_ =	shalt  }
0x71: {  	_ =	shalt  }
0x72: {  	_ =	shalt  }
0x73: {  	_ =	shalt  }
0x74: {  	_ =	shalt  }
0x75: {  	_ =	shalt  }
0x76: {  	_ =	shalt  }
0x77: {  	_ =	shalt  }
0x78: {  	_ =	shalt  }
0x79: {  	_ =	shalt  }
0x7a: {  	_ =	shalt  }
0x7b: {  	_ =	shalt  }
0x7c: {  	_ =	shalt  }
0x7d: {  	_ =	shalt  }
0x7e: {  	_ =	shalt  }
0x7f: {  	_ =	shalt  }
0x80: {  	_ =	shalt  }
0x81: {  	_ =	shalt  }
0x82: {  	_ =	shalt  }
0x83: {  	_ =	shalt  }
0x84: {  	_ =	shalt  }
0x85: {  	_ =	shalt  }
0x86: {  	_ =	shalt  }
0x87: {  	_ =	shalt  }
.Lfunc_end0:
.L_simem_size_0:
called_computation.2_lowered:
.L_overlay_start_0:
0x88: {  	s2 =	sld [smem:$0x3FD9]  }
0x89: {  	s3 =	sld [smem:$0x3FFE];
	_ =	sdelay $0x1  }
0x8a: {  	s1 =	srdreg.scid  }
0x8b: {  	s0 =	sand.u32 $0x1, s1  }
0x8c: {  	s16 =	sshll.u32 s0, $0xA;
	s2 =	sadd.s32 s3, s2  }
0x8d: {  	s2 =	sadd.s32 s2, s16  }
0x8e: {  	[smem:$0x3FBF] =	sst s2  }
0x8f: {  	_ = 	snop  }
0x90: {  	(tm) =	ssettm $0x1  }
0x91: {  	s17 =	sld [smem:$0x3FFB];
	_ =	sdelay $0x3  }
0x92: {  	_ =	strace s17  }
0x93: {  	s2 =	sld [smem:$0x3FFC];
	_ =	sdelay $0x3  }
0x94: {  	_ =	strace s2  }
0x95: {  	s2 =	sld [smem:$0x3FFD];
	_ =	sdelay $0x3  }
0x96: {  	_ =	strace s2  }
0x97: {  	_ =	strace $0x8FFFFFFF  }
0x98: {  	s18 =	sld [smem:$0x3FDB];
	_ =	sdelay $0x1  }
0x99: {  	s19 =	simm.s32 $_scs_section_size  }
0x9a: {  	s4 =	simm.s32 $_size__tile_overlayer_lowered;
	s5 =	simm.s32 $_tile_overlayer_lowered  }
0x9b: {  	s22 =	simm.s32 $0x1BFF;
	s21 =	sshll.u32 s5, $0x1;
	s2 =	sadd.s32 s19, s18  }
0x9c: {  	s6 =	simm.s32 $0x0;
	s20 =	sshll.u32 s4, $0x1;
	s4 =	sadd.s32 s21, s2  }
0x9d: {  	[timem:s6], [sflag:s22] =	dma.local [hbm:s4], s20  }
0x9e: {  	_ =	swait.ge [sflag:s22], s20  }
0x9f: {  	s3 =	ssub.s32 $0x0, s20;
	[sflag:s22] =	ssyncset.done $0x0  }
0xa0: {  	[sflag:s22] =	ssyncadd.s32 s3;
	_ =	sdelay $0x1  }
0xa1: {  	s23 =	simm.s32 $0x1B8B  }
0xa2: {  	_ =	swait.ge [sflag:s23], $0x1  }
0xa3: {  	[sflag:s23] =	ssyncset.done $0x0  }
0xa4: {  	s25 =	simm.s32 $0x1B8E;
	s24 =	sld [smem:$0x3FFE];
	[sflag:s23] =	ssyncadd.s32 $0xFFFFFFFF  }
0xa5: {  	s26 =	simm.s32 $execute0_lowered;
	[smem:$0x3FD2] =	sst s25  }
0xa6: {  	s4 =	sshll.u32 s26, $0x1;
	_ =	strace $0x80000049;
	[dreg:$0x1] =	wrdreg $0xFFFFFFFF  }
0xa7: {  	s28 =	simm.s32 $_size_execute0_lowered;
	s2 =	sadd.s32 s2, s4;
	[dreg:$0x0] =	wrdreg $0x0  }
0xa8: {  	s4 =	sshll.u32 s28, $0x1;
	[dreg:$0x2] =	wrdreg s2  }
0xa9: {  	[dreg:$0x3] =	wrdreg s4  }
0xaa: {  	[dreg:$0x4] =	wrdreg $0xC0  }
0xab: {  	_ =	task [dreg:s6], $0x5FFFF  }
0xac: {  	[dreg:$0x1] =	wrdreg $0xFFFFFFFF  }
0xad: {  	[dreg:$0x0] =	wrdreg $0x60  }
0xae: {  	[dreg:$0x2] =	wrdreg s24  }
0xaf: {  	[dreg:$0x3] =	wrdreg $0xA  }
0xb0: {  	_ =	task.clear_ibuf [dreg:s6], $0x4FFFF;
	_ =	strace $0x90000049  }
0xb1: {  	s29 =	simm.s32 $0xA;
	_ =	strace $0x8000004B  }
0xb2: {  	_ =	swait.ge [sflag:s29], $0x1  }
0xb3: {  	[sflag:s29] =	ssyncadd.s32 $0xFFFFFFFF  }
0xb4: {  	_ =	strace $0x9000004B  }
0xb5: {  	_ =	sfence  }
0xb6: {  	s30 =	sld [smem:$0x0];
	_ =	sdelay $0x2  }
0xb7: {  	s31 =	sshll.u32 s1, $0xD;
	s1 =	sshrl.u32 s1, $0x2  }
0xb8: {  	s3 =	sand.u32 $0x4000, s31;
	s1 =	sadd.s32 s1, s30  }
0xb9: {  	s0 =	sor.u32 s3, s0;
	s1 =	sshll.u32 s1, $0x11  }
0xba: {  	s0 =	sor.u32 s1, s0  }
0xbb: {  	s0 =	sadd.s32 $0x8F2B, s0  }
0xbc: {  	[sflag:s0] =	ssyncadd.remote.s32 $0x1  }
0xbd: {  	_ =	sfence.sel $0xFFFF  }
0xbe: {  	[dreg:$0x0] =	wrdreg $0xFFFFFFFF;
	(pc) =	sbr.abs _section_cstart, $3  }
0xbf: {  	[dreg:$0x1] =	wrdreg $0xFFFFFFFF  }
0xc0: {  	_ =	task.clear_ibuf [dreg:s6], $0x2FFFF;
	_ =	strace $0x9FFFFFFF  }
0xc1: {  	(tm) =	ssettm $0x7FFFFFFF  }
tec
execute0_lowered:
.L_overlay_start_1:
0x0: {  	(tag) =	ssettag $0x1  }
0x1: {  	s0 =	srdreg.scid  }
0x2: {  	s2 =	stileid.u32;
	s1 =	rddreg [dreg:$0x0]  }
0x3: {  	s7 =	simm.s32 $0x5;
	s8 =	simm.s32 $0x64;
	s11 =	simm.s32 $0x4D00  }
0x4: {  	s12 =	simm.s32 $0xD0;
	s13 =	simm.s32 $0x6600;
	s14 =	simm.s32 $0x138  }
0x5: {  	s15 =	simm.s32 $0x7F00;
	s16 =	simm.s32 $0x1A0;
	s17 =	simm.s32 $0x9800  }
0x6: {  	s18 =	simm.s32 $0x208;
	s19 =	simm.s32 $0xB100;
	s20 =	simm.s32 $0xCA00  }
0x7: {  	s21 =	simm.s32 $0xE300;
	s22 =	simm.s32 $0x1;
	s23 =	simm.s32 $0x2  }
0x8: {  	s24 =	simm.s32 $0x3;
	s25 =	simm.s32 $0x4;
	s26 =	simm.s32 $0xFC00  }
0x9: {  	s0 =	sand.u32 $0x1, s0;
	s3 =	sshll.u32 s2, $0x1;
	s2 =	simm.s32 $0x0  }
0xa: {  	s28 =	simm.s32 $0x0;
	s3 =	sor.u32 s0, s3;
	[smem:$0x7FF] =	sst s2  }
0xb: {  	s0 =	ssub.s32 $0x2, s0;
	s4 =	smul.u32 $0x680, s3;
	_ =	strace $0x8000004A  }
0xc: {  	s5 =	sshll.u32 s3, $0x9;
	s6 =	sshrl.u32 s0, $0x1;
	s3 =	sadd.s32 $0x2400, s1  }
0xd: {  	s0 =	ssub.s32 s0, s6;
	s4 =	sadd.s32 s4, s1;
	s1 =	sadd.s32 s5, s1  }
0xe: {  	s6 =	smax.u32 s0, $0x1;
	s4 =	sadd.s32 $0xC5A00, s4;
	s5 =	sadd.s32 $0xD2A00, s1  }
.LBB2_1:
0xf: {  	[tilespmem:s2], [sflag:$0x5] =	stream.linear.gather [hbm4b:s4+s2], $0x3400, $0x38;
	[tilespmem:$0x10C00] =	vst v63  }
0x10: {  	_ =	swait.ge [sflag:s7], $0x3400  }
0x11: {  	[sflag:s7] =	ssyncset.done $0x0  }
0x12: {  	s0 =	simm.s32 $0x3400;
	[sflag:s7] =	ssyncadd.s32 $0xFFFFCC00  }
0x13: {  	[tilespmem:s0], [sflag:$0x1] =	stream.indirect.gather [hbm4b:s3+s8], $0x40, s2, s8, $0xb8;
	[tilespmem:$0x10C00] =	vst v63  }
0x14: {  	s31 =	simm.s32 $0x68  }
0x15: {  	[tilespmem:s11], [sflag:$0x1] =	stream.indirect.gather [hbm4b:s3+s8], $0x40, s31, s8, $0xb8;
	[tilespmem:$0x10C00] =	vst v63  }
0x16: {  	_ = 	snop  }
0x17: {  	[tilespmem:s13], [sflag:$0x2] =	stream.indirect.gather [hbm4b:s3+s8], $0x40, s12, s8, $0xb8;
	[tilespmem:$0x10C00] =	vst v63  }
0x18: {  	_ = 	snop  }
0x19: {  	[tilespmem:s15], [sflag:$0x2] =	stream.indirect.gather [hbm4b:s3+s8], $0x40, s14, s8, $0xb8;
	[tilespmem:$0x10C00] =	vst v63  }
0x1a: {  	_ = 	snop  }
0x1b: {  	[tilespmem:s17], [sflag:$0x3] =	stream.indirect.gather [hbm4b:s3+s8], $0x40, s16, s8, $0xb8;
	[tilespmem:$0x10C00] =	vst v63  }
0x1c: {  	s29 =	simm.s32 $0x0  }
0x1d: {  	[tilespmem:s19], [sflag:$0x3] =	stream.indirect.gather [hbm4b:s3+s8], $0x40, s18, s8, $0xb8;
	[tilespmem:$0x10C00] =	vst v63  }
.LBB2_2:
0x1e: {  	s30 =	sshllo.u32 s29, $0x2  }
0x1f: {  	s0 =	smul.u32 $0x340, s30;
	_ =	sdelay $0x1  }
0x20: {  	s0 =	sshra.s32 s0, $0x2  }
0x21: {  	[tilespmem:s20], [sflag:$0x4] =	stream.indirect.gather [hbm4b:s3+s8], $0x40, s0, s8, $0xb8;
	[tilespmem:$0x10C00] =	vst v63  }
0x22: {  	s0 =	sadd.s32 $0x68, s0  }
0x23: {  	[tilespmem:s21], [sflag:$0x4] =	stream.indirect.gather [hbm4b:s3+s8], $0x40, s0, s8, $0xb8;
	[tilespmem:$0x10C00] =	vst v63  }
0x24: {  	_ =	swait.ge [sflag:s22], $0x1900  }
0x25: {  	[sflag:s22] =	ssyncset.done $0x0  }
0x26: {  	[sflag:s22] =	ssyncadd.s32 $0xFFFFE700  }
0x27: {  	_ =	swait.ge [sflag:s22], $0x1900  }
0x28: {  	[sflag:s22] =	ssyncset.done $0x0  }
0x29: {  	s9 =	simm.s32 $0x4D80;
	[sflag:s22] =	ssyncadd.s32 $0xFFFFE700  }
0x2a: {  	v0 =	vld [tilespmem:s9+$0x40]  }
0x2b: {  	s1 =	simm.s32 $0x3480;
	v1 =	vld [tilespmem:s9+$0x50]  }
0x2c: {  	v2 =	vld [tilespmem:s1+$0x40]  }
0x2d: {  	v3 =	vld [tilespmem:s1+$0x50]  }
0x2e: {  	v9 =	vld [tilespmem:s9+$0x0]  }
0x2f: {  	v12 =	vld [tilespmem:s9+$0x10]  }
0x30: {  	v5 =	vld [tilespmem:s1+$0x0]  }
0x31: {  	v8 =	vld [tilespmem:s1+$0x10]  }
0x32: {  	v6 =	vld [tilespmem:s9+$0xFFFFFFC0]  }
0x33: {  	v7 =	vld [tilespmem:s9+$0xFFFFFFD0]  }
0x34: {  	v4 =	vld [tilespmem:s1+$0xFFFFFFC0]  }
0x35: {  	v10 =	vld [tilespmem:s1+$0xFFFFFFD0]  }
0x36: {  	v11 =	vld [tilespmem:s9+$0xFFFFFF80]  }
0x37: {  	v13 =	vld [tilespmem:s9+$0xFFFFFF90]  }
0x38: {  	v14 =	vld [tilespmem:s1+$0xFFFFFF80]  }
0x39: {  	v15 =	vld [tilespmem:s1+$0xFFFFFF90]  }
0x3a: {  	v16 =	vld [tilespmem:s1+$0xFFFFFFA0]  }
0x3b: {  	v17 =	vld [tilespmem:s1+$0xFFFFFFB0]  }
0x3c: {  	v18 =	vld [tilespmem:s9+$0xFFFFFFA0]  }
0x3d: {  	v19 =	vld [tilespmem:s9+$0xFFFFFFB0]  }
0x3e: {  	v20 =	vimm.bf16 $0.0e+00;
	v21 =	vld [tilespmem:s1+$0xFFFFFFE0]  }
0x3f: {  	v22 =	vld [tilespmem:s1+$0xFFFFFFF0];
	v14 =	vadd.bf16 v14, v20;
	v15 =	vadd.bf16 v15, v20  }
0x40: {  	v59 =	vld [tilespmem:s9+$0xFFFFFFE0];
	v16 =	vadd.bf16 v16, v20;
	v17 =	vadd.bf16 v17, v20  }
0x41: {  	v11 =	vadd.bf16 v11, v14;
	v13 =	vadd.bf16 v13, v15;
	v14 =	vld [tilespmem:s9+$0xFFFFFFF0]  }
0x42: {  	v61 =	vld [tilespmem:s1+$0x20];
	v15 =	vadd.bf16 v18, v16;
	v60 =	vadd.bf16 v19, v17  }
0x43: {  	v11 =	vadd.bf16 v4, v11;
	v10 =	vadd.bf16 v10, v13;
	v13 =	vld [tilespmem:s1+$0x30]  }
0x44: {  	v15 =	vadd.bf16 v21, v15;
	v16 =	vadd.bf16 v22, v60;
	v4 =	vld [tilespmem:s9+$0x20]  }
0x45: {  	v11 =	vadd.bf16 v6, v11;
	v10 =	vadd.bf16 v7, v10;
	v7 =	vld [tilespmem:s9+$0x30]  }
0x46: {  	v15 =	vadd.bf16 v59, v15;
	v6 =	vld [tilespmem:s1+$0x60];
	v14 =	vadd.bf16 v14, v16  }
0x47: {  	v62 =	vadd.bf16 v5, v11;
	v63 =	vadd.bf16 v8, v10;
	v8 =	vld [tilespmem:s1+$0x70]  }
0x48: {  	v11 =	vadd.bf16 v61, v15;
	v5 =	vld [tilespmem:s9+$0x60];
	v10 =	vadd.bf16 v13, v14  }
0x49: {  	s0 =	simm.s32 $0x0;
	v13 =	vadd.bf16 v9, v62;
	v12 =	vadd.bf16 v12, v63;
	v9 =	vld [tilespmem:s9+$0x70];
	s9 =	simm.s32 $0x4E80  }
.LBB2_3:
0x4a: {  	v14 =	vld [tilespmem:s9+$0x40];
	v4 =	vadd.bf16 v4, v11;
	v7 =	vadd.bf16 v7, v10  }
0x4b: {  	s1 =	sadd.s32 $0x100, s1;
	v10 =	vld [tilespmem:s9+$0x50];
	v11 =	vadd.bf16 v2, v13;
	v12 =	vadd.bf16 v3, v12  }
0x4c: {  	v2 =	vld [tilespmem:s1+$0x40];
	v4 =	vadd.bf16 v6, v4;
	v6 =	vadd.bf16 v8, v7  }
0x4d: {  	v3 =	vld [tilespmem:s1+$0x50];
	v7 =	vadd.bf16 v0, v11;
	v8 =	vadd.bf16 v1, v12  }
0x4e: {  	v12 =	vld [tilespmem:s9+$0x0];
	v4 =	vadd.bf16 v5, v4;
	v5 =	vadd.bf16 v9, v6  }
0x4f: {  	v9 =	vld [tilespmem:s9+$0x10];
	v0 =	vmov v14  }
0x50: {  	v11 =	vld [tilespmem:s1+$0x0];
	v1 =	vmov v10  }
0x51: {  	v10 =	vld [tilespmem:s1+$0x10]  }
0x52: {  	v6 =	vld [tilespmem:s9+$0xFFFFFFC0]  }
0x53: {  	v13 =	vld [tilespmem:s9+$0xFFFFFFD0]  }
0x54: {  	v14 =	vld [tilespmem:s1+$0xFFFFFFC0]  }
0x55: {  	v15 =	vld [tilespmem:s1+$0xFFFFFFD0]  }
0x56: {  	v16 =	vld [tilespmem:s9+$0xFFFFFF80]  }
0x57: {  	v17 =	vld [tilespmem:s9+$0xFFFFFF90]  }
0x58: {  	v18 =	vld [tilespmem:s1+$0xFFFFFF80]  }
0x59: {  	v19 =	vld [tilespmem:s1+$0xFFFFFF90]  }
0x5a: {  	v20 =	vld [tilespmem:s1+$0xFFFFFFA0]  }
0x5b: {  	s0 =	sadd.s32 $0x4, s0;
	v21 =	vld [tilespmem:s1+$0xFFFFFFB0]  }
0x5c: {  	p0 =	slt.u32 s0, $0x60;
	v22 =	vld [tilespmem:s9+$0xFFFFFFA0]  }
0x5d: {  	v23 =	vld [tilespmem:s9+$0xFFFFFFB0]  }
0x5e: {  	v24 =	vld [tilespmem:s1+$0xFFFFFFE0]  }
0x5f: {  	v7 =	vadd.bf16 v18, v7;
	v8 =	vadd.bf16 v19, v8;
	v18 =	vld [tilespmem:s1+$0xFFFFFFF0]  }
0x60: {  	v4 =	vadd.bf16 v20, v4;
	v5 =	vadd.bf16 v21, v5;
	v19 =	vld [tilespmem:s9+$0xFFFFFFE0]  }
0x61: {  	v7 =	vadd.bf16 v16, v7;
	v8 =	vadd.bf16 v17, v8;
	v16 =	vld [tilespmem:s9+$0xFFFFFFF0]  }
0x62: {  	v4 =	vadd.bf16 v22, v4;
	v5 =	vadd.bf16 v23, v5;
	v17 =	vld [tilespmem:s1+$0x20]  }
0x63: {  	v7 =	vadd.bf16 v14, v7;
	v8 =	vadd.bf16 v15, v8;
	v14 =	vld [tilespmem:s1+$0x30]  }
0x64: {  	v15 =	vadd.bf16 v24, v4;
	v5 =	vadd.bf16 v18, v5;
	v4 =	vld [tilespmem:s9+$0x20]  }
.Ltmp0:
0x65: {  	v18 =	vadd.bf16 v6, v7;
	v8 =	vadd.bf16 v13, v8;
	v7 =	vld [tilespmem:s9+$0x30];
	(pc) =	sbr.rel @p0 .LBB2_3-.Ltmp0, $4  }
0x66: {  	v13 =	vadd.bf16 v19, v15;
	v5 =	vadd.bf16 v16, v5;
	v6 =	vld [tilespmem:s1+$0x60]  }
0x67: {  	v15 =	vadd.bf16 v11, v18;
	v16 =	vadd.bf16 v10, v8;
	v8 =	vld [tilespmem:s1+$0x70]  }
0x68: {  	v11 =	vadd.bf16 v17, v13;
	v10 =	vadd.bf16 v14, v5;
	v5 =	vld [tilespmem:s9+$0x60]  }
0x69: {  	v13 =	vadd.bf16 v12, v15;
	v12 =	vadd.bf16 v9, v16;
	v9 =	vld [tilespmem:s9+$0x70];
	s9 =	sadd.s32 $0x100, s9  }
0x6a: {  	_ = 	snop  }
0x6b: {  	v4 =	vadd.bf16 v4, v11;
	v2 =	vadd.bf16 v2, v13  }
0x6c: {  	v7 =	vadd.bf16 v7, v10;
	v3 =	vadd.bf16 v3, v12  }
0x6d: {  	s0 =	sshll.u32 s29, $0x8;
	v4 =	vadd.bf16 v6, v4;
	v0 =	vadd.bf16 v0, v2  }
0x6e: {  	p0 =	seq.s32 s29, $0xF;
	s31 =	sand.u32 $0x3FFFFF00, s0;
	v2 =	vadd.bf16 v8, v7;
	v1 =	vadd.bf16 v1, v3  }
0x6f: {  	s0 =	smul.u32 @!p0 $0xD00, s29;
	v3 =	vadd.bf16 v5, v4;
	[tilespmem:s31+$0xFC00] =	vst v0  }
0x70: {  	v0 =	vadd.bf16 v9, v2;
	[tilespmem:s31+$0xFC10] =	vst v1  }
0x71: {  	s1 =	sshra.s32 @!p0 s0, $0x2;
	[tilespmem:s31+$0xFC20] =	vst v3  }
0x72: {  	s9 =	simm.s32 @!p0 $0x64;
	s10 =	simm.s32 @!p0 $0x3400;
	s0 =	sadd.s32 @!p0 $0x340, s1;
	[tilespmem:s31+$0xFC30] =	vst v0  }
0x73: {  	[tilespmem:s10], [sflag:$0x1] =	stream.indirect.gather @!p0 [hbm4b:s3+s9], $0x40, s0, s9, $0xb8;
	[tilespmem:$0x10C00] =	vst v63  }
0x74: {  	s0 =	sadd.s32 @!p0 $0x3A8, s1;
	s10 =	simm.s32 @!p0 $0x4D00  }
0x75: {  	[tilespmem:s10], [sflag:$0x1] =	stream.indirect.gather @!p0 [hbm4b:s3+s9], $0x40, s0, s9, $0xb8;
	[tilespmem:$0x10C00] =	vst v63  }
0x76: {  	_ =	swait.ge [sflag:s23], $0x1900  }
0x77: {  	[sflag:s23] =	ssyncset.done $0x0  }
0x78: {  	[sflag:s23] =	ssyncadd.s32 $0xFFFFE700  }
0x79: {  	_ =	swait.ge [sflag:s23], $0x1900  }
0x7a: {  	[sflag:s23] =	ssyncset.done $0x0  }
0x7b: {  	s10 =	simm.s32 $0x7F80;
	[sflag:s23] =	ssyncadd.s32 $0xFFFFE700  }
0x7c: {  	v0 =	vld [tilespmem:s10+$0x40]  }
0x7d: {  	s0 =	simm.s32 $0x6680;
	v1 =	vld [tilespmem:s10+$0x50]  }
0x7e: {  	v2 =	vld [tilespmem:s0+$0x40]  }
0x7f: {  	v3 =	vld [tilespmem:s0+$0x50]  }
0x80: {  	v9 =	vld [tilespmem:s10+$0x0]  }
0x81: {  	v12 =	vld [tilespmem:s10+$0x10]  }
0x82: {  	v6 =	vld [tilespmem:s0+$0x0]  }
0x83: {  	v8 =	vld [tilespmem:s0+$0x10]  }
0x84: {  	v5 =	vld [tilespmem:s10+$0xFFFFFFC0]  }
0x85: {  	v7 =	vld [tilespmem:s10+$0xFFFFFFD0]  }
0x86: {  	v4 =	vld [tilespmem:s0+$0xFFFFFFC0]  }
0x87: {  	v10 =	vld [tilespmem:s0+$0xFFFFFFD0]  }
0x88: {  	v11 =	vld [tilespmem:s10+$0xFFFFFF80]  }
0x89: {  	v13 =	vld [tilespmem:s10+$0xFFFFFF90]  }
0x8a: {  	v14 =	vld [tilespmem:s0+$0xFFFFFF80]  }
0x8b: {  	v15 =	vld [tilespmem:s0+$0xFFFFFF90]  }
0x8c: {  	v16 =	vld [tilespmem:s0+$0xFFFFFFA0]  }
0x8d: {  	v17 =	vld [tilespmem:s0+$0xFFFFFFB0]  }
0x8e: {  	v18 =	vld [tilespmem:s10+$0xFFFFFFA0]  }
0x8f: {  	v19 =	vld [tilespmem:s10+$0xFFFFFFB0]  }
0x90: {  	v20 =	vimm.bf16 $0.0e+00;
	v21 =	vld [tilespmem:s0+$0xFFFFFFE0]  }
0x91: {  	v22 =	vld [tilespmem:s0+$0xFFFFFFF0];
	v14 =	vadd.bf16 v14, v20;
	v15 =	vadd.bf16 v15, v20  }
0x92: {  	v59 =	vld [tilespmem:s10+$0xFFFFFFE0];
	v16 =	vadd.bf16 v16, v20;
	v17 =	vadd.bf16 v17, v20  }
0x93: {  	v11 =	vadd.bf16 v11, v14;
	v13 =	vadd.bf16 v13, v15;
	v14 =	vld [tilespmem:s10+$0xFFFFFFF0]  }
0x94: {  	v61 =	vld [tilespmem:s0+$0x20];
	v15 =	vadd.bf16 v18, v16;
	v60 =	vadd.bf16 v19, v17  }
0x95: {  	v11 =	vadd.bf16 v4, v11;
	v10 =	vadd.bf16 v10, v13;
	v13 =	vld [tilespmem:s0+$0x30]  }
0x96: {  	v15 =	vadd.bf16 v21, v15;
	v16 =	vadd.bf16 v22, v60;
	v4 =	vld [tilespmem:s10+$0x20]  }
0x97: {  	v11 =	vadd.bf16 v5, v11;
	v10 =	vadd.bf16 v7, v10;
	v7 =	vld [tilespmem:s10+$0x30]  }
0x98: {  	v15 =	vadd.bf16 v59, v15;
	v5 =	vld [tilespmem:s0+$0x60];
	v14 =	vadd.bf16 v14, v16  }
0x99: {  	v62 =	vadd.bf16 v6, v11;
	v63 =	vadd.bf16 v8, v10;
	v8 =	vld [tilespmem:s0+$0x70]  }
0x9a: {  	v11 =	vadd.bf16 v61, v15;
	v6 =	vld [tilespmem:s10+$0x60];
	v10 =	vadd.bf16 v13, v14  }
0x9b: {  	s9 =	simm.s32 $0x0;
	v13 =	vadd.bf16 v9, v62;
	v12 =	vadd.bf16 v12, v63;
	v9 =	vld [tilespmem:s10+$0x70];
	s10 =	simm.s32 $0x8080  }
.LBB2_5:
0x9c: {  	v14 =	vld [tilespmem:s10+$0x40];
	v4 =	vadd.bf16 v4, v11;
	v7 =	vadd.bf16 v7, v10  }
0x9d: {  	s0 =	sadd.s32 $0x100, s0;
	v10 =	vld [tilespmem:s10+$0x50];
	v11 =	vadd.bf16 v2, v13;
	v12 =	vadd.bf16 v3, v12  }
0x9e: {  	v2 =	vld [tilespmem:s0+$0x40];
	v4 =	vadd.bf16 v5, v4;
	v5 =	vadd.bf16 v8, v7  }
0x9f: {  	v3 =	vld [tilespmem:s0+$0x50];
	v7 =	vadd.bf16 v0, v11;
	v8 =	vadd.bf16 v1, v12  }
0xa0: {  	v12 =	vld [tilespmem:s10+$0x0];
	v4 =	vadd.bf16 v6, v4;
	v5 =	vadd.bf16 v9, v5  }
0xa1: {  	v9 =	vld [tilespmem:s10+$0x10];
	v0 =	vmov v14  }
0xa2: {  	v6 =	vld [tilespmem:s0+$0x0];
	v1 =	vmov v10  }
0xa3: {  	v10 =	vld [tilespmem:s0+$0x10]  }
0xa4: {  	v11 =	vld [tilespmem:s10+$0xFFFFFFC0]  }
0xa5: {  	v13 =	vld [tilespmem:s10+$0xFFFFFFD0]  }
0xa6: {  	v14 =	vld [tilespmem:s0+$0xFFFFFFC0]  }
0xa7: {  	v15 =	vld [tilespmem:s0+$0xFFFFFFD0]  }
0xa8: {  	v16 =	vld [tilespmem:s10+$0xFFFFFF80]  }
0xa9: {  	v17 =	vld [tilespmem:s10+$0xFFFFFF90]  }
0xaa: {  	v18 =	vld [tilespmem:s0+$0xFFFFFF80]  }
0xab: {  	v19 =	vld [tilespmem:s0+$0xFFFFFF90]  }
0xac: {  	v20 =	vld [tilespmem:s0+$0xFFFFFFA0]  }
0xad: {  	s9 =	sadd.s32 $0x4, s9;
	v21 =	vld [tilespmem:s0+$0xFFFFFFB0]  }
0xae: {  	p1 =	slt.u32 s9, $0x60;
	v22 =	vld [tilespmem:s10+$0xFFFFFFA0]  }
0xaf: {  	v23 =	vld [tilespmem:s10+$0xFFFFFFB0]  }
0xb0: {  	v24 =	vld [tilespmem:s0+$0xFFFFFFE0]  }
0xb1: {  	v7 =	vadd.bf16 v18, v7;
	v8 =	vadd.bf16 v19, v8;
	v18 =	vld [tilespmem:s0+$0xFFFFFFF0]  }
0xb2: {  	v4 =	vadd.bf16 v20, v4;
	v5 =	vadd.bf16 v21, v5;
	v19 =	vld [tilespmem:s10+$0xFFFFFFE0]  }
0xb3: {  	v7 =	vadd.bf16 v16, v7;
	v8 =	vadd.bf16 v17, v8;
	v16 =	vld [tilespmem:s10+$0xFFFFFFF0]  }
0xb4: {  	v4 =	vadd.bf16 v22, v4;
	v5 =	vadd.bf16 v23, v5;
	v17 =	vld [tilespmem:s0+$0x20]  }
0xb5: {  	v7 =	vadd.bf16 v14, v7;
	v8 =	vadd.bf16 v15, v8;
	v14 =	vld [tilespmem:s0+$0x30]  }
0xb6: {  	v15 =	vadd.bf16 v24, v4;
	v5 =	vadd.bf16 v18, v5;
	v4 =	vld [tilespmem:s10+$0x20]  }
.Ltmp1:
0xb7: {  	v11 =	vadd.bf16 v11, v7;
	v8 =	vadd.bf16 v13, v8;
	v7 =	vld [tilespmem:s10+$0x30];
	(pc) =	sbr.rel @p1 .LBB2_5-.Ltmp1, $4  }
0xb8: {  	v13 =	vadd.bf16 v19, v15;
	v15 =	vadd.bf16 v16, v5;
	v5 =	vld [tilespmem:s0+$0x60]  }
0xb9: {  	v16 =	vadd.bf16 v6, v11;
	v18 =	vadd.bf16 v10, v8;
	v8 =	vld [tilespmem:s0+$0x70]  }
0xba: {  	v11 =	vadd.bf16 v17, v13;
	v10 =	vadd.bf16 v14, v15;
	v6 =	vld [tilespmem:s10+$0x60]  }
0xbb: {  	v13 =	vadd.bf16 v12, v16;
	v12 =	vadd.bf16 v9, v18;
	v9 =	vld [tilespmem:s10+$0x70];
	s10 =	sadd.s32 $0x100, s10  }
0xbc: {  	_ = 	snop  }
0xbd: {  	v4 =	vadd.bf16 v4, v11;
	v2 =	vadd.bf16 v2, v13  }
0xbe: {  	v7 =	vadd.bf16 v7, v10;
	v3 =	vadd.bf16 v3, v12  }
0xbf: {  	v4 =	vadd.bf16 v5, v4;
	v0 =	vadd.bf16 v0, v2  }
0xc0: {  	v2 =	vadd.bf16 v8, v7;
	v1 =	vadd.bf16 v1, v3  }
0xc1: {  	v3 =	vadd.bf16 v6, v4;
	[tilespmem:s31+$0xFC40] =	vst v0  }
0xc2: {  	v0 =	vadd.bf16 v9, v2;
	[tilespmem:s31+$0xFC50] =	vst v1  }
0xc3: {  	[tilespmem:s31+$0xFC60] =	vst v3  }
0xc4: {  	s0 =	sadd.s32 @!p0 $0x410, s1;
	s9 =	simm.s32 @!p0 $0x64;
	s10 =	simm.s32 @!p0 $0x6600;
	[tilespmem:s31+$0xFC70] =	vst v0  }
0xc5: {  	[tilespmem:s10], [sflag:$0x2] =	stream.indirect.gather @!p0 [hbm4b:s3+s9], $0x40, s0, s9, $0xb8;
	[tilespmem:$0x10C00] =	vst v63  }
0xc6: {  	s0 =	sadd.s32 @!p0 $0x478, s1;
	s10 =	simm.s32 @!p0 $0x7F00  }
0xc7: {  	[tilespmem:s10], [sflag:$0x2] =	stream.indirect.gather @!p0 [hbm4b:s3+s9], $0x40, s0, s9, $0xb8;
	[tilespmem:$0x10C00] =	vst v63  }
0xc8: {  	_ =	swait.ge [sflag:s24], $0x1900  }
0xc9: {  	[sflag:s24] =	ssyncset.done $0x0  }
0xca: {  	[sflag:s24] =	ssyncadd.s32 $0xFFFFE700  }
0xcb: {  	_ =	swait.ge [sflag:s24], $0x1900  }
0xcc: {  	[sflag:s24] =	ssyncset.done $0x0  }
0xcd: {  	s10 =	simm.s32 $0xB180;
	[sflag:s24] =	ssyncadd.s32 $0xFFFFE700  }
0xce: {  	v0 =	vld [tilespmem:s10+$0x40]  }
0xcf: {  	s0 =	simm.s32 $0x9880;
	v1 =	vld [tilespmem:s10+$0x50]  }
0xd0: {  	v2 =	vld [tilespmem:s0+$0x40]  }
0xd1: {  	v3 =	vld [tilespmem:s0+$0x50]  }
0xd2: {  	v9 =	vld [tilespmem:s10+$0x0]  }
0xd3: {  	v12 =	vld [tilespmem:s10+$0x10]  }
0xd4: {  	v6 =	vld [tilespmem:s0+$0x0]  }
0xd5: {  	v8 =	vld [tilespmem:s0+$0x10]  }
0xd6: {  	v5 =	vld [tilespmem:s10+$0xFFFFFFC0]  }
0xd7: {  	v7 =	vld [tilespmem:s10+$0xFFFFFFD0]  }
0xd8: {  	v4 =	vld [tilespmem:s0+$0xFFFFFFC0]  }
0xd9: {  	v10 =	vld [tilespmem:s0+$0xFFFFFFD0]  }
0xda: {  	v11 =	vld [tilespmem:s10+$0xFFFFFF80]  }
0xdb: {  	v13 =	vld [tilespmem:s10+$0xFFFFFF90]  }
0xdc: {  	v14 =	vld [tilespmem:s0+$0xFFFFFF80]  }
0xdd: {  	v15 =	vld [tilespmem:s0+$0xFFFFFF90]  }
0xde: {  	v16 =	vld [tilespmem:s0+$0xFFFFFFA0]  }
0xdf: {  	v17 =	vld [tilespmem:s0+$0xFFFFFFB0]  }
0xe0: {  	v18 =	vld [tilespmem:s10+$0xFFFFFFA0]  }
0xe1: {  	v19 =	vld [tilespmem:s10+$0xFFFFFFB0]  }
0xe2: {  	v20 =	vimm.bf16 $0.0e+00;
	v21 =	vld [tilespmem:s0+$0xFFFFFFE0]  }
0xe3: {  	v22 =	vld [tilespmem:s0+$0xFFFFFFF0];
	v14 =	vadd.bf16 v14, v20;
	v15 =	vadd.bf16 v15, v20  }
0xe4: {  	v59 =	vld [tilespmem:s10+$0xFFFFFFE0];
	v16 =	vadd.bf16 v16, v20;
	v17 =	vadd.bf16 v17, v20  }
0xe5: {  	v11 =	vadd.bf16 v11, v14;
	v13 =	vadd.bf16 v13, v15;
	v14 =	vld [tilespmem:s10+$0xFFFFFFF0]  }
0xe6: {  	v61 =	vld [tilespmem:s0+$0x20];
	v15 =	vadd.bf16 v18, v16;
	v60 =	vadd.bf16 v19, v17  }
0xe7: {  	v11 =	vadd.bf16 v4, v11;
	v10 =	vadd.bf16 v10, v13;
	v13 =	vld [tilespmem:s0+$0x30]  }
0xe8: {  	v15 =	vadd.bf16 v21, v15;
	v16 =	vadd.bf16 v22, v60;
	v4 =	vld [tilespmem:s10+$0x20]  }
0xe9: {  	v11 =	vadd.bf16 v5, v11;
	v10 =	vadd.bf16 v7, v10;
	v7 =	vld [tilespmem:s10+$0x30]  }
0xea: {  	v15 =	vadd.bf16 v59, v15;
	v5 =	vld [tilespmem:s0+$0x60];
	v14 =	vadd.bf16 v14, v16  }
0xeb: {  	v62 =	vadd.bf16 v6, v11;
	v63 =	vadd.bf16 v8, v10;
	v8 =	vld [tilespmem:s0+$0x70]  }
0xec: {  	v11 =	vadd.bf16 v61, v15;
	v6 =	vld [tilespmem:s10+$0x60];
	v10 =	vadd.bf16 v13, v14  }
0xed: {  	s9 =	simm.s32 $0x0;
	v13 =	vadd.bf16 v9, v62;
	v12 =	vadd.bf16 v12, v63;
	v9 =	vld [tilespmem:s10+$0x70];
	s10 =	simm.s32 $0xB280  }
.LBB2_7:
0xee: {  	v14 =	vld [tilespmem:s10+$0x40];
	v4 =	vadd.bf16 v4, v11;
	v7 =	vadd.bf16 v7, v10  }
0xef: {  	s0 =	sadd.s32 $0x100, s0;
	v10 =	vld [tilespmem:s10+$0x50];
	v11 =	vadd.bf16 v2, v13;
	v12 =	vadd.bf16 v3, v12  }
0xf0: {  	v2 =	vld [tilespmem:s0+$0x40];
	v4 =	vadd.bf16 v5, v4;
	v5 =	vadd.bf16 v8, v7  }
0xf1: {  	v3 =	vld [tilespmem:s0+$0x50];
	v7 =	vadd.bf16 v0, v11;
	v8 =	vadd.bf16 v1, v12  }
0xf2: {  	v12 =	vld [tilespmem:s10+$0x0];
	v4 =	vadd.bf16 v6, v4;
	v5 =	vadd.bf16 v9, v5  }
0xf3: {  	v9 =	vld [tilespmem:s10+$0x10];
	v0 =	vmov v14  }
0xf4: {  	v6 =	vld [tilespmem:s0+$0x0];
	v1 =	vmov v10  }
0xf5: {  	v10 =	vld [tilespmem:s0+$0x10]  }
0xf6: {  	v11 =	vld [tilespmem:s10+$0xFFFFFFC0]  }
0xf7: {  	v13 =	vld [tilespmem:s10+$0xFFFFFFD0]  }
0xf8: {  	v14 =	vld [tilespmem:s0+$0xFFFFFFC0]  }
0xf9: {  	v15 =	vld [tilespmem:s0+$0xFFFFFFD0]  }
0xfa: {  	v16 =	vld [tilespmem:s10+$0xFFFFFF80]  }
0xfb: {  	v17 =	vld [tilespmem:s10+$0xFFFFFF90]  }
0xfc: {  	v18 =	vld [tilespmem:s0+$0xFFFFFF80]  }
0xfd: {  	v19 =	vld [tilespmem:s0+$0xFFFFFF90]  }
0xfe: {  	v20 =	vld [tilespmem:s0+$0xFFFFFFA0]  }
0xff: {  	s9 =	sadd.s32 $0x4, s9;
	v21 =	vld [tilespmem:s0+$0xFFFFFFB0]  }
0x100: {  	p1 =	slt.u32 s9, $0x60;
	v22 =	vld [tilespmem:s10+$0xFFFFFFA0]  }
0x101: {  	v23 =	vld [tilespmem:s10+$0xFFFFFFB0]  }
0x102: {  	v24 =	vld [tilespmem:s0+$0xFFFFFFE0]  }
0x103: {  	v7 =	vadd.bf16 v18, v7;
	v8 =	vadd.bf16 v19, v8;
	v18 =	vld [tilespmem:s0+$0xFFFFFFF0]  }
0x104: {  	v4 =	vadd.bf16 v20, v4;
	v5 =	vadd.bf16 v21, v5;
	v19 =	vld [tilespmem:s10+$0xFFFFFFE0]  }
0x105: {  	v7 =	vadd.bf16 v16, v7;
	v8 =	vadd.bf16 v17, v8;
	v16 =	vld [tilespmem:s10+$0xFFFFFFF0]  }
0x106: {  	v4 =	vadd.bf16 v22, v4;
	v5 =	vadd.bf16 v23, v5;
	v17 =	vld [tilespmem:s0+$0x20]  }
0x107: {  	v7 =	vadd.bf16 v14, v7;
	v8 =	vadd.bf16 v15, v8;
	v14 =	vld [tilespmem:s0+$0x30]  }
0x108: {  	v15 =	vadd.bf16 v24, v4;
	v5 =	vadd.bf16 v18, v5;
	v4 =	vld [tilespmem:s10+$0x20]  }
.Ltmp2:
0x109: {  	v11 =	vadd.bf16 v11, v7;
	v8 =	vadd.bf16 v13, v8;
	v7 =	vld [tilespmem:s10+$0x30];
	(pc) =	sbr.rel @p1 .LBB2_7-.Ltmp2, $4  }
0x10a: {  	v13 =	vadd.bf16 v19, v15;
	v15 =	vadd.bf16 v16, v5;
	v5 =	vld [tilespmem:s0+$0x60]  }
0x10b: {  	v16 =	vadd.bf16 v6, v11;
	v18 =	vadd.bf16 v10, v8;
	v8 =	vld [tilespmem:s0+$0x70]  }
0x10c: {  	v11 =	vadd.bf16 v17, v13;
	v10 =	vadd.bf16 v14, v15;
	v6 =	vld [tilespmem:s10+$0x60]  }
0x10d: {  	v13 =	vadd.bf16 v12, v16;
	v12 =	vadd.bf16 v9, v18;
	v9 =	vld [tilespmem:s10+$0x70];
	s10 =	sadd.s32 $0x100, s10  }
0x10e: {  	_ = 	snop  }
0x10f: {  	v4 =	vadd.bf16 v4, v11;
	v2 =	vadd.bf16 v2, v13  }
0x110: {  	v7 =	vadd.bf16 v7, v10;
	v3 =	vadd.bf16 v3, v12  }
0x111: {  	v4 =	vadd.bf16 v5, v4;
	v0 =	vadd.bf16 v0, v2  }
0x112: {  	v2 =	vadd.bf16 v8, v7;
	v1 =	vadd.bf16 v1, v3  }
0x113: {  	v3 =	vadd.bf16 v6, v4;
	[tilespmem:s31+$0xFC80] =	vst v0  }
0x114: {  	v0 =	vadd.bf16 v9, v2;
	[tilespmem:s31+$0xFC90] =	vst v1  }
0x115: {  	[tilespmem:s31+$0xFCA0] =	vst v3  }
0x116: {  	s0 =	sadd.s32 @!p0 $0x4E0, s1;
	s9 =	simm.s32 @!p0 $0x64;
	s10 =	simm.s32 @!p0 $0x9800;
	[tilespmem:s31+$0xFCB0] =	vst v0  }
0x117: {  	[tilespmem:s10], [sflag:$0x3] =	stream.indirect.gather @!p0 [hbm4b:s3+s9], $0x40, s0, s9, $0xb8;
	[tilespmem:$0x10C00] =	vst v63  }
0x118: {  	s0 =	sadd.s32 @!p0 $0x548, s1;
	s1 =	simm.s32 @!p0 $0xB100  }
0x119: {  	[tilespmem:s1], [sflag:$0x3] =	stream.indirect.gather @!p0 [hbm4b:s3+s9], $0x40, s0, s9, $0xb8;
	[tilespmem:$0x10C00] =	vst v63  }
0x11a: {  	_ =	swait.ge [sflag:s25], $0x1900  }
0x11b: {  	[sflag:s25] =	ssyncset.done $0x0  }
0x11c: {  	[sflag:s25] =	ssyncadd.s32 $0xFFFFE700  }
0x11d: {  	_ =	swait.ge [sflag:s25], $0x1900  }
0x11e: {  	[sflag:s25] =	ssyncset.done $0x0  }
0x11f: {  	s31 =	simm.s32 $0xE380;
	[sflag:s25] =	ssyncadd.s32 $0xFFFFE700  }
0x120: {  	v0 =	vld [tilespmem:s31+$0x40]  }
0x121: {  	s0 =	simm.s32 $0xCA80;
	v1 =	vld [tilespmem:s31+$0x50]  }
0x122: {  	v2 =	vld [tilespmem:s0+$0x40]  }
0x123: {  	v3 =	vld [tilespmem:s0+$0x50]  }
0x124: {  	v9 =	vld [tilespmem:s31+$0x0]  }
0x125: {  	v12 =	vld [tilespmem:s31+$0x10]  }
0x126: {  	v6 =	vld [tilespmem:s0+$0x0]  }
0x127: {  	v8 =	vld [tilespmem:s0+$0x10]  }
0x128: {  	v5 =	vld [tilespmem:s31+$0xFFFFFFC0]  }
0x129: {  	v7 =	vld [tilespmem:s31+$0xFFFFFFD0]  }
0x12a: {  	v4 =	vld [tilespmem:s0+$0xFFFFFFC0]  }
0x12b: {  	v10 =	vld [tilespmem:s0+$0xFFFFFFD0]  }
0x12c: {  	v11 =	vld [tilespmem:s31+$0xFFFFFF80]  }
0x12d: {  	v13 =	vld [tilespmem:s31+$0xFFFFFF90]  }
0x12e: {  	v14 =	vld [tilespmem:s0+$0xFFFFFF80]  }
0x12f: {  	v15 =	vld [tilespmem:s0+$0xFFFFFF90]  }
0x130: {  	v16 =	vld [tilespmem:s0+$0xFFFFFFA0]  }
0x131: {  	v17 =	vld [tilespmem:s0+$0xFFFFFFB0]  }
0x132: {  	v18 =	vld [tilespmem:s31+$0xFFFFFFA0]  }
0x133: {  	v19 =	vld [tilespmem:s31+$0xFFFFFFB0]  }
0x134: {  	v20 =	vimm.bf16 $0.0e+00;
	v21 =	vld [tilespmem:s0+$0xFFFFFFE0]  }
0x135: {  	v22 =	vld [tilespmem:s0+$0xFFFFFFF0];
	v14 =	vadd.bf16 v14, v20;
	v15 =	vadd.bf16 v15, v20  }
0x136: {  	v59 =	vld [tilespmem:s31+$0xFFFFFFE0];
	v16 =	vadd.bf16 v16, v20;
	v17 =	vadd.bf16 v17, v20  }
0x137: {  	v11 =	vadd.bf16 v11, v14;
	v13 =	vadd.bf16 v13, v15;
	v14 =	vld [tilespmem:s31+$0xFFFFFFF0]  }
0x138: {  	v61 =	vld [tilespmem:s0+$0x20];
	v15 =	vadd.bf16 v18, v16;
	v60 =	vadd.bf16 v19, v17  }
0x139: {  	v11 =	vadd.bf16 v4, v11;
	v10 =	vadd.bf16 v10, v13;
	v13 =	vld [tilespmem:s0+$0x30]  }
0x13a: {  	v15 =	vadd.bf16 v21, v15;
	v16 =	vadd.bf16 v22, v60;
	v4 =	vld [tilespmem:s31+$0x20]  }
0x13b: {  	v11 =	vadd.bf16 v5, v11;
	v10 =	vadd.bf16 v7, v10;
	v7 =	vld [tilespmem:s31+$0x30]  }
0x13c: {  	v15 =	vadd.bf16 v59, v15;
	v5 =	vld [tilespmem:s0+$0x60];
	v14 =	vadd.bf16 v14, v16  }
0x13d: {  	v62 =	vadd.bf16 v6, v11;
	v63 =	vadd.bf16 v8, v10;
	v8 =	vld [tilespmem:s0+$0x70]  }
0x13e: {  	v11 =	vadd.bf16 v61, v15;
	v6 =	vld [tilespmem:s31+$0x60];
	v10 =	vadd.bf16 v13, v14  }
0x13f: {  	s1 =	simm.s32 $0x0;
	s9 =	simm.s32 $0xE480;
	v13 =	vadd.bf16 v9, v62;
	v12 =	vadd.bf16 v12, v63;
	v9 =	vld [tilespmem:s31+$0x70]  }
.LBB2_9:
0x140: {  	v14 =	vld [tilespmem:s9+$0x40];
	v4 =	vadd.bf16 v4, v11;
	v7 =	vadd.bf16 v7, v10  }
0x141: {  	s0 =	sadd.s32 $0x100, s0;
	v10 =	vld [tilespmem:s9+$0x50];
	v11 =	vadd.bf16 v2, v13;
	v12 =	vadd.bf16 v3, v12  }
0x142: {  	v2 =	vld [tilespmem:s0+$0x40];
	v4 =	vadd.bf16 v5, v4;
	v5 =	vadd.bf16 v8, v7  }
0x143: {  	v3 =	vld [tilespmem:s0+$0x50];
	v7 =	vadd.bf16 v0, v11;
	v8 =	vadd.bf16 v1, v12  }
0x144: {  	v12 =	vld [tilespmem:s9+$0x0];
	v4 =	vadd.bf16 v6, v4;
	v5 =	vadd.bf16 v9, v5  }
0x145: {  	v9 =	vld [tilespmem:s9+$0x10];
	v0 =	vmov v14  }
0x146: {  	v6 =	vld [tilespmem:s0+$0x0];
	v1 =	vmov v10  }
0x147: {  	v10 =	vld [tilespmem:s0+$0x10]  }
0x148: {  	v11 =	vld [tilespmem:s9+$0xFFFFFFC0]  }
0x149: {  	v13 =	vld [tilespmem:s9+$0xFFFFFFD0]  }
0x14a: {  	v14 =	vld [tilespmem:s0+$0xFFFFFFC0]  }
0x14b: {  	v15 =	vld [tilespmem:s0+$0xFFFFFFD0]  }
0x14c: {  	v16 =	vld [tilespmem:s9+$0xFFFFFF80]  }
0x14d: {  	v17 =	vld [tilespmem:s9+$0xFFFFFF90]  }
0x14e: {  	v18 =	vld [tilespmem:s0+$0xFFFFFF80]  }
0x14f: {  	v19 =	vld [tilespmem:s0+$0xFFFFFF90]  }
0x150: {  	v20 =	vld [tilespmem:s0+$0xFFFFFFA0]  }
0x151: {  	s1 =	sadd.s32 $0x4, s1;
	v21 =	vld [tilespmem:s0+$0xFFFFFFB0]  }
0x152: {  	p0 =	slt.u32 s1, $0x60;
	v22 =	vld [tilespmem:s9+$0xFFFFFFA0]  }
0x153: {  	v23 =	vld [tilespmem:s9+$0xFFFFFFB0]  }
0x154: {  	v24 =	vld [tilespmem:s0+$0xFFFFFFE0]  }
0x155: {  	v7 =	vadd.bf16 v18, v7;
	v8 =	vadd.bf16 v19, v8;
	v18 =	vld [tilespmem:s0+$0xFFFFFFF0]  }
0x156: {  	v4 =	vadd.bf16 v20, v4;
	v5 =	vadd.bf16 v21, v5;
	v19 =	vld [tilespmem:s9+$0xFFFFFFE0]  }
0x157: {  	v7 =	vadd.bf16 v16, v7;
	v8 =	vadd.bf16 v17, v8;
	v16 =	vld [tilespmem:s9+$0xFFFFFFF0]  }
0x158: {  	v4 =	vadd.bf16 v22, v4;
	v5 =	vadd.bf16 v23, v5;
	v17 =	vld [tilespmem:s0+$0x20]  }
0x159: {  	v7 =	vadd.bf16 v14, v7;
	v8 =	vadd.bf16 v15, v8;
	v14 =	vld [tilespmem:s0+$0x30]  }
0x15a: {  	v15 =	vadd.bf16 v24, v4;
	v5 =	vadd.bf16 v18, v5;
	v4 =	vld [tilespmem:s9+$0x20]  }
.Ltmp3:
0x15b: {  	v11 =	vadd.bf16 v11, v7;
	v8 =	vadd.bf16 v13, v8;
	v7 =	vld [tilespmem:s9+$0x30];
	(pc) =	sbr.rel @p0 .LBB2_9-.Ltmp3, $4  }
0x15c: {  	v13 =	vadd.bf16 v19, v15;
	v15 =	vadd.bf16 v16, v5;
	v5 =	vld [tilespmem:s0+$0x60]  }
0x15d: {  	v16 =	vadd.bf16 v6, v11;
	v18 =	vadd.bf16 v10, v8;
	v8 =	vld [tilespmem:s0+$0x70]  }
0x15e: {  	v11 =	vadd.bf16 v17, v13;
	v10 =	vadd.bf16 v14, v15;
	v6 =	vld [tilespmem:s9+$0x60]  }
0x15f: {  	v13 =	vadd.bf16 v12, v16;
	v12 =	vadd.bf16 v9, v18;
	v9 =	vld [tilespmem:s9+$0x70];
	s9 =	sadd.s32 $0x100, s9  }
0x160: {  	_ = 	snop  }
0x161: {  	v4 =	vadd.bf16 v4, v11;
	v2 =	vadd.bf16 v2, v13  }
0x162: {  	v7 =	vadd.bf16 v7, v10;
	s29 =	sadd.s32 $0x1, s29;
	v3 =	vadd.bf16 v3, v12  }
0x163: {  	s0 =	sshll.u32 s30, $0x6;
	p0 =	sne.s32 s29, $0x10;
	v4 =	vadd.bf16 v5, v4;
	v0 =	vadd.bf16 v0, v2  }
.Ltmp4:
0x164: {  	s0 =	sand.u32 $0x3FFFFFC0, s0;
	v61 =	vadd.bf16 v8, v7;
	v1 =	vadd.bf16 v1, v3;
	(pc) =	sbr.rel @p0 .LBB2_2-.Ltmp4, $4  }
0x165: {  	v62 =	vadd.bf16 v6, v4;
	[tilespmem:s0+$0xFC00] =	vst v0  }
0x166: {  	v63 =	vadd.bf16 v9, v61;
	[tilespmem:s0+$0xFC10] =	vst v1  }
0x167: {  	[tilespmem:s0+$0xFC20] =	vst v62  }
0x168: {  	[tilespmem:s0+$0xFC30] =	vst v63  }
0x169: {  	s28 =	sadd.s32 $0x1, s28  }
0x16a: {  	p0 =	sne.s32 s28, s6  }
.Ltmp5:
0x16b: {  	_ = 	snop;
	(pc) =	sbr.rel @p0 .LBB2_1-.Ltmp5, $4  }
0x16c: {  	[hbm4b:s5+s2] =	stream.linear.scatter [tilespmem:s26], [sflag:$0x5], $0x1000, $0x38;
	[tilespmem:$0x10C00] =	vst v63  }
0x16d: {  	_ =	swait.ge [sflag:s7], $0x1000  }
0x16e: {  	[sflag:s7] =	ssyncset.done $0x0  }
0x16f: {  	[sflag:s7] =	ssyncadd.s32 $0xFFFFF000  }
0x170: {  	_ =	sfence.sel $0x180000  }
0x171: {  	[bflag:$0x0] =	sbarrier.arrive $0xFFFF  }
0x172: {  	_ =	strace $0x9000004A  }
0x173: {  	s0 =	stileid.u32;
	[bflag:$0x2] =	sbarrier.arrive $0xFFFF  }
0x174: {  	p0 =	sne.s32 s0, $0x0;
	s0 =	rddreg [dreg:$0x1]  }
0x175: {  	s0 =	sadd.s32 @!p0 $0x100000, s0  }
0x176: {  	[sflag:s0] =	ssyncadd.tile.s32 @!p0 $0x1;
	_ =	shalt  }
.Lfunc_end2:
_tile_overlayer_lowered:
.L_overlay_start_2:
0x177: {  	(tag) =	ssettag $0x2  }
0x178: {  	s0 =	rddreg [dreg:$0x0];
	s2 =	stileid.u32  }
0x179: {  	s1 =	rddreg [dreg:$0x1];
	p0 =	sne.s32 s2, $0x0  }
0x17a: {  	s3 =	rddreg [dreg:$0x2];
	[bflag:$0x3] =	sbarrier.arrive $0xFFFF;
	s2 =	simm.s32 @!p0 $0x1C05  }
0x17b: {  	[timem:s3], [sflag:s2] =	dma.local @!p0 [hbm:s0], s1  }
0x17c: {  	s0 =	simm.s32 @!p0 $0x5  }
0x17d: {  	_ =	swait.ge @!p0 [sflag:s0], s1  }
0x17e: {  	s1 =	ssub.s32 @!p0 $0x0, s1;
	[sflag:s0] =	ssyncset.done @!p0 $0x0  }
0x17f: {  	[sflag:s0] =	ssyncadd.s32 @!p0 s1  }
0x180: {  	[bflag:$0x3] =	sbarrier.arrive $0xFFFF  }
0x181: {  	_ =	shalt  }

// kernel: kernel.7.cloned.1.call-start
scs
__scs_entry_jumppad:
0x0: {  	(pc) =	sbr.rel $0x88, $3  }
0x1: {  	(tag) =	ssettag $0x0;
	lr =	simm.s32 $0x1  }
0x2: {  	[smem:$0x3F98] =	sst lr;
	_ =	strace $0xD0000000  }
0x3: {  	_ = 	snop  }
0x4: {  	_ = 	snop  }
0x5: {  	_ = 	snop  }
0x6: {  	_ = 	snop  }
0x7: {  	_ = 	snop  }
__scs_overlays_trampoline_lowered:
0x8: {  	[smem:$0x3FA7] =	sst s0  }
0x9: {  	[smem:$0x3FA8] =	sst s1  }
0xa: {  	[smem:$0x3FA9] =	sst s2  }
0xb: {  	[smem:$0x3FAA] =	sst s3  }
0xc: {  	[smem:$0x3FAB] =	sst s4  }
0xd: {  	[smem:$0x3FAC] =	sst s5  }
0xe: {  	[smem:$0x3FAD] =	sst s6  }
0xf: {  	[smem:$0x3FAE] =	sst s7  }
0x10: {  	[smem:$0x3FAF] =	sst s8  }
0x11: {  	[smem:$0x3FB0] =	sst s9;
	s0 =	simm.s32 @!p0 $0x0  }
0x12: {  	s1 =	sld [smem:$0x3F96];
	s0 =	simm.s32 @p0 $0x1  }
0x13: {  	[smem:$0x3FB1] =	sst s0;
	s0 =	simm.s32 @!p1 $0x0  }
0x14: {  	s2 =	sld [smem:$0x3F95];
	s0 =	simm.s32 @p1 $0x1  }
0x15: {  	[smem:$0x3FB2] =	sst s0;
	s0 =	simm.s32 @!p2 $0x0  }
0x16: {  	s3 =	sld [smem:$0x3FDB];
	s0 =	simm.s32 @p2 $0x1  }
0x17: {  	s4 =	simm.s32 $0x1BF5;
	[smem:$0x3FB4] =	sst s0  }
0x18: {  	s0 =	sld [smem:$0x3F97];
	_ =	swait.ge [sflag:s4], $0x0  }
0x19: {  	s7 =	sld [smem:$0x3F98]  }
0x1a: {  	s8 =	sadd.s32 $0xFFFFE003, lr  }
0x1b: {  	s9 =	sadd.s32 $0xFFFFFEF7, lr;
	s5 =	simm.s32 $0xFFFFFFFF;
	p2 =	slt.u32 s8, $0xFFFFF086  }
0x1c: {  	p1 =	slt.u32 s9, $0xF7A;
	s5 =	simm.s32 @!p2 $0x0  }
0x1d: {  	s5 =	simm.s32 @p1 $0x1;
	p0 =	seq.s32 s7, s2  }
0x1e: {  	s7 =	smul.u32 @!p0 $0xF7A, s2;
	p2 =	seq.s32 @!p0 s5, $0x0  }
0x1f: {  	s9 =	smul.u32 $0xF7A, s1;
	s8 =	simm.s32 @!p0 $0x1BF5;
	p2 =	por !p2, p0  }
0x20: {  	[sflag:s8] =	ssyncset.s32 @!p0 $0xFFFFF086;
	s6 =	sadd.s32 @!p0 s3, s7;
	s7 =	simm.s32 @!p0 $0x108  }
0x21: {  	s3 =	sadd.s32 s3, s9;
	s6 =	sadd.s32 @!p0 $0x88, s6;
	s7 =	simm.s32 @p2 $0x1082  }
0x22: {  	[simem:s7], [sflag:s8] =	dma.local @!p0 [hbm:s6], $0xF7A  }
0x23: {  	s9 =	sor.u32 $0xD0000000, s2;
	s6 =	simm.s32 $0x108;
	_ =	swait.ge @!p0 [sflag:s8], $0x0  }
0x24: {  	s3 =	sadd.s32 $0x88, s3;
	s6 =	simm.s32 @!p1 $0x1082;
	[sflag:s4] =	ssyncset.s32 $0xFFFFF086  }
0x25: {  	[simem:s6], [sflag:s4] =	dma.local [hbm:s3], $0xF7A  }
0x26: {  	[smem:$0x3F98] =	sst s1;
	(tag) =	ssettag s2;
	_ =	strace s9  }
0x27: {  	s1 =	sld [smem:$0x3FA8]  }
0x28: {  	s2 =	sld [smem:$0x3FA9]  }
0x29: {  	s4 =	sld [smem:$0x3FAB]  }
0x2a: {  	p0 =	seq.s32 s5, $0x0;
	s5 =	sld [smem:$0x3FAC]  }
0x2b: {  	s6 =	sld [smem:$0x3FAD]  }
0x2c: {  	s7 =	sld [smem:$0x3FAE]  }
0x2d: {  	s3 =	simm.s32 $0x108;
	s8 =	sld [smem:$0x3FAF]  }
0x2e: {  	s3 =	simm.s32 @!p0 $0x1082;
	s9 =	sld [smem:$0x3FB0]  }
0x2f: {  	lr =	sadd.s32 s0, s3;
	s0 =	sld [smem:$0x3FA7]  }
0x30: {  	s3 =	sld [smem:$0x3FAA]  }
0x31: {  	[smem:$0x3FB3] =	sst s10  }
0x32: {  	s10 =	sld [smem:$0x3FB1];
	_ =	sdelay $0x3  }
0x33: {  	p0 =	seq.s32 s10, $0x1;
	s10 =	sld [smem:$0x3FB3];
	_ =	sdelay $0x3  }
0x34: {  	[smem:$0x3FB3] =	sst s10  }
0x35: {  	s10 =	sld [smem:$0x3FB2];
	_ =	sdelay $0x3  }
0x36: {  	p1 =	seq.s32 s10, $0x1;
	s10 =	sld [smem:$0x3FB3];
	_ =	sdelay $0x3  }
0x37: {  	[smem:$0x3FB3] =	sst s10  }
0x38: {  	s10 =	sld [smem:$0x3FB4]  }
0x39: {  	_ = 	snop;
	(pc) =	sbr.ind lr, $3  }
0x3a: {  	_ = 	snop  }
0x3b: {  	_ = 	snop  }
0x3c: {  	p2 =	seq.s32 s10, $0x1;
	s10 =	sld [smem:$0x3FB3]  }
0x3d: {  	_ =	shalt  }
0x3e: {  	_ =	shalt  }
0x3f: {  	_ =	shalt  }
0x40: {  	_ =	shalt  }
0x41: {  	_ =	shalt  }
0x42: {  	_ =	shalt  }
0x43: {  	_ =	shalt  }
0x44: {  	_ =	shalt  }
0x45: {  	_ =	shalt  }
0x46: {  	_ =	shalt  }
0x47: {  	_ =	shalt  }
0x48: {  	_ =	shalt  }
0x49: {  	_ =	shalt  }
0x4a: {  	_ =	shalt  }
0x4b: {  	_ =	shalt  }
0x4c: {  	_ =	shalt  }
0x4d: {  	_ =	shalt  }
0x4e: {  	_ =	shalt  }
0x4f: {  	_ =	shalt  }
0x50: {  	_ =	shalt  }
0x51: {  	_ =	shalt  }
0x52: {  	_ =	shalt  }
0x53: {  	_ =	shalt  }
0x54: {  	_ =	shalt  }
0x55: {  	_ =	shalt  }
0x56: {  	_ =	shalt  }
0x57: {  	_ =	shalt  }
0x58: {  	_ =	shalt  }
0x59: {  	_ =	shalt  }
0x5a: {  	_ =	shalt  }
0x5b: {  	_ =	shalt  }
0x5c: {  	_ =	shalt  }
0x5d: {  	_ =	shalt  }
0x5e: {  	_ =	shalt  }
0x5f: {  	_ =	shalt  }
0x60: {  	_ =	shalt  }
0x61: {  	_ =	shalt  }
0x62: {  	_ =	shalt  }
0x63: {  	_ =	shalt  }
0x64: {  	_ =	shalt  }
0x65: {  	_ =	shalt  }
0x66: {  	_ =	shalt  }
0x67: {  	_ =	shalt  }
0x68: {  	_ =	shalt  }
0x69: {  	_ =	shalt  }
0x6a: {  	_ =	shalt  }
0x6b: {  	_ =	shalt  }
0x6c: {  	_ =	shalt  }
0x6d: {  	_ =	shalt  }
0x6e: {  	_ =	shalt  }
0x6f: {  	_ =	shalt  }
0x70: {  	_ =	shalt  }
0x71: {  	_ =	shalt  }
0x72: {  	_ =	shalt  }
0x73: {  	_ =	shalt  }
0x74: {  	_ =	shalt  }
0x75: {  	_ =	shalt  }
0x76: {  	_ =	shalt  }
0x77: {  	_ =	shalt  }
0x78: {  	_ =	shalt  }
0x79: {  	_ =	shalt  }
0x7a: {  	_ =	shalt  }
0x7b: {  	_ =	shalt  }
0x7c: {  	_ =	shalt  }
0x7d: {  	_ =	shalt  }
0x7e: {  	_ =	shalt  }
0x7f: {  	_ =	shalt  }
0x80: {  	_ =	shalt  }
0x81: {  	_ =	shalt  }
0x82: {  	_ =	shalt  }
0x83: {  	_ =	shalt  }
0x84: {  	_ =	shalt  }
0x85: {  	_ =	shalt  }
0x86: {  	_ =	shalt  }
0x87: {  	_ =	shalt  }
.Lfunc_end0:
.L_simem_size_0:
called_computation_lowered:
.L_overlay_start_0:
0x88: {  	s2 =	sld [smem:$0x3FD9]  }
0x89: {  	s3 =	sld [smem:$0x3FFE];
	_ =	sdelay $0x1  }
0x8a: {  	s1 =	srdreg.scid  }
0x8b: {  	s0 =	sand.u32 $0x1, s1  }
0x8c: {  	s17 =	sshll.u32 s0, $0xA;
	s2 =	sadd.s32 s3, s2  }
0x8d: {  	s2 =	sadd.s32 s2, s17  }
0x8e: {  	[smem:$0x3FBF] =	sst s2  }
0x8f: {  	_ = 	snop  }
0x90: {  	s2 =	sld [smem:$0x3FC8];
	(tm) =	ssettm $0x1  }
0x91: {  	s18 =	sld [smem:$0x3FFB];
	_ =	sdelay $0x3  }
0x92: {  	_ =	strace s18  }
0x93: {  	s3 =	sld [smem:$0x3FFC];
	_ =	sdelay $0x3  }
0x94: {  	_ =	strace s3  }
0x95: {  	s3 =	sld [smem:$0x3FFD];
	_ =	sdelay $0x3  }
0x96: {  	_ =	strace s3  }
0x97: {  	_ =	strace $0x8FFFFFFF  }
0x98: {  	s19 =	sld [smem:$0x3FDB];
	_ =	sdelay $0x1  }
0x99: {  	s4 =	simm.s32 $_scs_section_size  }
0x9a: {  	s5 =	simm.s32 $_size__tile_overlayer_lowered;
	s6 =	simm.s32 $_tile_overlayer_lowered  }
0x9b: {  	s22 =	simm.s32 $0x1BFF;
	s21 =	sshll.u32 s6, $0x1;
	s3 =	sadd.s32 s4, s19  }
0x9c: {  	s7 =	simm.s32 $0x0;
	s20 =	sshll.u32 s5, $0x1;
	s5 =	sadd.s32 s21, s3  }
0x9d: {  	[timem:s7], [sflag:s22] =	dma.local [hbm:s5], s20  }
0x9e: {  	_ =	swait.ge [sflag:s22], s20  }
0x9f: {  	s4 =	ssub.s32 $0x0, s20;
	[sflag:s22] =	ssyncset.done $0x0  }
0xa0: {  	[sflag:s22] =	ssyncadd.s32 s4;
	_ =	sdelay $0x1  }
0xa1: {  	s23 =	simm.s32 $0x1B8B  }
0xa2: {  	_ =	swait.ge [sflag:s23], $0x1  }
0xa3: {  	[sflag:s23] =	ssyncset.done $0x0  }
0xa4: {  	s25 =	simm.s32 $0x1B8E;
	s24 =	sld [smem:$0x3FFE];
	[sflag:s23] =	ssyncadd.s32 $0xFFFFFFFF  }
0xa5: {  	s26 =	simm.s32 $execute0_lowered;
	[smem:$0x3FD2] =	sst s25  }
0xa6: {  	s5 =	sshll.u32 s26, $0x1;
	_ =	strace $0x80000046;
	[dreg:$0x1] =	wrdreg $0xFFFFFFFF  }
0xa7: {  	s28 =	simm.s32 $_size_execute0_lowered;
	s3 =	sadd.s32 s3, s5;
	[dreg:$0x0] =	wrdreg $0x0  }
0xa8: {  	s5 =	sshll.u32 s28, $0x1;
	[dreg:$0x2] =	wrdreg s3  }
0xa9: {  	[dreg:$0x3] =	wrdreg s5  }
0xaa: {  	[dreg:$0x4] =	wrdreg $0xC0  }
0xab: {  	_ =	task [dreg:s7], $0x5FFFF  }
0xac: {  	[dreg:$0x1] =	wrdreg $0xFFFFFFFF  }
0xad: {  	[dreg:$0x0] =	wrdreg $0x60  }
0xae: {  	[dreg:$0x2] =	wrdreg s2  }
0xaf: {  	[dreg:$0x3] =	wrdreg s24  }
0xb0: {  	[dreg:$0x4] =	wrdreg $0x9  }
0xb1: {  	_ =	task.clear_ibuf [dreg:s7], $0x5FFFF;
	_ =	strace $0x90000046  }
0xb2: {  	s29 =	simm.s32 $0x9;
	_ =	strace $0x80000048  }
0xb3: {  	_ =	swait.ge [sflag:s29], $0x1  }
0xb4: {  	[sflag:s29] =	ssyncadd.s32 $0xFFFFFFFF  }
0xb5: {  	_ =	strace $0x90000048  }
0xb6: {  	_ =	sfence  }
0xb7: {  	s30 =	sld [smem:$0x0];
	_ =	sdelay $0x2  }
0xb8: {  	s31 =	sshll.u32 s1, $0xD;
	s1 =	sshrl.u32 s1, $0x2  }
0xb9: {  	s3 =	sand.u32 $0x4000, s31;
	s1 =	sadd.s32 s1, s30  }
0xba: {  	s0 =	sor.u32 s3, s0;
	s1 =	sshll.u32 s1, $0x11  }
0xbb: {  	s0 =	sor.u32 s1, s0  }
0xbc: {  	s0 =	sadd.s32 $0x8F2B, s0  }
0xbd: {  	[sflag:s0] =	ssyncadd.remote.s32 $0x1  }
0xbe: {  	_ =	sfence.sel $0xFFFF  }
0xbf: {  	[dreg:$0x0] =	wrdreg $0xFFFFFFFF;
	(pc) =	sbr.abs _section_cstart, $3  }
0xc0: {  	[dreg:$0x1] =	wrdreg $0xFFFFFFFF  }
0xc1: {  	_ =	task.clear_ibuf [dreg:s7], $0x2FFFF;
	_ =	strace $0x9FFFFFFF  }
0xc2: {  	(tm) =	ssettm $0x7FFFFFFF  }
0xc3: {  	_ =	shalt  }
tec
execute0_lowered:
.L_overlay_start_1:
0x0: {  	(tag) =	ssettag $0x1  }
0x1: {  	s2 =	rddreg [dreg:$0x0];
	s1 =	srdreg.scid  }
0x2: {  	s0 =	stileid.u32;
	s5 =	rddreg [dreg:$0x1];
	s3 =	simm.s32 $0x0  }
0x3: {  	s11 =	simm.s32 $0x7D00;
	s12 =	simm.s32 $0x2;
	s13 =	simm.s32 $0x9C40  }
0x4: {  	s14 =	simm.s32 $0x3;
	s15 =	simm.s32 $0x4;
	s16 =	simm.s32 $0x0  }
0x5: {  	s6 =	sand.u32 $0x1, s1;
	s4 =	sshll.u32 s0, $0x1;
	s1 =	rddreg [dreg:$0x2]  }
.Ltmp0:
0x6: {  	s7 =	sor.u32 s6, s4;
	s6 =	ssub.s32 $0x2, s6;
	(pc) =	sbr.rel .LBB2_1-.Ltmp0, $4  }
0x7: {  	[smem:$0x7FF] =	sst s3;
	s4 =	smul.u32 $0x61A80, s7;
	s8 =	sshrl.u32 s6, $0x1  }
0x8: {  	s5 =	sadd.s32 $0x2400, s5;
	_ =	strace $0x80000047;
	s10 =	ssub.s32 s6, s8  }
0x9: {  	s6 =	smul.u32 $0x30D40, s7;
	s9 =	sshrl.u32 s4, $0x3;
	s8 =	sadd.s32 $0x7D00, s4  }
0xa: {  	s7 =	sadd.s32 s2, s9;
	s9 =	smax.u32 s10, $0x1;
	s10 =	simm.s32 $0x1  }
.LBB2_9:
0xb: {  	s16 =	sadd.s32 $0x1, s16  }
0xc: {  	_ =	swait.ge [sflag:s14], $0x1F40;
	p0 =	sne.s32 s16, s9  }
.Ltmp1:
0xd: {  	[sflag:s14] =	ssyncset.done $0x0;
	(pc) =	sbr.rel @!p0 .LBB2_10-.Ltmp1, $4  }
0xe: {  	[sflag:s14] =	ssyncadd.s32 $0xFFFFE0C0  }
0xf: {  	_ =	swait.ge [sflag:s15], $0x1F40  }
0x10: {  	[sflag:s15] =	ssyncset.done $0x0  }
0x11: {  	[sflag:s15] =	ssyncadd.s32 $0xFFFFE0C0  }
.LBB2_1:
.Ltmp2:
0x12: {  	(pc) =	sbr.rel .LBB2_2-.Ltmp2, $3  }
0x13: {  	_ =	sdelay $0x1  }
0x14: {  	[tilespmem:s3], [sflag:$0x1] =	stream.linear.gather [hbm4b:s7+s3], $0x3E80, $0x38;
	[tilespmem:$0xBB80] =	vst v63  }
0x15: {  	s17 =	simm.s32 $0x0  }
.LBB2_8:
0x16: {  	s17 =	sadd.s32 $0x1, s17  }
0x17: {  	p0 =	sne.s32 s17, $0xD  }
.Ltmp3:
0x18: {  	_ = 	snop;
	(pc) =	sbr.rel @!p0 .LBB2_9-.Ltmp3, $1  }
0x19: {  	_ =	sdelay $0x3  }
.LBB2_2:
0x1a: {  	s18 =	sshllo.u32 s17, $0x1  }
0x1b: {  	p1 =	sgt.u32 s18, $0x18  }
0x1c: {  	s19 =	smul.u32 @!p1 $0x3E80, s18;
	_ =	sdelay $0x1  }
0x1d: {  	s19 =	sadd.s32 @!p1 s4, s19  }
0x1e: {  	s19 =	sshrl.u32 @!p1 s19, $0x3  }
0x1f: {  	s20 =	simm.s32 @!p1 $0x0;
	s21 =	simm.s32 @!p1 $0x3E80;
	s19 =	sadd.s32 @!p1 s2, s19  }
0x20: {  	[tilespmem:s21], [sflag:$0x2] =	stream.linear.gather @!p1 [hbm4b:s19+s20], $0x3E80, $0x38;
	[tilespmem:$0xBB80] =	vst v63  }
0x21: {  	_ =	swait.ge [sflag:s10], $0x3E80  }
0x22: {  	p0 =	seq.s32 s17, $0x0;
	[sflag:s10] =	ssyncset.done $0x0  }
0x23: {  	s19 =	simm.s32 @!p0 $0x3;
	[sflag:s10] =	ssyncadd.s32 $0xFFFFC180  }
0x24: {  	_ =	swait.ge @!p0 [sflag:s19], $0x1F40  }
0x25: {  	[sflag:s19] =	ssyncset.done @!p0 $0x0  }
0x26: {  	[sflag:s19] =	ssyncadd.s32 @!p0 $0xFFFFE0C0;
	s19 =	simm.s32 $0x100  }
0x27: {  	v0 =	vld [tilespmem:s19+$0xFFFFFF00]  }
0x28: {  	v1 =	vld [tilespmem:s19+$0xFFFFFF40];
	_ =	sdelay $0x4  }
0x29: {  	v0 =	vshrl.u32 v0, $0x10;
	v1 =	vand.u32 $0xFFFF0000, v1  }
0x2a: {  	s20 =	simm.s32 $0x7D80;
	v0 =	vor.u32 v0, v1  }
0x2b: {  	[tilespmem:s20+$0xFFFFFF80] =	vst v0  }
0x2c: {  	v0 =	vld [tilespmem:s19+$0xFFFFFF50]  }
0x2d: {  	v1 =	vld [tilespmem:s19+$0xFFFFFF10];
	_ =	sdelay $0x4  }
0x2e: {  	v0 =	vand.u32 $0xFFFF0000, v0;
	v1 =	vshrl.u32 v1, $0x10  }
0x2f: {  	v0 =	vor.u32 v1, v0  }
0x30: {  	[tilespmem:s20+$0xFFFFFF90] =	vst v0  }
0x31: {  	v0 =	vld [tilespmem:s19+$0xFFFFFF20]  }
0x32: {  	v1 =	vld [tilespmem:s19+$0xFFFFFF60];
	_ =	sdelay $0x4  }
0x33: {  	v0 =	vshrl.u32 v0, $0x10;
	v1 =	vand.u32 $0xFFFF0000, v1  }
0x34: {  	v0 =	vor.u32 v0, v1  }
0x35: {  	[tilespmem:s20+$0xFFFFFFA0] =	vst v0  }
0x36: {  	v0 =	vld [tilespmem:s19+$0xFFFFFF30]  }
0x37: {  	v1 =	vld [tilespmem:s19+$0xFFFFFF70];
	_ =	sdelay $0x4  }
0x38: {  	v0 =	vshrl.u32 v0, $0x10;
	v1 =	vand.u32 $0xFFFF0000, v1  }
0x39: {  	v0 =	vor.u32 v0, v1  }
0x3a: {  	[tilespmem:s20+$0xFFFFFFB0] =	vst v0  }
0x3b: {  	v0 =	vld [tilespmem:s19+$0xFFFFFF80]  }
0x3c: {  	v1 =	vld [tilespmem:s19+$0xFFFFFFC0];
	_ =	sdelay $0x4  }
0x3d: {  	v0 =	vshrl.u32 v0, $0x10;
	v1 =	vand.u32 $0xFFFF0000, v1  }
0x3e: {  	v0 =	vor.u32 v0, v1  }
0x3f: {  	[tilespmem:s20+$0xFFFFFFC0] =	vst v0  }
0x40: {  	v0 =	vld [tilespmem:s19+$0xFFFFFF90]  }
0x41: {  	v1 =	vld [tilespmem:s19+$0xFFFFFFD0];
	_ =	sdelay $0x4  }
0x42: {  	v0 =	vshrl.u32 v0, $0x10;
	v1 =	vand.u32 $0xFFFF0000, v1  }
0x43: {  	v0 =	vor.u32 v0, v1  }
0x44: {  	[tilespmem:s20+$0xFFFFFFD0] =	vst v0  }
0x45: {  	v0 =	vld [tilespmem:s19+$0xFFFFFFA0]  }
0x46: {  	v1 =	vld [tilespmem:s19+$0xFFFFFFE0];
	_ =	sdelay $0x4  }
0x47: {  	v0 =	vshrl.u32 v0, $0x10;
	v1 =	vand.u32 $0xFFFF0000, v1  }
0x48: {  	v0 =	vor.u32 v0, v1  }
0x49: {  	[tilespmem:s20+$0xFFFFFFE0] =	vst v0  }
0x4a: {  	v0 =	vld [tilespmem:s19+$0xFFFFFFB0]  }
0x4b: {  	v1 =	vld [tilespmem:s19+$0xFFFFFFF0];
	_ =	sdelay $0x4  }
0x4c: {  	v0 =	vshrl.u32 v0, $0x10;
	v1 =	vand.u32 $0xFFFF0000, v1  }
0x4d: {  	v0 =	vor.u32 v0, v1  }
0x4e: {  	[tilespmem:s20+$0xFFFFFFF0] =	vst v0  }
0x4f: {  	v0 =	vld [tilespmem:s19+$0x0]  }
0x50: {  	v1 =	vld [tilespmem:s19+$0x40];
	_ =	sdelay $0x4  }
0x51: {  	v0 =	vshrl.u32 v0, $0x10;
	v1 =	vand.u32 $0xFFFF0000, v1  }
0x52: {  	v0 =	vor.u32 v0, v1  }
0x53: {  	[tilespmem:s20+$0x0] =	vst v0  }
0x54: {  	v0 =	vld [tilespmem:s19+$0x10]  }
0x55: {  	v1 =	vld [tilespmem:s19+$0x50];
	_ =	sdelay $0x4  }
0x56: {  	v0 =	vshrl.u32 v0, $0x10;
	v1 =	vand.u32 $0xFFFF0000, v1  }
0x57: {  	v0 =	vor.u32 v0, v1  }
0x58: {  	[tilespmem:s20+$0x10] =	vst v0  }
0x59: {  	v0 =	vld [tilespmem:s19+$0x20]  }
0x5a: {  	v1 =	vld [tilespmem:s19+$0x60];
	_ =	sdelay $0x4  }
0x5b: {  	v0 =	vshrl.u32 v0, $0x10;
	v1 =	vand.u32 $0xFFFF0000, v1  }
0x5c: {  	v0 =	vor.u32 v0, v1  }
0x5d: {  	[tilespmem:s20+$0x20] =	vst v0  }
0x5e: {  	v0 =	vld [tilespmem:s19+$0x30]  }
0x5f: {  	v1 =	vld [tilespmem:s19+$0x70];
	_ =	sdelay $0x4  }
0x60: {  	v0 =	vshrl.u32 v0, $0x10;
	v1 =	vand.u32 $0xFFFF0000, v1  }
0x61: {  	v0 =	vor.u32 v0, v1  }
0x62: {  	[tilespmem:s20+$0x30] =	vst v0  }
0x63: {  	v0 =	vld [tilespmem:s19+$0x80]  }
0x64: {  	v1 =	vld [tilespmem:s19+$0xC0];
	_ =	sdelay $0x4  }
0x65: {  	v0 =	vshrl.u32 v0, $0x10;
	v1 =	vand.u32 $0xFFFF0000, v1  }
0x66: {  	v0 =	vor.u32 v0, v1  }
0x67: {  	[tilespmem:s20+$0x40] =	vst v0  }
0x68: {  	v0 =	vld [tilespmem:s19+$0x90]  }
0x69: {  	v1 =	vld [tilespmem:s19+$0xD0];
	_ =	sdelay $0x4  }
0x6a: {  	v0 =	vshrl.u32 v0, $0x10;
	v1 =	vand.u32 $0xFFFF0000, v1  }
0x6b: {  	v0 =	vor.u32 v0, v1  }
0x6c: {  	[tilespmem:s20+$0x50] =	vst v0  }
0x6d: {  	v0 =	vld [tilespmem:s19+$0xA0]  }
0x6e: {  	s23 =	simm.s32 $0x0;
	s22 =	simm.s32 $0x100;
	s21 =	simm.s32 $0x7D80;
	v1 =	vld [tilespmem:s19+$0xE0]  }
.LBB2_3:
0x6f: {  	s23 =	sadd.s32 $0x4, s23;
	s19 =	sadd.s32 $0x200, s19;
	s20 =	sadd.s32 $0x100, s20  }
0x70: {  	p2 =	slt.u32 s23, $0x78;
	_ =	sdelay $0x1  }
0x71: {  	v0 =	vshrl.u32 v0, $0x10  }
0x72: {  	v1 =	vand.u32 $0xFFFF0000, v1  }
0x73: {  	v0 =	vor.u32 v0, v1  }
0x74: {  	[tilespmem:s21+$0x60] =	vst v0  }
0x75: {  	v0 =	vld [tilespmem:s22+$0xB0]  }
0x76: {  	v1 =	vld [tilespmem:s22+$0xF0];
	s22 =	smov.u32 s19;
	_ =	sdelay $0x3  }
0x77: {  	v0 =	vshrl.u32 v0, $0x10  }
0x78: {  	v1 =	vand.u32 $0xFFFF0000, v1  }
0x79: {  	v0 =	vor.u32 v0, v1  }
0x7a: {  	[tilespmem:s21+$0x70] =	vst v0;
	s21 =	smov.u32 s20  }
0x7b: {  	v0 =	vld [tilespmem:s19+$0xFFFFFF00]  }
0x7c: {  	v1 =	vld [tilespmem:s19+$0xFFFFFF40];
	_ =	sdelay $0x4  }
0x7d: {  	v0 =	vshrl.u32 v0, $0x10;
	v1 =	vand.u32 $0xFFFF0000, v1  }
0x7e: {  	v0 =	vor.u32 v0, v1  }
0x7f: {  	[tilespmem:s20+$0xFFFFFF80] =	vst v0  }
0x80: {  	v0 =	vld [tilespmem:s19+$0xFFFFFF50]  }
0x81: {  	v1 =	vld [tilespmem:s19+$0xFFFFFF10];
	_ =	sdelay $0x3  }
0x82: {  	v0 =	vand.u32 $0xFFFF0000, v0  }
0x83: {  	v1 =	vshrl.u32 v1, $0x10  }
0x84: {  	v0 =	vor.u32 v1, v0  }
0x85: {  	[tilespmem:s20+$0xFFFFFF90] =	vst v0  }
0x86: {  	v0 =	vld [tilespmem:s19+$0xFFFFFF20]  }
0x87: {  	v1 =	vld [tilespmem:s19+$0xFFFFFF60];
	_ =	sdelay $0x3  }
0x88: {  	v0 =	vshrl.u32 v0, $0x10  }
0x89: {  	v1 =	vand.u32 $0xFFFF0000, v1  }
0x8a: {  	v0 =	vor.u32 v0, v1  }
0x8b: {  	[tilespmem:s20+$0xFFFFFFA0] =	vst v0  }
0x8c: {  	v0 =	vld [tilespmem:s19+$0xFFFFFF30]  }
0x8d: {  	v1 =	vld [tilespmem:s19+$0xFFFFFF70];
	_ =	sdelay $0x3  }
0x8e: {  	v0 =	vshrl.u32 v0, $0x10  }
0x8f: {  	v1 =	vand.u32 $0xFFFF0000, v1  }
0x90: {  	v0 =	vor.u32 v0, v1  }
0x91: {  	[tilespmem:s20+$0xFFFFFFB0] =	vst v0  }
0x92: {  	v0 =	vld [tilespmem:s19+$0xFFFFFF80]  }
0x93: {  	v1 =	vld [tilespmem:s19+$0xFFFFFFC0];
	_ =	sdelay $0x3  }
0x94: {  	v0 =	vshrl.u32 v0, $0x10  }
0x95: {  	v1 =	vand.u32 $0xFFFF0000, v1  }
0x96: {  	v0 =	vor.u32 v0, v1  }
0x97: {  	[tilespmem:s20+$0xFFFFFFC0] =	vst v0  }
0x98: {  	v0 =	vld [tilespmem:s19+$0xFFFFFF90]  }
0x99: {  	v1 =	vld [tilespmem:s19+$0xFFFFFFD0];
	_ =	sdelay $0x3  }
0x9a: {  	v0 =	vshrl.u32 v0, $0x10  }
0x9b: {  	v1 =	vand.u32 $0xFFFF0000, v1  }
0x9c: {  	v0 =	vor.u32 v0, v1  }
0x9d: {  	[tilespmem:s20+$0xFFFFFFD0] =	vst v0  }
0x9e: {  	v0 =	vld [tilespmem:s19+$0xFFFFFFA0]  }
0x9f: {  	v1 =	vld [tilespmem:s19+$0xFFFFFFE0];
	_ =	sdelay $0x3  }
0xa0: {  	v0 =	vshrl.u32 v0, $0x10  }
0xa1: {  	v1 =	vand.u32 $0xFFFF0000, v1  }
0xa2: {  	v0 =	vor.u32 v0, v1  }
0xa3: {  	[tilespmem:s20+$0xFFFFFFE0] =	vst v0  }
0xa4: {  	v0 =	vld [tilespmem:s19+$0xFFFFFFB0]  }
0xa5: {  	v1 =	vld [tilespmem:s19+$0xFFFFFFF0];
	_ =	sdelay $0x3  }
0xa6: {  	v0 =	vshrl.u32 v0, $0x10  }
0xa7: {  	v1 =	vand.u32 $0xFFFF0000, v1  }
0xa8: {  	v0 =	vor.u32 v0, v1  }
0xa9: {  	[tilespmem:s20+$0xFFFFFFF0] =	vst v0  }
0xaa: {  	v0 =	vld [tilespmem:s19+$0x0]  }
0xab: {  	v1 =	vld [tilespmem:s19+$0x40];
	_ =	sdelay $0x3  }
0xac: {  	v0 =	vshrl.u32 v0, $0x10  }
0xad: {  	v1 =	vand.u32 $0xFFFF0000, v1  }
0xae: {  	v0 =	vor.u32 v0, v1  }
0xaf: {  	[tilespmem:s20+$0x0] =	vst v0  }
0xb0: {  	v0 =	vld [tilespmem:s19+$0x10]  }
0xb1: {  	v1 =	vld [tilespmem:s19+$0x50];
	_ =	sdelay $0x3  }
0xb2: {  	v0 =	vshrl.u32 v0, $0x10  }
0xb3: {  	v1 =	vand.u32 $0xFFFF0000, v1  }
0xb4: {  	v0 =	vor.u32 v0, v1  }
0xb5: {  	[tilespmem:s20+$0x10] =	vst v0  }
0xb6: {  	v0 =	vld [tilespmem:s19+$0x20]  }
0xb7: {  	v1 =	vld [tilespmem:s19+$0x60];
	_ =	sdelay $0x3  }
0xb8: {  	v0 =	vshrl.u32 v0, $0x10  }
0xb9: {  	v1 =	vand.u32 $0xFFFF0000, v1  }
0xba: {  	v0 =	vor.u32 v0, v1  }
0xbb: {  	[tilespmem:s20+$0x20] =	vst v0  }
0xbc: {  	v0 =	vld [tilespmem:s19+$0x30]  }
0xbd: {  	v1 =	vld [tilespmem:s19+$0x70];
	_ =	sdelay $0x3  }
0xbe: {  	v0 =	vshrl.u32 v0, $0x10  }
0xbf: {  	v1 =	vand.u32 $0xFFFF0000, v1  }
0xc0: {  	v0 =	vor.u32 v0, v1  }
0xc1: {  	[tilespmem:s20+$0x30] =	vst v0  }
0xc2: {  	v0 =	vld [tilespmem:s19+$0x80]  }
0xc3: {  	v1 =	vld [tilespmem:s19+$0xC0];
	_ =	sdelay $0x3  }
0xc4: {  	v0 =	vshrl.u32 v0, $0x10  }
0xc5: {  	v1 =	vand.u32 $0xFFFF0000, v1  }
0xc6: {  	v0 =	vor.u32 v0, v1  }
0xc7: {  	[tilespmem:s20+$0x40] =	vst v0  }
0xc8: {  	v0 =	vld [tilespmem:s19+$0x90]  }
0xc9: {  	v1 =	vld [tilespmem:s19+$0xD0];
	_ =	sdelay $0x3  }
0xca: {  	v0 =	vshrl.u32 v0, $0x10  }
.Ltmp4:
0xcb: {  	v1 =	vand.u32 $0xFFFF0000, v1;
	(pc) =	sbr.rel @p2 .LBB2_3-.Ltmp4, $4  }
0xcc: {  	v0 =	vor.u32 v0, v1  }
0xcd: {  	[tilespmem:s20+$0x50] =	vst v0  }
0xce: {  	v0 =	vld [tilespmem:s19+$0xA0]  }
0xcf: {  	v1 =	vld [tilespmem:s19+$0xE0]  }
0xd0: {  	_ =	sdelay $0x3  }
0xd1: {  	v0 =	vshrl.u32 v0, $0x10;
	v1 =	vand.u32 $0xFFFF0000, v1  }
0xd2: {  	v0 =	vor.u32 v0, v1  }
0xd3: {  	[tilespmem:s21+$0x60] =	vst v0  }
0xd4: {  	v0 =	vld [tilespmem:s22+$0xB0]  }
0xd5: {  	v53 =	vld [tilespmem:s22+$0xF0];
	_ =	sdelay $0x4  }
0xd6: {  	v0 =	vshrl.u32 v0, $0x10;
	v1 =	vand.u32 $0xFFFF0000, v53  }
0xd7: {  	v0 =	vor.u32 v0, v1  }
0xd8: {  	[tilespmem:s21+$0x70] =	vst v0  }
0xd9: {  	v0 =	vld [tilespmem:$0x3E00]  }
0xda: {  	v54 =	vld [tilespmem:$0x3E40]  }
0xdb: {  	v2 =	vld [tilespmem:$0x3E10]  }
0xdc: {  	v3 =	vld [tilespmem:$0x3E50]  }
0xdd: {  	v4 =	vld [tilespmem:$0x3E20]  }
0xde: {  	v5 =	vld [tilespmem:$0x3E60]  }
0xdf: {  	v6 =	vld [tilespmem:$0x3E30]  }
0xe0: {  	v7 =	vld [tilespmem:$0x3E70];
	_ =	sdelay $0x1  }
0xe1: {  	v0 =	vshrl.u32 v0, $0x10;
	v1 =	vand.u32 $0xFFFF0000, v54  }
0xe2: {  	s19 =	smul.u32 $0x3E80, s17;
	v55 =	vshrl.u32 v2, $0x10;
	v56 =	vand.u32 $0xFFFF0000, v3;
	v0 =	vor.u32 v0, v1  }
.Ltmp5:
0xe3: {  	v58 =	vshrl.u32 v4, $0x10;
	v59 =	vand.u32 $0xFFFF0000, v5;
	v57 =	vor.u32 v55, v56;
	[tilespmem:$0x9C00] =	vst v0;
	(pc) =	sbr.rel @p1 .LBB2_8-.Ltmp5, $4  }
0xe4: {  	s19 =	sadd.s32 s6, s19;
	v61 =	vshrl.u32 v6, $0x10;
	v62 =	vand.u32 $0xFFFF0000, v7;
	v60 =	vor.u32 v58, v59;
	[tilespmem:$0x9C10] =	vst v57  }
0xe5: {  	s19 =	sshrl.u32 s19, $0x3;
	v63 =	vor.u32 v61, v62;
	[tilespmem:$0x9C20] =	vst v60  }
0xe6: {  	s19 =	sadd.s32 s5, s19;
	[tilespmem:$0x9C30] =	vst v63  }
0xe7: {  	[hbm4b:s19+s3] =	stream.linear.scatter [tilespmem:s11], [sflag:$0x3], $0x1F40, $0x38;
	[tilespmem:$0xBB80] =	vst v63  }
0xe8: {  	s19 =	smul.u32 $0x7D00, s17;
	_ =	sdelay $0x1  }
0xe9: {  	s19 =	sadd.s32 s19, s8  }
0xea: {  	s19 =	sshrl.u32 s19, $0x3  }
0xeb: {  	s19 =	sadd.s32 s2, s19  }
0xec: {  	[tilespmem:s3], [sflag:$0x1] =	stream.linear.gather [hbm4b:s19+s3], $0x3E80, $0x38;
	[tilespmem:$0xBB80] =	vst v63  }
0xed: {  	_ =	swait.ge [sflag:s12], $0x3E80  }
0xee: {  	[sflag:s12] =	ssyncset.done $0x0  }
0xef: {  	s19 =	simm.s32 @!p0 $0x4;
	[sflag:s12] =	ssyncadd.s32 $0xFFFFC180  }
0xf0: {  	_ =	swait.ge @!p0 [sflag:s19], $0x1F40  }
0xf1: {  	[sflag:s19] =	ssyncset.done @!p0 $0x0  }
0xf2: {  	[sflag:s19] =	ssyncadd.s32 @!p0 $0xFFFFE0C0;
	s19 =	simm.s32 $0x3F80  }
0xf3: {  	v0 =	vld [tilespmem:s19+$0xFFFFFF00]  }
0xf4: {  	v1 =	vld [tilespmem:s19+$0xFFFFFF40];
	_ =	sdelay $0x4  }
0xf5: {  	v0 =	vshrl.u32 v0, $0x10;
	v1 =	vand.u32 $0xFFFF0000, v1  }
0xf6: {  	s20 =	simm.s32 $0x9CC0;
	v0 =	vor.u32 v0, v1  }
0xf7: {  	[tilespmem:s20+$0xFFFFFF80] =	vst v0  }
0xf8: {  	v0 =	vld [tilespmem:s19+$0xFFFFFF50]  }
0xf9: {  	v1 =	vld [tilespmem:s19+$0xFFFFFF10];
	_ =	sdelay $0x4  }
0xfa: {  	v0 =	vand.u32 $0xFFFF0000, v0;
	v1 =	vshrl.u32 v1, $0x10  }
0xfb: {  	v0 =	vor.u32 v1, v0  }
0xfc: {  	[tilespmem:s20+$0xFFFFFF90] =	vst v0  }
0xfd: {  	v0 =	vld [tilespmem:s19+$0xFFFFFF20]  }
0xfe: {  	v1 =	vld [tilespmem:s19+$0xFFFFFF60];
	_ =	sdelay $0x4  }
0xff: {  	v0 =	vshrl.u32 v0, $0x10;
	v1 =	vand.u32 $0xFFFF0000, v1  }
0x100: {  	v0 =	vor.u32 v0, v1  }
0x101: {  	[tilespmem:s20+$0xFFFFFFA0] =	vst v0  }
0x102: {  	v0 =	vld [tilespmem:s19+$0xFFFFFF30]  }
0x103: {  	v1 =	vld [tilespmem:s19+$0xFFFFFF70];
	_ =	sdelay $0x4  }
0x104: {  	v0 =	vshrl.u32 v0, $0x10;
	v1 =	vand.u32 $0xFFFF0000, v1  }
0x105: {  	v0 =	vor.u32 v0, v1  }
0x106: {  	[tilespmem:s20+$0xFFFFFFB0] =	vst v0  }
0x107: {  	v0 =	vld [tilespmem:s19+$0xFFFFFF80]  }
0x108: {  	v1 =	vld [tilespmem:s19+$0xFFFFFFC0];
	_ =	sdelay $0x4  }
0x109: {  	v0 =	vshrl.u32 v0, $0x10;
	v1 =	vand.u32 $0xFFFF0000, v1  }
0x10a: {  	v0 =	vor.u32 v0, v1  }
0x10b: {  	[tilespmem:s20+$0xFFFFFFC0] =	vst v0  }
0x10c: {  	v0 =	vld [tilespmem:s19+$0xFFFFFF90]  }
0x10d: {  	v1 =	vld [tilespmem:s19+$0xFFFFFFD0];
	_ =	sdelay $0x4  }
0x10e: {  	v0 =	vshrl.u32 v0, $0x10;
	v1 =	vand.u32 $0xFFFF0000, v1  }
0x10f: {  	v0 =	vor.u32 v0, v1  }
0x110: {  	[tilespmem:s20+$0xFFFFFFD0] =	vst v0  }
0x111: {  	v0 =	vld [tilespmem:s19+$0xFFFFFFA0]  }
0x112: {  	v1 =	vld [tilespmem:s19+$0xFFFFFFE0];
	_ =	sdelay $0x4  }
0x113: {  	v0 =	vshrl.u32 v0, $0x10;
	v1 =	vand.u32 $0xFFFF0000, v1  }
0x114: {  	v0 =	vor.u32 v0, v1  }
0x115: {  	[tilespmem:s20+$0xFFFFFFE0] =	vst v0  }
0x116: {  	v0 =	vld [tilespmem:s19+$0xFFFFFFB0]  }
0x117: {  	v1 =	vld [tilespmem:s19+$0xFFFFFFF0];
	_ =	sdelay $0x4  }
0x118: {  	v0 =	vshrl.u32 v0, $0x10;
	v1 =	vand.u32 $0xFFFF0000, v1  }
0x119: {  	v0 =	vor.u32 v0, v1  }
0x11a: {  	[tilespmem:s20+$0xFFFFFFF0] =	vst v0  }
0x11b: {  	v0 =	vld [tilespmem:s19+$0x0]  }
0x11c: {  	v1 =	vld [tilespmem:s19+$0x40];
	_ =	sdelay $0x4  }
0x11d: {  	v0 =	vshrl.u32 v0, $0x10;
	v1 =	vand.u32 $0xFFFF0000, v1  }
0x11e: {  	v0 =	vor.u32 v0, v1  }
0x11f: {  	[tilespmem:s20+$0x0] =	vst v0  }
0x120: {  	v0 =	vld [tilespmem:s19+$0x10]  }
0x121: {  	v1 =	vld [tilespmem:s19+$0x50];
	_ =	sdelay $0x4  }
0x122: {  	v0 =	vshrl.u32 v0, $0x10;
	v1 =	vand.u32 $0xFFFF0000, v1  }
0x123: {  	v0 =	vor.u32 v0, v1  }
0x124: {  	[tilespmem:s20+$0x10] =	vst v0  }
0x125: {  	v0 =	vld [tilespmem:s19+$0x20]  }
0x126: {  	v1 =	vld [tilespmem:s19+$0x60];
	_ =	sdelay $0x4  }
0x127: {  	v0 =	vshrl.u32 v0, $0x10;
	v1 =	vand.u32 $0xFFFF0000, v1  }
0x128: {  	v0 =	vor.u32 v0, v1  }
0x129: {  	[tilespmem:s20+$0x20] =	vst v0  }
0x12a: {  	v0 =	vld [tilespmem:s19+$0x30]  }
0x12b: {  	v1 =	vld [tilespmem:s19+$0x70];
	_ =	sdelay $0x4  }
0x12c: {  	v0 =	vshrl.u32 v0, $0x10;
	v1 =	vand.u32 $0xFFFF0000, v1  }
0x12d: {  	v0 =	vor.u32 v0, v1  }
0x12e: {  	[tilespmem:s20+$0x30] =	vst v0  }
0x12f: {  	v0 =	vld [tilespmem:s19+$0x80]  }
0x130: {  	v1 =	vld [tilespmem:s19+$0xC0];
	_ =	sdelay $0x4  }
0x131: {  	v0 =	vshrl.u32 v0, $0x10;
	v1 =	vand.u32 $0xFFFF0000, v1  }
0x132: {  	v0 =	vor.u32 v0, v1  }
0x133: {  	[tilespmem:s20+$0x40] =	vst v0  }
0x134: {  	v0 =	vld [tilespmem:s19+$0x90]  }
0x135: {  	v1 =	vld [tilespmem:s19+$0xD0];
	_ =	sdelay $0x4  }
0x136: {  	v0 =	vshrl.u32 v0, $0x10;
	v1 =	vand.u32 $0xFFFF0000, v1  }
0x137: {  	v0 =	vor.u32 v0, v1  }
0x138: {  	[tilespmem:s20+$0x50] =	vst v0  }
0x139: {  	v0 =	vld [tilespmem:s19+$0xA0]  }
0x13a: {  	s23 =	simm.s32 $0x0;
	s21 =	simm.s32 $0x9CC0;
	s22 =	simm.s32 $0x3F80;
	v1 =	vld [tilespmem:s19+$0xE0]  }
.LBB2_6:
0x13b: {  	s23 =	sadd.s32 $0x4, s23;
	s19 =	sadd.s32 $0x200, s19;
	s20 =	sadd.s32 $0x100, s20  }
0x13c: {  	p0 =	slt.u32 s23, $0x78;
	_ =	sdelay $0x1  }
0x13d: {  	v0 =	vshrl.u32 v0, $0x10  }
0x13e: {  	v1 =	vand.u32 $0xFFFF0000, v1  }
0x13f: {  	v0 =	vor.u32 v0, v1  }
0x140: {  	[tilespmem:s21+$0x60] =	vst v0  }
0x141: {  	v0 =	vld [tilespmem:s22+$0xB0]  }
0x142: {  	v1 =	vld [tilespmem:s22+$0xF0];
	s22 =	smov.u32 s19;
	_ =	sdelay $0x3  }
0x143: {  	v0 =	vshrl.u32 v0, $0x10  }
0x144: {  	v1 =	vand.u32 $0xFFFF0000, v1  }
0x145: {  	v0 =	vor.u32 v0, v1  }
0x146: {  	[tilespmem:s21+$0x70] =	vst v0;
	s21 =	smov.u32 s20  }
0x147: {  	v0 =	vld [tilespmem:s19+$0xFFFFFF00]  }
0x148: {  	v1 =	vld [tilespmem:s19+$0xFFFFFF40];
	_ =	sdelay $0x4  }
0x149: {  	v0 =	vshrl.u32 v0, $0x10;
	v1 =	vand.u32 $0xFFFF0000, v1  }
0x14a: {  	v0 =	vor.u32 v0, v1  }
0x14b: {  	[tilespmem:s20+$0xFFFFFF80] =	vst v0  }
0x14c: {  	v0 =	vld [tilespmem:s19+$0xFFFFFF50]  }
0x14d: {  	v1 =	vld [tilespmem:s19+$0xFFFFFF10];
	_ =	sdelay $0x3  }
0x14e: {  	v0 =	vand.u32 $0xFFFF0000, v0  }
0x14f: {  	v1 =	vshrl.u32 v1, $0x10  }
0x150: {  	v0 =	vor.u32 v1, v0  }
0x151: {  	[tilespmem:s20+$0xFFFFFF90] =	vst v0  }
0x152: {  	v0 =	vld [tilespmem:s19+$0xFFFFFF20]  }
0x153: {  	v1 =	vld [tilespmem:s19+$0xFFFFFF60];
	_ =	sdelay $0x3  }
0x154: {  	v0 =	vshrl.u32 v0, $0x10  }
0x155: {  	v1 =	vand.u32 $0xFFFF0000, v1  }
0x156: {  	v0 =	vor.u32 v0, v1  }
0x157: {  	[tilespmem:s20+$0xFFFFFFA0] =	vst v0  }
0x158: {  	v0 =	vld [tilespmem:s19+$0xFFFFFF30]  }
0x159: {  	v1 =	vld [tilespmem:s19+$0xFFFFFF70];
	_ =	sdelay $0x3  }
0x15a: {  	v0 =	vshrl.u32 v0, $0x10  }
0x15b: {  	v1 =	vand.u32 $0xFFFF0000, v1  }
0x15c: {  	v0 =	vor.u32 v0, v1  }
0x15d: {  	[tilespmem:s20+$0xFFFFFFB0] =	vst v0  }
0x15e: {  	v0 =	vld [tilespmem:s19+$0xFFFFFF80]  }
0x15f: {  	v1 =	vld [tilespmem:s19+$0xFFFFFFC0];
	_ =	sdelay $0x3  }
0x160: {  	v0 =	vshrl.u32 v0, $0x10  }
0x161: {  	v1 =	vand.u32 $0xFFFF0000, v1  }
0x162: {  	v0 =	vor.u32 v0, v1  }
0x163: {  	[tilespmem:s20+$0xFFFFFFC0] =	vst v0  }
0x164: {  	v0 =	vld [tilespmem:s19+$0xFFFFFF90]  }
0x165: {  	v1 =	vld [tilespmem:s19+$0xFFFFFFD0];
	_ =	sdelay $0x3  }
0x166: {  	v0 =	vshrl.u32 v0, $0x10  }
0x167: {  	v1 =	vand.u32 $0xFFFF0000, v1  }
0x168: {  	v0 =	vor.u32 v0, v1  }
0x169: {  	[tilespmem:s20+$0xFFFFFFD0] =	vst v0  }
0x16a: {  	v0 =	vld [tilespmem:s19+$0xFFFFFFA0]  }
0x16b: {  	v1 =	vld [tilespmem:s19+$0xFFFFFFE0];
	_ =	sdelay $0x3  }
0x16c: {  	v0 =	vshrl.u32 v0, $0x10  }
0x16d: {  	v1 =	vand.u32 $0xFFFF0000, v1  }
0x16e: {  	v0 =	vor.u32 v0, v1  }
0x16f: {  	[tilespmem:s20+$0xFFFFFFE0] =	vst v0  }
0x170: {  	v0 =	vld [tilespmem:s19+$0xFFFFFFB0]  }
0x171: {  	v1 =	vld [tilespmem:s19+$0xFFFFFFF0];
	_ =	sdelay $0x3  }
0x172: {  	v0 =	vshrl.u32 v0, $0x10  }
0x173: {  	v1 =	vand.u32 $0xFFFF0000, v1  }
0x174: {  	v0 =	vor.u32 v0, v1  }
0x175: {  	[tilespmem:s20+$0xFFFFFFF0] =	vst v0  }
0x176: {  	v0 =	vld [tilespmem:s19+$0x0]  }
0x177: {  	v1 =	vld [tilespmem:s19+$0x40];
	_ =	sdelay $0x3  }
0x178: {  	v0 =	vshrl.u32 v0, $0x10  }
0x179: {  	v1 =	vand.u32 $0xFFFF0000, v1  }
0x17a: {  	v0 =	vor.u32 v0, v1  }
0x17b: {  	[tilespmem:s20+$0x0] =	vst v0  }
0x17c: {  	v0 =	vld [tilespmem:s19+$0x10]  }
0x17d: {  	v1 =	vld [tilespmem:s19+$0x50];
	_ =	sdelay $0x3  }
0x17e: {  	v0 =	vshrl.u32 v0, $0x10  }
0x17f: {  	v1 =	vand.u32 $0xFFFF0000, v1  }
0x180: {  	v0 =	vor.u32 v0, v1  }
0x181: {  	[tilespmem:s20+$0x10] =	vst v0  }
0x182: {  	v0 =	vld [tilespmem:s19+$0x20]  }
0x183: {  	v1 =	vld [tilespmem:s19+$0x60];
	_ =	sdelay $0x3  }
0x184: {  	v0 =	vshrl.u32 v0, $0x10  }
0x185: {  	v1 =	vand.u32 $0xFFFF0000, v1  }
0x186: {  	v0 =	vor.u32 v0, v1  }
0x187: {  	[tilespmem:s20+$0x20] =	vst v0  }
0x188: {  	v0 =	vld [tilespmem:s19+$0x30]  }
0x189: {  	v1 =	vld [tilespmem:s19+$0x70];
	_ =	sdelay $0x3  }
0x18a: {  	v0 =	vshrl.u32 v0, $0x10  }
0x18b: {  	v1 =	vand.u32 $0xFFFF0000, v1  }
0x18c: {  	v0 =	vor.u32 v0, v1  }
0x18d: {  	[tilespmem:s20+$0x30] =	vst v0  }
0x18e: {  	v0 =	vld [tilespmem:s19+$0x80]  }
0x18f: {  	v1 =	vld [tilespmem:s19+$0xC0];
	_ =	sdelay $0x3  }
0x190: {  	v0 =	vshrl.u32 v0, $0x10  }
0x191: {  	v1 =	vand.u32 $0xFFFF0000, v1  }
0x192: {  	v0 =	vor.u32 v0, v1  }
0x193: {  	[tilespmem:s20+$0x40] =	vst v0  }
0x194: {  	v0 =	vld [tilespmem:s19+$0x90]  }
0x195: {  	v1 =	vld [tilespmem:s19+$0xD0];
	_ =	sdelay $0x3  }
0x196: {  	v0 =	vshrl.u32 v0, $0x10  }
.Ltmp6:
0x197: {  	v1 =	vand.u32 $0xFFFF0000, v1;
	(pc) =	sbr.rel @p0 .LBB2_6-.Ltmp6, $4  }
0x198: {  	v0 =	vor.u32 v0, v1  }
0x199: {  	[tilespmem:s20+$0x50] =	vst v0  }
0x19a: {  	v0 =	vld [tilespmem:s19+$0xA0]  }
0x19b: {  	v1 =	vld [tilespmem:s19+$0xE0]  }
0x19c: {  	_ =	sdelay $0x3  }
0x19d: {  	v0 =	vshrl.u32 v0, $0x10;
	v1 =	vand.u32 $0xFFFF0000, v1  }
0x19e: {  	v0 =	vor.u32 v0, v1  }
0x19f: {  	[tilespmem:s21+$0x60] =	vst v0  }
0x1a0: {  	v0 =	vld [tilespmem:s22+$0xB0]  }
0x1a1: {  	v53 =	vld [tilespmem:s22+$0xF0];
	_ =	sdelay $0x4  }
0x1a2: {  	v0 =	vshrl.u32 v0, $0x10;
	v1 =	vand.u32 $0xFFFF0000, v53  }
0x1a3: {  	v0 =	vor.u32 v0, v1  }
0x1a4: {  	[tilespmem:s21+$0x70] =	vst v0  }
0x1a5: {  	v0 =	vld [tilespmem:$0x7C80]  }
0x1a6: {  	v54 =	vld [tilespmem:$0x7CC0]  }
0x1a7: {  	v2 =	vld [tilespmem:$0x7C90]  }
0x1a8: {  	v3 =	vld [tilespmem:$0x7CD0]  }
0x1a9: {  	v4 =	vld [tilespmem:$0x7CA0]  }
0x1aa: {  	v5 =	vld [tilespmem:$0x7CE0]  }
0x1ab: {  	v6 =	vld [tilespmem:$0x7CB0]  }
0x1ac: {  	v7 =	vld [tilespmem:$0x7CF0];
	_ =	sdelay $0x1  }
0x1ad: {  	v0 =	vshrl.u32 v0, $0x10;
	v1 =	vand.u32 $0xFFFF0000, v54  }
0x1ae: {  	s18 =	smul.u32 $0x1F40, s18;
	v55 =	vshrl.u32 v2, $0x10;
	v56 =	vand.u32 $0xFFFF0000, v3;
	v0 =	vor.u32 v0, v1  }
.Ltmp7:
0x1af: {  	v58 =	vshrl.u32 v4, $0x10;
	v59 =	vand.u32 $0xFFFF0000, v5;
	v57 =	vor.u32 v55, v56;
	[tilespmem:$0xBB40] =	vst v0;
	(pc) =	sbr.rel .LBB2_8-.Ltmp7, $4  }
0x1b0: {  	s18 =	sadd.s32 s6, s18;
	v61 =	vshrl.u32 v6, $0x10;
	v62 =	vand.u32 $0xFFFF0000, v7;
	v60 =	vor.u32 v58, v59;
	[tilespmem:$0xBB50] =	vst v57  }
0x1b1: {  	s18 =	sshrl.u32 s18, $0x3;
	v63 =	vor.u32 v61, v62;
	[tilespmem:$0xBB60] =	vst v60  }
0x1b2: {  	s18 =	sadd.s32 s5, s18;
	[tilespmem:$0xBB70] =	vst v63  }
0x1b3: {  	[hbm4b:s18+s3] =	stream.linear.scatter [tilespmem:s13], [sflag:$0x4], $0x1F40, $0x38;
	[tilespmem:$0xBB80] =	vst v63  }
.LBB2_10:
0x1b4: {  	_ =	sfence.sel $0x180000  }
0x1b5: {  	[bflag:$0x0] =	sbarrier.arrive $0xFFFF  }
0x1b6: {  	p0 =	sne.s32 s0, $0x0;
	_ =	strace $0x90000047  }
0x1b7: {  	s0 =	sadd.s32 @!p0 $0x100000, s1;
	[bflag:$0x2] =	sbarrier.arrive $0xFFFF  }
0x1b8: {  	[sflag:s0] =	ssyncadd.tile.s32 @!p0 $0x1;
	_ =	shalt  }
.Lfunc_end2:
_tile_overlayer_lowered:
.L_overlay_start_2:
0x1b9: {  	(tag) =	ssettag $0x2  }
0x1ba: {  	s0 =	rddreg [dreg:$0x0];
	s2 =	stileid.u32  }
0x1bb: {  	s1 =	rddreg [dreg:$0x1];
	p0 =	sne.s32 s2, $0x0  }
0x1bc: {  	s3 =	rddreg [dreg:$0x2];
	[bflag:$0x3] =	sbarrier.arrive $0xFFFF;
	s2 =	simm.s32 @!p0 $0x1C05  }
0x1bd: {  	[timem:s3], [sflag:s2] =	dma.local @!p0 [hbm:s0], s1  }
0x1be: {  	s0 =	simm.s32 @!p0 $0x5  }
0x1bf: {  	_ =	swait.ge @!p0 [sflag:s0], s1  }
0x1c0: {  	s1 =	ssub.s32 @!p0 $0x0, s1;
	[sflag:s0] =	ssyncset.done @!p0 $0x0  }
0x1c1: {  	[sflag:s0] =	ssyncadd.s32 @!p0 s1  }
0x1c2: {  	[bflag:$0x3] =	sbarrier.arrive $0xFFFF  }
0x1c3: {  	_ =	shalt  }

</sc_bundles>
